<compile_context>
chip_gen: v7x
topology: tpu7x:2x2x1
jax: 0.10.2.dev20260603
libtpu: 0.0.44.dev20260713+nightly
codegen_flags: <defaults>
</compile_context>

<pallas_src>
import functools
import math

import jax
import jax.numpy as jnp
from jax import lax
from jax.experimental import pallas as pl
from jax.experimental.pallas import tpu as pltpu
from jax.experimental.pallas import tpu_sc as plsc

NC = 2
NS = 16
NW = NC * NS
L = 16

D_MODEL = 1024
SCALE = math.sqrt(D_MODEL)

CHUNK = 16
NBUF = 4


@functools.partial(jax.jit, static_argnums=(2, 3, 4))
def _gather_scale(table, x, R, C, D):
    B = R * C
    b_per_w = B // NW
    w_per_r = C // b_per_w
    NCHUNK = b_per_w // CHUNK
    NGRP = NCHUNK // NBUF
    mesh = plsc.VectorSubcoreMesh(core_axis_name="c", subcore_axis_name="s")

    @functools.partial(
        pl.kernel,
        out_type=jax.ShapeDtypeStruct((B, D), jnp.float32),
        mesh=mesh,
        scratch_types=(
            [pltpu.VMEM((b_per_w,), jnp.int32)]
            + [pltpu.VMEM((CHUNK, D), jnp.float32)] * NBUF
            + [pltpu.SemaphoreType.DMA] * (2 * NBUF + 2)
        ),
    )
    def body(table_hbm, idx_hbm, out_hbm, idx_v, *rest):
        bufs = rest[:NBUF]
        gsems = rest[NBUF:2 * NBUF]
        osems = rest[2 * NBUF:3 * NBUF]
        isem0, isem1 = rest[3 * NBUF:]
        wid = lax.axis_index("s") * NC + lax.axis_index("c")
        base = wid * b_per_w
        xr = wid // w_per_r
        xc = (wid % w_per_r) * b_per_w
        HALF = b_per_w // 2
        di0 = pltpu.make_async_copy(
            idx_hbm.at[xr, pl.ds(xc, HALF)], idx_v.at[pl.ds(0, HALF)], isem0)
        di1 = pltpu.make_async_copy(
            idx_hbm.at[xr, pl.ds(xc + HALF, HALF)],
            idx_v.at[pl.ds(HALF, HALF)], isem1)
        di0.start()
        di1.start()

        def gather_desc(c, k):
            return pltpu.make_async_copy(
                table_hbm.at[idx_v.at[pl.ds(c * CHUNK, CHUNK)]],
                bufs[k], gsems[k])

        def out_desc(c, k):
            return pltpu.make_async_copy(
                bufs[k], out_hbm.at[pl.ds(base + c * CHUNK, CHUNK)], osems[k])

        def scale_buf(buf):
            @plsc.parallel_loop(0, CHUNK)
            def _(r):
                for j in range(D // L):
                    sl = (r, pl.ds(j * L, L))
                    buf[sl] = buf[sl] * SCALE

        di0.wait()
        gather_desc(0, 0).start()
        gather_desc(1, 1).start()
        di1.wait()

        def group(g, _):
            for k in range(NBUF):
                c = g * NBUF + k
                gather_desc(c, k).wait()
                k2 = (k + 2) % NBUF
                if k < NBUF - 2:
                    @pl.when(g >= 1)
                    def _():
                        out_desc(c + 2 - NBUF, k2).wait()
                    gather_desc(c + 2, k2).start()
                else:
                    @pl.when(g < NGRP - 1)
                    def _():
                        out_desc(c + 2 - NBUF, k2).wait()
                        gather_desc(c + 2, k2).start()
                scale_buf(bufs[k])
                out_desc(c, k).start()
            return ()

        lax.fori_loop(0, NGRP, group, ())
        for j in range(NBUF):
            c = NCHUNK - NBUF + j
            out_desc(c, c % NBUF).wait()

    return body(table, x)


def kernel(x, table):
    R, C = x.shape
    D = table.shape[1]
    if x.dtype != jnp.int32:
        x = x.astype(jnp.int32)
    out = _gather_scale(table, x, R, C, D)
    return out.reshape(R, C, D)

# --- scband reference (transcript-rebuilt; emitter-appended) ---
"""Pipeline reference for scband-input-embeddings-52965536694370 (READ-ONLY COPY).

The authoritative reference and input builder live on the scoring server;
editing this copy changes nothing except your own understanding.
"""

import math
import jax, jax.numpy as jnp
import numpy as np

D_MODEL = 1024
VOCAB_SIZE = 100000

def setup_inputs(seed: int = 0) -> dict:
    key = jax.random.key(seed)
    k_idx, k_tab = jax.random.split(key)
    x = jax.random.randint(k_idx, (4, 2048), 0, VOCAB_SIZE, dtype=jnp.int64 if jax.config.jax_enable_x64 else jnp.int32)
    table = jax.random.normal(k_tab, (VOCAB_SIZE, D_MODEL), dtype=jnp.float32)
    return {"x": x, "table": table}

def reference(x, table):
    # nn.Embedding lookup followed by scaling by sqrt(d_model)
    emb = jnp.take(table, x, axis=0)
    return emb * math.sqrt(D_MODEL)

if __name__ == "__main__":
    import jax
    _d = setup_inputs()
    print(jax.jit(kernel)(*tuple(_d.values())))

</pallas_src>

<mosaic_0001>
#map = affine_map<(d0, d1) -> (0, 0)>
module attributes {stable_mosaic.version = 14 : i64} {
  func.func @body(%arg0: i32, %arg1: i32, %arg2: memref<100000x1024xf32, #tpu.memory_space<hbm>>, %arg3: memref<4x2048xi32, #tpu.memory_space<hbm>>, %arg4: memref<8192x1024xf32, #tpu.memory_space<hbm>>, %arg5: memref<256xi32, #tpu.memory_space<vmem>>, %arg6: memref<16x1024xf32, #tpu.memory_space<vmem>>, %arg7: memref<16x1024xf32, #tpu.memory_space<vmem>>, %arg8: memref<16x1024xf32, #tpu.memory_space<vmem>>, %arg9: memref<16x1024xf32, #tpu.memory_space<vmem>>, %arg10: memref<!tpu.dma_semaphore, #tpu.memory_space<semaphore_mem>>, %arg11: memref<!tpu.dma_semaphore, #tpu.memory_space<semaphore_mem>>, %arg12: memref<!tpu.dma_semaphore, #tpu.memory_space<semaphore_mem>>, %arg13: memref<!tpu.dma_semaphore, #tpu.memory_space<semaphore_mem>>, %arg14: memref<!tpu.dma_semaphore, #tpu.memory_space<semaphore_mem>>, %arg15: memref<!tpu.dma_semaphore, #tpu.memory_space<semaphore_mem>>, %arg16: memref<!tpu.dma_semaphore, #tpu.memory_space<semaphore_mem>>, %arg17: memref<!tpu.dma_semaphore, #tpu.memory_space<semaphore_mem>>, %arg18: memref<!tpu.dma_semaphore, #tpu.memory_space<semaphore_mem>>, %arg19: memref<!tpu.dma_semaphore, #tpu.memory_space<semaphore_mem>>) attributes {dimension_semantics = [#tpu.dimension_semantics<core_parallel>, #tpu.dimension_semantics<subcore_parallel>], iteration_bounds = array<i64: 2, 16>, scalar_prefetch = 0 : i64, scratch_operands = 15 : i64, tpu.core_type = #tpu.core_type<sc_vector_subcore>, window_params = [{transform_indices = #map}, {transform_indices = #map}, {transform_indices = #map}]} {
    %mul3A = arith.constant 2 : i32
    %mul3A_0 = arith.muli %arg1, %mul3A : i32
    %add3A = arith.addi %mul3A_0, %arg0 : i32
    %mul3A_1 = arith.constant 256 : i32
    %mul3A_2 = arith.muli %add3A, %mul3A_1 : i32
    %jit3A = arith.constant 8 : i32
    %div3A = arith.divsi %add3A, %jit3A : i32
    %sign3A = arith.constant 0 : i32
    %sign3A_3 = arith.cmpi sgt, %add3A, %sign3A : i32
    %sign3A_4 = arith.extui %sign3A_3 : i1 to i32
    %sign3A_5 = arith.constant 0 : i32
    %sign3A_6 = arith.cmpi slt, %add3A, %sign3A_5 : i32
    %sign3A_7 = arith.extui %sign3A_6 : i1 to i32
    %sign3A_8 = arith.subi %sign3A_4, %sign3A_7 : i32
    %sign3A_9 = arith.constant 0 : i32
    %sign3A_10 = arith.cmpi sgt, %jit3A, %sign3A_9 : i32
    %sign3A_11 = arith.extui %sign3A_10 : i1 to i32
    %sign3A_12 = arith.constant 0 : i32
    %sign3A_13 = arith.cmpi slt, %jit3A, %sign3A_12 : i32
    %sign3A_14 = arith.extui %sign3A_13 : i1 to i32
    %sign3A_15 = arith.subi %sign3A_11, %sign3A_14 : i32
    %ne3A = arith.cmpi ne, %sign3A_8, %sign3A_15 : i32
    %rem3A = arith.remsi %add3A, %jit3A : i32
    %ne3A_16 = arith.constant 0 : i32
    %ne3A_17 = arith.cmpi ne, %rem3A, %ne3A_16 : i32
    %and3A = arith.andi %ne3A, %ne3A_17 : i1
    %sub3A = arith.constant 1 : i32
    %sub3A_18 = arith.subi %div3A, %sub3A : i32
    %select_n3A = arith.select %and3A, %sub3A_18, %div3A : i32
    %jit3A_19 = arith.constant 8 : i32
    %eq3A = arith.constant 0 : i32
    %eq3A_20 = arith.cmpi eq, %jit3A_19, %eq3A : i32
    %jit3A_21 = arith.constant 1 : i32
    %select_n3A_22 = arith.select %eq3A_20, %jit3A_21, %jit3A_19 : i32
    %rem3A_23 = arith.remsi %add3A, %select_n3A_22 : i32
    %ne3A_24 = arith.constant 0 : i32
    %ne3A_25 = arith.cmpi ne, %rem3A_23, %ne3A_24 : i32
    %lt3A = arith.constant 0 : i32
    %lt3A_26 = arith.cmpi slt, %rem3A_23, %lt3A : i32
    %lt3A_27 = arith.constant 0 : i32
    %lt3A_28 = arith.cmpi slt, %select_n3A_22, %lt3A_27 : i32
    %ne3A_29 = arith.xori %lt3A_26, %lt3A_28 : i1
    %and3A_30 = arith.andi %ne3A_29, %ne3A_25 : i1
    %add3A_31 = arith.addi %rem3A_23, %select_n3A_22 : i32
    %select_n3A_32 = arith.select %and3A_30, %add3A_31, %rem3A_23 : i32
    %mul3A_33 = arith.constant 256 : i32
    %mul3A_34 = arith.muli %select_n3A_32, %mul3A_33 : i32
    %add3A_35 = arith.constant 128 : i32
    %add3A_36 = arith.addi %mul3A_34, %add3A_35 : i32
    %dma_start3A = arith.constant 0 : i32
    %dma_start3A_37 = tpu.memref_slice %arg5[%dma_start3A] : memref<256xi32, #tpu.memory_space<vmem>> -> memref<128xi32, #tpu.memory_space<vmem>>
    %dma_start3A_38 = tpu.memref_slice %arg3[%select_n3A, %mul3A_34] : memref<4x2048xi32, #tpu.memory_space<hbm>> -> memref<1x128xi32, #tpu.memory_space<hbm>>
    %dma_start3A_39 = tpu.memref_squeeze %dma_start3A_38 : memref<1x128xi32, #tpu.memory_space<hbm>> -> memref<128xi32, #tpu.memory_space<hbm>>
    %dma_start3A_40 = arith.constant 0 : i32
    %dma_start3A_41 = tpu.memref_slice %arg5[%dma_start3A_40] : memref<256xi32, #tpu.memory_space<vmem>> -> memref<128xi32, #tpu.memory_space<vmem>>
    %dma_start3A_42 = tpu.memref_slice %arg3[%select_n3A, %mul3A_34] : memref<4x2048xi32, #tpu.memory_space<hbm>> -> memref<1x128xi32, #tpu.memory_space<hbm>>
    %dma_start3A_43 = tpu.memref_squeeze %dma_start3A_42 : memref<1x128xi32, #tpu.memory_space<hbm>> -> memref<128xi32, #tpu.memory_space<hbm>>
    tpu.enqueue_dma source(%dma_start3A_43 : memref<128xi32, #tpu.memory_space<hbm>>) target(%dma_start3A_41 : memref<128xi32, #tpu.memory_space<vmem>>) target_semaphore(%arg18 : memref<!tpu.dma_semaphore, #tpu.memory_space<semaphore_mem>>)
    %dma_start3A_44 = arith.constant 128 : i32
    %dma_start3A_45 = tpu.memref_slice %arg5[%dma_start3A_44] : memref<256xi32, #tpu.memory_space<vmem>> -> memref<128xi32, #tpu.memory_space<vmem>>
    %dma_start3A_46 = tpu.memref_slice %arg3[%select_n3A, %add3A_36] : memref<4x2048xi32, #tpu.memory_space<hbm>> -> memref<1x128xi32, #tpu.memory_space<hbm>>
    %dma_start3A_47 = tpu.memref_squeeze %dma_start3A_46 : memref<1x128xi32, #tpu.memory_space<hbm>> -> memref<128xi32, #tpu.memory_space<hbm>>
    %dma_start3A_48 = arith.constant 128 : i32
    %dma_start3A_49 = tpu.memref_slice %arg5[%dma_start3A_48] : memref<256xi32, #tpu.memory_space<vmem>> -> memref<128xi32, #tpu.memory_space<vmem>>
    %dma_start3A_50 = tpu.memref_slice %arg3[%select_n3A, %add3A_36] : memref<4x2048xi32, #tpu.memory_space<hbm>> -> memref<1x128xi32, #tpu.memory_space<hbm>>
    %dma_start3A_51 = tpu.memref_squeeze %dma_start3A_50 : memref<1x128xi32, #tpu.memory_space<hbm>> -> memref<128xi32, #tpu.memory_space<hbm>>
    tpu.enqueue_dma source(%dma_start3A_51 : memref<128xi32, #tpu.memory_space<hbm>>) target(%dma_start3A_49 : memref<128xi32, #tpu.memory_space<vmem>>) target_semaphore(%arg19 : memref<!tpu.dma_semaphore, #tpu.memory_space<semaphore_mem>>)
    %dma_wait3A = arith.constant 0 : i32
    %dma_wait3A_52 = tpu.memref_slice %arg5[%dma_wait3A] : memref<256xi32, #tpu.memory_space<vmem>> -> memref<128xi32, #tpu.memory_space<vmem>>
    %dma_wait3A_53 = tpu.memref_slice %arg3[%select_n3A, %mul3A_34] : memref<4x2048xi32, #tpu.memory_space<hbm>> -> memref<1x128xi32, #tpu.memory_space<hbm>>
    %dma_wait3A_54 = tpu.memref_squeeze %dma_wait3A_53 : memref<1x128xi32, #tpu.memory_space<hbm>> -> memref<128xi32, #tpu.memory_space<hbm>>
    %dma_wait3A_55 = arith.constant 0 : i32
    %dma_wait3A_56 = tpu.memref_slice %arg5[%dma_wait3A_55] : memref<256xi32, #tpu.memory_space<vmem>> -> memref<128xi32, #tpu.memory_space<vmem>>
    %dma_wait3A_57 = tpu.memref_slice %arg3[%select_n3A, %mul3A_34] : memref<4x2048xi32, #tpu.memory_space<hbm>> -> memref<1x128xi32, #tpu.memory_space<hbm>>
    %dma_wait3A_58 = tpu.memref_squeeze %dma_wait3A_57 : memref<1x128xi32, #tpu.memory_space<hbm>> -> memref<128xi32, #tpu.memory_space<hbm>>
    tpu.wait_dma2 semaphore(%arg18 : memref<!tpu.dma_semaphore, #tpu.memory_space<semaphore_mem>>) src(%dma_wait3A_58 : memref<128xi32, #tpu.memory_space<hbm>>) dst(%dma_wait3A_56 : memref<128xi32, #tpu.memory_space<vmem>>)
    %dma_start3A_59 = arith.constant 0 : i32
    %dma_start3A_60 = tpu.memref_slice %arg5[%dma_start3A_59] : memref<256xi32, #tpu.memory_space<vmem>> -> memref<16xi32, #tpu.memory_space<vmem>>
    %dma_start3A_61 = arith.constant 0 : i32
    %dma_start3A_62 = arith.constant 0 : i32
    %dma_start3A_63 = tpu.memref_slice %arg2[%dma_start3A_61, %dma_start3A_62] : memref<100000x1024xf32, #tpu.memory_space<hbm>> -> memref<100000x1024xf32, #tpu.memory_space<hbm>>
    tpu.enqueue_indirect_dma source(%dma_start3A_63 : memref<100000x1024xf32, #tpu.memory_space<hbm>>) target(%arg6 : memref<16x1024xf32, #tpu.memory_space<vmem>>) offsets(%dma_start3A_60 : memref<16xi32, #tpu.memory_space<vmem>>) semaphore(%arg10 : memref<!tpu.dma_semaphore, #tpu.memory_space<semaphore_mem>>)
    %dma_start3A_64 = arith.constant 16 : i32
    %dma_start3A_65 = tpu.memref_slice %arg5[%dma_start3A_64] : memref<256xi32, #tpu.memory_space<vmem>> -> memref<16xi32, #tpu.memory_space<vmem>>
    %dma_start3A_66 = arith.constant 0 : i32
    %dma_start3A_67 = arith.constant 0 : i32
    %dma_start3A_68 = tpu.memref_slice %arg2[%dma_start3A_66, %dma_start3A_67] : memref<100000x1024xf32, #tpu.memory_space<hbm>> -> memref<100000x1024xf32, #tpu.memory_space<hbm>>
    tpu.enqueue_indirect_dma source(%dma_start3A_68 : memref<100000x1024xf32, #tpu.memory_space<hbm>>) target(%arg7 : memref<16x1024xf32, #tpu.memory_space<vmem>>) offsets(%dma_start3A_65 : memref<16xi32, #tpu.memory_space<vmem>>) semaphore(%arg11 : memref<!tpu.dma_semaphore, #tpu.memory_space<semaphore_mem>>)
    %dma_wait3A_69 = arith.constant 128 : i32
    %dma_wait3A_70 = tpu.memref_slice %arg5[%dma_wait3A_69] : memref<256xi32, #tpu.memory_space<vmem>> -> memref<128xi32, #tpu.memory_space<vmem>>
    %dma_wait3A_71 = tpu.memref_slice %arg3[%select_n3A, %add3A_36] : memref<4x2048xi32, #tpu.memory_space<hbm>> -> memref<1x128xi32, #tpu.memory_space<hbm>>
    %dma_wait3A_72 = tpu.memref_squeeze %dma_wait3A_71 : memref<1x128xi32, #tpu.memory_space<hbm>> -> memref<128xi32, #tpu.memory_space<hbm>>
    %dma_wait3A_73 = arith.constant 128 : i32
    %dma_wait3A_74 = tpu.memref_slice %arg5[%dma_wait3A_73] : memref<256xi32, #tpu.memory_space<vmem>> -> memref<128xi32, #tpu.memory_space<vmem>>
    %dma_wait3A_75 = tpu.memref_slice %arg3[%select_n3A, %add3A_36] : memref<4x2048xi32, #tpu.memory_space<hbm>> -> memref<1x128xi32, #tpu.memory_space<hbm>>
    %dma_wait3A_76 = tpu.memref_squeeze %dma_wait3A_75 : memref<1x128xi32, #tpu.memory_space<hbm>> -> memref<128xi32, #tpu.memory_space<hbm>>
    tpu.wait_dma2 semaphore(%arg19 : memref<!tpu.dma_semaphore, #tpu.memory_space<semaphore_mem>>) src(%dma_wait3A_76 : memref<128xi32, #tpu.memory_space<hbm>>) dst(%dma_wait3A_74 : memref<128xi32, #tpu.memory_space<vmem>>)
    %scan3A = arith.constant 0 : i32
    %scan3A_77 = arith.constant 4 : i32
    %scan3A_78 = arith.addi %scan3A, %scan3A_77 : i32
    %scan3A_79 = arith.constant 1 : i32
    scf.for %scan3A_105 = %scan3A to %scan3A_78 step %scan3A_79  : i32 {
      %mul3A_106 = arith.constant 4 : i32
      %mul3A_107 = arith.muli %scan3A_105, %mul3A_106 : i32
      %add3A_108 = arith.constant 0 : i32
      %add3A_109 = arith.addi %mul3A_107, %add3A_108 : i32
      %mul3A_110 = arith.constant 16 : i32
      %mul3A_111 = arith.muli %add3A_109, %mul3A_110 : i32
      %dma_wait3A_112 = tpu.memref_slice %arg5[%mul3A_111] : memref<256xi32, #tpu.memory_space<vmem>> -> memref<16xi32, #tpu.memory_space<vmem>>
      %dma_wait3A_113 = arith.constant 0 : i32
      %dma_wait3A_114 = arith.constant 0 : i32
      %dma_wait3A_115 = tpu.memref_slice %arg2[%dma_wait3A_113, %dma_wait3A_114] : memref<100000x1024xf32, #tpu.memory_space<hbm>> -> memref<100000x1024xf32, #tpu.memory_space<hbm>>
      tpu.wait_indirect_dma semaphore(%arg10 : memref<!tpu.dma_semaphore, #tpu.memory_space<semaphore_mem>>) src(%dma_wait3A_115 : memref<100000x1024xf32, #tpu.memory_space<hbm>>) dst(%arg6 : memref<16x1024xf32, #tpu.memory_space<vmem>>)
      %ge3A = arith.constant 1 : i32
      %ge3A_116 = arith.cmpi sge, %scan3A_105, %ge3A : i32
      %convert_element_type3A = arith.extui %ge3A_116 : i1 to i32
      %cond3A = arith.constant 0 : i32
      %cond3A_117 = arith.cmpi ne, %convert_element_type3A, %cond3A : i32
      scf.if %cond3A_117 {
        %add3A_218 = arith.constant 2 : i32
        %add3A_219 = arith.addi %add3A_109, %add3A_218 : i32
        %sub3A_220 = arith.constant 4 : i32
        %sub3A_221 = arith.subi %add3A_219, %sub3A_220 : i32
        %mul3A_222 = arith.constant 16 : i32
        %mul3A_223 = arith.muli %sub3A_221, %mul3A_222 : i32
        %add3A_224 = arith.addi %mul3A_2, %mul3A_223 : i32
        %dma_wait3A_225 = arith.constant 0 : i32
        %dma_wait3A_226 = tpu.memref_slice %arg4[%add3A_224, %dma_wait3A_225] : memref<8192x1024xf32, #tpu.memory_space<hbm>> -> memref<16x1024xf32, #tpu.memory_space<hbm>>
        %dma_wait3A_227 = arith.constant 0 : i32
        %dma_wait3A_228 = tpu.memref_slice %arg4[%add3A_224, %dma_wait3A_227] : memref<8192x1024xf32, #tpu.memory_space<hbm>> -> memref<16x1024xf32, #tpu.memory_space<hbm>>
        tpu.wait_dma2 semaphore(%arg16 : memref<!tpu.dma_semaphore, #tpu.memory_space<semaphore_mem>>) src(%arg8 : memref<16x1024xf32, #tpu.memory_space<vmem>>) dst(%dma_wait3A_228 : memref<16x1024xf32, #tpu.memory_space<hbm>>)
      } else {
      }
      %add3A_118 = arith.constant 2 : i32
      %add3A_119 = arith.addi %add3A_109, %add3A_118 : i32
      %mul3A_120 = arith.constant 16 : i32
      %mul3A_121 = arith.muli %add3A_119, %mul3A_120 : i32
      %dma_start3A_122 = tpu.memref_slice %arg5[%mul3A_121] : memref<256xi32, #tpu.memory_space<vmem>> -> memref<16xi32, #tpu.memory_space<vmem>>
      %dma_start3A_123 = arith.constant 0 : i32
      %dma_start3A_124 = arith.constant 0 : i32
      %dma_start3A_125 = tpu.memref_slice %arg2[%dma_start3A_123, %dma_start3A_124] : memref<100000x1024xf32, #tpu.memory_space<hbm>> -> memref<100000x1024xf32, #tpu.memory_space<hbm>>
      tpu.enqueue_indirect_dma source(%dma_start3A_125 : memref<100000x1024xf32, #tpu.memory_space<hbm>>) target(%arg8 : memref<16x1024xf32, #tpu.memory_space<vmem>>) offsets(%dma_start3A_122 : memref<16xi32, #tpu.memory_space<vmem>>) semaphore(%arg12 : memref<!tpu.dma_semaphore, #tpu.memory_space<semaphore_mem>>)
      %parallel_loop3A = arith.constant 0 : i32
      %parallel_loop3A_126 = arith.constant 16 : i32
      %parallel_loop3A_127 = arith.constant 1 : i32
      scf.for %parallel_loop3A_218 = %parallel_loop3A to %parallel_loop3A_126 step %parallel_loop3A_127  : i32 {
        %parallel_loop3A_219 = arith.index_cast %parallel_loop3A_218 : i32 to index
        %parallel_loop3A_220 = arith.constant 0 : index
        %parallel_loop3A_221 = tpu.vector_load %arg6[%parallel_loop3A_219, %parallel_loop3A_220] {strides = array<i32>} : memref<16x1024xf32, #tpu.memory_space<vmem>>, vector<1x16xf32>,
        %parallel_loop3A_222 = vector.shape_cast %parallel_loop3A_221 : vector<1x16xf32> to vector<16xf32>
        %parallel_loop3A_223 = arith.constant 3.200000e+01 : f32
        %parallel_loop3A_224 = vector.broadcast %parallel_loop3A_223 : f32 to vector<16xf32>
        %parallel_loop3A_225 = arith.mulf %parallel_loop3A_222, %parallel_loop3A_224 : vector<16xf32>
        %parallel_loop3A_226 = arith.index_cast %parallel_loop3A_218 : i32 to index
        %parallel_loop3A_227 = arith.constant 0 : index
        %parallel_loop3A_228 = tpu.vector_load %arg6[%parallel_loop3A_226, %parallel_loop3A_227] {strides = array<i32>} : memref<16x1024xf32, #tpu.memory_space<vmem>>, vector<1x16xf32>,
        %parallel_loop3A_229 = vector.shape_cast %parallel_loop3A_228 : vector<1x16xf32> to vector<16xf32>
        %parallel_loop3A_230 = vector.shape_cast %parallel_loop3A_225 : vector<16xf32> to vector<1x16xf32>
        tpu.vector_store %arg6[%parallel_loop3A_226, %parallel_loop3A_227], %parallel_loop3A_230 {strides = array<i32>} : memref<16x1024xf32, #tpu.memory_space<vmem>>, vector<1x16xf32>,
        %parallel_loop3A_231 = arith.index_cast %parallel_loop3A_218 : i32 to index
        %parallel_loop3A_232 = arith.constant 16 : index
        %parallel_loop3A_233 = tpu.vector_load %arg6[%parallel_loop3A_231, %parallel_loop3A_232] {strides = array<i32>} : memref<16x1024xf32, #tpu.memory_space<vmem>>, vector<1x16xf32>,
        %parallel_loop3A_234 = vector.shape_cast %parallel_loop3A_233 : vector<1x16xf32> to vector<16xf32>
        %parallel_loop3A_235 = arith.constant 3.200000e+01 : f32
        %parallel_loop3A_236 = vector.broadcast %parallel_loop3A_235 : f32 to vector<16xf32>
        %parallel_loop3A_237 = arith.mulf %parallel_loop3A_234, %parallel_loop3A_236 : vector<16xf32>
        %parallel_loop3A_238 = arith.index_cast %parallel_loop3A_218 : i32 to index
        %parallel_loop3A_239 = arith.constant 16 : index
        %parallel_loop3A_240 = tpu.vector_load %arg6[%parallel_loop3A_238, %parallel_loop3A_239] {strides = array<i32>} : memref<16x1024xf32, #tpu.memory_space<vmem>>, vector<1x16xf32>,
        %parallel_loop3A_241 = vector.shape_cast %parallel_loop3A_240 : vector<1x16xf32> to vector<16xf32>
        %parallel_loop3A_242 = vector.shape_cast %parallel_loop3A_237 : vector<16xf32> to vector<1x16xf32>
        tpu.vector_store %arg6[%parallel_loop3A_238, %parallel_loop3A_239], %parallel_loop3A_242 {strides = array<i32>} : memref<16x1024xf32, #tpu.memory_space<vmem>>, vector<1x16xf32>,
        %parallel_loop3A_243 = arith.index_cast %parallel_loop3A_218 : i32 to index
        %parallel_loop3A_244 = arith.constant 32 : index
        %parallel_loop3A_245 = tpu.vector_load %arg6[%parallel_loop3A_243, %parallel_loop3A_244] {strides = array<i32>} : memref<16x1024xf32, #tpu.memory_space<vmem>>, vector<1x16xf32>,
        %parallel_loop3A_246 = vector.shape_cast %parallel_loop3A_245 : vector<1x16xf32> to vector<16xf32>
        %parallel_loop3A_247 = arith.constant 3.200000e+01 : f32
        %parallel_loop3A_248 = vector.broadcast %parallel_loop3A_247 : f32 to vector<16xf32>
        %parallel_loop3A_249 = arith.mulf %parallel_loop3A_246, %parallel_loop3A_248 : vector<16xf32>
        %parallel_loop3A_250 = arith.index_cast %parallel_loop3A_218 : i32 to index
        %parallel_loop3A_251 = arith.constant 32 : index
        %parallel_loop3A_252 = tpu.vector_load %arg6[%parallel_loop3A_250, %parallel_loop3A_251] {strides = array<i32>} : memref<16x1024xf32, #tpu.memory_space<vmem>>, vector<1x16xf32>,
        %parallel_loop3A_253 = vector.shape_cast %parallel_loop3A_252 : vector<1x16xf32> to vector<16xf32>
        %parallel_loop3A_254 = vector.shape_cast %parallel_loop3A_249 : vector<16xf32> to vector<1x16xf32>
        tpu.vector_store %arg6[%parallel_loop3A_250, %parallel_loop3A_251], %parallel_loop3A_254 {strides = array<i32>} : memref<16x1024xf32, #tpu.memory_space<vmem>>, vector<1x16xf32>,
        %parallel_loop3A_255 = arith.index_cast %parallel_loop3A_218 : i32 to index
        %parallel_loop3A_256 = arith.constant 48 : index
        %parallel_loop3A_257 = tpu.vector_load %arg6[%parallel_loop3A_255, %parallel_loop3A_256] {strides = array<i32>} : memref<16x1024xf32, #tpu.memory_space<vmem>>, vector<1x16xf32>,
        %parallel_loop3A_258 = vector.shape_cast %parallel_loop3A_257 : vector<1x16xf32> to vector<16xf32>
        %parallel_loop3A_259 = arith.constant 3.200000e+01 : f32
        %parallel_loop3A_260 = vector.broadcast %parallel_loop3A_259 : f32 to vector<16xf32>
        %parallel_loop3A_261 = arith.mulf %parallel_loop3A_258, %parallel_loop3A_260 : vector<16xf32>
        %parallel_loop3A_262 = arith.index_cast %parallel_loop3A_218 : i32 to index
        %parallel_loop3A_263 = arith.constant 48 : index
        %parallel_loop3A_264 = tpu.vector_load %arg6[%parallel_loop3A_262, %parallel_loop3A_263] {strides = array<i32>} : memref<16x1024xf32, #tpu.memory_space<vmem>>, vector<1x16xf32>,
        %parallel_loop3A_265 = vector.shape_cast %parallel_loop3A_264 : vector<1x16xf32> to vector<16xf32>
        %parallel_loop3A_266 = vector.shape_cast %parallel_loop3A_261 : vector<16xf32> to vector<1x16xf32>
        tpu.vector_store %arg6[%parallel_loop3A_262, %parallel_loop3A_263], %parallel_loop3A_266 {strides = array<i32>} : memref<16x1024xf32, #tpu.memory_space<vmem>>, vector<1x16xf32>,
        %parallel_loop3A_267 = arith.index_cast %parallel_loop3A_218 : i32 to index
        %parallel_loop3A_268 = arith.constant 64 : index
        %parallel_loop3A_269 = tpu.vector_load %arg6[%parallel_loop3A_267, %parallel_loop3A_268] {strides = array<i32>} : memref<16x1024xf32, #tpu.memory_space<vmem>>, vector<1x16xf32>,
        %parallel_loop3A_270 = vector.shape_cast %parallel_loop3A_269 : vector<1x16xf32> to vector<16xf32>
        %parallel_loop3A_271 = arith.constant 3.200000e+01 : f32
        %parallel_loop3A_272 = vector.broadcast %parallel_loop3A_271 : f32 to vector<16xf32>
        %parallel_loop3A_273 = arith.mulf %parallel_loop3A_270, %parallel_loop3A_272 : vector<16xf32>
        %parallel_loop3A_274 = arith.index_cast %parallel_loop3A_218 : i32 to index
        %parallel_loop3A_275 = arith.constant 64 : index
        %parallel_loop3A_276 = tpu.vector_load %arg6[%parallel_loop3A_274, %parallel_loop3A_275] {strides = array<i32>} : memref<16x1024xf32, #tpu.memory_space<vmem>>, vector<1x16xf32>,
        %parallel_loop3A_277 = vector.shape_cast %parallel_loop3A_276 : vector<1x16xf32> to vector<16xf32>
        %parallel_loop3A_278 = vector.shape_cast %parallel_loop3A_273 : vector<16xf32> to vector<1x16xf32>
        tpu.vector_store %arg6[%parallel_loop3A_274, %parallel_loop3A_275], %parallel_loop3A_278 {strides = array<i32>} : memref<16x1024xf32, #tpu.memory_space<vmem>>, vector<1x16xf32>,
        %parallel_loop3A_279 = arith.index_cast %parallel_loop3A_218 : i32 to index
        %parallel_loop3A_280 = arith.constant 80 : index
        %parallel_loop3A_281 = tpu.vector_load %arg6[%parallel_loop3A_279, %parallel_loop3A_280] {strides = array<i32>} : memref<16x1024xf32, #tpu.memory_space<vmem>>, vector<1x16xf32>,
        %parallel_loop3A_282 = vector.shape_cast %parallel_loop3A_281 : vector<1x16xf32> to vector<16xf32>
        %parallel_loop3A_283 = arith.constant 3.200000e+01 : f32
        %parallel_loop3A_284 = vector.broadcast %parallel_loop3A_283 : f32 to vector<16xf32>
        %parallel_loop3A_285 = arith.mulf %parallel_loop3A_282, %parallel_loop3A_284 : vector<16xf32>
        %parallel_loop3A_286 = arith.index_cast %parallel_loop3A_218 : i32 to index
        %parallel_loop3A_287 = arith.constant 80 : index
        %parallel_loop3A_288 = tpu.vector_load %arg6[%parallel_loop3A_286, %parallel_loop3A_287] {strides = array<i32>} : memref<16x1024xf32, #tpu.memory_space<vmem>>, vector<1x16xf32>,
        %parallel_loop3A_289 = vector.shape_cast %parallel_loop3A_288 : vector<1x16xf32> to vector<16xf32>
        %parallel_loop3A_290 = vector.shape_cast %parallel_loop3A_285 : vector<16xf32> to vector<1x16xf32>
        tpu.vector_store %arg6[%parallel_loop3A_286, %parallel_loop3A_287], %parallel_loop3A_290 {strides = array<i32>} : memref<16x1024xf32, #tpu.memory_space<vmem>>, vector<1x16xf32>,
        %parallel_loop3A_291 = arith.index_cast %parallel_loop3A_218 : i32 to index
        %parallel_loop3A_292 = arith.constant 96 : index
        %parallel_loop3A_293 = tpu.vector_load %arg6[%parallel_loop3A_291, %parallel_loop3A_292] {strides = array<i32>} : memref<16x1024xf32, #tpu.memory_space<vmem>>, vector<1x16xf32>,
        %parallel_loop3A_294 = vector.shape_cast %parallel_loop3A_293 : vector<1x16xf32> to vector<16xf32>
        %parallel_loop3A_295 = arith.constant 3.200000e+01 : f32
        %parallel_loop3A_296 = vector.broadcast %parallel_loop3A_295 : f32 to vector<16xf32>
        %parallel_loop3A_297 = arith.mulf %parallel_loop3A_294, %parallel_loop3A_296 : vector<16xf32>
        %parallel_loop3A_298 = arith.index_cast %parallel_loop3A_218 : i32 to index
        %parallel_loop3A_299 = arith.constant 96 : index
        %parallel_loop3A_300 = tpu.vector_load %arg6[%parallel_loop3A_298, %parallel_loop3A_299] {strides = array<i32>} : memref<16x1024xf32, #tpu.memory_space<vmem>>, vector<1x16xf32>,
        %parallel_loop3A_301 = vector.shape_cast %parallel_loop3A_300 : vector<1x16xf32> to vector<16xf32>
        %parallel_loop3A_302 = vector.shape_cast %parallel_loop3A_297 : vector<16xf32> to vector<1x16xf32>
        tpu.vector_store %arg6[%parallel_loop3A_298, %parallel_loop3A_299], %parallel_loop3A_302 {strides = array<i32>} : memref<16x1024xf32, #tpu.memory_space<vmem>>, vector<1x16xf32>,
        %parallel_loop3A_303 = arith.index_cast %parallel_loop3A_218 : i32 to index
        %parallel_loop3A_304 = arith.constant 112 : index
        %parallel_loop3A_305 = tpu.vector_load %arg6[%parallel_loop3A_303, %parallel_loop3A_304] {strides = array<i32>} : memref<16x1024xf32, #tpu.memory_space<vmem>>, vector<1x16xf32>,
        %parallel_loop3A_306 = vector.shape_cast %parallel_loop3A_305 : vector<1x16xf32> to vector<16xf32>
        %parallel_loop3A_307 = arith.constant 3.200000e+01 : f32
        %parallel_loop3A_308 = vector.broadcast %parallel_loop3A_307 : f32 to vector<16xf32>
        %parallel_loop3A_309 = arith.mulf %parallel_loop3A_306, %parallel_loop3A_308 : vector<16xf32>
        %parallel_loop3A_310 = arith.index_cast %parallel_loop3A_218 : i32 to index
        %parallel_loop3A_311 = arith.constant 112 : index
        %parallel_loop3A_312 = tpu.vector_load %arg6[%parallel_loop3A_310, %parallel_loop3A_311] {strides = array<i32>} : memref<16x1024xf32, #tpu.memory_space<vmem>>, vector<1x16xf32>,
        %parallel_loop3A_313 = vector.shape_cast %parallel_loop3A_312 : vector<1x16xf32> to vector<16xf32>
        %parallel_loop3A_314 = vector.shape_cast %parallel_loop3A_309 : vector<16xf32> to vector<1x16xf32>
        tpu.vector_store %arg6[%parallel_loop3A_310, %parallel_loop3A_311], %parallel_loop3A_314 {strides = array<i32>} : memref<16x1024xf32, #tpu.memory_space<vmem>>, vector<1x16xf32>,
        %parallel_loop3A_315 = arith.index_cast %parallel_loop3A_218 : i32 to index
        %parallel_loop3A_316 = arith.constant 128 : index
        %parallel_loop3A_317 = tpu.vector_load %arg6[%parallel_loop3A_315, %parallel_loop3A_316] {strides = array<i32>} : memref<16x1024xf32, #tpu.memory_space<vmem>>, vector<1x16xf32>,
        %parallel_loop3A_318 = vector.shape_cast %parallel_loop3A_317 : vector<1x16xf32> to vector<16xf32>
        %parallel_loop3A_319 = arith.constant 3.200000e+01 : f32
        %parallel_loop3A_320 = vector.broadcast %parallel_loop3A_319 : f32 to vector<16xf32>
        %parallel_loop3A_321 = arith.mulf %parallel_loop3A_318, %parallel_loop3A_320 : vector<16xf32>
        %parallel_loop3A_322 = arith.index_cast %parallel_loop3A_218 : i32 to index
        %parallel_loop3A_323 = arith.constant 128 : index
        %parallel_loop3A_324 = tpu.vector_load %arg6[%parallel_loop3A_322, %parallel_loop3A_323] {strides = array<i32>} : memref<16x1024xf32, #tpu.memory_space<vmem>>, vector<1x16xf32>,
        %parallel_loop3A_325 = vector.shape_cast %parallel_loop3A_324 : vector<1x16xf32> to vector<16xf32>
        %parallel_loop3A_326 = vector.shape_cast %parallel_loop3A_321 : vector<16xf32> to vector<1x16xf32>
        tpu.vector_store %arg6[%parallel_loop3A_322, %parallel_loop3A_323], %parallel_loop3A_326 {strides = array<i32>} : memref<16x1024xf32, #tpu.memory_space<vmem>>, vector<1x16xf32>,
        %parallel_loop3A_327 = arith.index_cast %parallel_loop3A_218 : i32 to index
        %parallel_loop3A_328 = arith.constant 144 : index
        %parallel_loop3A_329 = tpu.vector_load %arg6[%parallel_loop3A_327, %parallel_loop3A_328] {strides = array<i32>} : memref<16x1024xf32, #tpu.memory_space<vmem>>, vector<1x16xf32>,
        %parallel_loop3A_330 = vector.shape_cast %parallel_loop3A_329 : vector<1x16xf32> to vector<16xf32>
        %parallel_loop3A_331 = arith.constant 3.200000e+01 : f32
        %parallel_loop3A_332 = vector.broadcast %parallel_loop3A_331 : f32 to vector<16xf32>
        %parallel_loop3A_333 = arith.mulf %parallel_loop3A_330, %parallel_loop3A_332 : vector<16xf32>
        %parallel_loop3A_334 = arith.index_cast %parallel_loop3A_218 : i32 to index
        %parallel_loop3A_335 = arith.constant 144 : index
        %parallel_loop3A_336 = tpu.vector_load %arg6[%parallel_loop3A_334, %parallel_loop3A_335] {strides = array<i32>} : memref<16x1024xf32, #tpu.memory_space<vmem>>, vector<1x16xf32>,
        %parallel_loop3A_337 = vector.shape_cast %parallel_loop3A_336 : vector<1x16xf32> to vector<16xf32>
        %parallel_loop3A_338 = vector.shape_cast %parallel_loop3A_333 : vector<16xf32> to vector<1x16xf32>
        tpu.vector_store %arg6[%parallel_loop3A_334, %parallel_loop3A_335], %parallel_loop3A_338 {strides = array<i32>} : memref<16x1024xf32, #tpu.memory_space<vmem>>, vector<1x16xf32>,
        %parallel_loop3A_339 = arith.index_cast %parallel_loop3A_218 : i32 to index
        %parallel_loop3A_340 = arith.constant 160 : index
        %parallel_loop3A_341 = tpu.vector_load %arg6[%parallel_loop3A_339, %parallel_loop3A_340] {strides = array<i32>} : memref<16x1024xf32, #tpu.memory_space<vmem>>, vector<1x16xf32>,
        %parallel_loop3A_342 = vector.shape_cast %parallel_loop3A_341 : vector<1x16xf32> to vector<16xf32>
        %parallel_loop3A_343 = arith.constant 3.200000e+01 : f32
        %parallel_loop3A_344 = vector.broadcast %parallel_loop3A_343 : f32 to vector<16xf32>
        %parallel_loop3A_345 = arith.mulf %parallel_loop3A_342, %parallel_loop3A_344 : vector<16xf32>
        %parallel_loop3A_346 = arith.index_cast %parallel_loop3A_218 : i32 to index
        %parallel_loop3A_347 = arith.constant 160 : index
        %parallel_loop3A_348 = tpu.vector_load %arg6[%parallel_loop3A_346, %parallel_loop3A_347] {strides = array<i32>} : memref<16x1024xf32, #tpu.memory_space<vmem>>, vector<1x16xf32>,
        %parallel_loop3A_349 = vector.shape_cast %parallel_loop3A_348 : vector<1x16xf32> to vector<16xf32>
        %parallel_loop3A_350 = vector.shape_cast %parallel_loop3A_345 : vector<16xf32> to vector<1x16xf32>
        tpu.vector_store %arg6[%parallel_loop3A_346, %parallel_loop3A_347], %parallel_loop3A_350 {strides = array<i32>} : memref<16x1024xf32, #tpu.memory_space<vmem>>, vector<1x16xf32>,
        %parallel_loop3A_351 = arith.index_cast %parallel_loop3A_218 : i32 to index
        %parallel_loop3A_352 = arith.constant 176 : index
        %parallel_loop3A_353 = tpu.vector_load %arg6[%parallel_loop3A_351, %parallel_loop3A_352] {strides = array<i32>} : memref<16x1024xf32, #tpu.memory_space<vmem>>, vector<1x16xf32>,
        %parallel_loop3A_354 = vector.shape_cast %parallel_loop3A_353 : vector<1x16xf32> to vector<16xf32>
        %parallel_loop3A_355 = arith.constant 3.200000e+01 : f32
        %parallel_loop3A_356 = vector.broadcast %parallel_loop3A_355 : f32 to vector<16xf32>
        %parallel_loop3A_357 = arith.mulf %parallel_loop3A_354, %parallel_loop3A_356 : vector<16xf32>
        %parallel_loop3A_358 = arith.index_cast %parallel_loop3A_218 : i32 to index
        %parallel_loop3A_359 = arith.constant 176 : index
        %parallel_loop3A_360 = tpu.vector_load %arg6[%parallel_loop3A_358, %parallel_loop3A_359] {strides = array<i32>} : memref<16x1024xf32, #tpu.memory_space<vmem>>, vector<1x16xf32>,
        %parallel_loop3A_361 = vector.shape_cast %parallel_loop3A_360 : vector<1x16xf32> to vector<16xf32>
        %parallel_loop3A_362 = vector.shape_cast %parallel_loop3A_357 : vector<16xf32> to vector<1x16xf32>
        tpu.vector_store %arg6[%parallel_loop3A_358, %parallel_loop3A_359], %parallel_loop3A_362 {strides = array<i32>} : memref<16x1024xf32, #tpu.memory_space<vmem>>, vector<1x16xf32>,
        %parallel_loop3A_363 = arith.index_cast %parallel_loop3A_218 : i32 to index
        %parallel_loop3A_364 = arith.constant 192 : index
        %parallel_loop3A_365 = tpu.vector_load %arg6[%parallel_loop3A_363, %parallel_loop3A_364] {strides = array<i32>} : memref<16x1024xf32, #tpu.memory_space<vmem>>, vector<1x16xf32>,
        %parallel_loop3A_366 = vector.shape_cast %parallel_loop3A_365 : vector<1x16xf32> to vector<16xf32>
        %parallel_loop3A_367 = arith.constant 3.200000e+01 : f32
        %parallel_loop3A_368 = vector.broadcast %parallel_loop3A_367 : f32 to vector<16xf32>
        %parallel_loop3A_369 = arith.mulf %parallel_loop3A_366, %parallel_loop3A_368 : vector<16xf32>
        %parallel_loop3A_370 = arith.index_cast %parallel_loop3A_218 : i32 to index
        %parallel_loop3A_371 = arith.constant 192 : index
        %parallel_loop3A_372 = tpu.vector_load %arg6[%parallel_loop3A_370, %parallel_loop3A_371] {strides = array<i32>} : memref<16x1024xf32, #tpu.memory_space<vmem>>, vector<1x16xf32>,
        %parallel_loop3A_373 = vector.shape_cast %parallel_loop3A_372 : vector<1x16xf32> to vector<16xf32>
        %parallel_loop3A_374 = vector.shape_cast %parallel_loop3A_369 : vector<16xf32> to vector<1x16xf32>
        tpu.vector_store %arg6[%parallel_loop3A_370, %parallel_loop3A_371], %parallel_loop3A_374 {strides = array<i32>} : memref<16x1024xf32, #tpu.memory_space<vmem>>, vector<1x16xf32>,
        %parallel_loop3A_375 = arith.index_cast %parallel_loop3A_218 : i32 to index
        %parallel_loop3A_376 = arith.constant 208 : index
        %parallel_loop3A_377 = tpu.vector_load %arg6[%parallel_loop3A_375, %parallel_loop3A_376] {strides = array<i32>} : memref<16x1024xf32, #tpu.memory_space<vmem>>, vector<1x16xf32>,
        %parallel_loop3A_378 = vector.shape_cast %parallel_loop3A_377 : vector<1x16xf32> to vector<16xf32>
        %parallel_loop3A_379 = arith.constant 3.200000e+01 : f32
        %parallel_loop3A_380 = vector.broadcast %parallel_loop3A_379 : f32 to vector<16xf32>
        %parallel_loop3A_381 = arith.mulf %parallel_loop3A_378, %parallel_loop3A_380 : vector<16xf32>
        %parallel_loop3A_382 = arith.index_cast %parallel_loop3A_218 : i32 to index
        %parallel_loop3A_383 = arith.constant 208 : index
        %parallel_loop3A_384 = tpu.vector_load %arg6[%parallel_loop3A_382, %parallel_loop3A_383] {strides = array<i32>} : memref<16x1024xf32, #tpu.memory_space<vmem>>, vector<1x16xf32>,
        %parallel_loop3A_385 = vector.shape_cast %parallel_loop3A_384 : vector<1x16xf32> to vector<16xf32>
        %parallel_loop3A_386 = vector.shape_cast %parallel_loop3A_381 : vector<16xf32> to vector<1x16xf32>
        tpu.vector_store %arg6[%parallel_loop3A_382, %parallel_loop3A_383], %parallel_loop3A_386 {strides = array<i32>} : memref<16x1024xf32, #tpu.memory_space<vmem>>, vector<1x16xf32>,
        %parallel_loop3A_387 = arith.index_cast %parallel_loop3A_218 : i32 to index
        %parallel_loop3A_388 = arith.constant 224 : index
        %parallel_loop3A_389 = tpu.vector_load %arg6[%parallel_loop3A_387, %parallel_loop3A_388] {strides = array<i32>} : memref<16x1024xf32, #tpu.memory_space<vmem>>, vector<1x16xf32>,
        %parallel_loop3A_390 = vector.shape_cast %parallel_loop3A_389 : vector<1x16xf32> to vector<16xf32>
        %parallel_loop3A_391 = arith.constant 3.200000e+01 : f32
        %parallel_loop3A_392 = vector.broadcast %parallel_loop3A_391 : f32 to vector<16xf32>
        %parallel_loop3A_393 = arith.mulf %parallel_loop3A_390, %parallel_loop3A_392 : vector<16xf32>
        %parallel_loop3A_394 = arith.index_cast %parallel_loop3A_218 : i32 to index
        %parallel_loop3A_395 = arith.constant 224 : index
        %parallel_loop3A_396 = tpu.vector_load %arg6[%parallel_loop3A_394, %parallel_loop3A_395] {strides = array<i32>} : memref<16x1024xf32, #tpu.memory_space<vmem>>, vector<1x16xf32>,
        %parallel_loop3A_397 = vector.shape_cast %parallel_loop3A_396 : vector<1x16xf32> to vector<16xf32>
        %parallel_loop3A_398 = vector.shape_cast %parallel_loop3A_393 : vector<16xf32> to vector<1x16xf32>
        tpu.vector_store %arg6[%parallel_loop3A_394, %parallel_loop3A_395], %parallel_loop3A_398 {strides = array<i32>} : memref<16x1024xf32, #tpu.memory_space<vmem>>, vector<1x16xf32>,
        %parallel_loop3A_399 = arith.index_cast %parallel_loop3A_218 : i32 to index
        %parallel_loop3A_400 = arith.constant 240 : index
        %parallel_loop3A_401 = tpu.vector_load %arg6[%parallel_loop3A_399, %parallel_loop3A_400] {strides = array<i32>} : memref<16x1024xf32, #tpu.memory_space<vmem>>, vector<1x16xf32>,
        %parallel_loop3A_402 = vector.shape_cast %parallel_loop3A_401 : vector<1x16xf32> to vector<16xf32>
        %parallel_loop3A_403 = arith.constant 3.200000e+01 : f32
        %parallel_loop3A_404 = vector.broadcast %parallel_loop3A_403 : f32 to vector<16xf32>
        %parallel_loop3A_405 = arith.mulf %parallel_loop3A_402, %parallel_loop3A_404 : vector<16xf32>
        %parallel_loop3A_406 = arith.index_cast %parallel_loop3A_218 : i32 to index
        %parallel_loop3A_407 = arith.constant 240 : index
        %parallel_loop3A_408 = tpu.vector_load %arg6[%parallel_loop3A_406, %parallel_loop3A_407] {strides = array<i32>} : memref<16x1024xf32, #tpu.memory_space<vmem>>, vector<1x16xf32>,
        %parallel_loop3A_409 = vector.shape_cast %parallel_loop3A_408 : vector<1x16xf32> to vector<16xf32>
        %parallel_loop3A_410 = vector.shape_cast %parallel_loop3A_405 : vector<16xf32> to vector<1x16xf32>
        tpu.vector_store %arg6[%parallel_loop3A_406, %parallel_loop3A_407], %parallel_loop3A_410 {strides = array<i32>} : memref<16x1024xf32, #tpu.memory_space<vmem>>, vector<1x16xf32>,
        %parallel_loop3A_411 = arith.index_cast %parallel_loop3A_218 : i32 to index
        %parallel_loop3A_412 = arith.constant 256 : index
        %parallel_loop3A_413 = tpu.vector_load %arg6[%parallel_loop3A_411, %parallel_loop3A_412] {strides = array<i32>} : memref<16x1024xf32, #tpu.memory_space<vmem>>, vector<1x16xf32>,
        %parallel_loop3A_414 = vector.shape_cast %parallel_loop3A_413 : vector<1x16xf32> to vector<16xf32>
        %parallel_loop3A_415 = arith.constant 3.200000e+01 : f32
        %parallel_loop3A_416 = vector.broadcast %parallel_loop3A_415 : f32 to vector<16xf32>
        %parallel_loop3A_417 = arith.mulf %parallel_loop3A_414, %parallel_loop3A_416 : vector<16xf32>
        %parallel_loop3A_418 = arith.index_cast %parallel_loop3A_218 : i32 to index
        %parallel_loop3A_419 = arith.constant 256 : index
        %parallel_loop3A_420 = tpu.vector_load %arg6[%parallel_loop3A_418, %parallel_loop3A_419] {strides = array<i32>} : memref<16x1024xf32, #tpu.memory_space<vmem>>, vector<1x16xf32>,
        %parallel_loop3A_421 = vector.shape_cast %parallel_loop3A_420 : vector<1x16xf32> to vector<16xf32>
        %parallel_loop3A_422 = vector.shape_cast %parallel_loop3A_417 : vector<16xf32> to vector<1x16xf32>
        tpu.vector_store %arg6[%parallel_loop3A_418, %parallel_loop3A_419], %parallel_loop3A_422 {strides = array<i32>} : memref<16x1024xf32, #tpu.memory_space<vmem>>, vector<1x16xf32>,
        %parallel_loop3A_423 = arith.index_cast %parallel_loop3A_218 : i32 to index
        %parallel_loop3A_424 = arith.constant 272 : index
        %parallel_loop3A_425 = tpu.vector_load %arg6[%parallel_loop3A_423, %parallel_loop3A_424] {strides = array<i32>} : memref<16x1024xf32, #tpu.memory_space<vmem>>, vector<1x16xf32>,
        %parallel_loop3A_426 = vector.shape_cast %parallel_loop3A_425 : vector<1x16xf32> to vector<16xf32>
        %parallel_loop3A_427 = arith.constant 3.200000e+01 : f32
        %parallel_loop3A_428 = vector.broadcast %parallel_loop3A_427 : f32 to vector<16xf32>
        %parallel_loop3A_429 = arith.mulf %parallel_loop3A_426, %parallel_loop3A_428 : vector<16xf32>
        %parallel_loop3A_430 = arith.index_cast %parallel_loop3A_218 : i32 to index
        %parallel_loop3A_431 = arith.constant 272 : index
        %parallel_loop3A_432 = tpu.vector_load %arg6[%parallel_loop3A_430, %parallel_loop3A_431] {strides = array<i32>} : memref<16x1024xf32, #tpu.memory_space<vmem>>, vector<1x16xf32>,
        %parallel_loop3A_433 = vector.shape_cast %parallel_loop3A_432 : vector<1x16xf32> to vector<16xf32>
        %parallel_loop3A_434 = vector.shape_cast %parallel_loop3A_429 : vector<16xf32> to vector<1x16xf32>
        tpu.vector_store %arg6[%parallel_loop3A_430, %parallel_loop3A_431], %parallel_loop3A_434 {strides = array<i32>} : memref<16x1024xf32, #tpu.memory_space<vmem>>, vector<1x16xf32>,
        %parallel_loop3A_435 = arith.index_cast %parallel_loop3A_218 : i32 to index
        %parallel_loop3A_436 = arith.constant 288 : index
        %parallel_loop3A_437 = tpu.vector_load %arg6[%parallel_loop3A_435, %parallel_loop3A_436] {strides = array<i32>} : memref<16x1024xf32, #tpu.memory_space<vmem>>, vector<1x16xf32>,
        %parallel_loop3A_438 = vector.shape_cast %parallel_loop3A_437 : vector<1x16xf32> to vector<16xf32>
        %parallel_loop3A_439 = arith.constant 3.200000e+01 : f32
        %parallel_loop3A_440 = vector.broadcast %parallel_loop3A_439 : f32 to vector<16xf32>
        %parallel_loop3A_441 = arith.mulf %parallel_loop3A_438, %parallel_loop3A_440 : vector<16xf32>
        %parallel_loop3A_442 = arith.index_cast %parallel_loop3A_218 : i32 to index
        %parallel_loop3A_443 = arith.constant 288 : index
        %parallel_loop3A_444 = tpu.vector_load %arg6[%parallel_loop3A_442, %parallel_loop3A_443] {strides = array<i32>} : memref<16x1024xf32, #tpu.memory_space<vmem>>, vector<1x16xf32>,
        %parallel_loop3A_445 = vector.shape_cast %parallel_loop3A_444 : vector<1x16xf32> to vector<16xf32>
        %parallel_loop3A_446 = vector.shape_cast %parallel_loop3A_441 : vector<16xf32> to vector<1x16xf32>
        tpu.vector_store %arg6[%parallel_loop3A_442, %parallel_loop3A_443], %parallel_loop3A_446 {strides = array<i32>} : memref<16x1024xf32, #tpu.memory_space<vmem>>, vector<1x16xf32>,
        %parallel_loop3A_447 = arith.index_cast %parallel_loop3A_218 : i32 to index
        %parallel_loop3A_448 = arith.constant 304 : index
        %parallel_loop3A_449 = tpu.vector_load %arg6[%parallel_loop3A_447, %parallel_loop3A_448] {strides = array<i32>} : memref<16x1024xf32, #tpu.memory_space<vmem>>, vector<1x16xf32>,
        %parallel_loop3A_450 = vector.shape_cast %parallel_loop3A_449 : vector<1x16xf32> to vector<16xf32>
        %parallel_loop3A_451 = arith.constant 3.200000e+01 : f32
        %parallel_loop3A_452 = vector.broadcast %parallel_loop3A_451 : f32 to vector<16xf32>
        %parallel_loop3A_453 = arith.mulf %parallel_loop3A_450, %parallel_loop3A_452 : vector<16xf32>
        %parallel_loop3A_454 = arith.index_cast %parallel_loop3A_218 : i32 to index
        %parallel_loop3A_455 = arith.constant 304 : index
        %parallel_loop3A_456 = tpu.vector_load %arg6[%parallel_loop3A_454, %parallel_loop3A_455] {strides = array<i32>} : memref<16x1024xf32, #tpu.memory_space<vmem>>, vector<1x16xf32>,
        %parallel_loop3A_457 = vector.shape_cast %parallel_loop3A_456 : vector<1x16xf32> to vector<16xf32>
        %parallel_loop3A_458 = vector.shape_cast %parallel_loop3A_453 : vector<16xf32> to vector<1x16xf32>
        tpu.vector_store %arg6[%parallel_loop3A_454, %parallel_loop3A_455], %parallel_loop3A_458 {strides = array<i32>} : memref<16x1024xf32, #tpu.memory_space<vmem>>, vector<1x16xf32>,
        %parallel_loop3A_459 = arith.index_cast %parallel_loop3A_218 : i32 to index
        %parallel_loop3A_460 = arith.constant 320 : index
        %parallel_loop3A_461 = tpu.vector_load %arg6[%parallel_loop3A_459, %parallel_loop3A_460] {strides = array<i32>} : memref<16x1024xf32, #tpu.memory_space<vmem>>, vector<1x16xf32>,
        %parallel_loop3A_462 = vector.shape_cast %parallel_loop3A_461 : vector<1x16xf32> to vector<16xf32>
        %parallel_loop3A_463 = arith.constant 3.200000e+01 : f32
        %parallel_loop3A_464 = vector.broadcast %parallel_loop3A_463 : f32 to vector<16xf32>
        %parallel_loop3A_465 = arith.mulf %parallel_loop3A_462, %parallel_loop3A_464 : vector<16xf32>
        %parallel_loop3A_466 = arith.index_cast %parallel_loop3A_218 : i32 to index
        %parallel_loop3A_467 = arith.constant 320 : index
        %parallel_loop3A_468 = tpu.vector_load %arg6[%parallel_loop3A_466, %parallel_loop3A_467] {strides = array<i32>} : memref<16x1024xf32, #tpu.memory_space<vmem>>, vector<1x16xf32>,
        %parallel_loop3A_469 = vector.shape_cast %parallel_loop3A_468 : vector<1x16xf32> to vector<16xf32>
        %parallel_loop3A_470 = vector.shape_cast %parallel_loop3A_465 : vector<16xf32> to vector<1x16xf32>
        tpu.vector_store %arg6[%parallel_loop3A_466, %parallel_loop3A_467], %parallel_loop3A_470 {strides = array<i32>} : memref<16x1024xf32, #tpu.memory_space<vmem>>, vector<1x16xf32>,
        %parallel_loop3A_471 = arith.index_cast %parallel_loop3A_218 : i32 to index
        %parallel_loop3A_472 = arith.constant 336 : index
        %parallel_loop3A_473 = tpu.vector_load %arg6[%parallel_loop3A_471, %parallel_loop3A_472] {strides = array<i32>} : memref<16x1024xf32, #tpu.memory_space<vmem>>, vector<1x16xf32>,
        %parallel_loop3A_474 = vector.shape_cast %parallel_loop3A_473 : vector<1x16xf32> to vector<16xf32>
        %parallel_loop3A_475 = arith.constant 3.200000e+01 : f32
        %parallel_loop3A_476 = vector.broadcast %parallel_loop3A_475 : f32 to vector<16xf32>
        %parallel_loop3A_477 = arith.mulf %parallel_loop3A_474, %parallel_loop3A_476 : vector<16xf32>
        %parallel_loop3A_478 = arith.index_cast %parallel_loop3A_218 : i32 to index
        %parallel_loop3A_479 = arith.constant 336 : index
        %parallel_loop3A_480 = tpu.vector_load %arg6[%parallel_loop3A_478, %parallel_loop3A_479] {strides = array<i32>} : memref<16x1024xf32, #tpu.memory_space<vmem>>, vector<1x16xf32>,
        %parallel_loop3A_481 = vector.shape_cast %parallel_loop3A_480 : vector<1x16xf32> to vector<16xf32>
        %parallel_loop3A_482 = vector.shape_cast %parallel_loop3A_477 : vector<16xf32> to vector<1x16xf32>
        tpu.vector_store %arg6[%parallel_loop3A_478, %parallel_loop3A_479], %parallel_loop3A_482 {strides = array<i32>} : memref<16x1024xf32, #tpu.memory_space<vmem>>, vector<1x16xf32>,
        %parallel_loop3A_483 = arith.index_cast %parallel_loop3A_218 : i32 to index
        %parallel_loop3A_484 = arith.constant 352 : index
        %parallel_loop3A_485 = tpu.vector_load %arg6[%parallel_loop3A_483, %parallel_loop3A_484] {strides = array<i32>} : memref<16x1024xf32, #tpu.memory_space<vmem>>, vector<1x16xf32>,
        %parallel_loop3A_486 = vector.shape_cast %parallel_loop3A_485 : vector<1x16xf32> to vector<16xf32>
        %parallel_loop3A_487 = arith.constant 3.200000e+01 : f32
        %parallel_loop3A_488 = vector.broadcast %parallel_loop3A_487 : f32 to vector<16xf32>
        %parallel_loop3A_489 = arith.mulf %parallel_loop3A_486, %parallel_loop3A_488 : vector<16xf32>
        %parallel_loop3A_490 = arith.index_cast %parallel_loop3A_218 : i32 to index
        %parallel_loop3A_491 = arith.constant 352 : index
        %parallel_loop3A_492 = tpu.vector_load %arg6[%parallel_loop3A_490, %parallel_loop3A_491] {strides = array<i32>} : memref<16x1024xf32, #tpu.memory_space<vmem>>, vector<1x16xf32>,
        %parallel_loop3A_493 = vector.shape_cast %parallel_loop3A_492 : vector<1x16xf32> to vector<16xf32>
        %parallel_loop3A_494 = vector.shape_cast %parallel_loop3A_489 : vector<16xf32> to vector<1x16xf32>
        tpu.vector_store %arg6[%parallel_loop3A_490, %parallel_loop3A_491], %parallel_loop3A_494 {strides = array<i32>} : memref<16x1024xf32, #tpu.memory_space<vmem>>, vector<1x16xf32>,
        %parallel_loop3A_495 = arith.index_cast %parallel_loop3A_218 : i32 to index
        %parallel_loop3A_496 = arith.constant 368 : index
        %parallel_loop3A_497 = tpu.vector_load %arg6[%parallel_loop3A_495, %parallel_loop3A_496] {strides = array<i32>} : memref<16x1024xf32, #tpu.memory_space<vmem>>, vector<1x16xf32>,
        %parallel_loop3A_498 = vector.shape_cast %parallel_loop3A_497 : vector<1x16xf32> to vector<16xf32>
        %parallel_loop3A_499 = arith.constant 3.200000e+01 : f32
        %parallel_loop3A_500 = vector.broadcast %parallel_loop3A_499 : f32 to vector<16xf32>
        %parallel_loop3A_501 = arith.mulf %parallel_loop3A_498, %parallel_loop3A_500 : vector<16xf32>
        %parallel_loop3A_502 = arith.index_cast %parallel_loop3A_218 : i32 to index
        %parallel_loop3A_503 = arith.constant 368 : index
        %parallel_loop3A_504 = tpu.vector_load %arg6[%parallel_loop3A_502, %parallel_loop3A_503] {strides = array<i32>} : memref<16x1024xf32, #tpu.memory_space<vmem>>, vector<1x16xf32>,
        %parallel_loop3A_505 = vector.shape_cast %parallel_loop3A_504 : vector<1x16xf32> to vector<16xf32>
        %parallel_loop3A_506 = vector.shape_cast %parallel_loop3A_501 : vector<16xf32> to vector<1x16xf32>
        tpu.vector_store %arg6[%parallel_loop3A_502, %parallel_loop3A_503], %parallel_loop3A_506 {strides = array<i32>} : memref<16x1024xf32, #tpu.memory_space<vmem>>, vector<1x16xf32>,
        %parallel_loop3A_507 = arith.index_cast %parallel_loop3A_218 : i32 to index
        %parallel_loop3A_508 = arith.constant 384 : index
        %parallel_loop3A_509 = tpu.vector_load %arg6[%parallel_loop3A_507, %parallel_loop3A_508] {strides = array<i32>} : memref<16x1024xf32, #tpu.memory_space<vmem>>, vector<1x16xf32>,
        %parallel_loop3A_510 = vector.shape_cast %parallel_loop3A_509 : vector<1x16xf32> to vector<16xf32>
        %parallel_loop3A_511 = arith.constant 3.200000e+01 : f32
        %parallel_loop3A_512 = vector.broadcast %parallel_loop3A_511 : f32 to vector<16xf32>
        %parallel_loop3A_513 = arith.mulf %parallel_loop3A_510, %parallel_loop3A_512 : vector<16xf32>
        %parallel_loop3A_514 = arith.index_cast %parallel_loop3A_218 : i32 to index
        %parallel_loop3A_515 = arith.constant 384 : index
        %parallel_loop3A_516 = tpu.vector_load %arg6[%parallel_loop3A_514, %parallel_loop3A_515] {strides = array<i32>} : memref<16x1024xf32, #tpu.memory_space<vmem>>, vector<1x16xf32>,
        %parallel_loop3A_517 = vector.shape_cast %parallel_loop3A_516 : vector<1x16xf32> to vector<16xf32>
        %parallel_loop3A_518 = vector.shape_cast %parallel_loop3A_513 : vector<16xf32> to vector<1x16xf32>
        tpu.vector_store %arg6[%parallel_loop3A_514, %parallel_loop3A_515], %parallel_loop3A_518 {strides = array<i32>} : memref<16x1024xf32, #tpu.memory_space<vmem>>, vector<1x16xf32>,
        %parallel_loop3A_519 = arith.index_cast %parallel_loop3A_218 : i32 to index
        %parallel_loop3A_520 = arith.constant 400 : index
        %parallel_loop3A_521 = tpu.vector_load %arg6[%parallel_loop3A_519, %parallel_loop3A_520] {strides = array<i32>} : memref<16x1024xf32, #tpu.memory_space<vmem>>, vector<1x16xf32>,
        %parallel_loop3A_522 = vector.shape_cast %parallel_loop3A_521 : vector<1x16xf32> to vector<16xf32>
        %parallel_loop3A_523 = arith.constant 3.200000e+01 : f32
        %parallel_loop3A_524 = vector.broadcast %parallel_loop3A_523 : f32 to vector<16xf32>
        %parallel_loop3A_525 = arith.mulf %parallel_loop3A_522, %parallel_loop3A_524 : vector<16xf32>
        %parallel_loop3A_526 = arith.index_cast %parallel_loop3A_218 : i32 to index
        %parallel_loop3A_527 = arith.constant 400 : index
        %parallel_loop3A_528 = tpu.vector_load %arg6[%parallel_loop3A_526, %parallel_loop3A_527] {strides = array<i32>} : memref<16x1024xf32, #tpu.memory_space<vmem>>, vector<1x16xf32>,
        %parallel_loop3A_529 = vector.shape_cast %parallel_loop3A_528 : vector<1x16xf32> to vector<16xf32>
        %parallel_loop3A_530 = vector.shape_cast %parallel_loop3A_525 : vector<16xf32> to vector<1x16xf32>
        tpu.vector_store %arg6[%parallel_loop3A_526, %parallel_loop3A_527], %parallel_loop3A_530 {strides = array<i32>} : memref<16x1024xf32, #tpu.memory_space<vmem>>, vector<1x16xf32>,
        %parallel_loop3A_531 = arith.index_cast %parallel_loop3A_218 : i32 to index
        %parallel_loop3A_532 = arith.constant 416 : index
        %parallel_loop3A_533 = tpu.vector_load %arg6[%parallel_loop3A_531, %parallel_loop3A_532] {strides = array<i32>} : memref<16x1024xf32, #tpu.memory_space<vmem>>, vector<1x16xf32>,
        %parallel_loop3A_534 = vector.shape_cast %parallel_loop3A_533 : vector<1x16xf32> to vector<16xf32>
        %parallel_loop3A_535 = arith.constant 3.200000e+01 : f32
        %parallel_loop3A_536 = vector.broadcast %parallel_loop3A_535 : f32 to vector<16xf32>
        %parallel_loop3A_537 = arith.mulf %parallel_loop3A_534, %parallel_loop3A_536 : vector<16xf32>
        %parallel_loop3A_538 = arith.index_cast %parallel_loop3A_218 : i32 to index
        %parallel_loop3A_539 = arith.constant 416 : index
        %parallel_loop3A_540 = tpu.vector_load %arg6[%parallel_loop3A_538, %parallel_loop3A_539] {strides = array<i32>} : memref<16x1024xf32, #tpu.memory_space<vmem>>, vector<1x16xf32>,
        %parallel_loop3A_541 = vector.shape_cast %parallel_loop3A_540 : vector<1x16xf32> to vector<16xf32>
        %parallel_loop3A_542 = vector.shape_cast %parallel_loop3A_537 : vector<16xf32> to vector<1x16xf32>
        tpu.vector_store %arg6[%parallel_loop3A_538, %parallel_loop3A_539], %parallel_loop3A_542 {strides = array<i32>} : memref<16x1024xf32, #tpu.memory_space<vmem>>, vector<1x16xf32>,
        %parallel_loop3A_543 = arith.index_cast %parallel_loop3A_218 : i32 to index
        %parallel_loop3A_544 = arith.constant 432 : index
        %parallel_loop3A_545 = tpu.vector_load %arg6[%parallel_loop3A_543, %parallel_loop3A_544] {strides = array<i32>} : memref<16x1024xf32, #tpu.memory_space<vmem>>, vector<1x16xf32>,
        %parallel_loop3A_546 = vector.shape_cast %parallel_loop3A_545 : vector<1x16xf32> to vector<16xf32>
        %parallel_loop3A_547 = arith.constant 3.200000e+01 : f32
        %parallel_loop3A_548 = vector.broadcast %parallel_loop3A_547 : f32 to vector<16xf32>
        %parallel_loop3A_549 = arith.mulf %parallel_loop3A_546, %parallel_loop3A_548 : vector<16xf32>
        %parallel_loop3A_550 = arith.index_cast %parallel_loop3A_218 : i32 to index
        %parallel_loop3A_551 = arith.constant 432 : index
        %parallel_loop3A_552 = tpu.vector_load %arg6[%parallel_loop3A_550, %parallel_loop3A_551] {strides = array<i32>} : memref<16x1024xf32, #tpu.memory_space<vmem>>, vector<1x16xf32>,
        %parallel_loop3A_553 = vector.shape_cast %parallel_loop3A_552 : vector<1x16xf32> to vector<16xf32>
        %parallel_loop3A_554 = vector.shape_cast %parallel_loop3A_549 : vector<16xf32> to vector<1x16xf32>
        tpu.vector_store %arg6[%parallel_loop3A_550, %parallel_loop3A_551], %parallel_loop3A_554 {strides = array<i32>} : memref<16x1024xf32, #tpu.memory_space<vmem>>, vector<1x16xf32>,
        %parallel_loop3A_555 = arith.index_cast %parallel_loop3A_218 : i32 to index
        %parallel_loop3A_556 = arith.constant 448 : index
        %parallel_loop3A_557 = tpu.vector_load %arg6[%parallel_loop3A_555, %parallel_loop3A_556] {strides = array<i32>} : memref<16x1024xf32, #tpu.memory_space<vmem>>, vector<1x16xf32>,
        %parallel_loop3A_558 = vector.shape_cast %parallel_loop3A_557 : vector<1x16xf32> to vector<16xf32>
        %parallel_loop3A_559 = arith.constant 3.200000e+01 : f32
        %parallel_loop3A_560 = vector.broadcast %parallel_loop3A_559 : f32 to vector<16xf32>
        %parallel_loop3A_561 = arith.mulf %parallel_loop3A_558, %parallel_loop3A_560 : vector<16xf32>
        %parallel_loop3A_562 = arith.index_cast %parallel_loop3A_218 : i32 to index
        %parallel_loop3A_563 = arith.constant 448 : index
        %parallel_loop3A_564 = tpu.vector_load %arg6[%parallel_loop3A_562, %parallel_loop3A_563] {strides = array<i32>} : memref<16x1024xf32, #tpu.memory_space<vmem>>, vector<1x16xf32>,
        %parallel_loop3A_565 = vector.shape_cast %parallel_loop3A_564 : vector<1x16xf32> to vector<16xf32>
        %parallel_loop3A_566 = vector.shape_cast %parallel_loop3A_561 : vector<16xf32> to vector<1x16xf32>
        tpu.vector_store %arg6[%parallel_loop3A_562, %parallel_loop3A_563], %parallel_loop3A_566 {strides = array<i32>} : memref<16x1024xf32, #tpu.memory_space<vmem>>, vector<1x16xf32>,
        %parallel_loop3A_567 = arith.index_cast %parallel_loop3A_218 : i32 to index
        %parallel_loop3A_568 = arith.constant 464 : index
        %parallel_loop3A_569 = tpu.vector_load %arg6[%parallel_loop3A_567, %parallel_loop3A_568] {strides = array<i32>} : memref<16x1024xf32, #tpu.memory_space<vmem>>, vector<1x16xf32>,
        %parallel_loop3A_570 = vector.shape_cast %parallel_loop3A_569 : vector<1x16xf32> to vector<16xf32>
        %parallel_loop3A_571 = arith.constant 3.200000e+01 : f32
        %parallel_loop3A_572 = vector.broadcast %parallel_loop3A_571 : f32 to vector<16xf32>
        %parallel_loop3A_573 = arith.mulf %parallel_loop3A_570, %parallel_loop3A_572 : vector<16xf32>
        %parallel_loop3A_574 = arith.index_cast %parallel_loop3A_218 : i32 to index
        %parallel_loop3A_575 = arith.constant 464 : index
        %parallel_loop3A_576 = tpu.vector_load %arg6[%parallel_loop3A_574, %parallel_loop3A_575] {strides = array<i32>} : memref<16x1024xf32, #tpu.memory_space<vmem>>, vector<1x16xf32>,
        %parallel_loop3A_577 = vector.shape_cast %parallel_loop3A_576 : vector<1x16xf32> to vector<16xf32>
        %parallel_loop3A_578 = vector.shape_cast %parallel_loop3A_573 : vector<16xf32> to vector<1x16xf32>
        tpu.vector_store %arg6[%parallel_loop3A_574, %parallel_loop3A_575], %parallel_loop3A_578 {strides = array<i32>} : memref<16x1024xf32, #tpu.memory_space<vmem>>, vector<1x16xf32>,
        %parallel_loop3A_579 = arith.index_cast %parallel_loop3A_218 : i32 to index
        %parallel_loop3A_580 = arith.constant 480 : index
        %parallel_loop3A_581 = tpu.vector_load %arg6[%parallel_loop3A_579, %parallel_loop3A_580] {strides = array<i32>} : memref<16x1024xf32, #tpu.memory_space<vmem>>, vector<1x16xf32>,
        %parallel_loop3A_582 = vector.shape_cast %parallel_loop3A_581 : vector<1x16xf32> to vector<16xf32>
        %parallel_loop3A_583 = arith.constant 3.200000e+01 : f32
        %parallel_loop3A_584 = vector.broadcast %parallel_loop3A_583 : f32 to vector<16xf32>
        %parallel_loop3A_585 = arith.mulf %parallel_loop3A_582, %parallel_loop3A_584 : vector<16xf32>
        %parallel_loop3A_586 = arith.index_cast %parallel_loop3A_218 : i32 to index
        %parallel_loop3A_587 = arith.constant 480 : index
        %parallel_loop3A_588 = tpu.vector_load %arg6[%parallel_loop3A_586, %parallel_loop3A_587] {strides = array<i32>} : memref<16x1024xf32, #tpu.memory_space<vmem>>, vector<1x16xf32>,
        %parallel_loop3A_589 = vector.shape_cast %parallel_loop3A_588 : vector<1x16xf32> to vector<16xf32>
        %parallel_loop3A_590 = vector.shape_cast %parallel_loop3A_585 : vector<16xf32> to vector<1x16xf32>
        tpu.vector_store %arg6[%parallel_loop3A_586, %parallel_loop3A_587], %parallel_loop3A_590 {strides = array<i32>} : memref<16x1024xf32, #tpu.memory_space<vmem>>, vector<1x16xf32>,
        %parallel_loop3A_591 = arith.index_cast %parallel_loop3A_218 : i32 to index
        %parallel_loop3A_592 = arith.constant 496 : index
        %parallel_loop3A_593 = tpu.vector_load %arg6[%parallel_loop3A_591, %parallel_loop3A_592] {strides = array<i32>} : memref<16x1024xf32, #tpu.memory_space<vmem>>, vector<1x16xf32>,
        %parallel_loop3A_594 = vector.shape_cast %parallel_loop3A_593 : vector<1x16xf32> to vector<16xf32>
        %parallel_loop3A_595 = arith.constant 3.200000e+01 : f32
        %parallel_loop3A_596 = vector.broadcast %parallel_loop3A_595 : f32 to vector<16xf32>
        %parallel_loop3A_597 = arith.mulf %parallel_loop3A_594, %parallel_loop3A_596 : vector<16xf32>
        %parallel_loop3A_598 = arith.index_cast %parallel_loop3A_218 : i32 to index
        %parallel_loop3A_599 = arith.constant 496 : index
        %parallel_loop3A_600 = tpu.vector_load %arg6[%parallel_loop3A_598, %parallel_loop3A_599] {strides = array<i32>} : memref<16x1024xf32, #tpu.memory_space<vmem>>, vector<1x16xf32>,
        %parallel_loop3A_601 = vector.shape_cast %parallel_loop3A_600 : vector<1x16xf32> to vector<16xf32>
        %parallel_loop3A_602 = vector.shape_cast %parallel_loop3A_597 : vector<16xf32> to vector<1x16xf32>
        tpu.vector_store %arg6[%parallel_loop3A_598, %parallel_loop3A_599], %parallel_loop3A_602 {strides = array<i32>} : memref<16x1024xf32, #tpu.memory_space<vmem>>, vector<1x16xf32>,
        %parallel_loop3A_603 = arith.index_cast %parallel_loop3A_218 : i32 to index
        %parallel_loop3A_604 = arith.constant 512 : index
        %parallel_loop3A_605 = tpu.vector_load %arg6[%parallel_loop3A_603, %parallel_loop3A_604] {strides = array<i32>} : memref<16x1024xf32, #tpu.memory_space<vmem>>, vector<1x16xf32>,
        %parallel_loop3A_606 = vector.shape_cast %parallel_loop3A_605 : vector<1x16xf32> to vector<16xf32>
        %parallel_loop3A_607 = arith.constant 3.200000e+01 : f32
        %parallel_loop3A_608 = vector.broadcast %parallel_loop3A_607 : f32 to vector<16xf32>
        %parallel_loop3A_609 = arith.mulf %parallel_loop3A_606, %parallel_loop3A_608 : vector<16xf32>
        %parallel_loop3A_610 = arith.index_cast %parallel_loop3A_218 : i32 to index
        %parallel_loop3A_611 = arith.constant 512 : index
        %parallel_loop3A_612 = tpu.vector_load %arg6[%parallel_loop3A_610, %parallel_loop3A_611] {strides = array<i32>} : memref<16x1024xf32, #tpu.memory_space<vmem>>, vector<1x16xf32>,
        %parallel_loop3A_613 = vector.shape_cast %parallel_loop3A_612 : vector<1x16xf32> to vector<16xf32>
        %parallel_loop3A_614 = vector.shape_cast %parallel_loop3A_609 : vector<16xf32> to vector<1x16xf32>
        tpu.vector_store %arg6[%parallel_loop3A_610, %parallel_loop3A_611], %parallel_loop3A_614 {strides = array<i32>} : memref<16x1024xf32, #tpu.memory_space<vmem>>, vector<1x16xf32>,
        %parallel_loop3A_615 = arith.index_cast %parallel_loop3A_218 : i32 to index
        %parallel_loop3A_616 = arith.constant 528 : index
        %parallel_loop3A_617 = tpu.vector_load %arg6[%parallel_loop3A_615, %parallel_loop3A_616] {strides = array<i32>} : memref<16x1024xf32, #tpu.memory_space<vmem>>, vector<1x16xf32>,
        %parallel_loop3A_618 = vector.shape_cast %parallel_loop3A_617 : vector<1x16xf32> to vector<16xf32>
        %parallel_loop3A_619 = arith.constant 3.200000e+01 : f32
        %parallel_loop3A_620 = vector.broadcast %parallel_loop3A_619 : f32 to vector<16xf32>
        %parallel_loop3A_621 = arith.mulf %parallel_loop3A_618, %parallel_loop3A_620 : vector<16xf32>
        %parallel_loop3A_622 = arith.index_cast %parallel_loop3A_218 : i32 to index
        %parallel_loop3A_623 = arith.constant 528 : index
        %parallel_loop3A_624 = tpu.vector_load %arg6[%parallel_loop3A_622, %parallel_loop3A_623] {strides = array<i32>} : memref<16x1024xf32, #tpu.memory_space<vmem>>, vector<1x16xf32>,
        %parallel_loop3A_625 = vector.shape_cast %parallel_loop3A_624 : vector<1x16xf32> to vector<16xf32>
        %parallel_loop3A_626 = vector.shape_cast %parallel_loop3A_621 : vector<16xf32> to vector<1x16xf32>
        tpu.vector_store %arg6[%parallel_loop3A_622, %parallel_loop3A_623], %parallel_loop3A_626 {strides = array<i32>} : memref<16x1024xf32, #tpu.memory_space<vmem>>, vector<1x16xf32>,
        %parallel_loop3A_627 = arith.index_cast %parallel_loop3A_218 : i32 to index
        %parallel_loop3A_628 = arith.constant 544 : index
        %parallel_loop3A_629 = tpu.vector_load %arg6[%parallel_loop3A_627, %parallel_loop3A_628] {strides = array<i32>} : memref<16x1024xf32, #tpu.memory_space<vmem>>, vector<1x16xf32>,
        %parallel_loop3A_630 = vector.shape_cast %parallel_loop3A_629 : vector<1x16xf32> to vector<16xf32>
        %parallel_loop3A_631 = arith.constant 3.200000e+01 : f32
        %parallel_loop3A_632 = vector.broadcast %parallel_loop3A_631 : f32 to vector<16xf32>
        %parallel_loop3A_633 = arith.mulf %parallel_loop3A_630, %parallel_loop3A_632 : vector<16xf32>
        %parallel_loop3A_634 = arith.index_cast %parallel_loop3A_218 : i32 to index
        %parallel_loop3A_635 = arith.constant 544 : index
        %parallel_loop3A_636 = tpu.vector_load %arg6[%parallel_loop3A_634, %parallel_loop3A_635] {strides = array<i32>} : memref<16x1024xf32, #tpu.memory_space<vmem>>, vector<1x16xf32>,
        %parallel_loop3A_637 = vector.shape_cast %parallel_loop3A_636 : vector<1x16xf32> to vector<16xf32>
        %parallel_loop3A_638 = vector.shape_cast %parallel_loop3A_633 : vector<16xf32> to vector<1x16xf32>
        tpu.vector_store %arg6[%parallel_loop3A_634, %parallel_loop3A_635], %parallel_loop3A_638 {strides = array<i32>} : memref<16x1024xf32, #tpu.memory_space<vmem>>, vector<1x16xf32>,
        %parallel_loop3A_639 = arith.index_cast %parallel_loop3A_218 : i32 to index
        %parallel_loop3A_640 = arith.constant 560 : index
        %parallel_loop3A_641 = tpu.vector_load %arg6[%parallel_loop3A_639, %parallel_loop3A_640] {strides = array<i32>} : memref<16x1024xf32, #tpu.memory_space<vmem>>, vector<1x16xf32>,
        %parallel_loop3A_642 = vector.shape_cast %parallel_loop3A_641 : vector<1x16xf32> to vector<16xf32>
        %parallel_loop3A_643 = arith.constant 3.200000e+01 : f32
        %parallel_loop3A_644 = vector.broadcast %parallel_loop3A_643 : f32 to vector<16xf32>
        %parallel_loop3A_645 = arith.mulf %parallel_loop3A_642, %parallel_loop3A_644 : vector<16xf32>
        %parallel_loop3A_646 = arith.index_cast %parallel_loop3A_218 : i32 to index
        %parallel_loop3A_647 = arith.constant 560 : index
        %parallel_loop3A_648 = tpu.vector_load %arg6[%parallel_loop3A_646, %parallel_loop3A_647] {strides = array<i32>} : memref<16x1024xf32, #tpu.memory_space<vmem>>, vector<1x16xf32>,
        %parallel_loop3A_649 = vector.shape_cast %parallel_loop3A_648 : vector<1x16xf32> to vector<16xf32>
        %parallel_loop3A_650 = vector.shape_cast %parallel_loop3A_645 : vector<16xf32> to vector<1x16xf32>
        tpu.vector_store %arg6[%parallel_loop3A_646, %parallel_loop3A_647], %parallel_loop3A_650 {strides = array<i32>} : memref<16x1024xf32, #tpu.memory_space<vmem>>, vector<1x16xf32>,
        %parallel_loop3A_651 = arith.index_cast %parallel_loop3A_218 : i32 to index
        %parallel_loop3A_652 = arith.constant 576 : index
        %parallel_loop3A_653 = tpu.vector_load %arg6[%parallel_loop3A_651, %parallel_loop3A_652] {strides = array<i32>} : memref<16x1024xf32, #tpu.memory_space<vmem>>, vector<1x16xf32>,
        %parallel_loop3A_654 = vector.shape_cast %parallel_loop3A_653 : vector<1x16xf32> to vector<16xf32>
        %parallel_loop3A_655 = arith.constant 3.200000e+01 : f32
        %parallel_loop3A_656 = vector.broadcast %parallel_loop3A_655 : f32 to vector<16xf32>
        %parallel_loop3A_657 = arith.mulf %parallel_loop3A_654, %parallel_loop3A_656 : vector<16xf32>
        %parallel_loop3A_658 = arith.index_cast %parallel_loop3A_218 : i32 to index
        %parallel_loop3A_659 = arith.constant 576 : index
        %parallel_loop3A_660 = tpu.vector_load %arg6[%parallel_loop3A_658, %parallel_loop3A_659] {strides = array<i32>} : memref<16x1024xf32, #tpu.memory_space<vmem>>, vector<1x16xf32>,
        %parallel_loop3A_661 = vector.shape_cast %parallel_loop3A_660 : vector<1x16xf32> to vector<16xf32>
        %parallel_loop3A_662 = vector.shape_cast %parallel_loop3A_657 : vector<16xf32> to vector<1x16xf32>
        tpu.vector_store %arg6[%parallel_loop3A_658, %parallel_loop3A_659], %parallel_loop3A_662 {strides = array<i32>} : memref<16x1024xf32, #tpu.memory_space<vmem>>, vector<1x16xf32>,
        %parallel_loop3A_663 = arith.index_cast %parallel_loop3A_218 : i32 to index
        %parallel_loop3A_664 = arith.constant 592 : index
        %parallel_loop3A_665 = tpu.vector_load %arg6[%parallel_loop3A_663, %parallel_loop3A_664] {strides = array<i32>} : memref<16x1024xf32, #tpu.memory_space<vmem>>, vector<1x16xf32>,
        %parallel_loop3A_666 = vector.shape_cast %parallel_loop3A_665 : vector<1x16xf32> to vector<16xf32>
        %parallel_loop3A_667 = arith.constant 3.200000e+01 : f32
        %parallel_loop3A_668 = vector.broadcast %parallel_loop3A_667 : f32 to vector<16xf32>
        %parallel_loop3A_669 = arith.mulf %parallel_loop3A_666, %parallel_loop3A_668 : vector<16xf32>
        %parallel_loop3A_670 = arith.index_cast %parallel_loop3A_218 : i32 to index
        %parallel_loop3A_671 = arith.constant 592 : index
        %parallel_loop3A_672 = tpu.vector_load %arg6[%parallel_loop3A_670, %parallel_loop3A_671] {strides = array<i32>} : memref<16x1024xf32, #tpu.memory_space<vmem>>, vector<1x16xf32>,
        %parallel_loop3A_673 = vector.shape_cast %parallel_loop3A_672 : vector<1x16xf32> to vector<16xf32>
        %parallel_loop3A_674 = vector.shape_cast %parallel_loop3A_669 : vector<16xf32> to vector<1x16xf32>
        tpu.vector_store %arg6[%parallel_loop3A_670, %parallel_loop3A_671], %parallel_loop3A_674 {strides = array<i32>} : memref<16x1024xf32, #tpu.memory_space<vmem>>, vector<1x16xf32>,
        %parallel_loop3A_675 = arith.index_cast %parallel_loop3A_218 : i32 to index
        %parallel_loop3A_676 = arith.constant 608 : index
        %parallel_loop3A_677 = tpu.vector_load %arg6[%parallel_loop3A_675, %parallel_loop3A_676] {strides = array<i32>} : memref<16x1024xf32, #tpu.memory_space<vmem>>, vector<1x16xf32>,
        %parallel_loop3A_678 = vector.shape_cast %parallel_loop3A_677 : vector<1x16xf32> to vector<16xf32>
        %parallel_loop3A_679 = arith.constant 3.200000e+01 : f32
        %parallel_loop3A_680 = vector.broadcast %parallel_loop3A_679 : f32 to vector<16xf32>
        %parallel_loop3A_681 = arith.mulf %parallel_loop3A_678, %parallel_loop3A_680 : vector<16xf32>
        %parallel_loop3A_682 = arith.index_cast %parallel_loop3A_218 : i32 to index
        %parallel_loop3A_683 = arith.constant 608 : index
        %parallel_loop3A_684 = tpu.vector_load %arg6[%parallel_loop3A_682, %parallel_loop3A_683] {strides = array<i32>} : memref<16x1024xf32, #tpu.memory_space<vmem>>, vector<1x16xf32>,
        %parallel_loop3A_685 = vector.shape_cast %parallel_loop3A_684 : vector<1x16xf32> to vector<16xf32>
        %parallel_loop3A_686 = vector.shape_cast %parallel_loop3A_681 : vector<16xf32> to vector<1x16xf32>
        tpu.vector_store %arg6[%parallel_loop3A_682, %parallel_loop3A_683], %parallel_loop3A_686 {strides = array<i32>} : memref<16x1024xf32, #tpu.memory_space<vmem>>, vector<1x16xf32>,
        %parallel_loop3A_687 = arith.index_cast %parallel_loop3A_218 : i32 to index
        %parallel_loop3A_688 = arith.constant 624 : index
        %parallel_loop3A_689 = tpu.vector_load %arg6[%parallel_loop3A_687, %parallel_loop3A_688] {strides = array<i32>} : memref<16x1024xf32, #tpu.memory_space<vmem>>, vector<1x16xf32>,
        %parallel_loop3A_690 = vector.shape_cast %parallel_loop3A_689 : vector<1x16xf32> to vector<16xf32>
        %parallel_loop3A_691 = arith.constant 3.200000e+01 : f32
        %parallel_loop3A_692 = vector.broadcast %parallel_loop3A_691 : f32 to vector<16xf32>
        %parallel_loop3A_693 = arith.mulf %parallel_loop3A_690, %parallel_loop3A_692 : vector<16xf32>
        %parallel_loop3A_694 = arith.index_cast %parallel_loop3A_218 : i32 to index
        %parallel_loop3A_695 = arith.constant 624 : index
        %parallel_loop3A_696 = tpu.vector_load %arg6[%parallel_loop3A_694, %parallel_loop3A_695] {strides = array<i32>} : memref<16x1024xf32, #tpu.memory_space<vmem>>, vector<1x16xf32>,
        %parallel_loop3A_697 = vector.shape_cast %parallel_loop3A_696 : vector<1x16xf32> to vector<16xf32>
        %parallel_loop3A_698 = vector.shape_cast %parallel_loop3A_693 : vector<16xf32> to vector<1x16xf32>
        tpu.vector_store %arg6[%parallel_loop3A_694, %parallel_loop3A_695], %parallel_loop3A_698 {strides = array<i32>} : memref<16x1024xf32, #tpu.memory_space<vmem>>, vector<1x16xf32>,
        %parallel_loop3A_699 = arith.index_cast %parallel_loop3A_218 : i32 to index
        %parallel_loop3A_700 = arith.constant 640 : index
        %parallel_loop3A_701 = tpu.vector_load %arg6[%parallel_loop3A_699, %parallel_loop3A_700] {strides = array<i32>} : memref<16x1024xf32, #tpu.memory_space<vmem>>, vector<1x16xf32>,
        %parallel_loop3A_702 = vector.shape_cast %parallel_loop3A_701 : vector<1x16xf32> to vector<16xf32>
        %parallel_loop3A_703 = arith.constant 3.200000e+01 : f32
        %parallel_loop3A_704 = vector.broadcast %parallel_loop3A_703 : f32 to vector<16xf32>
        %parallel_loop3A_705 = arith.mulf %parallel_loop3A_702, %parallel_loop3A_704 : vector<16xf32>
        %parallel_loop3A_706 = arith.index_cast %parallel_loop3A_218 : i32 to index
        %parallel_loop3A_707 = arith.constant 640 : index
        %parallel_loop3A_708 = tpu.vector_load %arg6[%parallel_loop3A_706, %parallel_loop3A_707] {strides = array<i32>} : memref<16x1024xf32, #tpu.memory_space<vmem>>, vector<1x16xf32>,
        %parallel_loop3A_709 = vector.shape_cast %parallel_loop3A_708 : vector<1x16xf32> to vector<16xf32>
        %parallel_loop3A_710 = vector.shape_cast %parallel_loop3A_705 : vector<16xf32> to vector<1x16xf32>
        tpu.vector_store %arg6[%parallel_loop3A_706, %parallel_loop3A_707], %parallel_loop3A_710 {strides = array<i32>} : memref<16x1024xf32, #tpu.memory_space<vmem>>, vector<1x16xf32>,
        %parallel_loop3A_711 = arith.index_cast %parallel_loop3A_218 : i32 to index
        %parallel_loop3A_712 = arith.constant 656 : index
        %parallel_loop3A_713 = tpu.vector_load %arg6[%parallel_loop3A_711, %parallel_loop3A_712] {strides = array<i32>} : memref<16x1024xf32, #tpu.memory_space<vmem>>, vector<1x16xf32>,
        %parallel_loop3A_714 = vector.shape_cast %parallel_loop3A_713 : vector<1x16xf32> to vector<16xf32>
        %parallel_loop3A_715 = arith.constant 3.200000e+01 : f32
        %parallel_loop3A_716 = vector.broadcast %parallel_loop3A_715 : f32 to vector<16xf32>
        %parallel_loop3A_717 = arith.mulf %parallel_loop3A_714, %parallel_loop3A_716 : vector<16xf32>
        %parallel_loop3A_718 = arith.index_cast %parallel_loop3A_218 : i32 to index
        %parallel_loop3A_719 = arith.constant 656 : index
        %parallel_loop3A_720 = tpu.vector_load %arg6[%parallel_loop3A_718, %parallel_loop3A_719] {strides = array<i32>} : memref<16x1024xf32, #tpu.memory_space<vmem>>, vector<1x16xf32>,
        %parallel_loop3A_721 = vector.shape_cast %parallel_loop3A_720 : vector<1x16xf32> to vector<16xf32>
        %parallel_loop3A_722 = vector.shape_cast %parallel_loop3A_717 : vector<16xf32> to vector<1x16xf32>
        tpu.vector_store %arg6[%parallel_loop3A_718, %parallel_loop3A_719], %parallel_loop3A_722 {strides = array<i32>} : memref<16x1024xf32, #tpu.memory_space<vmem>>, vector<1x16xf32>,
        %parallel_loop3A_723 = arith.index_cast %parallel_loop3A_218 : i32 to index
        %parallel_loop3A_724 = arith.constant 672 : index
        %parallel_loop3A_725 = tpu.vector_load %arg6[%parallel_loop3A_723, %parallel_loop3A_724] {strides = array<i32>} : memref<16x1024xf32, #tpu.memory_space<vmem>>, vector<1x16xf32>,
        %parallel_loop3A_726 = vector.shape_cast %parallel_loop3A_725 : vector<1x16xf32> to vector<16xf32>
        %parallel_loop3A_727 = arith.constant 3.200000e+01 : f32
        %parallel_loop3A_728 = vector.broadcast %parallel_loop3A_727 : f32 to vector<16xf32>
        %parallel_loop3A_729 = arith.mulf %parallel_loop3A_726, %parallel_loop3A_728 : vector<16xf32>
        %parallel_loop3A_730 = arith.index_cast %parallel_loop3A_218 : i32 to index
        %parallel_loop3A_731 = arith.constant 672 : index
        %parallel_loop3A_732 = tpu.vector_load %arg6[%parallel_loop3A_730, %parallel_loop3A_731] {strides = array<i32>} : memref<16x1024xf32, #tpu.memory_space<vmem>>, vector<1x16xf32>,
        %parallel_loop3A_733 = vector.shape_cast %parallel_loop3A_732 : vector<1x16xf32> to vector<16xf32>
        %parallel_loop3A_734 = vector.shape_cast %parallel_loop3A_729 : vector<16xf32> to vector<1x16xf32>
        tpu.vector_store %arg6[%parallel_loop3A_730, %parallel_loop3A_731], %parallel_loop3A_734 {strides = array<i32>} : memref<16x1024xf32, #tpu.memory_space<vmem>>, vector<1x16xf32>,
        %parallel_loop3A_735 = arith.index_cast %parallel_loop3A_218 : i32 to index
        %parallel_loop3A_736 = arith.constant 688 : index
        %parallel_loop3A_737 = tpu.vector_load %arg6[%parallel_loop3A_735, %parallel_loop3A_736] {strides = array<i32>} : memref<16x1024xf32, #tpu.memory_space<vmem>>, vector<1x16xf32>,
        %parallel_loop3A_738 = vector.shape_cast %parallel_loop3A_737 : vector<1x16xf32> to vector<16xf32>
        %parallel_loop3A_739 = arith.constant 3.200000e+01 : f32
        %parallel_loop3A_740 = vector.broadcast %parallel_loop3A_739 : f32 to vector<16xf32>
        %parallel_loop3A_741 = arith.mulf %parallel_loop3A_738, %parallel_loop3A_740 : vector<16xf32>
        %parallel_loop3A_742 = arith.index_cast %parallel_loop3A_218 : i32 to index
        %parallel_loop3A_743 = arith.constant 688 : index
        %parallel_loop3A_744 = tpu.vector_load %arg6[%parallel_loop3A_742, %parallel_loop3A_743] {strides = array<i32>} : memref<16x1024xf32, #tpu.memory_space<vmem>>, vector<1x16xf32>,
        %parallel_loop3A_745 = vector.shape_cast %parallel_loop3A_744 : vector<1x16xf32> to vector<16xf32>
        %parallel_loop3A_746 = vector.shape_cast %parallel_loop3A_741 : vector<16xf32> to vector<1x16xf32>
        tpu.vector_store %arg6[%parallel_loop3A_742, %parallel_loop3A_743], %parallel_loop3A_746 {strides = array<i32>} : memref<16x1024xf32, #tpu.memory_space<vmem>>, vector<1x16xf32>,
        %parallel_loop3A_747 = arith.index_cast %parallel_loop3A_218 : i32 to index
        %parallel_loop3A_748 = arith.constant 704 : index
        %parallel_loop3A_749 = tpu.vector_load %arg6[%parallel_loop3A_747, %parallel_loop3A_748] {strides = array<i32>} : memref<16x1024xf32, #tpu.memory_space<vmem>>, vector<1x16xf32>,
        %parallel_loop3A_750 = vector.shape_cast %parallel_loop3A_749 : vector<1x16xf32> to vector<16xf32>
        %parallel_loop3A_751 = arith.constant 3.200000e+01 : f32
        %parallel_loop3A_752 = vector.broadcast %parallel_loop3A_751 : f32 to vector<16xf32>
        %parallel_loop3A_753 = arith.mulf %parallel_loop3A_750, %parallel_loop3A_752 : vector<16xf32>
        %parallel_loop3A_754 = arith.index_cast %parallel_loop3A_218 : i32 to index
        %parallel_loop3A_755 = arith.constant 704 : index
        %parallel_loop3A_756 = tpu.vector_load %arg6[%parallel_loop3A_754, %parallel_loop3A_755] {strides = array<i32>} : memref<16x1024xf32, #tpu.memory_space<vmem>>, vector<1x16xf32>,
        %parallel_loop3A_757 = vector.shape_cast %parallel_loop3A_756 : vector<1x16xf32> to vector<16xf32>
        %parallel_loop3A_758 = vector.shape_cast %parallel_loop3A_753 : vector<16xf32> to vector<1x16xf32>
        tpu.vector_store %arg6[%parallel_loop3A_754, %parallel_loop3A_755], %parallel_loop3A_758 {strides = array<i32>} : memref<16x1024xf32, #tpu.memory_space<vmem>>, vector<1x16xf32>,
        %parallel_loop3A_759 = arith.index_cast %parallel_loop3A_218 : i32 to index
        %parallel_loop3A_760 = arith.constant 720 : index
        %parallel_loop3A_761 = tpu.vector_load %arg6[%parallel_loop3A_759, %parallel_loop3A_760] {strides = array<i32>} : memref<16x1024xf32, #tpu.memory_space<vmem>>, vector<1x16xf32>,
        %parallel_loop3A_762 = vector.shape_cast %parallel_loop3A_761 : vector<1x16xf32> to vector<16xf32>
        %parallel_loop3A_763 = arith.constant 3.200000e+01 : f32
        %parallel_loop3A_764 = vector.broadcast %parallel_loop3A_763 : f32 to vector<16xf32>
        %parallel_loop3A_765 = arith.mulf %parallel_loop3A_762, %parallel_loop3A_764 : vector<16xf32>
        %parallel_loop3A_766 = arith.index_cast %parallel_loop3A_218 : i32 to index
        %parallel_loop3A_767 = arith.constant 720 : index
        %parallel_loop3A_768 = tpu.vector_load %arg6[%parallel_loop3A_766, %parallel_loop3A_767] {strides = array<i32>} : memref<16x1024xf32, #tpu.memory_space<vmem>>, vector<1x16xf32>,
        %parallel_loop3A_769 = vector.shape_cast %parallel_loop3A_768 : vector<1x16xf32> to vector<16xf32>
        %parallel_loop3A_770 = vector.shape_cast %parallel_loop3A_765 : vector<16xf32> to vector<1x16xf32>
        tpu.vector_store %arg6[%parallel_loop3A_766, %parallel_loop3A_767], %parallel_loop3A_770 {strides = array<i32>} : memref<16x1024xf32, #tpu.memory_space<vmem>>, vector<1x16xf32>,
        %parallel_loop3A_771 = arith.index_cast %parallel_loop3A_218 : i32 to index
        %parallel_loop3A_772 = arith.constant 736 : index
        %parallel_loop3A_773 = tpu.vector_load %arg6[%parallel_loop3A_771, %parallel_loop3A_772] {strides = array<i32>} : memref<16x1024xf32, #tpu.memory_space<vmem>>, vector<1x16xf32>,
        %parallel_loop3A_774 = vector.shape_cast %parallel_loop3A_773 : vector<1x16xf32> to vector<16xf32>
        %parallel_loop3A_775 = arith.constant 3.200000e+01 : f32
        %parallel_loop3A_776 = vector.broadcast %parallel_loop3A_775 : f32 to vector<16xf32>
        %parallel_loop3A_777 = arith.mulf %parallel_loop3A_774, %parallel_loop3A_776 : vector<16xf32>
        %parallel_loop3A_778 = arith.index_cast %parallel_loop3A_218 : i32 to index
        %parallel_loop3A_779 = arith.constant 736 : index
        %parallel_loop3A_780 = tpu.vector_load %arg6[%parallel_loop3A_778, %parallel_loop3A_779] {strides = array<i32>} : memref<16x1024xf32, #tpu.memory_space<vmem>>, vector<1x16xf32>,
        %parallel_loop3A_781 = vector.shape_cast %parallel_loop3A_780 : vector<1x16xf32> to vector<16xf32>
        %parallel_loop3A_782 = vector.shape_cast %parallel_loop3A_777 : vector<16xf32> to vector<1x16xf32>
        tpu.vector_store %arg6[%parallel_loop3A_778, %parallel_loop3A_779], %parallel_loop3A_782 {strides = array<i32>} : memref<16x1024xf32, #tpu.memory_space<vmem>>, vector<1x16xf32>,
        %parallel_loop3A_783 = arith.index_cast %parallel_loop3A_218 : i32 to index
        %parallel_loop3A_784 = arith.constant 752 : index
        %parallel_loop3A_785 = tpu.vector_load %arg6[%parallel_loop3A_783, %parallel_loop3A_784] {strides = array<i32>} : memref<16x1024xf32, #tpu.memory_space<vmem>>, vector<1x16xf32>,
        %parallel_loop3A_786 = vector.shape_cast %parallel_loop3A_785 : vector<1x16xf32> to vector<16xf32>
        %parallel_loop3A_787 = arith.constant 3.200000e+01 : f32
        %parallel_loop3A_788 = vector.broadcast %parallel_loop3A_787 : f32 to vector<16xf32>
        %parallel_loop3A_789 = arith.mulf %parallel_loop3A_786, %parallel_loop3A_788 : vector<16xf32>
        %parallel_loop3A_790 = arith.index_cast %parallel_loop3A_218 : i32 to index
        %parallel_loop3A_791 = arith.constant 752 : index
        %parallel_loop3A_792 = tpu.vector_load %arg6[%parallel_loop3A_790, %parallel_loop3A_791] {strides = array<i32>} : memref<16x1024xf32, #tpu.memory_space<vmem>>, vector<1x16xf32>,
        %parallel_loop3A_793 = vector.shape_cast %parallel_loop3A_792 : vector<1x16xf32> to vector<16xf32>
        %parallel_loop3A_794 = vector.shape_cast %parallel_loop3A_789 : vector<16xf32> to vector<1x16xf32>
        tpu.vector_store %arg6[%parallel_loop3A_790, %parallel_loop3A_791], %parallel_loop3A_794 {strides = array<i32>} : memref<16x1024xf32, #tpu.memory_space<vmem>>, vector<1x16xf32>,
        %parallel_loop3A_795 = arith.index_cast %parallel_loop3A_218 : i32 to index
        %parallel_loop3A_796 = arith.constant 768 : index
        %parallel_loop3A_797 = tpu.vector_load %arg6[%parallel_loop3A_795, %parallel_loop3A_796] {strides = array<i32>} : memref<16x1024xf32, #tpu.memory_space<vmem>>, vector<1x16xf32>,
        %parallel_loop3A_798 = vector.shape_cast %parallel_loop3A_797 : vector<1x16xf32> to vector<16xf32>
        %parallel_loop3A_799 = arith.constant 3.200000e+01 : f32
        %parallel_loop3A_800 = vector.broadcast %parallel_loop3A_799 : f32 to vector<16xf32>
        %parallel_loop3A_801 = arith.mulf %parallel_loop3A_798, %parallel_loop3A_800 : vector<16xf32>
        %parallel_loop3A_802 = arith.index_cast %parallel_loop3A_218 : i32 to index
        %parallel_loop3A_803 = arith.constant 768 : index
        %parallel_loop3A_804 = tpu.vector_load %arg6[%parallel_loop3A_802, %parallel_loop3A_803] {strides = array<i32>} : memref<16x1024xf32, #tpu.memory_space<vmem>>, vector<1x16xf32>,
        %parallel_loop3A_805 = vector.shape_cast %parallel_loop3A_804 : vector<1x16xf32> to vector<16xf32>
        %parallel_loop3A_806 = vector.shape_cast %parallel_loop3A_801 : vector<16xf32> to vector<1x16xf32>
        tpu.vector_store %arg6[%parallel_loop3A_802, %parallel_loop3A_803], %parallel_loop3A_806 {strides = array<i32>} : memref<16x1024xf32, #tpu.memory_space<vmem>>, vector<1x16xf32>,
        %parallel_loop3A_807 = arith.index_cast %parallel_loop3A_218 : i32 to index
        %parallel_loop3A_808 = arith.constant 784 : index
        %parallel_loop3A_809 = tpu.vector_load %arg6[%parallel_loop3A_807, %parallel_loop3A_808] {strides = array<i32>} : memref<16x1024xf32, #tpu.memory_space<vmem>>, vector<1x16xf32>,
        %parallel_loop3A_810 = vector.shape_cast %parallel_loop3A_809 : vector<1x16xf32> to vector<16xf32>
        %parallel_loop3A_811 = arith.constant 3.200000e+01 : f32
        %parallel_loop3A_812 = vector.broadcast %parallel_loop3A_811 : f32 to vector<16xf32>
        %parallel_loop3A_813 = arith.mulf %parallel_loop3A_810, %parallel_loop3A_812 : vector<16xf32>
        %parallel_loop3A_814 = arith.index_cast %parallel_loop3A_218 : i32 to index
        %parallel_loop3A_815 = arith.constant 784 : index
        %parallel_loop3A_816 = tpu.vector_load %arg6[%parallel_loop3A_814, %parallel_loop3A_815] {strides = array<i32>} : memref<16x1024xf32, #tpu.memory_space<vmem>>, vector<1x16xf32>,
        %parallel_loop3A_817 = vector.shape_cast %parallel_loop3A_816 : vector<1x16xf32> to vector<16xf32>
        %parallel_loop3A_818 = vector.shape_cast %parallel_loop3A_813 : vector<16xf32> to vector<1x16xf32>
        tpu.vector_store %arg6[%parallel_loop3A_814, %parallel_loop3A_815], %parallel_loop3A_818 {strides = array<i32>} : memref<16x1024xf32, #tpu.memory_space<vmem>>, vector<1x16xf32>,
        %parallel_loop3A_819 = arith.index_cast %parallel_loop3A_218 : i32 to index
        %parallel_loop3A_820 = arith.constant 800 : index
        %parallel_loop3A_821 = tpu.vector_load %arg6[%parallel_loop3A_819, %parallel_loop3A_820] {strides = array<i32>} : memref<16x1024xf32, #tpu.memory_space<vmem>>, vector<1x16xf32>,
        %parallel_loop3A_822 = vector.shape_cast %parallel_loop3A_821 : vector<1x16xf32> to vector<16xf32>
        %parallel_loop3A_823 = arith.constant 3.200000e+01 : f32
        %parallel_loop3A_824 = vector.broadcast %parallel_loop3A_823 : f32 to vector<16xf32>
        %parallel_loop3A_825 = arith.mulf %parallel_loop3A_822, %parallel_loop3A_824 : vector<16xf32>
        %parallel_loop3A_826 = arith.index_cast %parallel_loop3A_218 : i32 to index
        %parallel_loop3A_827 = arith.constant 800 : index
        %parallel_loop3A_828 = tpu.vector_load %arg6[%parallel_loop3A_826, %parallel_loop3A_827] {strides = array<i32>} : memref<16x1024xf32, #tpu.memory_space<vmem>>, vector<1x16xf32>,
        %parallel_loop3A_829 = vector.shape_cast %parallel_loop3A_828 : vector<1x16xf32> to vector<16xf32>
        %parallel_loop3A_830 = vector.shape_cast %parallel_loop3A_825 : vector<16xf32> to vector<1x16xf32>
        tpu.vector_store %arg6[%parallel_loop3A_826, %parallel_loop3A_827], %parallel_loop3A_830 {strides = array<i32>} : memref<16x1024xf32, #tpu.memory_space<vmem>>, vector<1x16xf32>,
        %parallel_loop3A_831 = arith.index_cast %parallel_loop3A_218 : i32 to index
        %parallel_loop3A_832 = arith.constant 816 : index
        %parallel_loop3A_833 = tpu.vector_load %arg6[%parallel_loop3A_831, %parallel_loop3A_832] {strides = array<i32>} : memref<16x1024xf32, #tpu.memory_space<vmem>>, vector<1x16xf32>,
        %parallel_loop3A_834 = vector.shape_cast %parallel_loop3A_833 : vector<1x16xf32> to vector<16xf32>
        %parallel_loop3A_835 = arith.constant 3.200000e+01 : f32
        %parallel_loop3A_836 = vector.broadcast %parallel_loop3A_835 : f32 to vector<16xf32>
        %parallel_loop3A_837 = arith.mulf %parallel_loop3A_834, %parallel_loop3A_836 : vector<16xf32>
        %parallel_loop3A_838 = arith.index_cast %parallel_loop3A_218 : i32 to index
        %parallel_loop3A_839 = arith.constant 816 : index
        %parallel_loop3A_840 = tpu.vector_load %arg6[%parallel_loop3A_838, %parallel_loop3A_839] {strides = array<i32>} : memref<16x1024xf32, #tpu.memory_space<vmem>>, vector<1x16xf32>,
        %parallel_loop3A_841 = vector.shape_cast %parallel_loop3A_840 : vector<1x16xf32> to vector<16xf32>
        %parallel_loop3A_842 = vector.shape_cast %parallel_loop3A_837 : vector<16xf32> to vector<1x16xf32>
        tpu.vector_store %arg6[%parallel_loop3A_838, %parallel_loop3A_839], %parallel_loop3A_842 {strides = array<i32>} : memref<16x1024xf32, #tpu.memory_space<vmem>>, vector<1x16xf32>,
        %parallel_loop3A_843 = arith.index_cast %parallel_loop3A_218 : i32 to index
        %parallel_loop3A_844 = arith.constant 832 : index
        %parallel_loop3A_845 = tpu.vector_load %arg6[%parallel_loop3A_843, %parallel_loop3A_844] {strides = array<i32>} : memref<16x1024xf32, #tpu.memory_space<vmem>>, vector<1x16xf32>,
        %parallel_loop3A_846 = vector.shape_cast %parallel_loop3A_845 : vector<1x16xf32> to vector<16xf32>
        %parallel_loop3A_847 = arith.constant 3.200000e+01 : f32
        %parallel_loop3A_848 = vector.broadcast %parallel_loop3A_847 : f32 to vector<16xf32>
        %parallel_loop3A_849 = arith.mulf %parallel_loop3A_846, %parallel_loop3A_848 : vector<16xf32>
        %parallel_loop3A_850 = arith.index_cast %parallel_loop3A_218 : i32 to index
        %parallel_loop3A_851 = arith.constant 832 : index
        %parallel_loop3A_852 = tpu.vector_load %arg6[%parallel_loop3A_850, %parallel_loop3A_851] {strides = array<i32>} : memref<16x1024xf32, #tpu.memory_space<vmem>>, vector<1x16xf32>,
        %parallel_loop3A_853 = vector.shape_cast %parallel_loop3A_852 : vector<1x16xf32> to vector<16xf32>
        %parallel_loop3A_854 = vector.shape_cast %parallel_loop3A_849 : vector<16xf32> to vector<1x16xf32>
        tpu.vector_store %arg6[%parallel_loop3A_850, %parallel_loop3A_851], %parallel_loop3A_854 {strides = array<i32>} : memref<16x1024xf32, #tpu.memory_space<vmem>>, vector<1x16xf32>,
        %parallel_loop3A_855 = arith.index_cast %parallel_loop3A_218 : i32 to index
        %parallel_loop3A_856 = arith.constant 848 : index
        %parallel_loop3A_857 = tpu.vector_load %arg6[%parallel_loop3A_855, %parallel_loop3A_856] {strides = array<i32>} : memref<16x1024xf32, #tpu.memory_space<vmem>>, vector<1x16xf32>,
        %parallel_loop3A_858 = vector.shape_cast %parallel_loop3A_857 : vector<1x16xf32> to vector<16xf32>
        %parallel_loop3A_859 = arith.constant 3.200000e+01 : f32
        %parallel_loop3A_860 = vector.broadcast %parallel_loop3A_859 : f32 to vector<16xf32>
        %parallel_loop3A_861 = arith.mulf %parallel_loop3A_858, %parallel_loop3A_860 : vector<16xf32>
        %parallel_loop3A_862 = arith.index_cast %parallel_loop3A_218 : i32 to index
        %parallel_loop3A_863 = arith.constant 848 : index
        %parallel_loop3A_864 = tpu.vector_load %arg6[%parallel_loop3A_862, %parallel_loop3A_863] {strides = array<i32>} : memref<16x1024xf32, #tpu.memory_space<vmem>>, vector<1x16xf32>,
        %parallel_loop3A_865 = vector.shape_cast %parallel_loop3A_864 : vector<1x16xf32> to vector<16xf32>
        %parallel_loop3A_866 = vector.shape_cast %parallel_loop3A_861 : vector<16xf32> to vector<1x16xf32>
        tpu.vector_store %arg6[%parallel_loop3A_862, %parallel_loop3A_863], %parallel_loop3A_866 {strides = array<i32>} : memref<16x1024xf32, #tpu.memory_space<vmem>>, vector<1x16xf32>,
        %parallel_loop3A_867 = arith.index_cast %parallel_loop3A_218 : i32 to index
        %parallel_loop3A_868 = arith.constant 864 : index
        %parallel_loop3A_869 = tpu.vector_load %arg6[%parallel_loop3A_867, %parallel_loop3A_868] {strides = array<i32>} : memref<16x1024xf32, #tpu.memory_space<vmem>>, vector<1x16xf32>,
        %parallel_loop3A_870 = vector.shape_cast %parallel_loop3A_869 : vector<1x16xf32> to vector<16xf32>
        %parallel_loop3A_871 = arith.constant 3.200000e+01 : f32
        %parallel_loop3A_872 = vector.broadcast %parallel_loop3A_871 : f32 to vector<16xf32>
        %parallel_loop3A_873 = arith.mulf %parallel_loop3A_870, %parallel_loop3A_872 : vector<16xf32>
        %parallel_loop3A_874 = arith.index_cast %parallel_loop3A_218 : i32 to index
        %parallel_loop3A_875 = arith.constant 864 : index
        %parallel_loop3A_876 = tpu.vector_load %arg6[%parallel_loop3A_874, %parallel_loop3A_875] {strides = array<i32>} : memref<16x1024xf32, #tpu.memory_space<vmem>>, vector<1x16xf32>,
        %parallel_loop3A_877 = vector.shape_cast %parallel_loop3A_876 : vector<1x16xf32> to vector<16xf32>
        %parallel_loop3A_878 = vector.shape_cast %parallel_loop3A_873 : vector<16xf32> to vector<1x16xf32>
        tpu.vector_store %arg6[%parallel_loop3A_874, %parallel_loop3A_875], %parallel_loop3A_878 {strides = array<i32>} : memref<16x1024xf32, #tpu.memory_space<vmem>>, vector<1x16xf32>,
        %parallel_loop3A_879 = arith.index_cast %parallel_loop3A_218 : i32 to index
        %parallel_loop3A_880 = arith.constant 880 : index
        %parallel_loop3A_881 = tpu.vector_load %arg6[%parallel_loop3A_879, %parallel_loop3A_880] {strides = array<i32>} : memref<16x1024xf32, #tpu.memory_space<vmem>>, vector<1x16xf32>,
        %parallel_loop3A_882 = vector.shape_cast %parallel_loop3A_881 : vector<1x16xf32> to vector<16xf32>
        %parallel_loop3A_883 = arith.constant 3.200000e+01 : f32
        %parallel_loop3A_884 = vector.broadcast %parallel_loop3A_883 : f32 to vector<16xf32>
        %parallel_loop3A_885 = arith.mulf %parallel_loop3A_882, %parallel_loop3A_884 : vector<16xf32>
        %parallel_loop3A_886 = arith.index_cast %parallel_loop3A_218 : i32 to index
        %parallel_loop3A_887 = arith.constant 880 : index
        %parallel_loop3A_888 = tpu.vector_load %arg6[%parallel_loop3A_886, %parallel_loop3A_887] {strides = array<i32>} : memref<16x1024xf32, #tpu.memory_space<vmem>>, vector<1x16xf32>,
        %parallel_loop3A_889 = vector.shape_cast %parallel_loop3A_888 : vector<1x16xf32> to vector<16xf32>
        %parallel_loop3A_890 = vector.shape_cast %parallel_loop3A_885 : vector<16xf32> to vector<1x16xf32>
        tpu.vector_store %arg6[%parallel_loop3A_886, %parallel_loop3A_887], %parallel_loop3A_890 {strides = array<i32>} : memref<16x1024xf32, #tpu.memory_space<vmem>>, vector<1x16xf32>,
        %parallel_loop3A_891 = arith.index_cast %parallel_loop3A_218 : i32 to index
        %parallel_loop3A_892 = arith.constant 896 : index
        %parallel_loop3A_893 = tpu.vector_load %arg6[%parallel_loop3A_891, %parallel_loop3A_892] {strides = array<i32>} : memref<16x1024xf32, #tpu.memory_space<vmem>>, vector<1x16xf32>,
        %parallel_loop3A_894 = vector.shape_cast %parallel_loop3A_893 : vector<1x16xf32> to vector<16xf32>
        %parallel_loop3A_895 = arith.constant 3.200000e+01 : f32
        %parallel_loop3A_896 = vector.broadcast %parallel_loop3A_895 : f32 to vector<16xf32>
        %parallel_loop3A_897 = arith.mulf %parallel_loop3A_894, %parallel_loop3A_896 : vector<16xf32>
        %parallel_loop3A_898 = arith.index_cast %parallel_loop3A_218 : i32 to index
        %parallel_loop3A_899 = arith.constant 896 : index
        %parallel_loop3A_900 = tpu.vector_load %arg6[%parallel_loop3A_898, %parallel_loop3A_899] {strides = array<i32>} : memref<16x1024xf32, #tpu.memory_space<vmem>>, vector<1x16xf32>,
        %parallel_loop3A_901 = vector.shape_cast %parallel_loop3A_900 : vector<1x16xf32> to vector<16xf32>
        %parallel_loop3A_902 = vector.shape_cast %parallel_loop3A_897 : vector<16xf32> to vector<1x16xf32>
        tpu.vector_store %arg6[%parallel_loop3A_898, %parallel_loop3A_899], %parallel_loop3A_902 {strides = array<i32>} : memref<16x1024xf32, #tpu.memory_space<vmem>>, vector<1x16xf32>,
        %parallel_loop3A_903 = arith.index_cast %parallel_loop3A_218 : i32 to index
        %parallel_loop3A_904 = arith.constant 912 : index
        %parallel_loop3A_905 = tpu.vector_load %arg6[%parallel_loop3A_903, %parallel_loop3A_904] {strides = array<i32>} : memref<16x1024xf32, #tpu.memory_space<vmem>>, vector<1x16xf32>,
        %parallel_loop3A_906 = vector.shape_cast %parallel_loop3A_905 : vector<1x16xf32> to vector<16xf32>
        %parallel_loop3A_907 = arith.constant 3.200000e+01 : f32
        %parallel_loop3A_908 = vector.broadcast %parallel_loop3A_907 : f32 to vector<16xf32>
        %parallel_loop3A_909 = arith.mulf %parallel_loop3A_906, %parallel_loop3A_908 : vector<16xf32>
        %parallel_loop3A_910 = arith.index_cast %parallel_loop3A_218 : i32 to index
        %parallel_loop3A_911 = arith.constant 912 : index
        %parallel_loop3A_912 = tpu.vector_load %arg6[%parallel_loop3A_910, %parallel_loop3A_911] {strides = array<i32>} : memref<16x1024xf32, #tpu.memory_space<vmem>>, vector<1x16xf32>,
        %parallel_loop3A_913 = vector.shape_cast %parallel_loop3A_912 : vector<1x16xf32> to vector<16xf32>
        %parallel_loop3A_914 = vector.shape_cast %parallel_loop3A_909 : vector<16xf32> to vector<1x16xf32>
        tpu.vector_store %arg6[%parallel_loop3A_910, %parallel_loop3A_911], %parallel_loop3A_914 {strides = array<i32>} : memref<16x1024xf32, #tpu.memory_space<vmem>>, vector<1x16xf32>,
        %parallel_loop3A_915 = arith.index_cast %parallel_loop3A_218 : i32 to index
        %parallel_loop3A_916 = arith.constant 928 : index
        %parallel_loop3A_917 = tpu.vector_load %arg6[%parallel_loop3A_915, %parallel_loop3A_916] {strides = array<i32>} : memref<16x1024xf32, #tpu.memory_space<vmem>>, vector<1x16xf32>,
        %parallel_loop3A_918 = vector.shape_cast %parallel_loop3A_917 : vector<1x16xf32> to vector<16xf32>
        %parallel_loop3A_919 = arith.constant 3.200000e+01 : f32
        %parallel_loop3A_920 = vector.broadcast %parallel_loop3A_919 : f32 to vector<16xf32>
        %parallel_loop3A_921 = arith.mulf %parallel_loop3A_918, %parallel_loop3A_920 : vector<16xf32>
        %parallel_loop3A_922 = arith.index_cast %parallel_loop3A_218 : i32 to index
        %parallel_loop3A_923 = arith.constant 928 : index
        %parallel_loop3A_924 = tpu.vector_load %arg6[%parallel_loop3A_922, %parallel_loop3A_923] {strides = array<i32>} : memref<16x1024xf32, #tpu.memory_space<vmem>>, vector<1x16xf32>,
        %parallel_loop3A_925 = vector.shape_cast %parallel_loop3A_924 : vector<1x16xf32> to vector<16xf32>
        %parallel_loop3A_926 = vector.shape_cast %parallel_loop3A_921 : vector<16xf32> to vector<1x16xf32>
        tpu.vector_store %arg6[%parallel_loop3A_922, %parallel_loop3A_923], %parallel_loop3A_926 {strides = array<i32>} : memref<16x1024xf32, #tpu.memory_space<vmem>>, vector<1x16xf32>,
        %parallel_loop3A_927 = arith.index_cast %parallel_loop3A_218 : i32 to index
        %parallel_loop3A_928 = arith.constant 944 : index
        %parallel_loop3A_929 = tpu.vector_load %arg6[%parallel_loop3A_927, %parallel_loop3A_928] {strides = array<i32>} : memref<16x1024xf32, #tpu.memory_space<vmem>>, vector<1x16xf32>,
        %parallel_loop3A_930 = vector.shape_cast %parallel_loop3A_929 : vector<1x16xf32> to vector<16xf32>
        %parallel_loop3A_931 = arith.constant 3.200000e+01 : f32
        %parallel_loop3A_932 = vector.broadcast %parallel_loop3A_931 : f32 to vector<16xf32>
        %parallel_loop3A_933 = arith.mulf %parallel_loop3A_930, %parallel_loop3A_932 : vector<16xf32>
        %parallel_loop3A_934 = arith.index_cast %parallel_loop3A_218 : i32 to index
        %parallel_loop3A_935 = arith.constant 944 : index
        %parallel_loop3A_936 = tpu.vector_load %arg6[%parallel_loop3A_934, %parallel_loop3A_935] {strides = array<i32>} : memref<16x1024xf32, #tpu.memory_space<vmem>>, vector<1x16xf32>,
        %parallel_loop3A_937 = vector.shape_cast %parallel_loop3A_936 : vector<1x16xf32> to vector<16xf32>
        %parallel_loop3A_938 = vector.shape_cast %parallel_loop3A_933 : vector<16xf32> to vector<1x16xf32>
        tpu.vector_store %arg6[%parallel_loop3A_934, %parallel_loop3A_935], %parallel_loop3A_938 {strides = array<i32>} : memref<16x1024xf32, #tpu.memory_space<vmem>>, vector<1x16xf32>,
        %parallel_loop3A_939 = arith.index_cast %parallel_loop3A_218 : i32 to index
        %parallel_loop3A_940 = arith.constant 960 : index
        %parallel_loop3A_941 = tpu.vector_load %arg6[%parallel_loop3A_939, %parallel_loop3A_940] {strides = array<i32>} : memref<16x1024xf32, #tpu.memory_space<vmem>>, vector<1x16xf32>,
        %parallel_loop3A_942 = vector.shape_cast %parallel_loop3A_941 : vector<1x16xf32> to vector<16xf32>
        %parallel_loop3A_943 = arith.constant 3.200000e+01 : f32
        %parallel_loop3A_944 = vector.broadcast %parallel_loop3A_943 : f32 to vector<16xf32>
        %parallel_loop3A_945 = arith.mulf %parallel_loop3A_942, %parallel_loop3A_944 : vector<16xf32>
        %parallel_loop3A_946 = arith.index_cast %parallel_loop3A_218 : i32 to index
        %parallel_loop3A_947 = arith.constant 960 : index
        %parallel_loop3A_948 = tpu.vector_load %arg6[%parallel_loop3A_946, %parallel_loop3A_947] {strides = array<i32>} : memref<16x1024xf32, #tpu.memory_space<vmem>>, vector<1x16xf32>,
        %parallel_loop3A_949 = vector.shape_cast %parallel_loop3A_948 : vector<1x16xf32> to vector<16xf32>
        %parallel_loop3A_950 = vector.shape_cast %parallel_loop3A_945 : vector<16xf32> to vector<1x16xf32>
        tpu.vector_store %arg6[%parallel_loop3A_946, %parallel_loop3A_947], %parallel_loop3A_950 {strides = array<i32>} : memref<16x1024xf32, #tpu.memory_space<vmem>>, vector<1x16xf32>,
        %parallel_loop3A_951 = arith.index_cast %parallel_loop3A_218 : i32 to index
        %parallel_loop3A_952 = arith.constant 976 : index
        %parallel_loop3A_953 = tpu.vector_load %arg6[%parallel_loop3A_951, %parallel_loop3A_952] {strides = array<i32>} : memref<16x1024xf32, #tpu.memory_space<vmem>>, vector<1x16xf32>,
        %parallel_loop3A_954 = vector.shape_cast %parallel_loop3A_953 : vector<1x16xf32> to vector<16xf32>
        %parallel_loop3A_955 = arith.constant 3.200000e+01 : f32
        %parallel_loop3A_956 = vector.broadcast %parallel_loop3A_955 : f32 to vector<16xf32>
        %parallel_loop3A_957 = arith.mulf %parallel_loop3A_954, %parallel_loop3A_956 : vector<16xf32>
        %parallel_loop3A_958 = arith.index_cast %parallel_loop3A_218 : i32 to index
        %parallel_loop3A_959 = arith.constant 976 : index
        %parallel_loop3A_960 = tpu.vector_load %arg6[%parallel_loop3A_958, %parallel_loop3A_959] {strides = array<i32>} : memref<16x1024xf32, #tpu.memory_space<vmem>>, vector<1x16xf32>,
        %parallel_loop3A_961 = vector.shape_cast %parallel_loop3A_960 : vector<1x16xf32> to vector<16xf32>
        %parallel_loop3A_962 = vector.shape_cast %parallel_loop3A_957 : vector<16xf32> to vector<1x16xf32>
        tpu.vector_store %arg6[%parallel_loop3A_958, %parallel_loop3A_959], %parallel_loop3A_962 {strides = array<i32>} : memref<16x1024xf32, #tpu.memory_space<vmem>>, vector<1x16xf32>,
        %parallel_loop3A_963 = arith.index_cast %parallel_loop3A_218 : i32 to index
        %parallel_loop3A_964 = arith.constant 992 : index
        %parallel_loop3A_965 = tpu.vector_load %arg6[%parallel_loop3A_963, %parallel_loop3A_964] {strides = array<i32>} : memref<16x1024xf32, #tpu.memory_space<vmem>>, vector<1x16xf32>,
        %parallel_loop3A_966 = vector.shape_cast %parallel_loop3A_965 : vector<1x16xf32> to vector<16xf32>
        %parallel_loop3A_967 = arith.constant 3.200000e+01 : f32
        %parallel_loop3A_968 = vector.broadcast %parallel_loop3A_967 : f32 to vector<16xf32>
        %parallel_loop3A_969 = arith.mulf %parallel_loop3A_966, %parallel_loop3A_968 : vector<16xf32>
        %parallel_loop3A_970 = arith.index_cast %parallel_loop3A_218 : i32 to index
        %parallel_loop3A_971 = arith.constant 992 : index
        %parallel_loop3A_972 = tpu.vector_load %arg6[%parallel_loop3A_970, %parallel_loop3A_971] {strides = array<i32>} : memref<16x1024xf32, #tpu.memory_space<vmem>>, vector<1x16xf32>,
        %parallel_loop3A_973 = vector.shape_cast %parallel_loop3A_972 : vector<1x16xf32> to vector<16xf32>
        %parallel_loop3A_974 = vector.shape_cast %parallel_loop3A_969 : vector<16xf32> to vector<1x16xf32>
        tpu.vector_store %arg6[%parallel_loop3A_970, %parallel_loop3A_971], %parallel_loop3A_974 {strides = array<i32>} : memref<16x1024xf32, #tpu.memory_space<vmem>>, vector<1x16xf32>,
        %parallel_loop3A_975 = arith.index_cast %parallel_loop3A_218 : i32 to index
        %parallel_loop3A_976 = arith.constant 1008 : index
        %parallel_loop3A_977 = tpu.vector_load %arg6[%parallel_loop3A_975, %parallel_loop3A_976] {strides = array<i32>} : memref<16x1024xf32, #tpu.memory_space<vmem>>, vector<1x16xf32>,
        %parallel_loop3A_978 = vector.shape_cast %parallel_loop3A_977 : vector<1x16xf32> to vector<16xf32>
        %parallel_loop3A_979 = arith.constant 3.200000e+01 : f32
        %parallel_loop3A_980 = vector.broadcast %parallel_loop3A_979 : f32 to vector<16xf32>
        %parallel_loop3A_981 = arith.mulf %parallel_loop3A_978, %parallel_loop3A_980 : vector<16xf32>
        %parallel_loop3A_982 = arith.index_cast %parallel_loop3A_218 : i32 to index
        %parallel_loop3A_983 = arith.constant 1008 : index
        %parallel_loop3A_984 = tpu.vector_load %arg6[%parallel_loop3A_982, %parallel_loop3A_983] {strides = array<i32>} : memref<16x1024xf32, #tpu.memory_space<vmem>>, vector<1x16xf32>,
        %parallel_loop3A_985 = vector.shape_cast %parallel_loop3A_984 : vector<1x16xf32> to vector<16xf32>
        %parallel_loop3A_986 = vector.shape_cast %parallel_loop3A_981 : vector<16xf32> to vector<1x16xf32>
        tpu.vector_store %arg6[%parallel_loop3A_982, %parallel_loop3A_983], %parallel_loop3A_986 {strides = array<i32>} : memref<16x1024xf32, #tpu.memory_space<vmem>>, vector<1x16xf32>,
      } {sc.loop_unroll_factor = 1 : i64, sc.parallel_access}
      %mul3A_128 = arith.constant 16 : i32
      %mul3A_129 = arith.muli %add3A_109, %mul3A_128 : i32
      %add3A_130 = arith.addi %mul3A_2, %mul3A_129 : i32
      %dma_start3A_131 = arith.constant 0 : i32
      %dma_start3A_132 = tpu.memref_slice %arg4[%add3A_130, %dma_start3A_131] : memref<8192x1024xf32, #tpu.memory_space<hbm>> -> memref<16x1024xf32, #tpu.memory_space<hbm>>
      %dma_start3A_133 = arith.constant 0 : i32
      %dma_start3A_134 = tpu.memref_slice %arg4[%add3A_130, %dma_start3A_133] : memref<8192x1024xf32, #tpu.memory_space<hbm>> -> memref<16x1024xf32, #tpu.memory_space<hbm>>
      tpu.enqueue_dma source(%arg6 : memref<16x1024xf32, #tpu.memory_space<vmem>>) target(%dma_start3A_134 : memref<16x1024xf32, #tpu.memory_space<hbm>>) target_semaphore(%arg14 : memref<!tpu.dma_semaphore, #tpu.memory_space<semaphore_mem>>)
      %mul3A_135 = arith.constant 4 : i32
      %mul3A_136 = arith.muli %scan3A_105, %mul3A_135 : i32
      %add3A_137 = arith.constant 1 : i32
      %add3A_138 = arith.addi %mul3A_136, %add3A_137 : i32
      %mul3A_139 = arith.constant 16 : i32
      %mul3A_140 = arith.muli %add3A_138, %mul3A_139 : i32
      %dma_wait3A_141 = tpu.memref_slice %arg5[%mul3A_140] : memref<256xi32, #tpu.memory_space<vmem>> -> memref<16xi32, #tpu.memory_space<vmem>>
      %dma_wait3A_142 = arith.constant 0 : i32
      %dma_wait3A_143 = arith.constant 0 : i32
      %dma_wait3A_144 = tpu.memref_slice %arg2[%dma_wait3A_142, %dma_wait3A_143] : memref<100000x1024xf32, #tpu.memory_space<hbm>> -> memref<100000x1024xf32, #tpu.memory_space<hbm>>
      tpu.wait_indirect_dma semaphore(%arg11 : memref<!tpu.dma_semaphore, #tpu.memory_space<semaphore_mem>>) src(%dma_wait3A_144 : memref<100000x1024xf32, #tpu.memory_space<hbm>>) dst(%arg7 : memref<16x1024xf32, #tpu.memory_space<vmem>>)
      %ge3A_145 = arith.constant 1 : i32
      %ge3A_146 = arith.cmpi sge, %scan3A_105, %ge3A_145 : i32
      %convert_element_type3A_147 = arith.extui %ge3A_146 : i1 to i32
      %cond3A_148 = arith.constant 0 : i32
      %cond3A_149 = arith.cmpi ne, %convert_element_type3A_147, %cond3A_148 : i32
      scf.if %cond3A_149 {
        %add3A_218 = arith.constant 2 : i32
        %add3A_219 = arith.addi %add3A_138, %add3A_218 : i32
        %sub3A_220 = arith.constant 4 : i32
        %sub3A_221 = arith.subi %add3A_219, %sub3A_220 : i32
        %mul3A_222 = arith.constant 16 : i32
        %mul3A_223 = arith.muli %sub3A_221, %mul3A_222 : i32
        %add3A_224 = arith.addi %mul3A_2, %mul3A_223 : i32
        %dma_wait3A_225 = arith.constant 0 : i32
        %dma_wait3A_226 = tpu.memref_slice %arg4[%add3A_224, %dma_wait3A_225] : memref<8192x1024xf32, #tpu.memory_space<hbm>> -> memref<16x1024xf32, #tpu.memory_space<hbm>>
        %dma_wait3A_227 = arith.constant 0 : i32
        %dma_wait3A_228 = tpu.memref_slice %arg4[%add3A_224, %dma_wait3A_227] : memref<8192x1024xf32, #tpu.memory_space<hbm>> -> memref<16x1024xf32, #tpu.memory_space<hbm>>
        tpu.wait_dma2 semaphore(%arg17 : memref<!tpu.dma_semaphore, #tpu.memory_space<semaphore_mem>>) src(%arg9 : memref<16x1024xf32, #tpu.memory_space<vmem>>) dst(%dma_wait3A_228 : memref<16x1024xf32, #tpu.memory_space<hbm>>)
      } else {
      }
      %add3A_150 = arith.constant 2 : i32
      %add3A_151 = arith.addi %add3A_138, %add3A_150 : i32
      %mul3A_152 = arith.constant 16 : i32
      %mul3A_153 = arith.muli %add3A_151, %mul3A_152 : i32
      %dma_start3A_154 = tpu.memref_slice %arg5[%mul3A_153] : memref<256xi32, #tpu.memory_space<vmem>> -> memref<16xi32, #tpu.memory_space<vmem>>
      %dma_start3A_155 = arith.constant 0 : i32
      %dma_start3A_156 = arith.constant 0 : i32
      %dma_start3A_157 = tpu.memref_slice %arg2[%dma_start3A_155, %dma_start3A_156] : memref<100000x1024xf32, #tpu.memory_space<hbm>> -> memref<100000x1024xf32, #tpu.memory_space<hbm>>
      tpu.enqueue_indirect_dma source(%dma_start3A_157 : memref<100000x1024xf32, #tpu.memory_space<hbm>>) target(%arg9 : memref<16x1024xf32, #tpu.memory_space<vmem>>) offsets(%dma_start3A_154 : memref<16xi32, #tpu.memory_space<vmem>>) semaphore(%arg13 : memref<!tpu.dma_semaphore, #tpu.memory_space<semaphore_mem>>)
      %parallel_loop3A_158 = arith.constant 0 : i32
      %parallel_loop3A_159 = arith.constant 16 : i32
      %parallel_loop3A_160 = arith.constant 1 : i32
      scf.for %parallel_loop3A_218 = %parallel_loop3A_158 to %parallel_loop3A_159 step %parallel_loop3A_160  : i32 {
        %parallel_loop3A_219 = arith.index_cast %parallel_loop3A_218 : i32 to index
        %parallel_loop3A_220 = arith.constant 0 : index
        %parallel_loop3A_221 = tpu.vector_load %arg7[%parallel_loop3A_219, %parallel_loop3A_220] {strides = array<i32>} : memref<16x1024xf32, #tpu.memory_space<vmem>>, vector<1x16xf32>,
        %parallel_loop3A_222 = vector.shape_cast %parallel_loop3A_221 : vector<1x16xf32> to vector<16xf32>
        %parallel_loop3A_223 = arith.constant 3.200000e+01 : f32
        %parallel_loop3A_224 = vector.broadcast %parallel_loop3A_223 : f32 to vector<16xf32>
        %parallel_loop3A_225 = arith.mulf %parallel_loop3A_222, %parallel_loop3A_224 : vector<16xf32>
        %parallel_loop3A_226 = arith.index_cast %parallel_loop3A_218 : i32 to index
        %parallel_loop3A_227 = arith.constant 0 : index
        %parallel_loop3A_228 = tpu.vector_load %arg7[%parallel_loop3A_226, %parallel_loop3A_227] {strides = array<i32>} : memref<16x1024xf32, #tpu.memory_space<vmem>>, vector<1x16xf32>,
        %parallel_loop3A_229 = vector.shape_cast %parallel_loop3A_228 : vector<1x16xf32> to vector<16xf32>
        %parallel_loop3A_230 = vector.shape_cast %parallel_loop3A_225 : vector<16xf32> to vector<1x16xf32>
        tpu.vector_store %arg7[%parallel_loop3A_226, %parallel_loop3A_227], %parallel_loop3A_230 {strides = array<i32>} : memref<16x1024xf32, #tpu.memory_space<vmem>>, vector<1x16xf32>,
        %parallel_loop3A_231 = arith.index_cast %parallel_loop3A_218 : i32 to index
        %parallel_loop3A_232 = arith.constant 16 : index
        %parallel_loop3A_233 = tpu.vector_load %arg7[%parallel_loop3A_231, %parallel_loop3A_232] {strides = array<i32>} : memref<16x1024xf32, #tpu.memory_space<vmem>>, vector<1x16xf32>,
        %parallel_loop3A_234 = vector.shape_cast %parallel_loop3A_233 : vector<1x16xf32> to vector<16xf32>
        %parallel_loop3A_235 = arith.constant 3.200000e+01 : f32
        %parallel_loop3A_236 = vector.broadcast %parallel_loop3A_235 : f32 to vector<16xf32>
        %parallel_loop3A_237 = arith.mulf %parallel_loop3A_234, %parallel_loop3A_236 : vector<16xf32>
        %parallel_loop3A_238 = arith.index_cast %parallel_loop3A_218 : i32 to index
        %parallel_loop3A_239 = arith.constant 16 : index
        %parallel_loop3A_240 = tpu.vector_load %arg7[%parallel_loop3A_238, %parallel_loop3A_239] {strides = array<i32>} : memref<16x1024xf32, #tpu.memory_space<vmem>>, vector<1x16xf32>,
        %parallel_loop3A_241 = vector.shape_cast %parallel_loop3A_240 : vector<1x16xf32> to vector<16xf32>
        %parallel_loop3A_242 = vector.shape_cast %parallel_loop3A_237 : vector<16xf32> to vector<1x16xf32>
        tpu.vector_store %arg7[%parallel_loop3A_238, %parallel_loop3A_239], %parallel_loop3A_242 {strides = array<i32>} : memref<16x1024xf32, #tpu.memory_space<vmem>>, vector<1x16xf32>,
        %parallel_loop3A_243 = arith.index_cast %parallel_loop3A_218 : i32 to index
        %parallel_loop3A_244 = arith.constant 32 : index
        %parallel_loop3A_245 = tpu.vector_load %arg7[%parallel_loop3A_243, %parallel_loop3A_244] {strides = array<i32>} : memref<16x1024xf32, #tpu.memory_space<vmem>>, vector<1x16xf32>,
        %parallel_loop3A_246 = vector.shape_cast %parallel_loop3A_245 : vector<1x16xf32> to vector<16xf32>
        %parallel_loop3A_247 = arith.constant 3.200000e+01 : f32
        %parallel_loop3A_248 = vector.broadcast %parallel_loop3A_247 : f32 to vector<16xf32>
        %parallel_loop3A_249 = arith.mulf %parallel_loop3A_246, %parallel_loop3A_248 : vector<16xf32>
        %parallel_loop3A_250 = arith.index_cast %parallel_loop3A_218 : i32 to index
        %parallel_loop3A_251 = arith.constant 32 : index
        %parallel_loop3A_252 = tpu.vector_load %arg7[%parallel_loop3A_250, %parallel_loop3A_251] {strides = array<i32>} : memref<16x1024xf32, #tpu.memory_space<vmem>>, vector<1x16xf32>,
        %parallel_loop3A_253 = vector.shape_cast %parallel_loop3A_252 : vector<1x16xf32> to vector<16xf32>
        %parallel_loop3A_254 = vector.shape_cast %parallel_loop3A_249 : vector<16xf32> to vector<1x16xf32>
        tpu.vector_store %arg7[%parallel_loop3A_250, %parallel_loop3A_251], %parallel_loop3A_254 {strides = array<i32>} : memref<16x1024xf32, #tpu.memory_space<vmem>>, vector<1x16xf32>,
        %parallel_loop3A_255 = arith.index_cast %parallel_loop3A_218 : i32 to index
        %parallel_loop3A_256 = arith.constant 48 : index
        %parallel_loop3A_257 = tpu.vector_load %arg7[%parallel_loop3A_255, %parallel_loop3A_256] {strides = array<i32>} : memref<16x1024xf32, #tpu.memory_space<vmem>>, vector<1x16xf32>,
        %parallel_loop3A_258 = vector.shape_cast %parallel_loop3A_257 : vector<1x16xf32> to vector<16xf32>
        %parallel_loop3A_259 = arith.constant 3.200000e+01 : f32
        %parallel_loop3A_260 = vector.broadcast %parallel_loop3A_259 : f32 to vector<16xf32>
        %parallel_loop3A_261 = arith.mulf %parallel_loop3A_258, %parallel_loop3A_260 : vector<16xf32>
        %parallel_loop3A_262 = arith.index_cast %parallel_loop3A_218 : i32 to index
        %parallel_loop3A_263 = arith.constant 48 : index
        %parallel_loop3A_264 = tpu.vector_load %arg7[%parallel_loop3A_262, %parallel_loop3A_263] {strides = array<i32>} : memref<16x1024xf32, #tpu.memory_space<vmem>>, vector<1x16xf32>,
        %parallel_loop3A_265 = vector.shape_cast %parallel_loop3A_264 : vector<1x16xf32> to vector<16xf32>
        %parallel_loop3A_266 = vector.shape_cast %parallel_loop3A_261 : vector<16xf32> to vector<1x16xf32>
        tpu.vector_store %arg7[%parallel_loop3A_262, %parallel_loop3A_263], %parallel_loop3A_266 {strides = array<i32>} : memref<16x1024xf32, #tpu.memory_space<vmem>>, vector<1x16xf32>,
        %parallel_loop3A_267 = arith.index_cast %parallel_loop3A_218 : i32 to index
        %parallel_loop3A_268 = arith.constant 64 : index
        %parallel_loop3A_269 = tpu.vector_load %arg7[%parallel_loop3A_267, %parallel_loop3A_268] {strides = array<i32>} : memref<16x1024xf32, #tpu.memory_space<vmem>>, vector<1x16xf32>,
        %parallel_loop3A_270 = vector.shape_cast %parallel_loop3A_269 : vector<1x16xf32> to vector<16xf32>
        %parallel_loop3A_271 = arith.constant 3.200000e+01 : f32
        %parallel_loop3A_272 = vector.broadcast %parallel_loop3A_271 : f32 to vector<16xf32>
        %parallel_loop3A_273 = arith.mulf %parallel_loop3A_270, %parallel_loop3A_272 : vector<16xf32>
        %parallel_loop3A_274 = arith.index_cast %parallel_loop3A_218 : i32 to index
        %parallel_loop3A_275 = arith.constant 64 : index
        %parallel_loop3A_276 = tpu.vector_load %arg7[%parallel_loop3A_274, %parallel_loop3A_275] {strides = array<i32>} : memref<16x1024xf32, #tpu.memory_space<vmem>>, vector<1x16xf32>,
        %parallel_loop3A_277 = vector.shape_cast %parallel_loop3A_276 : vector<1x16xf32> to vector<16xf32>
        %parallel_loop3A_278 = vector.shape_cast %parallel_loop3A_273 : vector<16xf32> to vector<1x16xf32>
        tpu.vector_store %arg7[%parallel_loop3A_274, %parallel_loop3A_275], %parallel_loop3A_278 {strides = array<i32>} : memref<16x1024xf32, #tpu.memory_space<vmem>>, vector<1x16xf32>,
        %parallel_loop3A_279 = arith.index_cast %parallel_loop3A_218 : i32 to index
        %parallel_loop3A_280 = arith.constant 80 : index
        %parallel_loop3A_281 = tpu.vector_load %arg7[%parallel_loop3A_279, %parallel_loop3A_280] {strides = array<i32>} : memref<16x1024xf32, #tpu.memory_space<vmem>>, vector<1x16xf32>,
        %parallel_loop3A_282 = vector.shape_cast %parallel_loop3A_281 : vector<1x16xf32> to vector<16xf32>
        %parallel_loop3A_283 = arith.constant 3.200000e+01 : f32
        %parallel_loop3A_284 = vector.broadcast %parallel_loop3A_283 : f32 to vector<16xf32>
        %parallel_loop3A_285 = arith.mulf %parallel_loop3A_282, %parallel_loop3A_284 : vector<16xf32>
        %parallel_loop3A_286 = arith.index_cast %parallel_loop3A_218 : i32 to index
        %parallel_loop3A_287 = arith.constant 80 : index
        %parallel_loop3A_288 = tpu.vector_load %arg7[%parallel_loop3A_286, %parallel_loop3A_287] {strides = array<i32>} : memref<16x1024xf32, #tpu.memory_space<vmem>>, vector<1x16xf32>,
        %parallel_loop3A_289 = vector.shape_cast %parallel_loop3A_288 : vector<1x16xf32> to vector<16xf32>
        %parallel_loop3A_290 = vector.shape_cast %parallel_loop3A_285 : vector<16xf32> to vector<1x16xf32>
        tpu.vector_store %arg7[%parallel_loop3A_286, %parallel_loop3A_287], %parallel_loop3A_290 {strides = array<i32>} : memref<16x1024xf32, #tpu.memory_space<vmem>>, vector<1x16xf32>,
        %parallel_loop3A_291 = arith.index_cast %parallel_loop3A_218 : i32 to index
        %parallel_loop3A_292 = arith.constant 96 : index
        %parallel_loop3A_293 = tpu.vector_load %arg7[%parallel_loop3A_291, %parallel_loop3A_292] {strides = array<i32>} : memref<16x1024xf32, #tpu.memory_space<vmem>>, vector<1x16xf32>,
        %parallel_loop3A_294 = vector.shape_cast %parallel_loop3A_293 : vector<1x16xf32> to vector<16xf32>
        %parallel_loop3A_295 = arith.constant 3.200000e+01 : f32
        %parallel_loop3A_296 = vector.broadcast %parallel_loop3A_295 : f32 to vector<16xf32>
        %parallel_loop3A_297 = arith.mulf %parallel_loop3A_294, %parallel_loop3A_296 : vector<16xf32>
        %parallel_loop3A_298 = arith.index_cast %parallel_loop3A_218 : i32 to index
        %parallel_loop3A_299 = arith.constant 96 : index
        %parallel_loop3A_300 = tpu.vector_load %arg7[%parallel_loop3A_298, %parallel_loop3A_299] {strides = array<i32>} : memref<16x1024xf32, #tpu.memory_space<vmem>>, vector<1x16xf32>,
        %parallel_loop3A_301 = vector.shape_cast %parallel_loop3A_300 : vector<1x16xf32> to vector<16xf32>
        %parallel_loop3A_302 = vector.shape_cast %parallel_loop3A_297 : vector<16xf32> to vector<1x16xf32>
        tpu.vector_store %arg7[%parallel_loop3A_298, %parallel_loop3A_299], %parallel_loop3A_302 {strides = array<i32>} : memref<16x1024xf32, #tpu.memory_space<vmem>>, vector<1x16xf32>,
        %parallel_loop3A_303 = arith.index_cast %parallel_loop3A_218 : i32 to index
        %parallel_loop3A_304 = arith.constant 112 : index
        %parallel_loop3A_305 = tpu.vector_load %arg7[%parallel_loop3A_303, %parallel_loop3A_304] {strides = array<i32>} : memref<16x1024xf32, #tpu.memory_space<vmem>>, vector<1x16xf32>,
        %parallel_loop3A_306 = vector.shape_cast %parallel_loop3A_305 : vector<1x16xf32> to vector<16xf32>
        %parallel_loop3A_307 = arith.constant 3.200000e+01 : f32
        %parallel_loop3A_308 = vector.broadcast %parallel_loop3A_307 : f32 to vector<16xf32>
        %parallel_loop3A_309 = arith.mulf %parallel_loop3A_306, %parallel_loop3A_308 : vector<16xf32>
        %parallel_loop3A_310 = arith.index_cast %parallel_loop3A_218 : i32 to index
        %parallel_loop3A_311 = arith.constant 112 : index
        %parallel_loop3A_312 = tpu.vector_load %arg7[%parallel_loop3A_310, %parallel_loop3A_311] {strides = array<i32>} : memref<16x1024xf32, #tpu.memory_space<vmem>>, vector<1x16xf32>,
        %parallel_loop3A_313 = vector.shape_cast %parallel_loop3A_312 : vector<1x16xf32> to vector<16xf32>
        %parallel_loop3A_314 = vector.shape_cast %parallel_loop3A_309 : vector<16xf32> to vector<1x16xf32>
        tpu.vector_store %arg7[%parallel_loop3A_310, %parallel_loop3A_311], %parallel_loop3A_314 {strides = array<i32>} : memref<16x1024xf32, #tpu.memory_space<vmem>>, vector<1x16xf32>,
        %parallel_loop3A_315 = arith.index_cast %parallel_loop3A_218 : i32 to index
        %parallel_loop3A_316 = arith.constant 128 : index
        %parallel_loop3A_317 = tpu.vector_load %arg7[%parallel_loop3A_315, %parallel_loop3A_316] {strides = array<i32>} : memref<16x1024xf32, #tpu.memory_space<vmem>>, vector<1x16xf32>,
        %parallel_loop3A_318 = vector.shape_cast %parallel_loop3A_317 : vector<1x16xf32> to vector<16xf32>
        %parallel_loop3A_319 = arith.constant 3.200000e+01 : f32
        %parallel_loop3A_320 = vector.broadcast %parallel_loop3A_319 : f32 to vector<16xf32>
        %parallel_loop3A_321 = arith.mulf %parallel_loop3A_318, %parallel_loop3A_320 : vector<16xf32>
        %parallel_loop3A_322 = arith.index_cast %parallel_loop3A_218 : i32 to index
        %parallel_loop3A_323 = arith.constant 128 : index
        %parallel_loop3A_324 = tpu.vector_load %arg7[%parallel_loop3A_322, %parallel_loop3A_323] {strides = array<i32>} : memref<16x1024xf32, #tpu.memory_space<vmem>>, vector<1x16xf32>,
        %parallel_loop3A_325 = vector.shape_cast %parallel_loop3A_324 : vector<1x16xf32> to vector<16xf32>
        %parallel_loop3A_326 = vector.shape_cast %parallel_loop3A_321 : vector<16xf32> to vector<1x16xf32>
        tpu.vector_store %arg7[%parallel_loop3A_322, %parallel_loop3A_323], %parallel_loop3A_326 {strides = array<i32>} : memref<16x1024xf32, #tpu.memory_space<vmem>>, vector<1x16xf32>,
        %parallel_loop3A_327 = arith.index_cast %parallel_loop3A_218 : i32 to index
        %parallel_loop3A_328 = arith.constant 144 : index
        %parallel_loop3A_329 = tpu.vector_load %arg7[%parallel_loop3A_327, %parallel_loop3A_328] {strides = array<i32>} : memref<16x1024xf32, #tpu.memory_space<vmem>>, vector<1x16xf32>,
        %parallel_loop3A_330 = vector.shape_cast %parallel_loop3A_329 : vector<1x16xf32> to vector<16xf32>
        %parallel_loop3A_331 = arith.constant 3.200000e+01 : f32
        %parallel_loop3A_332 = vector.broadcast %parallel_loop3A_331 : f32 to vector<16xf32>
        %parallel_loop3A_333 = arith.mulf %parallel_loop3A_330, %parallel_loop3A_332 : vector<16xf32>
        %parallel_loop3A_334 = arith.index_cast %parallel_loop3A_218 : i32 to index
        %parallel_loop3A_335 = arith.constant 144 : index
        %parallel_loop3A_336 = tpu.vector_load %arg7[%parallel_loop3A_334, %parallel_loop3A_335] {strides = array<i32>} : memref<16x1024xf32, #tpu.memory_space<vmem>>, vector<1x16xf32>,
        %parallel_loop3A_337 = vector.shape_cast %parallel_loop3A_336 : vector<1x16xf32> to vector<16xf32>
        %parallel_loop3A_338 = vector.shape_cast %parallel_loop3A_333 : vector<16xf32> to vector<1x16xf32>
        tpu.vector_store %arg7[%parallel_loop3A_334, %parallel_loop3A_335], %parallel_loop3A_338 {strides = array<i32>} : memref<16x1024xf32, #tpu.memory_space<vmem>>, vector<1x16xf32>,
        %parallel_loop3A_339 = arith.index_cast %parallel_loop3A_218 : i32 to index
        %parallel_loop3A_340 = arith.constant 160 : index
        %parallel_loop3A_341 = tpu.vector_load %arg7[%parallel_loop3A_339, %parallel_loop3A_340] {strides = array<i32>} : memref<16x1024xf32, #tpu.memory_space<vmem>>, vector<1x16xf32>,
        %parallel_loop3A_342 = vector.shape_cast %parallel_loop3A_341 : vector<1x16xf32> to vector<16xf32>
        %parallel_loop3A_343 = arith.constant 3.200000e+01 : f32
        %parallel_loop3A_344 = vector.broadcast %parallel_loop3A_343 : f32 to vector<16xf32>
        %parallel_loop3A_345 = arith.mulf %parallel_loop3A_342, %parallel_loop3A_344 : vector<16xf32>
        %parallel_loop3A_346 = arith.index_cast %parallel_loop3A_218 : i32 to index
        %parallel_loop3A_347 = arith.constant 160 : index
        %parallel_loop3A_348 = tpu.vector_load %arg7[%parallel_loop3A_346, %parallel_loop3A_347] {strides = array<i32>} : memref<16x1024xf32, #tpu.memory_space<vmem>>, vector<1x16xf32>,
        %parallel_loop3A_349 = vector.shape_cast %parallel_loop3A_348 : vector<1x16xf32> to vector<16xf32>
        %parallel_loop3A_350 = vector.shape_cast %parallel_loop3A_345 : vector<16xf32> to vector<1x16xf32>
        tpu.vector_store %arg7[%parallel_loop3A_346, %parallel_loop3A_347], %parallel_loop3A_350 {strides = array<i32>} : memref<16x1024xf32, #tpu.memory_space<vmem>>, vector<1x16xf32>,
        %parallel_loop3A_351 = arith.index_cast %parallel_loop3A_218 : i32 to index
        %parallel_loop3A_352 = arith.constant 176 : index
        %parallel_loop3A_353 = tpu.vector_load %arg7[%parallel_loop3A_351, %parallel_loop3A_352] {strides = array<i32>} : memref<16x1024xf32, #tpu.memory_space<vmem>>, vector<1x16xf32>,
        %parallel_loop3A_354 = vector.shape_cast %parallel_loop3A_353 : vector<1x16xf32> to vector<16xf32>
        %parallel_loop3A_355 = arith.constant 3.200000e+01 : f32
        %parallel_loop3A_356 = vector.broadcast %parallel_loop3A_355 : f32 to vector<16xf32>
        %parallel_loop3A_357 = arith.mulf %parallel_loop3A_354, %parallel_loop3A_356 : vector<16xf32>
        %parallel_loop3A_358 = arith.index_cast %parallel_loop3A_218 : i32 to index
        %parallel_loop3A_359 = arith.constant 176 : index
        %parallel_loop3A_360 = tpu.vector_load %arg7[%parallel_loop3A_358, %parallel_loop3A_359] {strides = array<i32>} : memref<16x1024xf32, #tpu.memory_space<vmem>>, vector<1x16xf32>,
        %parallel_loop3A_361 = vector.shape_cast %parallel_loop3A_360 : vector<1x16xf32> to vector<16xf32>
        %parallel_loop3A_362 = vector.shape_cast %parallel_loop3A_357 : vector<16xf32> to vector<1x16xf32>
        tpu.vector_store %arg7[%parallel_loop3A_358, %parallel_loop3A_359], %parallel_loop3A_362 {strides = array<i32>} : memref<16x1024xf32, #tpu.memory_space<vmem>>, vector<1x16xf32>,
        %parallel_loop3A_363 = arith.index_cast %parallel_loop3A_218 : i32 to index
        %parallel_loop3A_364 = arith.constant 192 : index
        %parallel_loop3A_365 = tpu.vector_load %arg7[%parallel_loop3A_363, %parallel_loop3A_364] {strides = array<i32>} : memref<16x1024xf32, #tpu.memory_space<vmem>>, vector<1x16xf32>,
        %parallel_loop3A_366 = vector.shape_cast %parallel_loop3A_365 : vector<1x16xf32> to vector<16xf32>
        %parallel_loop3A_367 = arith.constant 3.200000e+01 : f32
        %parallel_loop3A_368 = vector.broadcast %parallel_loop3A_367 : f32 to vector<16xf32>
        %parallel_loop3A_369 = arith.mulf %parallel_loop3A_366, %parallel_loop3A_368 : vector<16xf32>
        %parallel_loop3A_370 = arith.index_cast %parallel_loop3A_218 : i32 to index
        %parallel_loop3A_371 = arith.constant 192 : index
        %parallel_loop3A_372 = tpu.vector_load %arg7[%parallel_loop3A_370, %parallel_loop3A_371] {strides = array<i32>} : memref<16x1024xf32, #tpu.memory_space<vmem>>, vector<1x16xf32>,
        %parallel_loop3A_373 = vector.shape_cast %parallel_loop3A_372 : vector<1x16xf32> to vector<16xf32>
        %parallel_loop3A_374 = vector.shape_cast %parallel_loop3A_369 : vector<16xf32> to vector<1x16xf32>
        tpu.vector_store %arg7[%parallel_loop3A_370, %parallel_loop3A_371], %parallel_loop3A_374 {strides = array<i32>} : memref<16x1024xf32, #tpu.memory_space<vmem>>, vector<1x16xf32>,
        %parallel_loop3A_375 = arith.index_cast %parallel_loop3A_218 : i32 to index
        %parallel_loop3A_376 = arith.constant 208 : index
        %parallel_loop3A_377 = tpu.vector_load %arg7[%parallel_loop3A_375, %parallel_loop3A_376] {strides = array<i32>} : memref<16x1024xf32, #tpu.memory_space<vmem>>, vector<1x16xf32>,
        %parallel_loop3A_378 = vector.shape_cast %parallel_loop3A_377 : vector<1x16xf32> to vector<16xf32>
        %parallel_loop3A_379 = arith.constant 3.200000e+01 : f32
        %parallel_loop3A_380 = vector.broadcast %parallel_loop3A_379 : f32 to vector<16xf32>
        %parallel_loop3A_381 = arith.mulf %parallel_loop3A_378, %parallel_loop3A_380 : vector<16xf32>
        %parallel_loop3A_382 = arith.index_cast %parallel_loop3A_218 : i32 to index
        %parallel_loop3A_383 = arith.constant 208 : index
        %parallel_loop3A_384 = tpu.vector_load %arg7[%parallel_loop3A_382, %parallel_loop3A_383] {strides = array<i32>} : memref<16x1024xf32, #tpu.memory_space<vmem>>, vector<1x16xf32>,
        %parallel_loop3A_385 = vector.shape_cast %parallel_loop3A_384 : vector<1x16xf32> to vector<16xf32>
        %parallel_loop3A_386 = vector.shape_cast %parallel_loop3A_381 : vector<16xf32> to vector<1x16xf32>
        tpu.vector_store %arg7[%parallel_loop3A_382, %parallel_loop3A_383], %parallel_loop3A_386 {strides = array<i32>} : memref<16x1024xf32, #tpu.memory_space<vmem>>, vector<1x16xf32>,
        %parallel_loop3A_387 = arith.index_cast %parallel_loop3A_218 : i32 to index
        %parallel_loop3A_388 = arith.constant 224 : index
        %parallel_loop3A_389 = tpu.vector_load %arg7[%parallel_loop3A_387, %parallel_loop3A_388] {strides = array<i32>} : memref<16x1024xf32, #tpu.memory_space<vmem>>, vector<1x16xf32>,
        %parallel_loop3A_390 = vector.shape_cast %parallel_loop3A_389 : vector<1x16xf32> to vector<16xf32>
        %parallel_loop3A_391 = arith.constant 3.200000e+01 : f32
        %parallel_loop3A_392 = vector.broadcast %parallel_loop3A_391 : f32 to vector<16xf32>
        %parallel_loop3A_393 = arith.mulf %parallel_loop3A_390, %parallel_loop3A_392 : vector<16xf32>
        %parallel_loop3A_394 = arith.index_cast %parallel_loop3A_218 : i32 to index
        %parallel_loop3A_395 = arith.constant 224 : index
        %parallel_loop3A_396 = tpu.vector_load %arg7[%parallel_loop3A_394, %parallel_loop3A_395] {strides = array<i32>} : memref<16x1024xf32, #tpu.memory_space<vmem>>, vector<1x16xf32>,
        %parallel_loop3A_397 = vector.shape_cast %parallel_loop3A_396 : vector<1x16xf32> to vector<16xf32>
        %parallel_loop3A_398 = vector.shape_cast %parallel_loop3A_393 : vector<16xf32> to vector<1x16xf32>
        tpu.vector_store %arg7[%parallel_loop3A_394, %parallel_loop3A_395], %parallel_loop3A_398 {strides = array<i32>} : memref<16x1024xf32, #tpu.memory_space<vmem>>, vector<1x16xf32>,
        %parallel_loop3A_399 = arith.index_cast %parallel_loop3A_218 : i32 to index
        %parallel_loop3A_400 = arith.constant 240 : index
        %parallel_loop3A_401 = tpu.vector_load %arg7[%parallel_loop3A_399, %parallel_loop3A_400] {strides = array<i32>} : memref<16x1024xf32, #tpu.memory_space<vmem>>, vector<1x16xf32>,
        %parallel_loop3A_402 = vector.shape_cast %parallel_loop3A_401 : vector<1x16xf32> to vector<16xf32>
        %parallel_loop3A_403 = arith.constant 3.200000e+01 : f32
        %parallel_loop3A_404 = vector.broadcast %parallel_loop3A_403 : f32 to vector<16xf32>
        %parallel_loop3A_405 = arith.mulf %parallel_loop3A_402, %parallel_loop3A_404 : vector<16xf32>
        %parallel_loop3A_406 = arith.index_cast %parallel_loop3A_218 : i32 to index
        %parallel_loop3A_407 = arith.constant 240 : index
        %parallel_loop3A_408 = tpu.vector_load %arg7[%parallel_loop3A_406, %parallel_loop3A_407] {strides = array<i32>} : memref<16x1024xf32, #tpu.memory_space<vmem>>, vector<1x16xf32>,
        %parallel_loop3A_409 = vector.shape_cast %parallel_loop3A_408 : vector<1x16xf32> to vector<16xf32>
        %parallel_loop3A_410 = vector.shape_cast %parallel_loop3A_405 : vector<16xf32> to vector<1x16xf32>
        tpu.vector_store %arg7[%parallel_loop3A_406, %parallel_loop3A_407], %parallel_loop3A_410 {strides = array<i32>} : memref<16x1024xf32, #tpu.memory_space<vmem>>, vector<1x16xf32>,
        %parallel_loop3A_411 = arith.index_cast %parallel_loop3A_218 : i32 to index
        %parallel_loop3A_412 = arith.constant 256 : index
        %parallel_loop3A_413 = tpu.vector_load %arg7[%parallel_loop3A_411, %parallel_loop3A_412] {strides = array<i32>} : memref<16x1024xf32, #tpu.memory_space<vmem>>, vector<1x16xf32>,
        %parallel_loop3A_414 = vector.shape_cast %parallel_loop3A_413 : vector<1x16xf32> to vector<16xf32>
        %parallel_loop3A_415 = arith.constant 3.200000e+01 : f32
        %parallel_loop3A_416 = vector.broadcast %parallel_loop3A_415 : f32 to vector<16xf32>
        %parallel_loop3A_417 = arith.mulf %parallel_loop3A_414, %parallel_loop3A_416 : vector<16xf32>
        %parallel_loop3A_418 = arith.index_cast %parallel_loop3A_218 : i32 to index
        %parallel_loop3A_419 = arith.constant 256 : index
        %parallel_loop3A_420 = tpu.vector_load %arg7[%parallel_loop3A_418, %parallel_loop3A_419] {strides = array<i32>} : memref<16x1024xf32, #tpu.memory_space<vmem>>, vector<1x16xf32>,
        %parallel_loop3A_421 = vector.shape_cast %parallel_loop3A_420 : vector<1x16xf32> to vector<16xf32>
        %parallel_loop3A_422 = vector.shape_cast %parallel_loop3A_417 : vector<16xf32> to vector<1x16xf32>
        tpu.vector_store %arg7[%parallel_loop3A_418, %parallel_loop3A_419], %parallel_loop3A_422 {strides = array<i32>} : memref<16x1024xf32, #tpu.memory_space<vmem>>, vector<1x16xf32>,
        %parallel_loop3A_423 = arith.index_cast %parallel_loop3A_218 : i32 to index
        %parallel_loop3A_424 = arith.constant 272 : index
        %parallel_loop3A_425 = tpu.vector_load %arg7[%parallel_loop3A_423, %parallel_loop3A_424] {strides = array<i32>} : memref<16x1024xf32, #tpu.memory_space<vmem>>, vector<1x16xf32>,
        %parallel_loop3A_426 = vector.shape_cast %parallel_loop3A_425 : vector<1x16xf32> to vector<16xf32>
        %parallel_loop3A_427 = arith.constant 3.200000e+01 : f32
        %parallel_loop3A_428 = vector.broadcast %parallel_loop3A_427 : f32 to vector<16xf32>
        %parallel_loop3A_429 = arith.mulf %parallel_loop3A_426, %parallel_loop3A_428 : vector<16xf32>
        %parallel_loop3A_430 = arith.index_cast %parallel_loop3A_218 : i32 to index
        %parallel_loop3A_431 = arith.constant 272 : index
        %parallel_loop3A_432 = tpu.vector_load %arg7[%parallel_loop3A_430, %parallel_loop3A_431] {strides = array<i32>} : memref<16x1024xf32, #tpu.memory_space<vmem>>, vector<1x16xf32>,
        %parallel_loop3A_433 = vector.shape_cast %parallel_loop3A_432 : vector<1x16xf32> to vector<16xf32>
        %parallel_loop3A_434 = vector.shape_cast %parallel_loop3A_429 : vector<16xf32> to vector<1x16xf32>
        tpu.vector_store %arg7[%parallel_loop3A_430, %parallel_loop3A_431], %parallel_loop3A_434 {strides = array<i32>} : memref<16x1024xf32, #tpu.memory_space<vmem>>, vector<1x16xf32>,
        %parallel_loop3A_435 = arith.index_cast %parallel_loop3A_218 : i32 to index
        %parallel_loop3A_436 = arith.constant 288 : index
        %parallel_loop3A_437 = tpu.vector_load %arg7[%parallel_loop3A_435, %parallel_loop3A_436] {strides = array<i32>} : memref<16x1024xf32, #tpu.memory_space<vmem>>, vector<1x16xf32>,
        %parallel_loop3A_438 = vector.shape_cast %parallel_loop3A_437 : vector<1x16xf32> to vector<16xf32>
        %parallel_loop3A_439 = arith.constant 3.200000e+01 : f32
        %parallel_loop3A_440 = vector.broadcast %parallel_loop3A_439 : f32 to vector<16xf32>
        %parallel_loop3A_441 = arith.mulf %parallel_loop3A_438, %parallel_loop3A_440 : vector<16xf32>
        %parallel_loop3A_442 = arith.index_cast %parallel_loop3A_218 : i32 to index
        %parallel_loop3A_443 = arith.constant 288 : index
        %parallel_loop3A_444 = tpu.vector_load %arg7[%parallel_loop3A_442, %parallel_loop3A_443] {strides = array<i32>} : memref<16x1024xf32, #tpu.memory_space<vmem>>, vector<1x16xf32>,
        %parallel_loop3A_445 = vector.shape_cast %parallel_loop3A_444 : vector<1x16xf32> to vector<16xf32>
        %parallel_loop3A_446 = vector.shape_cast %parallel_loop3A_441 : vector<16xf32> to vector<1x16xf32>
        tpu.vector_store %arg7[%parallel_loop3A_442, %parallel_loop3A_443], %parallel_loop3A_446 {strides = array<i32>} : memref<16x1024xf32, #tpu.memory_space<vmem>>, vector<1x16xf32>,
        %parallel_loop3A_447 = arith.index_cast %parallel_loop3A_218 : i32 to index
        %parallel_loop3A_448 = arith.constant 304 : index
        %parallel_loop3A_449 = tpu.vector_load %arg7[%parallel_loop3A_447, %parallel_loop3A_448] {strides = array<i32>} : memref<16x1024xf32, #tpu.memory_space<vmem>>, vector<1x16xf32>,
        %parallel_loop3A_450 = vector.shape_cast %parallel_loop3A_449 : vector<1x16xf32> to vector<16xf32>
        %parallel_loop3A_451 = arith.constant 3.200000e+01 : f32
        %parallel_loop3A_452 = vector.broadcast %parallel_loop3A_451 : f32 to vector<16xf32>
        %parallel_loop3A_453 = arith.mulf %parallel_loop3A_450, %parallel_loop3A_452 : vector<16xf32>
        %parallel_loop3A_454 = arith.index_cast %parallel_loop3A_218 : i32 to index
        %parallel_loop3A_455 = arith.constant 304 : index
        %parallel_loop3A_456 = tpu.vector_load %arg7[%parallel_loop3A_454, %parallel_loop3A_455] {strides = array<i32>} : memref<16x1024xf32, #tpu.memory_space<vmem>>, vector<1x16xf32>,
        %parallel_loop3A_457 = vector.shape_cast %parallel_loop3A_456 : vector<1x16xf32> to vector<16xf32>
        %parallel_loop3A_458 = vector.shape_cast %parallel_loop3A_453 : vector<16xf32> to vector<1x16xf32>
        tpu.vector_store %arg7[%parallel_loop3A_454, %parallel_loop3A_455], %parallel_loop3A_458 {strides = array<i32>} : memref<16x1024xf32, #tpu.memory_space<vmem>>, vector<1x16xf32>,
        %parallel_loop3A_459 = arith.index_cast %parallel_loop3A_218 : i32 to index
        %parallel_loop3A_460 = arith.constant 320 : index
        %parallel_loop3A_461 = tpu.vector_load %arg7[%parallel_loop3A_459, %parallel_loop3A_460] {strides = array<i32>} : memref<16x1024xf32, #tpu.memory_space<vmem>>, vector<1x16xf32>,
        %parallel_loop3A_462 = vector.shape_cast %parallel_loop3A_461 : vector<1x16xf32> to vector<16xf32>
        %parallel_loop3A_463 = arith.constant 3.200000e+01 : f32
        %parallel_loop3A_464 = vector.broadcast %parallel_loop3A_463 : f32 to vector<16xf32>
        %parallel_loop3A_465 = arith.mulf %parallel_loop3A_462, %parallel_loop3A_464 : vector<16xf32>
        %parallel_loop3A_466 = arith.index_cast %parallel_loop3A_218 : i32 to index
        %parallel_loop3A_467 = arith.constant 320 : index
        %parallel_loop3A_468 = tpu.vector_load %arg7[%parallel_loop3A_466, %parallel_loop3A_467] {strides = array<i32>} : memref<16x1024xf32, #tpu.memory_space<vmem>>, vector<1x16xf32>,
        %parallel_loop3A_469 = vector.shape_cast %parallel_loop3A_468 : vector<1x16xf32> to vector<16xf32>
        %parallel_loop3A_470 = vector.shape_cast %parallel_loop3A_465 : vector<16xf32> to vector<1x16xf32>
        tpu.vector_store %arg7[%parallel_loop3A_466, %parallel_loop3A_467], %parallel_loop3A_470 {strides = array<i32>} : memref<16x1024xf32, #tpu.memory_space<vmem>>, vector<1x16xf32>,
        %parallel_loop3A_471 = arith.index_cast %parallel_loop3A_218 : i32 to index
        %parallel_loop3A_472 = arith.constant 336 : index
        %parallel_loop3A_473 = tpu.vector_load %arg7[%parallel_loop3A_471, %parallel_loop3A_472] {strides = array<i32>} : memref<16x1024xf32, #tpu.memory_space<vmem>>, vector<1x16xf32>,
        %parallel_loop3A_474 = vector.shape_cast %parallel_loop3A_473 : vector<1x16xf32> to vector<16xf32>
        %parallel_loop3A_475 = arith.constant 3.200000e+01 : f32
        %parallel_loop3A_476 = vector.broadcast %parallel_loop3A_475 : f32 to vector<16xf32>
        %parallel_loop3A_477 = arith.mulf %parallel_loop3A_474, %parallel_loop3A_476 : vector<16xf32>
        %parallel_loop3A_478 = arith.index_cast %parallel_loop3A_218 : i32 to index
        %parallel_loop3A_479 = arith.constant 336 : index
        %parallel_loop3A_480 = tpu.vector_load %arg7[%parallel_loop3A_478, %parallel_loop3A_479] {strides = array<i32>} : memref<16x1024xf32, #tpu.memory_space<vmem>>, vector<1x16xf32>,
        %parallel_loop3A_481 = vector.shape_cast %parallel_loop3A_480 : vector<1x16xf32> to vector<16xf32>
        %parallel_loop3A_482 = vector.shape_cast %parallel_loop3A_477 : vector<16xf32> to vector<1x16xf32>
        tpu.vector_store %arg7[%parallel_loop3A_478, %parallel_loop3A_479], %parallel_loop3A_482 {strides = array<i32>} : memref<16x1024xf32, #tpu.memory_space<vmem>>, vector<1x16xf32>,
        %parallel_loop3A_483 = arith.index_cast %parallel_loop3A_218 : i32 to index
        %parallel_loop3A_484 = arith.constant 352 : index
        %parallel_loop3A_485 = tpu.vector_load %arg7[%parallel_loop3A_483, %parallel_loop3A_484] {strides = array<i32>} : memref<16x1024xf32, #tpu.memory_space<vmem>>, vector<1x16xf32>,
        %parallel_loop3A_486 = vector.shape_cast %parallel_loop3A_485 : vector<1x16xf32> to vector<16xf32>
        %parallel_loop3A_487 = arith.constant 3.200000e+01 : f32
        %parallel_loop3A_488 = vector.broadcast %parallel_loop3A_487 : f32 to vector<16xf32>
        %parallel_loop3A_489 = arith.mulf %parallel_loop3A_486, %parallel_loop3A_488 : vector<16xf32>
        %parallel_loop3A_490 = arith.index_cast %parallel_loop3A_218 : i32 to index
        %parallel_loop3A_491 = arith.constant 352 : index
        %parallel_loop3A_492 = tpu.vector_load %arg7[%parallel_loop3A_490, %parallel_loop3A_491] {strides = array<i32>} : memref<16x1024xf32, #tpu.memory_space<vmem>>, vector<1x16xf32>,
        %parallel_loop3A_493 = vector.shape_cast %parallel_loop3A_492 : vector<1x16xf32> to vector<16xf32>
        %parallel_loop3A_494 = vector.shape_cast %parallel_loop3A_489 : vector<16xf32> to vector<1x16xf32>
        tpu.vector_store %arg7[%parallel_loop3A_490, %parallel_loop3A_491], %parallel_loop3A_494 {strides = array<i32>} : memref<16x1024xf32, #tpu.memory_space<vmem>>, vector<1x16xf32>,
        %parallel_loop3A_495 = arith.index_cast %parallel_loop3A_218 : i32 to index
        %parallel_loop3A_496 = arith.constant 368 : index
        %parallel_loop3A_497 = tpu.vector_load %arg7[%parallel_loop3A_495, %parallel_loop3A_496] {strides = array<i32>} : memref<16x1024xf32, #tpu.memory_space<vmem>>, vector<1x16xf32>,
        %parallel_loop3A_498 = vector.shape_cast %parallel_loop3A_497 : vector<1x16xf32> to vector<16xf32>
        %parallel_loop3A_499 = arith.constant 3.200000e+01 : f32
        %parallel_loop3A_500 = vector.broadcast %parallel_loop3A_499 : f32 to vector<16xf32>
        %parallel_loop3A_501 = arith.mulf %parallel_loop3A_498, %parallel_loop3A_500 : vector<16xf32>
        %parallel_loop3A_502 = arith.index_cast %parallel_loop3A_218 : i32 to index
        %parallel_loop3A_503 = arith.constant 368 : index
        %parallel_loop3A_504 = tpu.vector_load %arg7[%parallel_loop3A_502, %parallel_loop3A_503] {strides = array<i32>} : memref<16x1024xf32, #tpu.memory_space<vmem>>, vector<1x16xf32>,
        %parallel_loop3A_505 = vector.shape_cast %parallel_loop3A_504 : vector<1x16xf32> to vector<16xf32>
        %parallel_loop3A_506 = vector.shape_cast %parallel_loop3A_501 : vector<16xf32> to vector<1x16xf32>
        tpu.vector_store %arg7[%parallel_loop3A_502, %parallel_loop3A_503], %parallel_loop3A_506 {strides = array<i32>} : memref<16x1024xf32, #tpu.memory_space<vmem>>, vector<1x16xf32>,
        %parallel_loop3A_507 = arith.index_cast %parallel_loop3A_218 : i32 to index
        %parallel_loop3A_508 = arith.constant 384 : index
        %parallel_loop3A_509 = tpu.vector_load %arg7[%parallel_loop3A_507, %parallel_loop3A_508] {strides = array<i32>} : memref<16x1024xf32, #tpu.memory_space<vmem>>, vector<1x16xf32>,
        %parallel_loop3A_510 = vector.shape_cast %parallel_loop3A_509 : vector<1x16xf32> to vector<16xf32>
        %parallel_loop3A_511 = arith.constant 3.200000e+01 : f32
        %parallel_loop3A_512 = vector.broadcast %parallel_loop3A_511 : f32 to vector<16xf32>
        %parallel_loop3A_513 = arith.mulf %parallel_loop3A_510, %parallel_loop3A_512 : vector<16xf32>
        %parallel_loop3A_514 = arith.index_cast %parallel_loop3A_218 : i32 to index
        %parallel_loop3A_515 = arith.constant 384 : index
        %parallel_loop3A_516 = tpu.vector_load %arg7[%parallel_loop3A_514, %parallel_loop3A_515] {strides = array<i32>} : memref<16x1024xf32, #tpu.memory_space<vmem>>, vector<1x16xf32>,
        %parallel_loop3A_517 = vector.shape_cast %parallel_loop3A_516 : vector<1x16xf32> to vector<16xf32>
        %parallel_loop3A_518 = vector.shape_cast %parallel_loop3A_513 : vector<16xf32> to vector<1x16xf32>
        tpu.vector_store %arg7[%parallel_loop3A_514, %parallel_loop3A_515], %parallel_loop3A_518 {strides = array<i32>} : memref<16x1024xf32, #tpu.memory_space<vmem>>, vector<1x16xf32>,
        %parallel_loop3A_519 = arith.index_cast %parallel_loop3A_218 : i32 to index
        %parallel_loop3A_520 = arith.constant 400 : index
        %parallel_loop3A_521 = tpu.vector_load %arg7[%parallel_loop3A_519, %parallel_loop3A_520] {strides = array<i32>} : memref<16x1024xf32, #tpu.memory_space<vmem>>, vector<1x16xf32>,
        %parallel_loop3A_522 = vector.shape_cast %parallel_loop3A_521 : vector<1x16xf32> to vector<16xf32>
        %parallel_loop3A_523 = arith.constant 3.200000e+01 : f32
        %parallel_loop3A_524 = vector.broadcast %parallel_loop3A_523 : f32 to vector<16xf32>
        %parallel_loop3A_525 = arith.mulf %parallel_loop3A_522, %parallel_loop3A_524 : vector<16xf32>
        %parallel_loop3A_526 = arith.index_cast %parallel_loop3A_218 : i32 to index
        %parallel_loop3A_527 = arith.constant 400 : index
        %parallel_loop3A_528 = tpu.vector_load %arg7[%parallel_loop3A_526, %parallel_loop3A_527] {strides = array<i32>} : memref<16x1024xf32, #tpu.memory_space<vmem>>, vector<1x16xf32>,
        %parallel_loop3A_529 = vector.shape_cast %parallel_loop3A_528 : vector<1x16xf32> to vector<16xf32>
        %parallel_loop3A_530 = vector.shape_cast %parallel_loop3A_525 : vector<16xf32> to vector<1x16xf32>
        tpu.vector_store %arg7[%parallel_loop3A_526, %parallel_loop3A_527], %parallel_loop3A_530 {strides = array<i32>} : memref<16x1024xf32, #tpu.memory_space<vmem>>, vector<1x16xf32>,
        %parallel_loop3A_531 = arith.index_cast %parallel_loop3A_218 : i32 to index
        %parallel_loop3A_532 = arith.constant 416 : index
        %parallel_loop3A_533 = tpu.vector_load %arg7[%parallel_loop3A_531, %parallel_loop3A_532] {strides = array<i32>} : memref<16x1024xf32, #tpu.memory_space<vmem>>, vector<1x16xf32>,
        %parallel_loop3A_534 = vector.shape_cast %parallel_loop3A_533 : vector<1x16xf32> to vector<16xf32>
        %parallel_loop3A_535 = arith.constant 3.200000e+01 : f32
        %parallel_loop3A_536 = vector.broadcast %parallel_loop3A_535 : f32 to vector<16xf32>
        %parallel_loop3A_537 = arith.mulf %parallel_loop3A_534, %parallel_loop3A_536 : vector<16xf32>
        %parallel_loop3A_538 = arith.index_cast %parallel_loop3A_218 : i32 to index
        %parallel_loop3A_539 = arith.constant 416 : index
        %parallel_loop3A_540 = tpu.vector_load %arg7[%parallel_loop3A_538, %parallel_loop3A_539] {strides = array<i32>} : memref<16x1024xf32, #tpu.memory_space<vmem>>, vector<1x16xf32>,
        %parallel_loop3A_541 = vector.shape_cast %parallel_loop3A_540 : vector<1x16xf32> to vector<16xf32>
        %parallel_loop3A_542 = vector.shape_cast %parallel_loop3A_537 : vector<16xf32> to vector<1x16xf32>
        tpu.vector_store %arg7[%parallel_loop3A_538, %parallel_loop3A_539], %parallel_loop3A_542 {strides = array<i32>} : memref<16x1024xf32, #tpu.memory_space<vmem>>, vector<1x16xf32>,
        %parallel_loop3A_543 = arith.index_cast %parallel_loop3A_218 : i32 to index
        %parallel_loop3A_544 = arith.constant 432 : index
        %parallel_loop3A_545 = tpu.vector_load %arg7[%parallel_loop3A_543, %parallel_loop3A_544] {strides = array<i32>} : memref<16x1024xf32, #tpu.memory_space<vmem>>, vector<1x16xf32>,
        %parallel_loop3A_546 = vector.shape_cast %parallel_loop3A_545 : vector<1x16xf32> to vector<16xf32>
        %parallel_loop3A_547 = arith.constant 3.200000e+01 : f32
        %parallel_loop3A_548 = vector.broadcast %parallel_loop3A_547 : f32 to vector<16xf32>
        %parallel_loop3A_549 = arith.mulf %parallel_loop3A_546, %parallel_loop3A_548 : vector<16xf32>
        %parallel_loop3A_550 = arith.index_cast %parallel_loop3A_218 : i32 to index
        %parallel_loop3A_551 = arith.constant 432 : index
        %parallel_loop3A_552 = tpu.vector_load %arg7[%parallel_loop3A_550, %parallel_loop3A_551] {strides = array<i32>} : memref<16x1024xf32, #tpu.memory_space<vmem>>, vector<1x16xf32>,
        %parallel_loop3A_553 = vector.shape_cast %parallel_loop3A_552 : vector<1x16xf32> to vector<16xf32>
        %parallel_loop3A_554 = vector.shape_cast %parallel_loop3A_549 : vector<16xf32> to vector<1x16xf32>
        tpu.vector_store %arg7[%parallel_loop3A_550, %parallel_loop3A_551], %parallel_loop3A_554 {strides = array<i32>} : memref<16x1024xf32, #tpu.memory_space<vmem>>, vector<1x16xf32>,
        %parallel_loop3A_555 = arith.index_cast %parallel_loop3A_218 : i32 to index
        %parallel_loop3A_556 = arith.constant 448 : index
        %parallel_loop3A_557 = tpu.vector_load %arg7[%parallel_loop3A_555, %parallel_loop3A_556] {strides = array<i32>} : memref<16x1024xf32, #tpu.memory_space<vmem>>, vector<1x16xf32>,
        %parallel_loop3A_558 = vector.shape_cast %parallel_loop3A_557 : vector<1x16xf32> to vector<16xf32>
        %parallel_loop3A_559 = arith.constant 3.200000e+01 : f32
        %parallel_loop3A_560 = vector.broadcast %parallel_loop3A_559 : f32 to vector<16xf32>
        %parallel_loop3A_561 = arith.mulf %parallel_loop3A_558, %parallel_loop3A_560 : vector<16xf32>
        %parallel_loop3A_562 = arith.index_cast %parallel_loop3A_218 : i32 to index
        %parallel_loop3A_563 = arith.constant 448 : index
        %parallel_loop3A_564 = tpu.vector_load %arg7[%parallel_loop3A_562, %parallel_loop3A_563] {strides = array<i32>} : memref<16x1024xf32, #tpu.memory_space<vmem>>, vector<1x16xf32>,
        %parallel_loop3A_565 = vector.shape_cast %parallel_loop3A_564 : vector<1x16xf32> to vector<16xf32>
        %parallel_loop3A_566 = vector.shape_cast %parallel_loop3A_561 : vector<16xf32> to vector<1x16xf32>
        tpu.vector_store %arg7[%parallel_loop3A_562, %parallel_loop3A_563], %parallel_loop3A_566 {strides = array<i32>} : memref<16x1024xf32, #tpu.memory_space<vmem>>, vector<1x16xf32>,
        %parallel_loop3A_567 = arith.index_cast %parallel_loop3A_218 : i32 to index
        %parallel_loop3A_568 = arith.constant 464 : index
        %parallel_loop3A_569 = tpu.vector_load %arg7[%parallel_loop3A_567, %parallel_loop3A_568] {strides = array<i32>} : memref<16x1024xf32, #tpu.memory_space<vmem>>, vector<1x16xf32>,
        %parallel_loop3A_570 = vector.shape_cast %parallel_loop3A_569 : vector<1x16xf32> to vector<16xf32>
        %parallel_loop3A_571 = arith.constant 3.200000e+01 : f32
        %parallel_loop3A_572 = vector.broadcast %parallel_loop3A_571 : f32 to vector<16xf32>
        %parallel_loop3A_573 = arith.mulf %parallel_loop3A_570, %parallel_loop3A_572 : vector<16xf32>
        %parallel_loop3A_574 = arith.index_cast %parallel_loop3A_218 : i32 to index
        %parallel_loop3A_575 = arith.constant 464 : index
        %parallel_loop3A_576 = tpu.vector_load %arg7[%parallel_loop3A_574, %parallel_loop3A_575] {strides = array<i32>} : memref<16x1024xf32, #tpu.memory_space<vmem>>, vector<1x16xf32>,
        %parallel_loop3A_577 = vector.shape_cast %parallel_loop3A_576 : vector<1x16xf32> to vector<16xf32>
        %parallel_loop3A_578 = vector.shape_cast %parallel_loop3A_573 : vector<16xf32> to vector<1x16xf32>
        tpu.vector_store %arg7[%parallel_loop3A_574, %parallel_loop3A_575], %parallel_loop3A_578 {strides = array<i32>} : memref<16x1024xf32, #tpu.memory_space<vmem>>, vector<1x16xf32>,
        %parallel_loop3A_579 = arith.index_cast %parallel_loop3A_218 : i32 to index
        %parallel_loop3A_580 = arith.constant 480 : index
        %parallel_loop3A_581 = tpu.vector_load %arg7[%parallel_loop3A_579, %parallel_loop3A_580] {strides = array<i32>} : memref<16x1024xf32, #tpu.memory_space<vmem>>, vector<1x16xf32>,
        %parallel_loop3A_582 = vector.shape_cast %parallel_loop3A_581 : vector<1x16xf32> to vector<16xf32>
        %parallel_loop3A_583 = arith.constant 3.200000e+01 : f32
        %parallel_loop3A_584 = vector.broadcast %parallel_loop3A_583 : f32 to vector<16xf32>
        %parallel_loop3A_585 = arith.mulf %parallel_loop3A_582, %parallel_loop3A_584 : vector<16xf32>
        %parallel_loop3A_586 = arith.index_cast %parallel_loop3A_218 : i32 to index
        %parallel_loop3A_587 = arith.constant 480 : index
        %parallel_loop3A_588 = tpu.vector_load %arg7[%parallel_loop3A_586, %parallel_loop3A_587] {strides = array<i32>} : memref<16x1024xf32, #tpu.memory_space<vmem>>, vector<1x16xf32>,
        %parallel_loop3A_589 = vector.shape_cast %parallel_loop3A_588 : vector<1x16xf32> to vector<16xf32>
        %parallel_loop3A_590 = vector.shape_cast %parallel_loop3A_585 : vector<16xf32> to vector<1x16xf32>
        tpu.vector_store %arg7[%parallel_loop3A_586, %parallel_loop3A_587], %parallel_loop3A_590 {strides = array<i32>} : memref<16x1024xf32, #tpu.memory_space<vmem>>, vector<1x16xf32>,
        %parallel_loop3A_591 = arith.index_cast %parallel_loop3A_218 : i32 to index
        %parallel_loop3A_592 = arith.constant 496 : index
        %parallel_loop3A_593 = tpu.vector_load %arg7[%parallel_loop3A_591, %parallel_loop3A_592] {strides = array<i32>} : memref<16x1024xf32, #tpu.memory_space<vmem>>, vector<1x16xf32>,
        %parallel_loop3A_594 = vector.shape_cast %parallel_loop3A_593 : vector<1x16xf32> to vector<16xf32>
        %parallel_loop3A_595 = arith.constant 3.200000e+01 : f32
        %parallel_loop3A_596 = vector.broadcast %parallel_loop3A_595 : f32 to vector<16xf32>
        %parallel_loop3A_597 = arith.mulf %parallel_loop3A_594, %parallel_loop3A_596 : vector<16xf32>
        %parallel_loop3A_598 = arith.index_cast %parallel_loop3A_218 : i32 to index
        %parallel_loop3A_599 = arith.constant 496 : index
        %parallel_loop3A_600 = tpu.vector_load %arg7[%parallel_loop3A_598, %parallel_loop3A_599] {strides = array<i32>} : memref<16x1024xf32, #tpu.memory_space<vmem>>, vector<1x16xf32>,
        %parallel_loop3A_601 = vector.shape_cast %parallel_loop3A_600 : vector<1x16xf32> to vector<16xf32>
        %parallel_loop3A_602 = vector.shape_cast %parallel_loop3A_597 : vector<16xf32> to vector<1x16xf32>
        tpu.vector_store %arg7[%parallel_loop3A_598, %parallel_loop3A_599], %parallel_loop3A_602 {strides = array<i32>} : memref<16x1024xf32, #tpu.memory_space<vmem>>, vector<1x16xf32>,
        %parallel_loop3A_603 = arith.index_cast %parallel_loop3A_218 : i32 to index
        %parallel_loop3A_604 = arith.constant 512 : index
        %parallel_loop3A_605 = tpu.vector_load %arg7[%parallel_loop3A_603, %parallel_loop3A_604] {strides = array<i32>} : memref<16x1024xf32, #tpu.memory_space<vmem>>, vector<1x16xf32>,
        %parallel_loop3A_606 = vector.shape_cast %parallel_loop3A_605 : vector<1x16xf32> to vector<16xf32>
        %parallel_loop3A_607 = arith.constant 3.200000e+01 : f32
        %parallel_loop3A_608 = vector.broadcast %parallel_loop3A_607 : f32 to vector<16xf32>
        %parallel_loop3A_609 = arith.mulf %parallel_loop3A_606, %parallel_loop3A_608 : vector<16xf32>
        %parallel_loop3A_610 = arith.index_cast %parallel_loop3A_218 : i32 to index
        %parallel_loop3A_611 = arith.constant 512 : index
        %parallel_loop3A_612 = tpu.vector_load %arg7[%parallel_loop3A_610, %parallel_loop3A_611] {strides = array<i32>} : memref<16x1024xf32, #tpu.memory_space<vmem>>, vector<1x16xf32>,
        %parallel_loop3A_613 = vector.shape_cast %parallel_loop3A_612 : vector<1x16xf32> to vector<16xf32>
        %parallel_loop3A_614 = vector.shape_cast %parallel_loop3A_609 : vector<16xf32> to vector<1x16xf32>
        tpu.vector_store %arg7[%parallel_loop3A_610, %parallel_loop3A_611], %parallel_loop3A_614 {strides = array<i32>} : memref<16x1024xf32, #tpu.memory_space<vmem>>, vector<1x16xf32>,
        %parallel_loop3A_615 = arith.index_cast %parallel_loop3A_218 : i32 to index
        %parallel_loop3A_616 = arith.constant 528 : index
        %parallel_loop3A_617 = tpu.vector_load %arg7[%parallel_loop3A_615, %parallel_loop3A_616] {strides = array<i32>} : memref<16x1024xf32, #tpu.memory_space<vmem>>, vector<1x16xf32>,
        %parallel_loop3A_618 = vector.shape_cast %parallel_loop3A_617 : vector<1x16xf32> to vector<16xf32>
        %parallel_loop3A_619 = arith.constant 3.200000e+01 : f32
        %parallel_loop3A_620 = vector.broadcast %parallel_loop3A_619 : f32 to vector<16xf32>
        %parallel_loop3A_621 = arith.mulf %parallel_loop3A_618, %parallel_loop3A_620 : vector<16xf32>
        %parallel_loop3A_622 = arith.index_cast %parallel_loop3A_218 : i32 to index
        %parallel_loop3A_623 = arith.constant 528 : index
        %parallel_loop3A_624 = tpu.vector_load %arg7[%parallel_loop3A_622, %parallel_loop3A_623] {strides = array<i32>} : memref<16x1024xf32, #tpu.memory_space<vmem>>, vector<1x16xf32>,
        %parallel_loop3A_625 = vector.shape_cast %parallel_loop3A_624 : vector<1x16xf32> to vector<16xf32>
        %parallel_loop3A_626 = vector.shape_cast %parallel_loop3A_621 : vector<16xf32> to vector<1x16xf32>
        tpu.vector_store %arg7[%parallel_loop3A_622, %parallel_loop3A_623], %parallel_loop3A_626 {strides = array<i32>} : memref<16x1024xf32, #tpu.memory_space<vmem>>, vector<1x16xf32>,
        %parallel_loop3A_627 = arith.index_cast %parallel_loop3A_218 : i32 to index
        %parallel_loop3A_628 = arith.constant 544 : index
        %parallel_loop3A_629 = tpu.vector_load %arg7[%parallel_loop3A_627, %parallel_loop3A_628] {strides = array<i32>} : memref<16x1024xf32, #tpu.memory_space<vmem>>, vector<1x16xf32>,
        %parallel_loop3A_630 = vector.shape_cast %parallel_loop3A_629 : vector<1x16xf32> to vector<16xf32>
        %parallel_loop3A_631 = arith.constant 3.200000e+01 : f32
        %parallel_loop3A_632 = vector.broadcast %parallel_loop3A_631 : f32 to vector<16xf32>
        %parallel_loop3A_633 = arith.mulf %parallel_loop3A_630, %parallel_loop3A_632 : vector<16xf32>
        %parallel_loop3A_634 = arith.index_cast %parallel_loop3A_218 : i32 to index
        %parallel_loop3A_635 = arith.constant 544 : index
        %parallel_loop3A_636 = tpu.vector_load %arg7[%parallel_loop3A_634, %parallel_loop3A_635] {strides = array<i32>} : memref<16x1024xf32, #tpu.memory_space<vmem>>, vector<1x16xf32>,
        %parallel_loop3A_637 = vector.shape_cast %parallel_loop3A_636 : vector<1x16xf32> to vector<16xf32>
        %parallel_loop3A_638 = vector.shape_cast %parallel_loop3A_633 : vector<16xf32> to vector<1x16xf32>
        tpu.vector_store %arg7[%parallel_loop3A_634, %parallel_loop3A_635], %parallel_loop3A_638 {strides = array<i32>} : memref<16x1024xf32, #tpu.memory_space<vmem>>, vector<1x16xf32>,
        %parallel_loop3A_639 = arith.index_cast %parallel_loop3A_218 : i32 to index
        %parallel_loop3A_640 = arith.constant 560 : index
        %parallel_loop3A_641 = tpu.vector_load %arg7[%parallel_loop3A_639, %parallel_loop3A_640] {strides = array<i32>} : memref<16x1024xf32, #tpu.memory_space<vmem>>, vector<1x16xf32>,
        %parallel_loop3A_642 = vector.shape_cast %parallel_loop3A_641 : vector<1x16xf32> to vector<16xf32>
        %parallel_loop3A_643 = arith.constant 3.200000e+01 : f32
        %parallel_loop3A_644 = vector.broadcast %parallel_loop3A_643 : f32 to vector<16xf32>
        %parallel_loop3A_645 = arith.mulf %parallel_loop3A_642, %parallel_loop3A_644 : vector<16xf32>
        %parallel_loop3A_646 = arith.index_cast %parallel_loop3A_218 : i32 to index
        %parallel_loop3A_647 = arith.constant 560 : index
        %parallel_loop3A_648 = tpu.vector_load %arg7[%parallel_loop3A_646, %parallel_loop3A_647] {strides = array<i32>} : memref<16x1024xf32, #tpu.memory_space<vmem>>, vector<1x16xf32>,
        %parallel_loop3A_649 = vector.shape_cast %parallel_loop3A_648 : vector<1x16xf32> to vector<16xf32>
        %parallel_loop3A_650 = vector.shape_cast %parallel_loop3A_645 : vector<16xf32> to vector<1x16xf32>
        tpu.vector_store %arg7[%parallel_loop3A_646, %parallel_loop3A_647], %parallel_loop3A_650 {strides = array<i32>} : memref<16x1024xf32, #tpu.memory_space<vmem>>, vector<1x16xf32>,
        %parallel_loop3A_651 = arith.index_cast %parallel_loop3A_218 : i32 to index
        %parallel_loop3A_652 = arith.constant 576 : index
        %parallel_loop3A_653 = tpu.vector_load %arg7[%parallel_loop3A_651, %parallel_loop3A_652] {strides = array<i32>} : memref<16x1024xf32, #tpu.memory_space<vmem>>, vector<1x16xf32>,
        %parallel_loop3A_654 = vector.shape_cast %parallel_loop3A_653 : vector<1x16xf32> to vector<16xf32>
        %parallel_loop3A_655 = arith.constant 3.200000e+01 : f32
        %parallel_loop3A_656 = vector.broadcast %parallel_loop3A_655 : f32 to vector<16xf32>
        %parallel_loop3A_657 = arith.mulf %parallel_loop3A_654, %parallel_loop3A_656 : vector<16xf32>
        %parallel_loop3A_658 = arith.index_cast %parallel_loop3A_218 : i32 to index
        %parallel_loop3A_659 = arith.constant 576 : index
        %parallel_loop3A_660 = tpu.vector_load %arg7[%parallel_loop3A_658, %parallel_loop3A_659] {strides = array<i32>} : memref<16x1024xf32, #tpu.memory_space<vmem>>, vector<1x16xf32>,
        %parallel_loop3A_661 = vector.shape_cast %parallel_loop3A_660 : vector<1x16xf32> to vector<16xf32>
        %parallel_loop3A_662 = vector.shape_cast %parallel_loop3A_657 : vector<16xf32> to vector<1x16xf32>
        tpu.vector_store %arg7[%parallel_loop3A_658, %parallel_loop3A_659], %parallel_loop3A_662 {strides = array<i32>} : memref<16x1024xf32, #tpu.memory_space<vmem>>, vector<1x16xf32>,
        %parallel_loop3A_663 = arith.index_cast %parallel_loop3A_218 : i32 to index
        %parallel_loop3A_664 = arith.constant 592 : index
        %parallel_loop3A_665 = tpu.vector_load %arg7[%parallel_loop3A_663, %parallel_loop3A_664] {strides = array<i32>} : memref<16x1024xf32, #tpu.memory_space<vmem>>, vector<1x16xf32>,
        %parallel_loop3A_666 = vector.shape_cast %parallel_loop3A_665 : vector<1x16xf32> to vector<16xf32>
        %parallel_loop3A_667 = arith.constant 3.200000e+01 : f32
        %parallel_loop3A_668 = vector.broadcast %parallel_loop3A_667 : f32 to vector<16xf32>
        %parallel_loop3A_669 = arith.mulf %parallel_loop3A_666, %parallel_loop3A_668 : vector<16xf32>
        %parallel_loop3A_670 = arith.index_cast %parallel_loop3A_218 : i32 to index
        %parallel_loop3A_671 = arith.constant 592 : index
        %parallel_loop3A_672 = tpu.vector_load %arg7[%parallel_loop3A_670, %parallel_loop3A_671] {strides = array<i32>} : memref<16x1024xf32, #tpu.memory_space<vmem>>, vector<1x16xf32>,
        %parallel_loop3A_673 = vector.shape_cast %parallel_loop3A_672 : vector<1x16xf32> to vector<16xf32>
        %parallel_loop3A_674 = vector.shape_cast %parallel_loop3A_669 : vector<16xf32> to vector<1x16xf32>
        tpu.vector_store %arg7[%parallel_loop3A_670, %parallel_loop3A_671], %parallel_loop3A_674 {strides = array<i32>} : memref<16x1024xf32, #tpu.memory_space<vmem>>, vector<1x16xf32>,
        %parallel_loop3A_675 = arith.index_cast %parallel_loop3A_218 : i32 to index
        %parallel_loop3A_676 = arith.constant 608 : index
        %parallel_loop3A_677 = tpu.vector_load %arg7[%parallel_loop3A_675, %parallel_loop3A_676] {strides = array<i32>} : memref<16x1024xf32, #tpu.memory_space<vmem>>, vector<1x16xf32>,
        %parallel_loop3A_678 = vector.shape_cast %parallel_loop3A_677 : vector<1x16xf32> to vector<16xf32>
        %parallel_loop3A_679 = arith.constant 3.200000e+01 : f32
        %parallel_loop3A_680 = vector.broadcast %parallel_loop3A_679 : f32 to vector<16xf32>
        %parallel_loop3A_681 = arith.mulf %parallel_loop3A_678, %parallel_loop3A_680 : vector<16xf32>
        %parallel_loop3A_682 = arith.index_cast %parallel_loop3A_218 : i32 to index
        %parallel_loop3A_683 = arith.constant 608 : index
        %parallel_loop3A_684 = tpu.vector_load %arg7[%parallel_loop3A_682, %parallel_loop3A_683] {strides = array<i32>} : memref<16x1024xf32, #tpu.memory_space<vmem>>, vector<1x16xf32>,
        %parallel_loop3A_685 = vector.shape_cast %parallel_loop3A_684 : vector<1x16xf32> to vector<16xf32>
        %parallel_loop3A_686 = vector.shape_cast %parallel_loop3A_681 : vector<16xf32> to vector<1x16xf32>
        tpu.vector_store %arg7[%parallel_loop3A_682, %parallel_loop3A_683], %parallel_loop3A_686 {strides = array<i32>} : memref<16x1024xf32, #tpu.memory_space<vmem>>, vector<1x16xf32>,
        %parallel_loop3A_687 = arith.index_cast %parallel_loop3A_218 : i32 to index
        %parallel_loop3A_688 = arith.constant 624 : index
        %parallel_loop3A_689 = tpu.vector_load %arg7[%parallel_loop3A_687, %parallel_loop3A_688] {strides = array<i32>} : memref<16x1024xf32, #tpu.memory_space<vmem>>, vector<1x16xf32>,
        %parallel_loop3A_690 = vector.shape_cast %parallel_loop3A_689 : vector<1x16xf32> to vector<16xf32>
        %parallel_loop3A_691 = arith.constant 3.200000e+01 : f32
        %parallel_loop3A_692 = vector.broadcast %parallel_loop3A_691 : f32 to vector<16xf32>
        %parallel_loop3A_693 = arith.mulf %parallel_loop3A_690, %parallel_loop3A_692 : vector<16xf32>
        %parallel_loop3A_694 = arith.index_cast %parallel_loop3A_218 : i32 to index
        %parallel_loop3A_695 = arith.constant 624 : index
        %parallel_loop3A_696 = tpu.vector_load %arg7[%parallel_loop3A_694, %parallel_loop3A_695] {strides = array<i32>} : memref<16x1024xf32, #tpu.memory_space<vmem>>, vector<1x16xf32>,
        %parallel_loop3A_697 = vector.shape_cast %parallel_loop3A_696 : vector<1x16xf32> to vector<16xf32>
        %parallel_loop3A_698 = vector.shape_cast %parallel_loop3A_693 : vector<16xf32> to vector<1x16xf32>
        tpu.vector_store %arg7[%parallel_loop3A_694, %parallel_loop3A_695], %parallel_loop3A_698 {strides = array<i32>} : memref<16x1024xf32, #tpu.memory_space<vmem>>, vector<1x16xf32>,
        %parallel_loop3A_699 = arith.index_cast %parallel_loop3A_218 : i32 to index
        %parallel_loop3A_700 = arith.constant 640 : index
        %parallel_loop3A_701 = tpu.vector_load %arg7[%parallel_loop3A_699, %parallel_loop3A_700] {strides = array<i32>} : memref<16x1024xf32, #tpu.memory_space<vmem>>, vector<1x16xf32>,
        %parallel_loop3A_702 = vector.shape_cast %parallel_loop3A_701 : vector<1x16xf32> to vector<16xf32>
        %parallel_loop3A_703 = arith.constant 3.200000e+01 : f32
        %parallel_loop3A_704 = vector.broadcast %parallel_loop3A_703 : f32 to vector<16xf32>
        %parallel_loop3A_705 = arith.mulf %parallel_loop3A_702, %parallel_loop3A_704 : vector<16xf32>
        %parallel_loop3A_706 = arith.index_cast %parallel_loop3A_218 : i32 to index
        %parallel_loop3A_707 = arith.constant 640 : index
        %parallel_loop3A_708 = tpu.vector_load %arg7[%parallel_loop3A_706, %parallel_loop3A_707] {strides = array<i32>} : memref<16x1024xf32, #tpu.memory_space<vmem>>, vector<1x16xf32>,
        %parallel_loop3A_709 = vector.shape_cast %parallel_loop3A_708 : vector<1x16xf32> to vector<16xf32>
        %parallel_loop3A_710 = vector.shape_cast %parallel_loop3A_705 : vector<16xf32> to vector<1x16xf32>
        tpu.vector_store %arg7[%parallel_loop3A_706, %parallel_loop3A_707], %parallel_loop3A_710 {strides = array<i32>} : memref<16x1024xf32, #tpu.memory_space<vmem>>, vector<1x16xf32>,
        %parallel_loop3A_711 = arith.index_cast %parallel_loop3A_218 : i32 to index
        %parallel_loop3A_712 = arith.constant 656 : index
        %parallel_loop3A_713 = tpu.vector_load %arg7[%parallel_loop3A_711, %parallel_loop3A_712] {strides = array<i32>} : memref<16x1024xf32, #tpu.memory_space<vmem>>, vector<1x16xf32>,
        %parallel_loop3A_714 = vector.shape_cast %parallel_loop3A_713 : vector<1x16xf32> to vector<16xf32>
        %parallel_loop3A_715 = arith.constant 3.200000e+01 : f32
        %parallel_loop3A_716 = vector.broadcast %parallel_loop3A_715 : f32 to vector<16xf32>
        %parallel_loop3A_717 = arith.mulf %parallel_loop3A_714, %parallel_loop3A_716 : vector<16xf32>
        %parallel_loop3A_718 = arith.index_cast %parallel_loop3A_218 : i32 to index
        %parallel_loop3A_719 = arith.constant 656 : index
        %parallel_loop3A_720 = tpu.vector_load %arg7[%parallel_loop3A_718, %parallel_loop3A_719] {strides = array<i32>} : memref<16x1024xf32, #tpu.memory_space<vmem>>, vector<1x16xf32>,
        %parallel_loop3A_721 = vector.shape_cast %parallel_loop3A_720 : vector<1x16xf32> to vector<16xf32>
        %parallel_loop3A_722 = vector.shape_cast %parallel_loop3A_717 : vector<16xf32> to vector<1x16xf32>
        tpu.vector_store %arg7[%parallel_loop3A_718, %parallel_loop3A_719], %parallel_loop3A_722 {strides = array<i32>} : memref<16x1024xf32, #tpu.memory_space<vmem>>, vector<1x16xf32>,
        %parallel_loop3A_723 = arith.index_cast %parallel_loop3A_218 : i32 to index
        %parallel_loop3A_724 = arith.constant 672 : index
        %parallel_loop3A_725 = tpu.vector_load %arg7[%parallel_loop3A_723, %parallel_loop3A_724] {strides = array<i32>} : memref<16x1024xf32, #tpu.memory_space<vmem>>, vector<1x16xf32>,
        %parallel_loop3A_726 = vector.shape_cast %parallel_loop3A_725 : vector<1x16xf32> to vector<16xf32>
        %parallel_loop3A_727 = arith.constant 3.200000e+01 : f32
        %parallel_loop3A_728 = vector.broadcast %parallel_loop3A_727 : f32 to vector<16xf32>
        %parallel_loop3A_729 = arith.mulf %parallel_loop3A_726, %parallel_loop3A_728 : vector<16xf32>
        %parallel_loop3A_730 = arith.index_cast %parallel_loop3A_218 : i32 to index
        %parallel_loop3A_731 = arith.constant 672 : index
        %parallel_loop3A_732 = tpu.vector_load %arg7[%parallel_loop3A_730, %parallel_loop3A_731] {strides = array<i32>} : memref<16x1024xf32, #tpu.memory_space<vmem>>, vector<1x16xf32>,
        %parallel_loop3A_733 = vector.shape_cast %parallel_loop3A_732 : vector<1x16xf32> to vector<16xf32>
        %parallel_loop3A_734 = vector.shape_cast %parallel_loop3A_729 : vector<16xf32> to vector<1x16xf32>
        tpu.vector_store %arg7[%parallel_loop3A_730, %parallel_loop3A_731], %parallel_loop3A_734 {strides = array<i32>} : memref<16x1024xf32, #tpu.memory_space<vmem>>, vector<1x16xf32>,
        %parallel_loop3A_735 = arith.index_cast %parallel_loop3A_218 : i32 to index
        %parallel_loop3A_736 = arith.constant 688 : index
        %parallel_loop3A_737 = tpu.vector_load %arg7[%parallel_loop3A_735, %parallel_loop3A_736] {strides = array<i32>} : memref<16x1024xf32, #tpu.memory_space<vmem>>, vector<1x16xf32>,
        %parallel_loop3A_738 = vector.shape_cast %parallel_loop3A_737 : vector<1x16xf32> to vector<16xf32>
        %parallel_loop3A_739 = arith.constant 3.200000e+01 : f32
        %parallel_loop3A_740 = vector.broadcast %parallel_loop3A_739 : f32 to vector<16xf32>
        %parallel_loop3A_741 = arith.mulf %parallel_loop3A_738, %parallel_loop3A_740 : vector<16xf32>
        %parallel_loop3A_742 = arith.index_cast %parallel_loop3A_218 : i32 to index
        %parallel_loop3A_743 = arith.constant 688 : index
        %parallel_loop3A_744 = tpu.vector_load %arg7[%parallel_loop3A_742, %parallel_loop3A_743] {strides = array<i32>} : memref<16x1024xf32, #tpu.memory_space<vmem>>, vector<1x16xf32>,
        %parallel_loop3A_745 = vector.shape_cast %parallel_loop3A_744 : vector<1x16xf32> to vector<16xf32>
        %parallel_loop3A_746 = vector.shape_cast %parallel_loop3A_741 : vector<16xf32> to vector<1x16xf32>
        tpu.vector_store %arg7[%parallel_loop3A_742, %parallel_loop3A_743], %parallel_loop3A_746 {strides = array<i32>} : memref<16x1024xf32, #tpu.memory_space<vmem>>, vector<1x16xf32>,
        %parallel_loop3A_747 = arith.index_cast %parallel_loop3A_218 : i32 to index
        %parallel_loop3A_748 = arith.constant 704 : index
        %parallel_loop3A_749 = tpu.vector_load %arg7[%parallel_loop3A_747, %parallel_loop3A_748] {strides = array<i32>} : memref<16x1024xf32, #tpu.memory_space<vmem>>, vector<1x16xf32>,
        %parallel_loop3A_750 = vector.shape_cast %parallel_loop3A_749 : vector<1x16xf32> to vector<16xf32>
        %parallel_loop3A_751 = arith.constant 3.200000e+01 : f32
        %parallel_loop3A_752 = vector.broadcast %parallel_loop3A_751 : f32 to vector<16xf32>
        %parallel_loop3A_753 = arith.mulf %parallel_loop3A_750, %parallel_loop3A_752 : vector<16xf32>
        %parallel_loop3A_754 = arith.index_cast %parallel_loop3A_218 : i32 to index
        %parallel_loop3A_755 = arith.constant 704 : index
        %parallel_loop3A_756 = tpu.vector_load %arg7[%parallel_loop3A_754, %parallel_loop3A_755] {strides = array<i32>} : memref<16x1024xf32, #tpu.memory_space<vmem>>, vector<1x16xf32>,
        %parallel_loop3A_757 = vector.shape_cast %parallel_loop3A_756 : vector<1x16xf32> to vector<16xf32>
        %parallel_loop3A_758 = vector.shape_cast %parallel_loop3A_753 : vector<16xf32> to vector<1x16xf32>
        tpu.vector_store %arg7[%parallel_loop3A_754, %parallel_loop3A_755], %parallel_loop3A_758 {strides = array<i32>} : memref<16x1024xf32, #tpu.memory_space<vmem>>, vector<1x16xf32>,
        %parallel_loop3A_759 = arith.index_cast %parallel_loop3A_218 : i32 to index
        %parallel_loop3A_760 = arith.constant 720 : index
        %parallel_loop3A_761 = tpu.vector_load %arg7[%parallel_loop3A_759, %parallel_loop3A_760] {strides = array<i32>} : memref<16x1024xf32, #tpu.memory_space<vmem>>, vector<1x16xf32>,
        %parallel_loop3A_762 = vector.shape_cast %parallel_loop3A_761 : vector<1x16xf32> to vector<16xf32>
        %parallel_loop3A_763 = arith.constant 3.200000e+01 : f32
        %parallel_loop3A_764 = vector.broadcast %parallel_loop3A_763 : f32 to vector<16xf32>
        %parallel_loop3A_765 = arith.mulf %parallel_loop3A_762, %parallel_loop3A_764 : vector<16xf32>
        %parallel_loop3A_766 = arith.index_cast %parallel_loop3A_218 : i32 to index
        %parallel_loop3A_767 = arith.constant 720 : index
        %parallel_loop3A_768 = tpu.vector_load %arg7[%parallel_loop3A_766, %parallel_loop3A_767] {strides = array<i32>} : memref<16x1024xf32, #tpu.memory_space<vmem>>, vector<1x16xf32>,
        %parallel_loop3A_769 = vector.shape_cast %parallel_loop3A_768 : vector<1x16xf32> to vector<16xf32>
        %parallel_loop3A_770 = vector.shape_cast %parallel_loop3A_765 : vector<16xf32> to vector<1x16xf32>
        tpu.vector_store %arg7[%parallel_loop3A_766, %parallel_loop3A_767], %parallel_loop3A_770 {strides = array<i32>} : memref<16x1024xf32, #tpu.memory_space<vmem>>, vector<1x16xf32>,
        %parallel_loop3A_771 = arith.index_cast %parallel_loop3A_218 : i32 to index
        %parallel_loop3A_772 = arith.constant 736 : index
        %parallel_loop3A_773 = tpu.vector_load %arg7[%parallel_loop3A_771, %parallel_loop3A_772] {strides = array<i32>} : memref<16x1024xf32, #tpu.memory_space<vmem>>, vector<1x16xf32>,
        %parallel_loop3A_774 = vector.shape_cast %parallel_loop3A_773 : vector<1x16xf32> to vector<16xf32>
        %parallel_loop3A_775 = arith.constant 3.200000e+01 : f32
        %parallel_loop3A_776 = vector.broadcast %parallel_loop3A_775 : f32 to vector<16xf32>
        %parallel_loop3A_777 = arith.mulf %parallel_loop3A_774, %parallel_loop3A_776 : vector<16xf32>
        %parallel_loop3A_778 = arith.index_cast %parallel_loop3A_218 : i32 to index
        %parallel_loop3A_779 = arith.constant 736 : index
        %parallel_loop3A_780 = tpu.vector_load %arg7[%parallel_loop3A_778, %parallel_loop3A_779] {strides = array<i32>} : memref<16x1024xf32, #tpu.memory_space<vmem>>, vector<1x16xf32>,
        %parallel_loop3A_781 = vector.shape_cast %parallel_loop3A_780 : vector<1x16xf32> to vector<16xf32>
        %parallel_loop3A_782 = vector.shape_cast %parallel_loop3A_777 : vector<16xf32> to vector<1x16xf32>
        tpu.vector_store %arg7[%parallel_loop3A_778, %parallel_loop3A_779], %parallel_loop3A_782 {strides = array<i32>} : memref<16x1024xf32, #tpu.memory_space<vmem>>, vector<1x16xf32>,
        %parallel_loop3A_783 = arith.index_cast %parallel_loop3A_218 : i32 to index
        %parallel_loop3A_784 = arith.constant 752 : index
        %parallel_loop3A_785 = tpu.vector_load %arg7[%parallel_loop3A_783, %parallel_loop3A_784] {strides = array<i32>} : memref<16x1024xf32, #tpu.memory_space<vmem>>, vector<1x16xf32>,
        %parallel_loop3A_786 = vector.shape_cast %parallel_loop3A_785 : vector<1x16xf32> to vector<16xf32>
        %parallel_loop3A_787 = arith.constant 3.200000e+01 : f32
        %parallel_loop3A_788 = vector.broadcast %parallel_loop3A_787 : f32 to vector<16xf32>
        %parallel_loop3A_789 = arith.mulf %parallel_loop3A_786, %parallel_loop3A_788 : vector<16xf32>
        %parallel_loop3A_790 = arith.index_cast %parallel_loop3A_218 : i32 to index
        %parallel_loop3A_791 = arith.constant 752 : index
        %parallel_loop3A_792 = tpu.vector_load %arg7[%parallel_loop3A_790, %parallel_loop3A_791] {strides = array<i32>} : memref<16x1024xf32, #tpu.memory_space<vmem>>, vector<1x16xf32>,
        %parallel_loop3A_793 = vector.shape_cast %parallel_loop3A_792 : vector<1x16xf32> to vector<16xf32>
        %parallel_loop3A_794 = vector.shape_cast %parallel_loop3A_789 : vector<16xf32> to vector<1x16xf32>
        tpu.vector_store %arg7[%parallel_loop3A_790, %parallel_loop3A_791], %parallel_loop3A_794 {strides = array<i32>} : memref<16x1024xf32, #tpu.memory_space<vmem>>, vector<1x16xf32>,
        %parallel_loop3A_795 = arith.index_cast %parallel_loop3A_218 : i32 to index
        %parallel_loop3A_796 = arith.constant 768 : index
        %parallel_loop3A_797 = tpu.vector_load %arg7[%parallel_loop3A_795, %parallel_loop3A_796] {strides = array<i32>} : memref<16x1024xf32, #tpu.memory_space<vmem>>, vector<1x16xf32>,
        %parallel_loop3A_798 = vector.shape_cast %parallel_loop3A_797 : vector<1x16xf32> to vector<16xf32>
        %parallel_loop3A_799 = arith.constant 3.200000e+01 : f32
        %parallel_loop3A_800 = vector.broadcast %parallel_loop3A_799 : f32 to vector<16xf32>
        %parallel_loop3A_801 = arith.mulf %parallel_loop3A_798, %parallel_loop3A_800 : vector<16xf32>
        %parallel_loop3A_802 = arith.index_cast %parallel_loop3A_218 : i32 to index
        %parallel_loop3A_803 = arith.constant 768 : index
        %parallel_loop3A_804 = tpu.vector_load %arg7[%parallel_loop3A_802, %parallel_loop3A_803] {strides = array<i32>} : memref<16x1024xf32, #tpu.memory_space<vmem>>, vector<1x16xf32>,
        %parallel_loop3A_805 = vector.shape_cast %parallel_loop3A_804 : vector<1x16xf32> to vector<16xf32>
        %parallel_loop3A_806 = vector.shape_cast %parallel_loop3A_801 : vector<16xf32> to vector<1x16xf32>
        tpu.vector_store %arg7[%parallel_loop3A_802, %parallel_loop3A_803], %parallel_loop3A_806 {strides = array<i32>} : memref<16x1024xf32, #tpu.memory_space<vmem>>, vector<1x16xf32>,
        %parallel_loop3A_807 = arith.index_cast %parallel_loop3A_218 : i32 to index
        %parallel_loop3A_808 = arith.constant 784 : index
        %parallel_loop3A_809 = tpu.vector_load %arg7[%parallel_loop3A_807, %parallel_loop3A_808] {strides = array<i32>} : memref<16x1024xf32, #tpu.memory_space<vmem>>, vector<1x16xf32>,
        %parallel_loop3A_810 = vector.shape_cast %parallel_loop3A_809 : vector<1x16xf32> to vector<16xf32>
        %parallel_loop3A_811 = arith.constant 3.200000e+01 : f32
        %parallel_loop3A_812 = vector.broadcast %parallel_loop3A_811 : f32 to vector<16xf32>
        %parallel_loop3A_813 = arith.mulf %parallel_loop3A_810, %parallel_loop3A_812 : vector<16xf32>
        %parallel_loop3A_814 = arith.index_cast %parallel_loop3A_218 : i32 to index
        %parallel_loop3A_815 = arith.constant 784 : index
        %parallel_loop3A_816 = tpu.vector_load %arg7[%parallel_loop3A_814, %parallel_loop3A_815] {strides = array<i32>} : memref<16x1024xf32, #tpu.memory_space<vmem>>, vector<1x16xf32>,
        %parallel_loop3A_817 = vector.shape_cast %parallel_loop3A_816 : vector<1x16xf32> to vector<16xf32>
        %parallel_loop3A_818 = vector.shape_cast %parallel_loop3A_813 : vector<16xf32> to vector<1x16xf32>
        tpu.vector_store %arg7[%parallel_loop3A_814, %parallel_loop3A_815], %parallel_loop3A_818 {strides = array<i32>} : memref<16x1024xf32, #tpu.memory_space<vmem>>, vector<1x16xf32>,
        %parallel_loop3A_819 = arith.index_cast %parallel_loop3A_218 : i32 to index
        %parallel_loop3A_820 = arith.constant 800 : index
        %parallel_loop3A_821 = tpu.vector_load %arg7[%parallel_loop3A_819, %parallel_loop3A_820] {strides = array<i32>} : memref<16x1024xf32, #tpu.memory_space<vmem>>, vector<1x16xf32>,
        %parallel_loop3A_822 = vector.shape_cast %parallel_loop3A_821 : vector<1x16xf32> to vector<16xf32>
        %parallel_loop3A_823 = arith.constant 3.200000e+01 : f32
        %parallel_loop3A_824 = vector.broadcast %parallel_loop3A_823 : f32 to vector<16xf32>
        %parallel_loop3A_825 = arith.mulf %parallel_loop3A_822, %parallel_loop3A_824 : vector<16xf32>
        %parallel_loop3A_826 = arith.index_cast %parallel_loop3A_218 : i32 to index
        %parallel_loop3A_827 = arith.constant 800 : index
        %parallel_loop3A_828 = tpu.vector_load %arg7[%parallel_loop3A_826, %parallel_loop3A_827] {strides = array<i32>} : memref<16x1024xf32, #tpu.memory_space<vmem>>, vector<1x16xf32>,
        %parallel_loop3A_829 = vector.shape_cast %parallel_loop3A_828 : vector<1x16xf32> to vector<16xf32>
        %parallel_loop3A_830 = vector.shape_cast %parallel_loop3A_825 : vector<16xf32> to vector<1x16xf32>
        tpu.vector_store %arg7[%parallel_loop3A_826, %parallel_loop3A_827], %parallel_loop3A_830 {strides = array<i32>} : memref<16x1024xf32, #tpu.memory_space<vmem>>, vector<1x16xf32>,
        %parallel_loop3A_831 = arith.index_cast %parallel_loop3A_218 : i32 to index
        %parallel_loop3A_832 = arith.constant 816 : index
        %parallel_loop3A_833 = tpu.vector_load %arg7[%parallel_loop3A_831, %parallel_loop3A_832] {strides = array<i32>} : memref<16x1024xf32, #tpu.memory_space<vmem>>, vector<1x16xf32>,
        %parallel_loop3A_834 = vector.shape_cast %parallel_loop3A_833 : vector<1x16xf32> to vector<16xf32>
        %parallel_loop3A_835 = arith.constant 3.200000e+01 : f32
        %parallel_loop3A_836 = vector.broadcast %parallel_loop3A_835 : f32 to vector<16xf32>
        %parallel_loop3A_837 = arith.mulf %parallel_loop3A_834, %parallel_loop3A_836 : vector<16xf32>
        %parallel_loop3A_838 = arith.index_cast %parallel_loop3A_218 : i32 to index
        %parallel_loop3A_839 = arith.constant 816 : index
        %parallel_loop3A_840 = tpu.vector_load %arg7[%parallel_loop3A_838, %parallel_loop3A_839] {strides = array<i32>} : memref<16x1024xf32, #tpu.memory_space<vmem>>, vector<1x16xf32>,
        %parallel_loop3A_841 = vector.shape_cast %parallel_loop3A_840 : vector<1x16xf32> to vector<16xf32>
        %parallel_loop3A_842 = vector.shape_cast %parallel_loop3A_837 : vector<16xf32> to vector<1x16xf32>
        tpu.vector_store %arg7[%parallel_loop3A_838, %parallel_loop3A_839], %parallel_loop3A_842 {strides = array<i32>} : memref<16x1024xf32, #tpu.memory_space<vmem>>, vector<1x16xf32>,
        %parallel_loop3A_843 = arith.index_cast %parallel_loop3A_218 : i32 to index
        %parallel_loop3A_844 = arith.constant 832 : index
        %parallel_loop3A_845 = tpu.vector_load %arg7[%parallel_loop3A_843, %parallel_loop3A_844] {strides = array<i32>} : memref<16x1024xf32, #tpu.memory_space<vmem>>, vector<1x16xf32>,
        %parallel_loop3A_846 = vector.shape_cast %parallel_loop3A_845 : vector<1x16xf32> to vector<16xf32>
        %parallel_loop3A_847 = arith.constant 3.200000e+01 : f32
        %parallel_loop3A_848 = vector.broadcast %parallel_loop3A_847 : f32 to vector<16xf32>
        %parallel_loop3A_849 = arith.mulf %parallel_loop3A_846, %parallel_loop3A_848 : vector<16xf32>
        %parallel_loop3A_850 = arith.index_cast %parallel_loop3A_218 : i32 to index
        %parallel_loop3A_851 = arith.constant 832 : index
        %parallel_loop3A_852 = tpu.vector_load %arg7[%parallel_loop3A_850, %parallel_loop3A_851] {strides = array<i32>} : memref<16x1024xf32, #tpu.memory_space<vmem>>, vector<1x16xf32>,
        %parallel_loop3A_853 = vector.shape_cast %parallel_loop3A_852 : vector<1x16xf32> to vector<16xf32>
        %parallel_loop3A_854 = vector.shape_cast %parallel_loop3A_849 : vector<16xf32> to vector<1x16xf32>
        tpu.vector_store %arg7[%parallel_loop3A_850, %parallel_loop3A_851], %parallel_loop3A_854 {strides = array<i32>} : memref<16x1024xf32, #tpu.memory_space<vmem>>, vector<1x16xf32>,
        %parallel_loop3A_855 = arith.index_cast %parallel_loop3A_218 : i32 to index
        %parallel_loop3A_856 = arith.constant 848 : index
        %parallel_loop3A_857 = tpu.vector_load %arg7[%parallel_loop3A_855, %parallel_loop3A_856] {strides = array<i32>} : memref<16x1024xf32, #tpu.memory_space<vmem>>, vector<1x16xf32>,
        %parallel_loop3A_858 = vector.shape_cast %parallel_loop3A_857 : vector<1x16xf32> to vector<16xf32>
        %parallel_loop3A_859 = arith.constant 3.200000e+01 : f32
        %parallel_loop3A_860 = vector.broadcast %parallel_loop3A_859 : f32 to vector<16xf32>
        %parallel_loop3A_861 = arith.mulf %parallel_loop3A_858, %parallel_loop3A_860 : vector<16xf32>
        %parallel_loop3A_862 = arith.index_cast %parallel_loop3A_218 : i32 to index
        %parallel_loop3A_863 = arith.constant 848 : index
        %parallel_loop3A_864 = tpu.vector_load %arg7[%parallel_loop3A_862, %parallel_loop3A_863] {strides = array<i32>} : memref<16x1024xf32, #tpu.memory_space<vmem>>, vector<1x16xf32>,
        %parallel_loop3A_865 = vector.shape_cast %parallel_loop3A_864 : vector<1x16xf32> to vector<16xf32>
        %parallel_loop3A_866 = vector.shape_cast %parallel_loop3A_861 : vector<16xf32> to vector<1x16xf32>
        tpu.vector_store %arg7[%parallel_loop3A_862, %parallel_loop3A_863], %parallel_loop3A_866 {strides = array<i32>} : memref<16x1024xf32, #tpu.memory_space<vmem>>, vector<1x16xf32>,
        %parallel_loop3A_867 = arith.index_cast %parallel_loop3A_218 : i32 to index
        %parallel_loop3A_868 = arith.constant 864 : index
        %parallel_loop3A_869 = tpu.vector_load %arg7[%parallel_loop3A_867, %parallel_loop3A_868] {strides = array<i32>} : memref<16x1024xf32, #tpu.memory_space<vmem>>, vector<1x16xf32>,
        %parallel_loop3A_870 = vector.shape_cast %parallel_loop3A_869 : vector<1x16xf32> to vector<16xf32>
        %parallel_loop3A_871 = arith.constant 3.200000e+01 : f32
        %parallel_loop3A_872 = vector.broadcast %parallel_loop3A_871 : f32 to vector<16xf32>
        %parallel_loop3A_873 = arith.mulf %parallel_loop3A_870, %parallel_loop3A_872 : vector<16xf32>
        %parallel_loop3A_874 = arith.index_cast %parallel_loop3A_218 : i32 to index
        %parallel_loop3A_875 = arith.constant 864 : index
        %parallel_loop3A_876 = tpu.vector_load %arg7[%parallel_loop3A_874, %parallel_loop3A_875] {strides = array<i32>} : memref<16x1024xf32, #tpu.memory_space<vmem>>, vector<1x16xf32>,
        %parallel_loop3A_877 = vector.shape_cast %parallel_loop3A_876 : vector<1x16xf32> to vector<16xf32>
        %parallel_loop3A_878 = vector.shape_cast %parallel_loop3A_873 : vector<16xf32> to vector<1x16xf32>
        tpu.vector_store %arg7[%parallel_loop3A_874, %parallel_loop3A_875], %parallel_loop3A_878 {strides = array<i32>} : memref<16x1024xf32, #tpu.memory_space<vmem>>, vector<1x16xf32>,
        %parallel_loop3A_879 = arith.index_cast %parallel_loop3A_218 : i32 to index
        %parallel_loop3A_880 = arith.constant 880 : index
        %parallel_loop3A_881 = tpu.vector_load %arg7[%parallel_loop3A_879, %parallel_loop3A_880] {strides = array<i32>} : memref<16x1024xf32, #tpu.memory_space<vmem>>, vector<1x16xf32>,
        %parallel_loop3A_882 = vector.shape_cast %parallel_loop3A_881 : vector<1x16xf32> to vector<16xf32>
        %parallel_loop3A_883 = arith.constant 3.200000e+01 : f32
        %parallel_loop3A_884 = vector.broadcast %parallel_loop3A_883 : f32 to vector<16xf32>
        %parallel_loop3A_885 = arith.mulf %parallel_loop3A_882, %parallel_loop3A_884 : vector<16xf32>
        %parallel_loop3A_886 = arith.index_cast %parallel_loop3A_218 : i32 to index
        %parallel_loop3A_887 = arith.constant 880 : index
        %parallel_loop3A_888 = tpu.vector_load %arg7[%parallel_loop3A_886, %parallel_loop3A_887] {strides = array<i32>} : memref<16x1024xf32, #tpu.memory_space<vmem>>, vector<1x16xf32>,
        %parallel_loop3A_889 = vector.shape_cast %parallel_loop3A_888 : vector<1x16xf32> to vector<16xf32>
        %parallel_loop3A_890 = vector.shape_cast %parallel_loop3A_885 : vector<16xf32> to vector<1x16xf32>
        tpu.vector_store %arg7[%parallel_loop3A_886, %parallel_loop3A_887], %parallel_loop3A_890 {strides = array<i32>} : memref<16x1024xf32, #tpu.memory_space<vmem>>, vector<1x16xf32>,
        %parallel_loop3A_891 = arith.index_cast %parallel_loop3A_218 : i32 to index
        %parallel_loop3A_892 = arith.constant 896 : index
        %parallel_loop3A_893 = tpu.vector_load %arg7[%parallel_loop3A_891, %parallel_loop3A_892] {strides = array<i32>} : memref<16x1024xf32, #tpu.memory_space<vmem>>, vector<1x16xf32>,
        %parallel_loop3A_894 = vector.shape_cast %parallel_loop3A_893 : vector<1x16xf32> to vector<16xf32>
        %parallel_loop3A_895 = arith.constant 3.200000e+01 : f32
        %parallel_loop3A_896 = vector.broadcast %parallel_loop3A_895 : f32 to vector<16xf32>
        %parallel_loop3A_897 = arith.mulf %parallel_loop3A_894, %parallel_loop3A_896 : vector<16xf32>
        %parallel_loop3A_898 = arith.index_cast %parallel_loop3A_218 : i32 to index
        %parallel_loop3A_899 = arith.constant 896 : index
        %parallel_loop3A_900 = tpu.vector_load %arg7[%parallel_loop3A_898, %parallel_loop3A_899] {strides = array<i32>} : memref<16x1024xf32, #tpu.memory_space<vmem>>, vector<1x16xf32>,
        %parallel_loop3A_901 = vector.shape_cast %parallel_loop3A_900 : vector<1x16xf32> to vector<16xf32>
        %parallel_loop3A_902 = vector.shape_cast %parallel_loop3A_897 : vector<16xf32> to vector<1x16xf32>
        tpu.vector_store %arg7[%parallel_loop3A_898, %parallel_loop3A_899], %parallel_loop3A_902 {strides = array<i32>} : memref<16x1024xf32, #tpu.memory_space<vmem>>, vector<1x16xf32>,
        %parallel_loop3A_903 = arith.index_cast %parallel_loop3A_218 : i32 to index
        %parallel_loop3A_904 = arith.constant 912 : index
        %parallel_loop3A_905 = tpu.vector_load %arg7[%parallel_loop3A_903, %parallel_loop3A_904] {strides = array<i32>} : memref<16x1024xf32, #tpu.memory_space<vmem>>, vector<1x16xf32>,
        %parallel_loop3A_906 = vector.shape_cast %parallel_loop3A_905 : vector<1x16xf32> to vector<16xf32>
        %parallel_loop3A_907 = arith.constant 3.200000e+01 : f32
        %parallel_loop3A_908 = vector.broadcast %parallel_loop3A_907 : f32 to vector<16xf32>
        %parallel_loop3A_909 = arith.mulf %parallel_loop3A_906, %parallel_loop3A_908 : vector<16xf32>
        %parallel_loop3A_910 = arith.index_cast %parallel_loop3A_218 : i32 to index
        %parallel_loop3A_911 = arith.constant 912 : index
        %parallel_loop3A_912 = tpu.vector_load %arg7[%parallel_loop3A_910, %parallel_loop3A_911] {strides = array<i32>} : memref<16x1024xf32, #tpu.memory_space<vmem>>, vector<1x16xf32>,
        %parallel_loop3A_913 = vector.shape_cast %parallel_loop3A_912 : vector<1x16xf32> to vector<16xf32>
        %parallel_loop3A_914 = vector.shape_cast %parallel_loop3A_909 : vector<16xf32> to vector<1x16xf32>
        tpu.vector_store %arg7[%parallel_loop3A_910, %parallel_loop3A_911], %parallel_loop3A_914 {strides = array<i32>} : memref<16x1024xf32, #tpu.memory_space<vmem>>, vector<1x16xf32>,
        %parallel_loop3A_915 = arith.index_cast %parallel_loop3A_218 : i32 to index
        %parallel_loop3A_916 = arith.constant 928 : index
        %parallel_loop3A_917 = tpu.vector_load %arg7[%parallel_loop3A_915, %parallel_loop3A_916] {strides = array<i32>} : memref<16x1024xf32, #tpu.memory_space<vmem>>, vector<1x16xf32>,
        %parallel_loop3A_918 = vector.shape_cast %parallel_loop3A_917 : vector<1x16xf32> to vector<16xf32>
        %parallel_loop3A_919 = arith.constant 3.200000e+01 : f32
        %parallel_loop3A_920 = vector.broadcast %parallel_loop3A_919 : f32 to vector<16xf32>
        %parallel_loop3A_921 = arith.mulf %parallel_loop3A_918, %parallel_loop3A_920 : vector<16xf32>
        %parallel_loop3A_922 = arith.index_cast %parallel_loop3A_218 : i32 to index
        %parallel_loop3A_923 = arith.constant 928 : index
        %parallel_loop3A_924 = tpu.vector_load %arg7[%parallel_loop3A_922, %parallel_loop3A_923] {strides = array<i32>} : memref<16x1024xf32, #tpu.memory_space<vmem>>, vector<1x16xf32>,
        %parallel_loop3A_925 = vector.shape_cast %parallel_loop3A_924 : vector<1x16xf32> to vector<16xf32>
        %parallel_loop3A_926 = vector.shape_cast %parallel_loop3A_921 : vector<16xf32> to vector<1x16xf32>
        tpu.vector_store %arg7[%parallel_loop3A_922, %parallel_loop3A_923], %parallel_loop3A_926 {strides = array<i32>} : memref<16x1024xf32, #tpu.memory_space<vmem>>, vector<1x16xf32>,
        %parallel_loop3A_927 = arith.index_cast %parallel_loop3A_218 : i32 to index
        %parallel_loop3A_928 = arith.constant 944 : index
        %parallel_loop3A_929 = tpu.vector_load %arg7[%parallel_loop3A_927, %parallel_loop3A_928] {strides = array<i32>} : memref<16x1024xf32, #tpu.memory_space<vmem>>, vector<1x16xf32>,
        %parallel_loop3A_930 = vector.shape_cast %parallel_loop3A_929 : vector<1x16xf32> to vector<16xf32>
        %parallel_loop3A_931 = arith.constant 3.200000e+01 : f32
        %parallel_loop3A_932 = vector.broadcast %parallel_loop3A_931 : f32 to vector<16xf32>
        %parallel_loop3A_933 = arith.mulf %parallel_loop3A_930, %parallel_loop3A_932 : vector<16xf32>
        %parallel_loop3A_934 = arith.index_cast %parallel_loop3A_218 : i32 to index
        %parallel_loop3A_935 = arith.constant 944 : index
        %parallel_loop3A_936 = tpu.vector_load %arg7[%parallel_loop3A_934, %parallel_loop3A_935] {strides = array<i32>} : memref<16x1024xf32, #tpu.memory_space<vmem>>, vector<1x16xf32>,
        %parallel_loop3A_937 = vector.shape_cast %parallel_loop3A_936 : vector<1x16xf32> to vector<16xf32>
        %parallel_loop3A_938 = vector.shape_cast %parallel_loop3A_933 : vector<16xf32> to vector<1x16xf32>
        tpu.vector_store %arg7[%parallel_loop3A_934, %parallel_loop3A_935], %parallel_loop3A_938 {strides = array<i32>} : memref<16x1024xf32, #tpu.memory_space<vmem>>, vector<1x16xf32>,
        %parallel_loop3A_939 = arith.index_cast %parallel_loop3A_218 : i32 to index
        %parallel_loop3A_940 = arith.constant 960 : index
        %parallel_loop3A_941 = tpu.vector_load %arg7[%parallel_loop3A_939, %parallel_loop3A_940] {strides = array<i32>} : memref<16x1024xf32, #tpu.memory_space<vmem>>, vector<1x16xf32>,
        %parallel_loop3A_942 = vector.shape_cast %parallel_loop3A_941 : vector<1x16xf32> to vector<16xf32>
        %parallel_loop3A_943 = arith.constant 3.200000e+01 : f32
        %parallel_loop3A_944 = vector.broadcast %parallel_loop3A_943 : f32 to vector<16xf32>
        %parallel_loop3A_945 = arith.mulf %parallel_loop3A_942, %parallel_loop3A_944 : vector<16xf32>
        %parallel_loop3A_946 = arith.index_cast %parallel_loop3A_218 : i32 to index
        %parallel_loop3A_947 = arith.constant 960 : index
        %parallel_loop3A_948 = tpu.vector_load %arg7[%parallel_loop3A_946, %parallel_loop3A_947] {strides = array<i32>} : memref<16x1024xf32, #tpu.memory_space<vmem>>, vector<1x16xf32>,
        %parallel_loop3A_949 = vector.shape_cast %parallel_loop3A_948 : vector<1x16xf32> to vector<16xf32>
        %parallel_loop3A_950 = vector.shape_cast %parallel_loop3A_945 : vector<16xf32> to vector<1x16xf32>
        tpu.vector_store %arg7[%parallel_loop3A_946, %parallel_loop3A_947], %parallel_loop3A_950 {strides = array<i32>} : memref<16x1024xf32, #tpu.memory_space<vmem>>, vector<1x16xf32>,
        %parallel_loop3A_951 = arith.index_cast %parallel_loop3A_218 : i32 to index
        %parallel_loop3A_952 = arith.constant 976 : index
        %parallel_loop3A_953 = tpu.vector_load %arg7[%parallel_loop3A_951, %parallel_loop3A_952] {strides = array<i32>} : memref<16x1024xf32, #tpu.memory_space<vmem>>, vector<1x16xf32>,
        %parallel_loop3A_954 = vector.shape_cast %parallel_loop3A_953 : vector<1x16xf32> to vector<16xf32>
        %parallel_loop3A_955 = arith.constant 3.200000e+01 : f32
        %parallel_loop3A_956 = vector.broadcast %parallel_loop3A_955 : f32 to vector<16xf32>
        %parallel_loop3A_957 = arith.mulf %parallel_loop3A_954, %parallel_loop3A_956 : vector<16xf32>
        %parallel_loop3A_958 = arith.index_cast %parallel_loop3A_218 : i32 to index
        %parallel_loop3A_959 = arith.constant 976 : index
        %parallel_loop3A_960 = tpu.vector_load %arg7[%parallel_loop3A_958, %parallel_loop3A_959] {strides = array<i32>} : memref<16x1024xf32, #tpu.memory_space<vmem>>, vector<1x16xf32>,
        %parallel_loop3A_961 = vector.shape_cast %parallel_loop3A_960 : vector<1x16xf32> to vector<16xf32>
        %parallel_loop3A_962 = vector.shape_cast %parallel_loop3A_957 : vector<16xf32> to vector<1x16xf32>
        tpu.vector_store %arg7[%parallel_loop3A_958, %parallel_loop3A_959], %parallel_loop3A_962 {strides = array<i32>} : memref<16x1024xf32, #tpu.memory_space<vmem>>, vector<1x16xf32>,
        %parallel_loop3A_963 = arith.index_cast %parallel_loop3A_218 : i32 to index
        %parallel_loop3A_964 = arith.constant 992 : index
        %parallel_loop3A_965 = tpu.vector_load %arg7[%parallel_loop3A_963, %parallel_loop3A_964] {strides = array<i32>} : memref<16x1024xf32, #tpu.memory_space<vmem>>, vector<1x16xf32>,
        %parallel_loop3A_966 = vector.shape_cast %parallel_loop3A_965 : vector<1x16xf32> to vector<16xf32>
        %parallel_loop3A_967 = arith.constant 3.200000e+01 : f32
        %parallel_loop3A_968 = vector.broadcast %parallel_loop3A_967 : f32 to vector<16xf32>
        %parallel_loop3A_969 = arith.mulf %parallel_loop3A_966, %parallel_loop3A_968 : vector<16xf32>
        %parallel_loop3A_970 = arith.index_cast %parallel_loop3A_218 : i32 to index
        %parallel_loop3A_971 = arith.constant 992 : index
        %parallel_loop3A_972 = tpu.vector_load %arg7[%parallel_loop3A_970, %parallel_loop3A_971] {strides = array<i32>} : memref<16x1024xf32, #tpu.memory_space<vmem>>, vector<1x16xf32>,
        %parallel_loop3A_973 = vector.shape_cast %parallel_loop3A_972 : vector<1x16xf32> to vector<16xf32>
        %parallel_loop3A_974 = vector.shape_cast %parallel_loop3A_969 : vector<16xf32> to vector<1x16xf32>
        tpu.vector_store %arg7[%parallel_loop3A_970, %parallel_loop3A_971], %parallel_loop3A_974 {strides = array<i32>} : memref<16x1024xf32, #tpu.memory_space<vmem>>, vector<1x16xf32>,
        %parallel_loop3A_975 = arith.index_cast %parallel_loop3A_218 : i32 to index
        %parallel_loop3A_976 = arith.constant 1008 : index
        %parallel_loop3A_977 = tpu.vector_load %arg7[%parallel_loop3A_975, %parallel_loop3A_976] {strides = array<i32>} : memref<16x1024xf32, #tpu.memory_space<vmem>>, vector<1x16xf32>,
        %parallel_loop3A_978 = vector.shape_cast %parallel_loop3A_977 : vector<1x16xf32> to vector<16xf32>
        %parallel_loop3A_979 = arith.constant 3.200000e+01 : f32
        %parallel_loop3A_980 = vector.broadcast %parallel_loop3A_979 : f32 to vector<16xf32>
        %parallel_loop3A_981 = arith.mulf %parallel_loop3A_978, %parallel_loop3A_980 : vector<16xf32>
        %parallel_loop3A_982 = arith.index_cast %parallel_loop3A_218 : i32 to index
        %parallel_loop3A_983 = arith.constant 1008 : index
        %parallel_loop3A_984 = tpu.vector_load %arg7[%parallel_loop3A_982, %parallel_loop3A_983] {strides = array<i32>} : memref<16x1024xf32, #tpu.memory_space<vmem>>, vector<1x16xf32>,
        %parallel_loop3A_985 = vector.shape_cast %parallel_loop3A_984 : vector<1x16xf32> to vector<16xf32>
        %parallel_loop3A_986 = vector.shape_cast %parallel_loop3A_981 : vector<16xf32> to vector<1x16xf32>
        tpu.vector_store %arg7[%parallel_loop3A_982, %parallel_loop3A_983], %parallel_loop3A_986 {strides = array<i32>} : memref<16x1024xf32, #tpu.memory_space<vmem>>, vector<1x16xf32>,
      } {sc.loop_unroll_factor = 1 : i64, sc.parallel_access}
      %mul3A_161 = arith.constant 16 : i32
      %mul3A_162 = arith.muli %add3A_138, %mul3A_161 : i32
      %add3A_163 = arith.addi %mul3A_2, %mul3A_162 : i32
      %dma_start3A_164 = arith.constant 0 : i32
      %dma_start3A_165 = tpu.memref_slice %arg4[%add3A_163, %dma_start3A_164] : memref<8192x1024xf32, #tpu.memory_space<hbm>> -> memref<16x1024xf32, #tpu.memory_space<hbm>>
      %dma_start3A_166 = arith.constant 0 : i32
      %dma_start3A_167 = tpu.memref_slice %arg4[%add3A_163, %dma_start3A_166] : memref<8192x1024xf32, #tpu.memory_space<hbm>> -> memref<16x1024xf32, #tpu.memory_space<hbm>>
      tpu.enqueue_dma source(%arg7 : memref<16x1024xf32, #tpu.memory_space<vmem>>) target(%dma_start3A_167 : memref<16x1024xf32, #tpu.memory_space<hbm>>) target_semaphore(%arg15 : memref<!tpu.dma_semaphore, #tpu.memory_space<semaphore_mem>>)
      %mul3A_168 = arith.constant 4 : i32
      %mul3A_169 = arith.muli %scan3A_105, %mul3A_168 : i32
      %add3A_170 = arith.constant 2 : i32
      %add3A_171 = arith.addi %mul3A_169, %add3A_170 : i32
      %mul3A_172 = arith.constant 16 : i32
      %mul3A_173 = arith.muli %add3A_171, %mul3A_172 : i32
      %dma_wait3A_174 = tpu.memref_slice %arg5[%mul3A_173] : memref<256xi32, #tpu.memory_space<vmem>> -> memref<16xi32, #tpu.memory_space<vmem>>
      %dma_wait3A_175 = arith.constant 0 : i32
      %dma_wait3A_176 = arith.constant 0 : i32
      %dma_wait3A_177 = tpu.memref_slice %arg2[%dma_wait3A_175, %dma_wait3A_176] : memref<100000x1024xf32, #tpu.memory_space<hbm>> -> memref<100000x1024xf32, #tpu.memory_space<hbm>>
      tpu.wait_indirect_dma semaphore(%arg12 : memref<!tpu.dma_semaphore, #tpu.memory_space<semaphore_mem>>) src(%dma_wait3A_177 : memref<100000x1024xf32, #tpu.memory_space<hbm>>) dst(%arg8 : memref<16x1024xf32, #tpu.memory_space<vmem>>)
      %lt3A_178 = arith.constant 3 : i32
      %lt3A_179 = arith.cmpi slt, %scan3A_105, %lt3A_178 : i32
      %convert_element_type3A_180 = arith.extui %lt3A_179 : i1 to i32
      %cond3A_181 = arith.constant 0 : i32
      %cond3A_182 = arith.cmpi ne, %convert_element_type3A_180, %cond3A_181 : i32
      scf.if %cond3A_182 {
        %add3A_218 = arith.constant 2 : i32
        %add3A_219 = arith.addi %add3A_171, %add3A_218 : i32
        %sub3A_220 = arith.constant 4 : i32
        %sub3A_221 = arith.subi %add3A_219, %sub3A_220 : i32
        %mul3A_222 = arith.constant 16 : i32
        %mul3A_223 = arith.muli %sub3A_221, %mul3A_222 : i32
        %add3A_224 = arith.addi %mul3A_2, %mul3A_223 : i32
        %dma_wait3A_225 = arith.constant 0 : i32
        %dma_wait3A_226 = tpu.memref_slice %arg4[%add3A_224, %dma_wait3A_225] : memref<8192x1024xf32, #tpu.memory_space<hbm>> -> memref<16x1024xf32, #tpu.memory_space<hbm>>
        %dma_wait3A_227 = arith.constant 0 : i32
        %dma_wait3A_228 = tpu.memref_slice %arg4[%add3A_224, %dma_wait3A_227] : memref<8192x1024xf32, #tpu.memory_space<hbm>> -> memref<16x1024xf32, #tpu.memory_space<hbm>>
        tpu.wait_dma2 semaphore(%arg14 : memref<!tpu.dma_semaphore, #tpu.memory_space<semaphore_mem>>) src(%arg6 : memref<16x1024xf32, #tpu.memory_space<vmem>>) dst(%dma_wait3A_228 : memref<16x1024xf32, #tpu.memory_space<hbm>>)
        %add3A_229 = arith.constant 2 : i32
        %add3A_230 = arith.addi %add3A_171, %add3A_229 : i32
        %mul3A_231 = arith.constant 16 : i32
        %mul3A_232 = arith.muli %add3A_230, %mul3A_231 : i32
        %dma_start3A_233 = tpu.memref_slice %arg5[%mul3A_232] : memref<256xi32, #tpu.memory_space<vmem>> -> memref<16xi32, #tpu.memory_space<vmem>>
        %dma_start3A_234 = arith.constant 0 : i32
        %dma_start3A_235 = arith.constant 0 : i32
        %dma_start3A_236 = tpu.memref_slice %arg2[%dma_start3A_234, %dma_start3A_235] : memref<100000x1024xf32, #tpu.memory_space<hbm>> -> memref<100000x1024xf32, #tpu.memory_space<hbm>>
        tpu.enqueue_indirect_dma source(%dma_start3A_236 : memref<100000x1024xf32, #tpu.memory_space<hbm>>) target(%arg6 : memref<16x1024xf32, #tpu.memory_space<vmem>>) offsets(%dma_start3A_233 : memref<16xi32, #tpu.memory_space<vmem>>) semaphore(%arg10 : memref<!tpu.dma_semaphore, #tpu.memory_space<semaphore_mem>>)
      } else {
      }
      %parallel_loop3A_183 = arith.constant 0 : i32
      %parallel_loop3A_184 = arith.constant 16 : i32
      %parallel_loop3A_185 = arith.constant 1 : i32
      scf.for %parallel_loop3A_218 = %parallel_loop3A_183 to %parallel_loop3A_184 step %parallel_loop3A_185  : i32 {
        %parallel_loop3A_219 = arith.index_cast %parallel_loop3A_218 : i32 to index
        %parallel_loop3A_220 = arith.constant 0 : index
        %parallel_loop3A_221 = tpu.vector_load %arg8[%parallel_loop3A_219, %parallel_loop3A_220] {strides = array<i32>} : memref<16x1024xf32, #tpu.memory_space<vmem>>, vector<1x16xf32>,
        %parallel_loop3A_222 = vector.shape_cast %parallel_loop3A_221 : vector<1x16xf32> to vector<16xf32>
        %parallel_loop3A_223 = arith.constant 3.200000e+01 : f32
        %parallel_loop3A_224 = vector.broadcast %parallel_loop3A_223 : f32 to vector<16xf32>
        %parallel_loop3A_225 = arith.mulf %parallel_loop3A_222, %parallel_loop3A_224 : vector<16xf32>
        %parallel_loop3A_226 = arith.index_cast %parallel_loop3A_218 : i32 to index
        %parallel_loop3A_227 = arith.constant 0 : index
        %parallel_loop3A_228 = tpu.vector_load %arg8[%parallel_loop3A_226, %parallel_loop3A_227] {strides = array<i32>} : memref<16x1024xf32, #tpu.memory_space<vmem>>, vector<1x16xf32>,
        %parallel_loop3A_229 = vector.shape_cast %parallel_loop3A_228 : vector<1x16xf32> to vector<16xf32>
        %parallel_loop3A_230 = vector.shape_cast %parallel_loop3A_225 : vector<16xf32> to vector<1x16xf32>
        tpu.vector_store %arg8[%parallel_loop3A_226, %parallel_loop3A_227], %parallel_loop3A_230 {strides = array<i32>} : memref<16x1024xf32, #tpu.memory_space<vmem>>, vector<1x16xf32>,
        %parallel_loop3A_231 = arith.index_cast %parallel_loop3A_218 : i32 to index
        %parallel_loop3A_232 = arith.constant 16 : index
        %parallel_loop3A_233 = tpu.vector_load %arg8[%parallel_loop3A_231, %parallel_loop3A_232] {strides = array<i32>} : memref<16x1024xf32, #tpu.memory_space<vmem>>, vector<1x16xf32>,
        %parallel_loop3A_234 = vector.shape_cast %parallel_loop3A_233 : vector<1x16xf32> to vector<16xf32>
        %parallel_loop3A_235 = arith.constant 3.200000e+01 : f32
        %parallel_loop3A_236 = vector.broadcast %parallel_loop3A_235 : f32 to vector<16xf32>
        %parallel_loop3A_237 = arith.mulf %parallel_loop3A_234, %parallel_loop3A_236 : vector<16xf32>
        %parallel_loop3A_238 = arith.index_cast %parallel_loop3A_218 : i32 to index
        %parallel_loop3A_239 = arith.constant 16 : index
        %parallel_loop3A_240 = tpu.vector_load %arg8[%parallel_loop3A_238, %parallel_loop3A_239] {strides = array<i32>} : memref<16x1024xf32, #tpu.memory_space<vmem>>, vector<1x16xf32>,
        %parallel_loop3A_241 = vector.shape_cast %parallel_loop3A_240 : vector<1x16xf32> to vector<16xf32>
        %parallel_loop3A_242 = vector.shape_cast %parallel_loop3A_237 : vector<16xf32> to vector<1x16xf32>
        tpu.vector_store %arg8[%parallel_loop3A_238, %parallel_loop3A_239], %parallel_loop3A_242 {strides = array<i32>} : memref<16x1024xf32, #tpu.memory_space<vmem>>, vector<1x16xf32>,
        %parallel_loop3A_243 = arith.index_cast %parallel_loop3A_218 : i32 to index
        %parallel_loop3A_244 = arith.constant 32 : index
        %parallel_loop3A_245 = tpu.vector_load %arg8[%parallel_loop3A_243, %parallel_loop3A_244] {strides = array<i32>} : memref<16x1024xf32, #tpu.memory_space<vmem>>, vector<1x16xf32>,
        %parallel_loop3A_246 = vector.shape_cast %parallel_loop3A_245 : vector<1x16xf32> to vector<16xf32>
        %parallel_loop3A_247 = arith.constant 3.200000e+01 : f32
        %parallel_loop3A_248 = vector.broadcast %parallel_loop3A_247 : f32 to vector<16xf32>
        %parallel_loop3A_249 = arith.mulf %parallel_loop3A_246, %parallel_loop3A_248 : vector<16xf32>
        %parallel_loop3A_250 = arith.index_cast %parallel_loop3A_218 : i32 to index
        %parallel_loop3A_251 = arith.constant 32 : index
        %parallel_loop3A_252 = tpu.vector_load %arg8[%parallel_loop3A_250, %parallel_loop3A_251] {strides = array<i32>} : memref<16x1024xf32, #tpu.memory_space<vmem>>, vector<1x16xf32>,
        %parallel_loop3A_253 = vector.shape_cast %parallel_loop3A_252 : vector<1x16xf32> to vector<16xf32>
        %parallel_loop3A_254 = vector.shape_cast %parallel_loop3A_249 : vector<16xf32> to vector<1x16xf32>
        tpu.vector_store %arg8[%parallel_loop3A_250, %parallel_loop3A_251], %parallel_loop3A_254 {strides = array<i32>} : memref<16x1024xf32, #tpu.memory_space<vmem>>, vector<1x16xf32>,
        %parallel_loop3A_255 = arith.index_cast %parallel_loop3A_218 : i32 to index
        %parallel_loop3A_256 = arith.constant 48 : index
        %parallel_loop3A_257 = tpu.vector_load %arg8[%parallel_loop3A_255, %parallel_loop3A_256] {strides = array<i32>} : memref<16x1024xf32, #tpu.memory_space<vmem>>, vector<1x16xf32>,
        %parallel_loop3A_258 = vector.shape_cast %parallel_loop3A_257 : vector<1x16xf32> to vector<16xf32>
        %parallel_loop3A_259 = arith.constant 3.200000e+01 : f32
        %parallel_loop3A_260 = vector.broadcast %parallel_loop3A_259 : f32 to vector<16xf32>
        %parallel_loop3A_261 = arith.mulf %parallel_loop3A_258, %parallel_loop3A_260 : vector<16xf32>
        %parallel_loop3A_262 = arith.index_cast %parallel_loop3A_218 : i32 to index
        %parallel_loop3A_263 = arith.constant 48 : index
        %parallel_loop3A_264 = tpu.vector_load %arg8[%parallel_loop3A_262, %parallel_loop3A_263] {strides = array<i32>} : memref<16x1024xf32, #tpu.memory_space<vmem>>, vector<1x16xf32>,
        %parallel_loop3A_265 = vector.shape_cast %parallel_loop3A_264 : vector<1x16xf32> to vector<16xf32>
        %parallel_loop3A_266 = vector.shape_cast %parallel_loop3A_261 : vector<16xf32> to vector<1x16xf32>
        tpu.vector_store %arg8[%parallel_loop3A_262, %parallel_loop3A_263], %parallel_loop3A_266 {strides = array<i32>} : memref<16x1024xf32, #tpu.memory_space<vmem>>, vector<1x16xf32>,
        %parallel_loop3A_267 = arith.index_cast %parallel_loop3A_218 : i32 to index
        %parallel_loop3A_268 = arith.constant 64 : index
        %parallel_loop3A_269 = tpu.vector_load %arg8[%parallel_loop3A_267, %parallel_loop3A_268] {strides = array<i32>} : memref<16x1024xf32, #tpu.memory_space<vmem>>, vector<1x16xf32>,
        %parallel_loop3A_270 = vector.shape_cast %parallel_loop3A_269 : vector<1x16xf32> to vector<16xf32>
        %parallel_loop3A_271 = arith.constant 3.200000e+01 : f32
        %parallel_loop3A_272 = vector.broadcast %parallel_loop3A_271 : f32 to vector<16xf32>
        %parallel_loop3A_273 = arith.mulf %parallel_loop3A_270, %parallel_loop3A_272 : vector<16xf32>
        %parallel_loop3A_274 = arith.index_cast %parallel_loop3A_218 : i32 to index
        %parallel_loop3A_275 = arith.constant 64 : index
        %parallel_loop3A_276 = tpu.vector_load %arg8[%parallel_loop3A_274, %parallel_loop3A_275] {strides = array<i32>} : memref<16x1024xf32, #tpu.memory_space<vmem>>, vector<1x16xf32>,
        %parallel_loop3A_277 = vector.shape_cast %parallel_loop3A_276 : vector<1x16xf32> to vector<16xf32>
        %parallel_loop3A_278 = vector.shape_cast %parallel_loop3A_273 : vector<16xf32> to vector<1x16xf32>
        tpu.vector_store %arg8[%parallel_loop3A_274, %parallel_loop3A_275], %parallel_loop3A_278 {strides = array<i32>} : memref<16x1024xf32, #tpu.memory_space<vmem>>, vector<1x16xf32>,
        %parallel_loop3A_279 = arith.index_cast %parallel_loop3A_218 : i32 to index
        %parallel_loop3A_280 = arith.constant 80 : index
        %parallel_loop3A_281 = tpu.vector_load %arg8[%parallel_loop3A_279, %parallel_loop3A_280] {strides = array<i32>} : memref<16x1024xf32, #tpu.memory_space<vmem>>, vector<1x16xf32>,
        %parallel_loop3A_282 = vector.shape_cast %parallel_loop3A_281 : vector<1x16xf32> to vector<16xf32>
        %parallel_loop3A_283 = arith.constant 3.200000e+01 : f32
        %parallel_loop3A_284 = vector.broadcast %parallel_loop3A_283 : f32 to vector<16xf32>
        %parallel_loop3A_285 = arith.mulf %parallel_loop3A_282, %parallel_loop3A_284 : vector<16xf32>
        %parallel_loop3A_286 = arith.index_cast %parallel_loop3A_218 : i32 to index
        %parallel_loop3A_287 = arith.constant 80 : index
        %parallel_loop3A_288 = tpu.vector_load %arg8[%parallel_loop3A_286, %parallel_loop3A_287] {strides = array<i32>} : memref<16x1024xf32, #tpu.memory_space<vmem>>, vector<1x16xf32>,
        %parallel_loop3A_289 = vector.shape_cast %parallel_loop3A_288 : vector<1x16xf32> to vector<16xf32>
        %parallel_loop3A_290 = vector.shape_cast %parallel_loop3A_285 : vector<16xf32> to vector<1x16xf32>
        tpu.vector_store %arg8[%parallel_loop3A_286, %parallel_loop3A_287], %parallel_loop3A_290 {strides = array<i32>} : memref<16x1024xf32, #tpu.memory_space<vmem>>, vector<1x16xf32>,
        %parallel_loop3A_291 = arith.index_cast %parallel_loop3A_218 : i32 to index
        %parallel_loop3A_292 = arith.constant 96 : index
        %parallel_loop3A_293 = tpu.vector_load %arg8[%parallel_loop3A_291, %parallel_loop3A_292] {strides = array<i32>} : memref<16x1024xf32, #tpu.memory_space<vmem>>, vector<1x16xf32>,
        %parallel_loop3A_294 = vector.shape_cast %parallel_loop3A_293 : vector<1x16xf32> to vector<16xf32>
        %parallel_loop3A_295 = arith.constant 3.200000e+01 : f32
        %parallel_loop3A_296 = vector.broadcast %parallel_loop3A_295 : f32 to vector<16xf32>
        %parallel_loop3A_297 = arith.mulf %parallel_loop3A_294, %parallel_loop3A_296 : vector<16xf32>
        %parallel_loop3A_298 = arith.index_cast %parallel_loop3A_218 : i32 to index
        %parallel_loop3A_299 = arith.constant 96 : index
        %parallel_loop3A_300 = tpu.vector_load %arg8[%parallel_loop3A_298, %parallel_loop3A_299] {strides = array<i32>} : memref<16x1024xf32, #tpu.memory_space<vmem>>, vector<1x16xf32>,
        %parallel_loop3A_301 = vector.shape_cast %parallel_loop3A_300 : vector<1x16xf32> to vector<16xf32>
        %parallel_loop3A_302 = vector.shape_cast %parallel_loop3A_297 : vector<16xf32> to vector<1x16xf32>
        tpu.vector_store %arg8[%parallel_loop3A_298, %parallel_loop3A_299], %parallel_loop3A_302 {strides = array<i32>} : memref<16x1024xf32, #tpu.memory_space<vmem>>, vector<1x16xf32>,
        %parallel_loop3A_303 = arith.index_cast %parallel_loop3A_218 : i32 to index
        %parallel_loop3A_304 = arith.constant 112 : index
        %parallel_loop3A_305 = tpu.vector_load %arg8[%parallel_loop3A_303, %parallel_loop3A_304] {strides = array<i32>} : memref<16x1024xf32, #tpu.memory_space<vmem>>, vector<1x16xf32>,
        %parallel_loop3A_306 = vector.shape_cast %parallel_loop3A_305 : vector<1x16xf32> to vector<16xf32>
        %parallel_loop3A_307 = arith.constant 3.200000e+01 : f32
        %parallel_loop3A_308 = vector.broadcast %parallel_loop3A_307 : f32 to vector<16xf32>
        %parallel_loop3A_309 = arith.mulf %parallel_loop3A_306, %parallel_loop3A_308 : vector<16xf32>
        %parallel_loop3A_310 = arith.index_cast %parallel_loop3A_218 : i32 to index
        %parallel_loop3A_311 = arith.constant 112 : index
        %parallel_loop3A_312 = tpu.vector_load %arg8[%parallel_loop3A_310, %parallel_loop3A_311] {strides = array<i32>} : memref<16x1024xf32, #tpu.memory_space<vmem>>, vector<1x16xf32>,
        %parallel_loop3A_313 = vector.shape_cast %parallel_loop3A_312 : vector<1x16xf32> to vector<16xf32>
        %parallel_loop3A_314 = vector.shape_cast %parallel_loop3A_309 : vector<16xf32> to vector<1x16xf32>
        tpu.vector_store %arg8[%parallel_loop3A_310, %parallel_loop3A_311], %parallel_loop3A_314 {strides = array<i32>} : memref<16x1024xf32, #tpu.memory_space<vmem>>, vector<1x16xf32>,
        %parallel_loop3A_315 = arith.index_cast %parallel_loop3A_218 : i32 to index
        %parallel_loop3A_316 = arith.constant 128 : index
        %parallel_loop3A_317 = tpu.vector_load %arg8[%parallel_loop3A_315, %parallel_loop3A_316] {strides = array<i32>} : memref<16x1024xf32, #tpu.memory_space<vmem>>, vector<1x16xf32>,
        %parallel_loop3A_318 = vector.shape_cast %parallel_loop3A_317 : vector<1x16xf32> to vector<16xf32>
        %parallel_loop3A_319 = arith.constant 3.200000e+01 : f32
        %parallel_loop3A_320 = vector.broadcast %parallel_loop3A_319 : f32 to vector<16xf32>
        %parallel_loop3A_321 = arith.mulf %parallel_loop3A_318, %parallel_loop3A_320 : vector<16xf32>
        %parallel_loop3A_322 = arith.index_cast %parallel_loop3A_218 : i32 to index
        %parallel_loop3A_323 = arith.constant 128 : index
        %parallel_loop3A_324 = tpu.vector_load %arg8[%parallel_loop3A_322, %parallel_loop3A_323] {strides = array<i32>} : memref<16x1024xf32, #tpu.memory_space<vmem>>, vector<1x16xf32>,
        %parallel_loop3A_325 = vector.shape_cast %parallel_loop3A_324 : vector<1x16xf32> to vector<16xf32>
        %parallel_loop3A_326 = vector.shape_cast %parallel_loop3A_321 : vector<16xf32> to vector<1x16xf32>
        tpu.vector_store %arg8[%parallel_loop3A_322, %parallel_loop3A_323], %parallel_loop3A_326 {strides = array<i32>} : memref<16x1024xf32, #tpu.memory_space<vmem>>, vector<1x16xf32>,
        %parallel_loop3A_327 = arith.index_cast %parallel_loop3A_218 : i32 to index
        %parallel_loop3A_328 = arith.constant 144 : index
        %parallel_loop3A_329 = tpu.vector_load %arg8[%parallel_loop3A_327, %parallel_loop3A_328] {strides = array<i32>} : memref<16x1024xf32, #tpu.memory_space<vmem>>, vector<1x16xf32>,
        %parallel_loop3A_330 = vector.shape_cast %parallel_loop3A_329 : vector<1x16xf32> to vector<16xf32>
        %parallel_loop3A_331 = arith.constant 3.200000e+01 : f32
        %parallel_loop3A_332 = vector.broadcast %parallel_loop3A_331 : f32 to vector<16xf32>
        %parallel_loop3A_333 = arith.mulf %parallel_loop3A_330, %parallel_loop3A_332 : vector<16xf32>
        %parallel_loop3A_334 = arith.index_cast %parallel_loop3A_218 : i32 to index
        %parallel_loop3A_335 = arith.constant 144 : index
        %parallel_loop3A_336 = tpu.vector_load %arg8[%parallel_loop3A_334, %parallel_loop3A_335] {strides = array<i32>} : memref<16x1024xf32, #tpu.memory_space<vmem>>, vector<1x16xf32>,
        %parallel_loop3A_337 = vector.shape_cast %parallel_loop3A_336 : vector<1x16xf32> to vector<16xf32>
        %parallel_loop3A_338 = vector.shape_cast %parallel_loop3A_333 : vector<16xf32> to vector<1x16xf32>
        tpu.vector_store %arg8[%parallel_loop3A_334, %parallel_loop3A_335], %parallel_loop3A_338 {strides = array<i32>} : memref<16x1024xf32, #tpu.memory_space<vmem>>, vector<1x16xf32>,
        %parallel_loop3A_339 = arith.index_cast %parallel_loop3A_218 : i32 to index
        %parallel_loop3A_340 = arith.constant 160 : index
        %parallel_loop3A_341 = tpu.vector_load %arg8[%parallel_loop3A_339, %parallel_loop3A_340] {strides = array<i32>} : memref<16x1024xf32, #tpu.memory_space<vmem>>, vector<1x16xf32>,
        %parallel_loop3A_342 = vector.shape_cast %parallel_loop3A_341 : vector<1x16xf32> to vector<16xf32>
        %parallel_loop3A_343 = arith.constant 3.200000e+01 : f32
        %parallel_loop3A_344 = vector.broadcast %parallel_loop3A_343 : f32 to vector<16xf32>
        %parallel_loop3A_345 = arith.mulf %parallel_loop3A_342, %parallel_loop3A_344 : vector<16xf32>
        %parallel_loop3A_346 = arith.index_cast %parallel_loop3A_218 : i32 to index
        %parallel_loop3A_347 = arith.constant 160 : index
        %parallel_loop3A_348 = tpu.vector_load %arg8[%parallel_loop3A_346, %parallel_loop3A_347] {strides = array<i32>} : memref<16x1024xf32, #tpu.memory_space<vmem>>, vector<1x16xf32>,
        %parallel_loop3A_349 = vector.shape_cast %parallel_loop3A_348 : vector<1x16xf32> to vector<16xf32>
        %parallel_loop3A_350 = vector.shape_cast %parallel_loop3A_345 : vector<16xf32> to vector<1x16xf32>
        tpu.vector_store %arg8[%parallel_loop3A_346, %parallel_loop3A_347], %parallel_loop3A_350 {strides = array<i32>} : memref<16x1024xf32, #tpu.memory_space<vmem>>, vector<1x16xf32>,
        %parallel_loop3A_351 = arith.index_cast %parallel_loop3A_218 : i32 to index
        %parallel_loop3A_352 = arith.constant 176 : index
        %parallel_loop3A_353 = tpu.vector_load %arg8[%parallel_loop3A_351, %parallel_loop3A_352] {strides = array<i32>} : memref<16x1024xf32, #tpu.memory_space<vmem>>, vector<1x16xf32>,
        %parallel_loop3A_354 = vector.shape_cast %parallel_loop3A_353 : vector<1x16xf32> to vector<16xf32>
        %parallel_loop3A_355 = arith.constant 3.200000e+01 : f32
        %parallel_loop3A_356 = vector.broadcast %parallel_loop3A_355 : f32 to vector<16xf32>
        %parallel_loop3A_357 = arith.mulf %parallel_loop3A_354, %parallel_loop3A_356 : vector<16xf32>
        %parallel_loop3A_358 = arith.index_cast %parallel_loop3A_218 : i32 to index
        %parallel_loop3A_359 = arith.constant 176 : index
        %parallel_loop3A_360 = tpu.vector_load %arg8[%parallel_loop3A_358, %parallel_loop3A_359] {strides = array<i32>} : memref<16x1024xf32, #tpu.memory_space<vmem>>, vector<1x16xf32>,
        %parallel_loop3A_361 = vector.shape_cast %parallel_loop3A_360 : vector<1x16xf32> to vector<16xf32>
        %parallel_loop3A_362 = vector.shape_cast %parallel_loop3A_357 : vector<16xf32> to vector<1x16xf32>
        tpu.vector_store %arg8[%parallel_loop3A_358, %parallel_loop3A_359], %parallel_loop3A_362 {strides = array<i32>} : memref<16x1024xf32, #tpu.memory_space<vmem>>, vector<1x16xf32>,
        %parallel_loop3A_363 = arith.index_cast %parallel_loop3A_218 : i32 to index
        %parallel_loop3A_364 = arith.constant 192 : index
        %parallel_loop3A_365 = tpu.vector_load %arg8[%parallel_loop3A_363, %parallel_loop3A_364] {strides = array<i32>} : memref<16x1024xf32, #tpu.memory_space<vmem>>, vector<1x16xf32>,
        %parallel_loop3A_366 = vector.shape_cast %parallel_loop3A_365 : vector<1x16xf32> to vector<16xf32>
        %parallel_loop3A_367 = arith.constant 3.200000e+01 : f32
        %parallel_loop3A_368 = vector.broadcast %parallel_loop3A_367 : f32 to vector<16xf32>
        %parallel_loop3A_369 = arith.mulf %parallel_loop3A_366, %parallel_loop3A_368 : vector<16xf32>
        %parallel_loop3A_370 = arith.index_cast %parallel_loop3A_218 : i32 to index
        %parallel_loop3A_371 = arith.constant 192 : index
        %parallel_loop3A_372 = tpu.vector_load %arg8[%parallel_loop3A_370, %parallel_loop3A_371] {strides = array<i32>} : memref<16x1024xf32, #tpu.memory_space<vmem>>, vector<1x16xf32>,
        %parallel_loop3A_373 = vector.shape_cast %parallel_loop3A_372 : vector<1x16xf32> to vector<16xf32>
        %parallel_loop3A_374 = vector.shape_cast %parallel_loop3A_369 : vector<16xf32> to vector<1x16xf32>
        tpu.vector_store %arg8[%parallel_loop3A_370, %parallel_loop3A_371], %parallel_loop3A_374 {strides = array<i32>} : memref<16x1024xf32, #tpu.memory_space<vmem>>, vector<1x16xf32>,
        %parallel_loop3A_375 = arith.index_cast %parallel_loop3A_218 : i32 to index
        %parallel_loop3A_376 = arith.constant 208 : index
        %parallel_loop3A_377 = tpu.vector_load %arg8[%parallel_loop3A_375, %parallel_loop3A_376] {strides = array<i32>} : memref<16x1024xf32, #tpu.memory_space<vmem>>, vector<1x16xf32>,
        %parallel_loop3A_378 = vector.shape_cast %parallel_loop3A_377 : vector<1x16xf32> to vector<16xf32>
        %parallel_loop3A_379 = arith.constant 3.200000e+01 : f32
        %parallel_loop3A_380 = vector.broadcast %parallel_loop3A_379 : f32 to vector<16xf32>
        %parallel_loop3A_381 = arith.mulf %parallel_loop3A_378, %parallel_loop3A_380 : vector<16xf32>
        %parallel_loop3A_382 = arith.index_cast %parallel_loop3A_218 : i32 to index
        %parallel_loop3A_383 = arith.constant 208 : index
        %parallel_loop3A_384 = tpu.vector_load %arg8[%parallel_loop3A_382, %parallel_loop3A_383] {strides = array<i32>} : memref<16x1024xf32, #tpu.memory_space<vmem>>, vector<1x16xf32>,
        %parallel_loop3A_385 = vector.shape_cast %parallel_loop3A_384 : vector<1x16xf32> to vector<16xf32>
        %parallel_loop3A_386 = vector.shape_cast %parallel_loop3A_381 : vector<16xf32> to vector<1x16xf32>
        tpu.vector_store %arg8[%parallel_loop3A_382, %parallel_loop3A_383], %parallel_loop3A_386 {strides = array<i32>} : memref<16x1024xf32, #tpu.memory_space<vmem>>, vector<1x16xf32>,
        %parallel_loop3A_387 = arith.index_cast %parallel_loop3A_218 : i32 to index
        %parallel_loop3A_388 = arith.constant 224 : index
        %parallel_loop3A_389 = tpu.vector_load %arg8[%parallel_loop3A_387, %parallel_loop3A_388] {strides = array<i32>} : memref<16x1024xf32, #tpu.memory_space<vmem>>, vector<1x16xf32>,
        %parallel_loop3A_390 = vector.shape_cast %parallel_loop3A_389 : vector<1x16xf32> to vector<16xf32>
        %parallel_loop3A_391 = arith.constant 3.200000e+01 : f32
        %parallel_loop3A_392 = vector.broadcast %parallel_loop3A_391 : f32 to vector<16xf32>
        %parallel_loop3A_393 = arith.mulf %parallel_loop3A_390, %parallel_loop3A_392 : vector<16xf32>
        %parallel_loop3A_394 = arith.index_cast %parallel_loop3A_218 : i32 to index
        %parallel_loop3A_395 = arith.constant 224 : index
        %parallel_loop3A_396 = tpu.vector_load %arg8[%parallel_loop3A_394, %parallel_loop3A_395] {strides = array<i32>} : memref<16x1024xf32, #tpu.memory_space<vmem>>, vector<1x16xf32>,
        %parallel_loop3A_397 = vector.shape_cast %parallel_loop3A_396 : vector<1x16xf32> to vector<16xf32>
        %parallel_loop3A_398 = vector.shape_cast %parallel_loop3A_393 : vector<16xf32> to vector<1x16xf32>
        tpu.vector_store %arg8[%parallel_loop3A_394, %parallel_loop3A_395], %parallel_loop3A_398 {strides = array<i32>} : memref<16x1024xf32, #tpu.memory_space<vmem>>, vector<1x16xf32>,
        %parallel_loop3A_399 = arith.index_cast %parallel_loop3A_218 : i32 to index
        %parallel_loop3A_400 = arith.constant 240 : index
        %parallel_loop3A_401 = tpu.vector_load %arg8[%parallel_loop3A_399, %parallel_loop3A_400] {strides = array<i32>} : memref<16x1024xf32, #tpu.memory_space<vmem>>, vector<1x16xf32>,
        %parallel_loop3A_402 = vector.shape_cast %parallel_loop3A_401 : vector<1x16xf32> to vector<16xf32>
        %parallel_loop3A_403 = arith.constant 3.200000e+01 : f32
        %parallel_loop3A_404 = vector.broadcast %parallel_loop3A_403 : f32 to vector<16xf32>
        %parallel_loop3A_405 = arith.mulf %parallel_loop3A_402, %parallel_loop3A_404 : vector<16xf32>
        %parallel_loop3A_406 = arith.index_cast %parallel_loop3A_218 : i32 to index
        %parallel_loop3A_407 = arith.constant 240 : index
        %parallel_loop3A_408 = tpu.vector_load %arg8[%parallel_loop3A_406, %parallel_loop3A_407] {strides = array<i32>} : memref<16x1024xf32, #tpu.memory_space<vmem>>, vector<1x16xf32>,
        %parallel_loop3A_409 = vector.shape_cast %parallel_loop3A_408 : vector<1x16xf32> to vector<16xf32>
        %parallel_loop3A_410 = vector.shape_cast %parallel_loop3A_405 : vector<16xf32> to vector<1x16xf32>
        tpu.vector_store %arg8[%parallel_loop3A_406, %parallel_loop3A_407], %parallel_loop3A_410 {strides = array<i32>} : memref<16x1024xf32, #tpu.memory_space<vmem>>, vector<1x16xf32>,
        %parallel_loop3A_411 = arith.index_cast %parallel_loop3A_218 : i32 to index
        %parallel_loop3A_412 = arith.constant 256 : index
        %parallel_loop3A_413 = tpu.vector_load %arg8[%parallel_loop3A_411, %parallel_loop3A_412] {strides = array<i32>} : memref<16x1024xf32, #tpu.memory_space<vmem>>, vector<1x16xf32>,
        %parallel_loop3A_414 = vector.shape_cast %parallel_loop3A_413 : vector<1x16xf32> to vector<16xf32>
        %parallel_loop3A_415 = arith.constant 3.200000e+01 : f32
        %parallel_loop3A_416 = vector.broadcast %parallel_loop3A_415 : f32 to vector<16xf32>
        %parallel_loop3A_417 = arith.mulf %parallel_loop3A_414, %parallel_loop3A_416 : vector<16xf32>
        %parallel_loop3A_418 = arith.index_cast %parallel_loop3A_218 : i32 to index
        %parallel_loop3A_419 = arith.constant 256 : index
        %parallel_loop3A_420 = tpu.vector_load %arg8[%parallel_loop3A_418, %parallel_loop3A_419] {strides = array<i32>} : memref<16x1024xf32, #tpu.memory_space<vmem>>, vector<1x16xf32>,
        %parallel_loop3A_421 = vector.shape_cast %parallel_loop3A_420 : vector<1x16xf32> to vector<16xf32>
        %parallel_loop3A_422 = vector.shape_cast %parallel_loop3A_417 : vector<16xf32> to vector<1x16xf32>
        tpu.vector_store %arg8[%parallel_loop3A_418, %parallel_loop3A_419], %parallel_loop3A_422 {strides = array<i32>} : memref<16x1024xf32, #tpu.memory_space<vmem>>, vector<1x16xf32>,
        %parallel_loop3A_423 = arith.index_cast %parallel_loop3A_218 : i32 to index
        %parallel_loop3A_424 = arith.constant 272 : index
        %parallel_loop3A_425 = tpu.vector_load %arg8[%parallel_loop3A_423, %parallel_loop3A_424] {strides = array<i32>} : memref<16x1024xf32, #tpu.memory_space<vmem>>, vector<1x16xf32>,
        %parallel_loop3A_426 = vector.shape_cast %parallel_loop3A_425 : vector<1x16xf32> to vector<16xf32>
        %parallel_loop3A_427 = arith.constant 3.200000e+01 : f32
        %parallel_loop3A_428 = vector.broadcast %parallel_loop3A_427 : f32 to vector<16xf32>
        %parallel_loop3A_429 = arith.mulf %parallel_loop3A_426, %parallel_loop3A_428 : vector<16xf32>
        %parallel_loop3A_430 = arith.index_cast %parallel_loop3A_218 : i32 to index
        %parallel_loop3A_431 = arith.constant 272 : index
        %parallel_loop3A_432 = tpu.vector_load %arg8[%parallel_loop3A_430, %parallel_loop3A_431] {strides = array<i32>} : memref<16x1024xf32, #tpu.memory_space<vmem>>, vector<1x16xf32>,
        %parallel_loop3A_433 = vector.shape_cast %parallel_loop3A_432 : vector<1x16xf32> to vector<16xf32>
        %parallel_loop3A_434 = vector.shape_cast %parallel_loop3A_429 : vector<16xf32> to vector<1x16xf32>
        tpu.vector_store %arg8[%parallel_loop3A_430, %parallel_loop3A_431], %parallel_loop3A_434 {strides = array<i32>} : memref<16x1024xf32, #tpu.memory_space<vmem>>, vector<1x16xf32>,
        %parallel_loop3A_435 = arith.index_cast %parallel_loop3A_218 : i32 to index
        %parallel_loop3A_436 = arith.constant 288 : index
        %parallel_loop3A_437 = tpu.vector_load %arg8[%parallel_loop3A_435, %parallel_loop3A_436] {strides = array<i32>} : memref<16x1024xf32, #tpu.memory_space<vmem>>, vector<1x16xf32>,
        %parallel_loop3A_438 = vector.shape_cast %parallel_loop3A_437 : vector<1x16xf32> to vector<16xf32>
        %parallel_loop3A_439 = arith.constant 3.200000e+01 : f32
        %parallel_loop3A_440 = vector.broadcast %parallel_loop3A_439 : f32 to vector<16xf32>
        %parallel_loop3A_441 = arith.mulf %parallel_loop3A_438, %parallel_loop3A_440 : vector<16xf32>
        %parallel_loop3A_442 = arith.index_cast %parallel_loop3A_218 : i32 to index
        %parallel_loop3A_443 = arith.constant 288 : index
        %parallel_loop3A_444 = tpu.vector_load %arg8[%parallel_loop3A_442, %parallel_loop3A_443] {strides = array<i32>} : memref<16x1024xf32, #tpu.memory_space<vmem>>, vector<1x16xf32>,
        %parallel_loop3A_445 = vector.shape_cast %parallel_loop3A_444 : vector<1x16xf32> to vector<16xf32>
        %parallel_loop3A_446 = vector.shape_cast %parallel_loop3A_441 : vector<16xf32> to vector<1x16xf32>
        tpu.vector_store %arg8[%parallel_loop3A_442, %parallel_loop3A_443], %parallel_loop3A_446 {strides = array<i32>} : memref<16x1024xf32, #tpu.memory_space<vmem>>, vector<1x16xf32>,
        %parallel_loop3A_447 = arith.index_cast %parallel_loop3A_218 : i32 to index
        %parallel_loop3A_448 = arith.constant 304 : index
        %parallel_loop3A_449 = tpu.vector_load %arg8[%parallel_loop3A_447, %parallel_loop3A_448] {strides = array<i32>} : memref<16x1024xf32, #tpu.memory_space<vmem>>, vector<1x16xf32>,
        %parallel_loop3A_450 = vector.shape_cast %parallel_loop3A_449 : vector<1x16xf32> to vector<16xf32>
        %parallel_loop3A_451 = arith.constant 3.200000e+01 : f32
        %parallel_loop3A_452 = vector.broadcast %parallel_loop3A_451 : f32 to vector<16xf32>
        %parallel_loop3A_453 = arith.mulf %parallel_loop3A_450, %parallel_loop3A_452 : vector<16xf32>
        %parallel_loop3A_454 = arith.index_cast %parallel_loop3A_218 : i32 to index
        %parallel_loop3A_455 = arith.constant 304 : index
        %parallel_loop3A_456 = tpu.vector_load %arg8[%parallel_loop3A_454, %parallel_loop3A_455] {strides = array<i32>} : memref<16x1024xf32, #tpu.memory_space<vmem>>, vector<1x16xf32>,
        %parallel_loop3A_457 = vector.shape_cast %parallel_loop3A_456 : vector<1x16xf32> to vector<16xf32>
        %parallel_loop3A_458 = vector.shape_cast %parallel_loop3A_453 : vector<16xf32> to vector<1x16xf32>
        tpu.vector_store %arg8[%parallel_loop3A_454, %parallel_loop3A_455], %parallel_loop3A_458 {strides = array<i32>} : memref<16x1024xf32, #tpu.memory_space<vmem>>, vector<1x16xf32>,
        %parallel_loop3A_459 = arith.index_cast %parallel_loop3A_218 : i32 to index
        %parallel_loop3A_460 = arith.constant 320 : index
        %parallel_loop3A_461 = tpu.vector_load %arg8[%parallel_loop3A_459, %parallel_loop3A_460] {strides = array<i32>} : memref<16x1024xf32, #tpu.memory_space<vmem>>, vector<1x16xf32>,
        %parallel_loop3A_462 = vector.shape_cast %parallel_loop3A_461 : vector<1x16xf32> to vector<16xf32>
        %parallel_loop3A_463 = arith.constant 3.200000e+01 : f32
        %parallel_loop3A_464 = vector.broadcast %parallel_loop3A_463 : f32 to vector<16xf32>
        %parallel_loop3A_465 = arith.mulf %parallel_loop3A_462, %parallel_loop3A_464 : vector<16xf32>
        %parallel_loop3A_466 = arith.index_cast %parallel_loop3A_218 : i32 to index
        %parallel_loop3A_467 = arith.constant 320 : index
        %parallel_loop3A_468 = tpu.vector_load %arg8[%parallel_loop3A_466, %parallel_loop3A_467] {strides = array<i32>} : memref<16x1024xf32, #tpu.memory_space<vmem>>, vector<1x16xf32>,
        %parallel_loop3A_469 = vector.shape_cast %parallel_loop3A_468 : vector<1x16xf32> to vector<16xf32>
        %parallel_loop3A_470 = vector.shape_cast %parallel_loop3A_465 : vector<16xf32> to vector<1x16xf32>
        tpu.vector_store %arg8[%parallel_loop3A_466, %parallel_loop3A_467], %parallel_loop3A_470 {strides = array<i32>} : memref<16x1024xf32, #tpu.memory_space<vmem>>, vector<1x16xf32>,
        %parallel_loop3A_471 = arith.index_cast %parallel_loop3A_218 : i32 to index
        %parallel_loop3A_472 = arith.constant 336 : index
        %parallel_loop3A_473 = tpu.vector_load %arg8[%parallel_loop3A_471, %parallel_loop3A_472] {strides = array<i32>} : memref<16x1024xf32, #tpu.memory_space<vmem>>, vector<1x16xf32>,
        %parallel_loop3A_474 = vector.shape_cast %parallel_loop3A_473 : vector<1x16xf32> to vector<16xf32>
        %parallel_loop3A_475 = arith.constant 3.200000e+01 : f32
        %parallel_loop3A_476 = vector.broadcast %parallel_loop3A_475 : f32 to vector<16xf32>
        %parallel_loop3A_477 = arith.mulf %parallel_loop3A_474, %parallel_loop3A_476 : vector<16xf32>
        %parallel_loop3A_478 = arith.index_cast %parallel_loop3A_218 : i32 to index
        %parallel_loop3A_479 = arith.constant 336 : index
        %parallel_loop3A_480 = tpu.vector_load %arg8[%parallel_loop3A_478, %parallel_loop3A_479] {strides = array<i32>} : memref<16x1024xf32, #tpu.memory_space<vmem>>, vector<1x16xf32>,
        %parallel_loop3A_481 = vector.shape_cast %parallel_loop3A_480 : vector<1x16xf32> to vector<16xf32>
        %parallel_loop3A_482 = vector.shape_cast %parallel_loop3A_477 : vector<16xf32> to vector<1x16xf32>
        tpu.vector_store %arg8[%parallel_loop3A_478, %parallel_loop3A_479], %parallel_loop3A_482 {strides = array<i32>} : memref<16x1024xf32, #tpu.memory_space<vmem>>, vector<1x16xf32>,
        %parallel_loop3A_483 = arith.index_cast %parallel_loop3A_218 : i32 to index
        %parallel_loop3A_484 = arith.constant 352 : index
        %parallel_loop3A_485 = tpu.vector_load %arg8[%parallel_loop3A_483, %parallel_loop3A_484] {strides = array<i32>} : memref<16x1024xf32, #tpu.memory_space<vmem>>, vector<1x16xf32>,
        %parallel_loop3A_486 = vector.shape_cast %parallel_loop3A_485 : vector<1x16xf32> to vector<16xf32>
        %parallel_loop3A_487 = arith.constant 3.200000e+01 : f32
        %parallel_loop3A_488 = vector.broadcast %parallel_loop3A_487 : f32 to vector<16xf32>
        %parallel_loop3A_489 = arith.mulf %parallel_loop3A_486, %parallel_loop3A_488 : vector<16xf32>
        %parallel_loop3A_490 = arith.index_cast %parallel_loop3A_218 : i32 to index
        %parallel_loop3A_491 = arith.constant 352 : index
        %parallel_loop3A_492 = tpu.vector_load %arg8[%parallel_loop3A_490, %parallel_loop3A_491] {strides = array<i32>} : memref<16x1024xf32, #tpu.memory_space<vmem>>, vector<1x16xf32>,
        %parallel_loop3A_493 = vector.shape_cast %parallel_loop3A_492 : vector<1x16xf32> to vector<16xf32>
        %parallel_loop3A_494 = vector.shape_cast %parallel_loop3A_489 : vector<16xf32> to vector<1x16xf32>
        tpu.vector_store %arg8[%parallel_loop3A_490, %parallel_loop3A_491], %parallel_loop3A_494 {strides = array<i32>} : memref<16x1024xf32, #tpu.memory_space<vmem>>, vector<1x16xf32>,
        %parallel_loop3A_495 = arith.index_cast %parallel_loop3A_218 : i32 to index
        %parallel_loop3A_496 = arith.constant 368 : index
        %parallel_loop3A_497 = tpu.vector_load %arg8[%parallel_loop3A_495, %parallel_loop3A_496] {strides = array<i32>} : memref<16x1024xf32, #tpu.memory_space<vmem>>, vector<1x16xf32>,
        %parallel_loop3A_498 = vector.shape_cast %parallel_loop3A_497 : vector<1x16xf32> to vector<16xf32>
        %parallel_loop3A_499 = arith.constant 3.200000e+01 : f32
        %parallel_loop3A_500 = vector.broadcast %parallel_loop3A_499 : f32 to vector<16xf32>
        %parallel_loop3A_501 = arith.mulf %parallel_loop3A_498, %parallel_loop3A_500 : vector<16xf32>
        %parallel_loop3A_502 = arith.index_cast %parallel_loop3A_218 : i32 to index
        %parallel_loop3A_503 = arith.constant 368 : index
        %parallel_loop3A_504 = tpu.vector_load %arg8[%parallel_loop3A_502, %parallel_loop3A_503] {strides = array<i32>} : memref<16x1024xf32, #tpu.memory_space<vmem>>, vector<1x16xf32>,
        %parallel_loop3A_505 = vector.shape_cast %parallel_loop3A_504 : vector<1x16xf32> to vector<16xf32>
        %parallel_loop3A_506 = vector.shape_cast %parallel_loop3A_501 : vector<16xf32> to vector<1x16xf32>
        tpu.vector_store %arg8[%parallel_loop3A_502, %parallel_loop3A_503], %parallel_loop3A_506 {strides = array<i32>} : memref<16x1024xf32, #tpu.memory_space<vmem>>, vector<1x16xf32>,
        %parallel_loop3A_507 = arith.index_cast %parallel_loop3A_218 : i32 to index
        %parallel_loop3A_508 = arith.constant 384 : index
        %parallel_loop3A_509 = tpu.vector_load %arg8[%parallel_loop3A_507, %parallel_loop3A_508] {strides = array<i32>} : memref<16x1024xf32, #tpu.memory_space<vmem>>, vector<1x16xf32>,
        %parallel_loop3A_510 = vector.shape_cast %parallel_loop3A_509 : vector<1x16xf32> to vector<16xf32>
        %parallel_loop3A_511 = arith.constant 3.200000e+01 : f32
        %parallel_loop3A_512 = vector.broadcast %parallel_loop3A_511 : f32 to vector<16xf32>
        %parallel_loop3A_513 = arith.mulf %parallel_loop3A_510, %parallel_loop3A_512 : vector<16xf32>
        %parallel_loop3A_514 = arith.index_cast %parallel_loop3A_218 : i32 to index
        %parallel_loop3A_515 = arith.constant 384 : index
        %parallel_loop3A_516 = tpu.vector_load %arg8[%parallel_loop3A_514, %parallel_loop3A_515] {strides = array<i32>} : memref<16x1024xf32, #tpu.memory_space<vmem>>, vector<1x16xf32>,
        %parallel_loop3A_517 = vector.shape_cast %parallel_loop3A_516 : vector<1x16xf32> to vector<16xf32>
        %parallel_loop3A_518 = vector.shape_cast %parallel_loop3A_513 : vector<16xf32> to vector<1x16xf32>
        tpu.vector_store %arg8[%parallel_loop3A_514, %parallel_loop3A_515], %parallel_loop3A_518 {strides = array<i32>} : memref<16x1024xf32, #tpu.memory_space<vmem>>, vector<1x16xf32>,
        %parallel_loop3A_519 = arith.index_cast %parallel_loop3A_218 : i32 to index
        %parallel_loop3A_520 = arith.constant 400 : index
        %parallel_loop3A_521 = tpu.vector_load %arg8[%parallel_loop3A_519, %parallel_loop3A_520] {strides = array<i32>} : memref<16x1024xf32, #tpu.memory_space<vmem>>, vector<1x16xf32>,
        %parallel_loop3A_522 = vector.shape_cast %parallel_loop3A_521 : vector<1x16xf32> to vector<16xf32>
        %parallel_loop3A_523 = arith.constant 3.200000e+01 : f32
        %parallel_loop3A_524 = vector.broadcast %parallel_loop3A_523 : f32 to vector<16xf32>
        %parallel_loop3A_525 = arith.mulf %parallel_loop3A_522, %parallel_loop3A_524 : vector<16xf32>
        %parallel_loop3A_526 = arith.index_cast %parallel_loop3A_218 : i32 to index
        %parallel_loop3A_527 = arith.constant 400 : index
        %parallel_loop3A_528 = tpu.vector_load %arg8[%parallel_loop3A_526, %parallel_loop3A_527] {strides = array<i32>} : memref<16x1024xf32, #tpu.memory_space<vmem>>, vector<1x16xf32>,
        %parallel_loop3A_529 = vector.shape_cast %parallel_loop3A_528 : vector<1x16xf32> to vector<16xf32>
        %parallel_loop3A_530 = vector.shape_cast %parallel_loop3A_525 : vector<16xf32> to vector<1x16xf32>
        tpu.vector_store %arg8[%parallel_loop3A_526, %parallel_loop3A_527], %parallel_loop3A_530 {strides = array<i32>} : memref<16x1024xf32, #tpu.memory_space<vmem>>, vector<1x16xf32>,
        %parallel_loop3A_531 = arith.index_cast %parallel_loop3A_218 : i32 to index
        %parallel_loop3A_532 = arith.constant 416 : index
        %parallel_loop3A_533 = tpu.vector_load %arg8[%parallel_loop3A_531, %parallel_loop3A_532] {strides = array<i32>} : memref<16x1024xf32, #tpu.memory_space<vmem>>, vector<1x16xf32>,
        %parallel_loop3A_534 = vector.shape_cast %parallel_loop3A_533 : vector<1x16xf32> to vector<16xf32>
        %parallel_loop3A_535 = arith.constant 3.200000e+01 : f32
        %parallel_loop3A_536 = vector.broadcast %parallel_loop3A_535 : f32 to vector<16xf32>
        %parallel_loop3A_537 = arith.mulf %parallel_loop3A_534, %parallel_loop3A_536 : vector<16xf32>
        %parallel_loop3A_538 = arith.index_cast %parallel_loop3A_218 : i32 to index
        %parallel_loop3A_539 = arith.constant 416 : index
        %parallel_loop3A_540 = tpu.vector_load %arg8[%parallel_loop3A_538, %parallel_loop3A_539] {strides = array<i32>} : memref<16x1024xf32, #tpu.memory_space<vmem>>, vector<1x16xf32>,
        %parallel_loop3A_541 = vector.shape_cast %parallel_loop3A_540 : vector<1x16xf32> to vector<16xf32>
        %parallel_loop3A_542 = vector.shape_cast %parallel_loop3A_537 : vector<16xf32> to vector<1x16xf32>
        tpu.vector_store %arg8[%parallel_loop3A_538, %parallel_loop3A_539], %parallel_loop3A_542 {strides = array<i32>} : memref<16x1024xf32, #tpu.memory_space<vmem>>, vector<1x16xf32>,
        %parallel_loop3A_543 = arith.index_cast %parallel_loop3A_218 : i32 to index
        %parallel_loop3A_544 = arith.constant 432 : index
        %parallel_loop3A_545 = tpu.vector_load %arg8[%parallel_loop3A_543, %parallel_loop3A_544] {strides = array<i32>} : memref<16x1024xf32, #tpu.memory_space<vmem>>, vector<1x16xf32>,
        %parallel_loop3A_546 = vector.shape_cast %parallel_loop3A_545 : vector<1x16xf32> to vector<16xf32>
        %parallel_loop3A_547 = arith.constant 3.200000e+01 : f32
        %parallel_loop3A_548 = vector.broadcast %parallel_loop3A_547 : f32 to vector<16xf32>
        %parallel_loop3A_549 = arith.mulf %parallel_loop3A_546, %parallel_loop3A_548 : vector<16xf32>
        %parallel_loop3A_550 = arith.index_cast %parallel_loop3A_218 : i32 to index
        %parallel_loop3A_551 = arith.constant 432 : index
        %parallel_loop3A_552 = tpu.vector_load %arg8[%parallel_loop3A_550, %parallel_loop3A_551] {strides = array<i32>} : memref<16x1024xf32, #tpu.memory_space<vmem>>, vector<1x16xf32>,
        %parallel_loop3A_553 = vector.shape_cast %parallel_loop3A_552 : vector<1x16xf32> to vector<16xf32>
        %parallel_loop3A_554 = vector.shape_cast %parallel_loop3A_549 : vector<16xf32> to vector<1x16xf32>
        tpu.vector_store %arg8[%parallel_loop3A_550, %parallel_loop3A_551], %parallel_loop3A_554 {strides = array<i32>} : memref<16x1024xf32, #tpu.memory_space<vmem>>, vector<1x16xf32>,
        %parallel_loop3A_555 = arith.index_cast %parallel_loop3A_218 : i32 to index
        %parallel_loop3A_556 = arith.constant 448 : index
        %parallel_loop3A_557 = tpu.vector_load %arg8[%parallel_loop3A_555, %parallel_loop3A_556] {strides = array<i32>} : memref<16x1024xf32, #tpu.memory_space<vmem>>, vector<1x16xf32>,
        %parallel_loop3A_558 = vector.shape_cast %parallel_loop3A_557 : vector<1x16xf32> to vector<16xf32>
        %parallel_loop3A_559 = arith.constant 3.200000e+01 : f32
        %parallel_loop3A_560 = vector.broadcast %parallel_loop3A_559 : f32 to vector<16xf32>
        %parallel_loop3A_561 = arith.mulf %parallel_loop3A_558, %parallel_loop3A_560 : vector<16xf32>
        %parallel_loop3A_562 = arith.index_cast %parallel_loop3A_218 : i32 to index
        %parallel_loop3A_563 = arith.constant 448 : index
        %parallel_loop3A_564 = tpu.vector_load %arg8[%parallel_loop3A_562, %parallel_loop3A_563] {strides = array<i32>} : memref<16x1024xf32, #tpu.memory_space<vmem>>, vector<1x16xf32>,
        %parallel_loop3A_565 = vector.shape_cast %parallel_loop3A_564 : vector<1x16xf32> to vector<16xf32>
        %parallel_loop3A_566 = vector.shape_cast %parallel_loop3A_561 : vector<16xf32> to vector<1x16xf32>
        tpu.vector_store %arg8[%parallel_loop3A_562, %parallel_loop3A_563], %parallel_loop3A_566 {strides = array<i32>} : memref<16x1024xf32, #tpu.memory_space<vmem>>, vector<1x16xf32>,
        %parallel_loop3A_567 = arith.index_cast %parallel_loop3A_218 : i32 to index
        %parallel_loop3A_568 = arith.constant 464 : index
        %parallel_loop3A_569 = tpu.vector_load %arg8[%parallel_loop3A_567, %parallel_loop3A_568] {strides = array<i32>} : memref<16x1024xf32, #tpu.memory_space<vmem>>, vector<1x16xf32>,
        %parallel_loop3A_570 = vector.shape_cast %parallel_loop3A_569 : vector<1x16xf32> to vector<16xf32>
        %parallel_loop3A_571 = arith.constant 3.200000e+01 : f32
        %parallel_loop3A_572 = vector.broadcast %parallel_loop3A_571 : f32 to vector<16xf32>
        %parallel_loop3A_573 = arith.mulf %parallel_loop3A_570, %parallel_loop3A_572 : vector<16xf32>
        %parallel_loop3A_574 = arith.index_cast %parallel_loop3A_218 : i32 to index
        %parallel_loop3A_575 = arith.constant 464 : index
        %parallel_loop3A_576 = tpu.vector_load %arg8[%parallel_loop3A_574, %parallel_loop3A_575] {strides = array<i32>} : memref<16x1024xf32, #tpu.memory_space<vmem>>, vector<1x16xf32>,
        %parallel_loop3A_577 = vector.shape_cast %parallel_loop3A_576 : vector<1x16xf32> to vector<16xf32>
        %parallel_loop3A_578 = vector.shape_cast %parallel_loop3A_573 : vector<16xf32> to vector<1x16xf32>
        tpu.vector_store %arg8[%parallel_loop3A_574, %parallel_loop3A_575], %parallel_loop3A_578 {strides = array<i32>} : memref<16x1024xf32, #tpu.memory_space<vmem>>, vector<1x16xf32>,
        %parallel_loop3A_579 = arith.index_cast %parallel_loop3A_218 : i32 to index
        %parallel_loop3A_580 = arith.constant 480 : index
        %parallel_loop3A_581 = tpu.vector_load %arg8[%parallel_loop3A_579, %parallel_loop3A_580] {strides = array<i32>} : memref<16x1024xf32, #tpu.memory_space<vmem>>, vector<1x16xf32>,
        %parallel_loop3A_582 = vector.shape_cast %parallel_loop3A_581 : vector<1x16xf32> to vector<16xf32>
        %parallel_loop3A_583 = arith.constant 3.200000e+01 : f32
        %parallel_loop3A_584 = vector.broadcast %parallel_loop3A_583 : f32 to vector<16xf32>
        %parallel_loop3A_585 = arith.mulf %parallel_loop3A_582, %parallel_loop3A_584 : vector<16xf32>
        %parallel_loop3A_586 = arith.index_cast %parallel_loop3A_218 : i32 to index
        %parallel_loop3A_587 = arith.constant 480 : index
        %parallel_loop3A_588 = tpu.vector_load %arg8[%parallel_loop3A_586, %parallel_loop3A_587] {strides = array<i32>} : memref<16x1024xf32, #tpu.memory_space<vmem>>, vector<1x16xf32>,
        %parallel_loop3A_589 = vector.shape_cast %parallel_loop3A_588 : vector<1x16xf32> to vector<16xf32>
        %parallel_loop3A_590 = vector.shape_cast %parallel_loop3A_585 : vector<16xf32> to vector<1x16xf32>
        tpu.vector_store %arg8[%parallel_loop3A_586, %parallel_loop3A_587], %parallel_loop3A_590 {strides = array<i32>} : memref<16x1024xf32, #tpu.memory_space<vmem>>, vector<1x16xf32>,
        %parallel_loop3A_591 = arith.index_cast %parallel_loop3A_218 : i32 to index
        %parallel_loop3A_592 = arith.constant 496 : index
        %parallel_loop3A_593 = tpu.vector_load %arg8[%parallel_loop3A_591, %parallel_loop3A_592] {strides = array<i32>} : memref<16x1024xf32, #tpu.memory_space<vmem>>, vector<1x16xf32>,
        %parallel_loop3A_594 = vector.shape_cast %parallel_loop3A_593 : vector<1x16xf32> to vector<16xf32>
        %parallel_loop3A_595 = arith.constant 3.200000e+01 : f32
        %parallel_loop3A_596 = vector.broadcast %parallel_loop3A_595 : f32 to vector<16xf32>
        %parallel_loop3A_597 = arith.mulf %parallel_loop3A_594, %parallel_loop3A_596 : vector<16xf32>
        %parallel_loop3A_598 = arith.index_cast %parallel_loop3A_218 : i32 to index
        %parallel_loop3A_599 = arith.constant 496 : index
        %parallel_loop3A_600 = tpu.vector_load %arg8[%parallel_loop3A_598, %parallel_loop3A_599] {strides = array<i32>} : memref<16x1024xf32, #tpu.memory_space<vmem>>, vector<1x16xf32>,
        %parallel_loop3A_601 = vector.shape_cast %parallel_loop3A_600 : vector<1x16xf32> to vector<16xf32>
        %parallel_loop3A_602 = vector.shape_cast %parallel_loop3A_597 : vector<16xf32> to vector<1x16xf32>
        tpu.vector_store %arg8[%parallel_loop3A_598, %parallel_loop3A_599], %parallel_loop3A_602 {strides = array<i32>} : memref<16x1024xf32, #tpu.memory_space<vmem>>, vector<1x16xf32>,
        %parallel_loop3A_603 = arith.index_cast %parallel_loop3A_218 : i32 to index
        %parallel_loop3A_604 = arith.constant 512 : index
        %parallel_loop3A_605 = tpu.vector_load %arg8[%parallel_loop3A_603, %parallel_loop3A_604] {strides = array<i32>} : memref<16x1024xf32, #tpu.memory_space<vmem>>, vector<1x16xf32>,
        %parallel_loop3A_606 = vector.shape_cast %parallel_loop3A_605 : vector<1x16xf32> to vector<16xf32>
        %parallel_loop3A_607 = arith.constant 3.200000e+01 : f32
        %parallel_loop3A_608 = vector.broadcast %parallel_loop3A_607 : f32 to vector<16xf32>
        %parallel_loop3A_609 = arith.mulf %parallel_loop3A_606, %parallel_loop3A_608 : vector<16xf32>
        %parallel_loop3A_610 = arith.index_cast %parallel_loop3A_218 : i32 to index
        %parallel_loop3A_611 = arith.constant 512 : index
        %parallel_loop3A_612 = tpu.vector_load %arg8[%parallel_loop3A_610, %parallel_loop3A_611] {strides = array<i32>} : memref<16x1024xf32, #tpu.memory_space<vmem>>, vector<1x16xf32>,
        %parallel_loop3A_613 = vector.shape_cast %parallel_loop3A_612 : vector<1x16xf32> to vector<16xf32>
        %parallel_loop3A_614 = vector.shape_cast %parallel_loop3A_609 : vector<16xf32> to vector<1x16xf32>
        tpu.vector_store %arg8[%parallel_loop3A_610, %parallel_loop3A_611], %parallel_loop3A_614 {strides = array<i32>} : memref<16x1024xf32, #tpu.memory_space<vmem>>, vector<1x16xf32>,
        %parallel_loop3A_615 = arith.index_cast %parallel_loop3A_218 : i32 to index
        %parallel_loop3A_616 = arith.constant 528 : index
        %parallel_loop3A_617 = tpu.vector_load %arg8[%parallel_loop3A_615, %parallel_loop3A_616] {strides = array<i32>} : memref<16x1024xf32, #tpu.memory_space<vmem>>, vector<1x16xf32>,
        %parallel_loop3A_618 = vector.shape_cast %parallel_loop3A_617 : vector<1x16xf32> to vector<16xf32>
        %parallel_loop3A_619 = arith.constant 3.200000e+01 : f32
        %parallel_loop3A_620 = vector.broadcast %parallel_loop3A_619 : f32 to vector<16xf32>
        %parallel_loop3A_621 = arith.mulf %parallel_loop3A_618, %parallel_loop3A_620 : vector<16xf32>
        %parallel_loop3A_622 = arith.index_cast %parallel_loop3A_218 : i32 to index
        %parallel_loop3A_623 = arith.constant 528 : index
        %parallel_loop3A_624 = tpu.vector_load %arg8[%parallel_loop3A_622, %parallel_loop3A_623] {strides = array<i32>} : memref<16x1024xf32, #tpu.memory_space<vmem>>, vector<1x16xf32>,
        %parallel_loop3A_625 = vector.shape_cast %parallel_loop3A_624 : vector<1x16xf32> to vector<16xf32>
        %parallel_loop3A_626 = vector.shape_cast %parallel_loop3A_621 : vector<16xf32> to vector<1x16xf32>
        tpu.vector_store %arg8[%parallel_loop3A_622, %parallel_loop3A_623], %parallel_loop3A_626 {strides = array<i32>} : memref<16x1024xf32, #tpu.memory_space<vmem>>, vector<1x16xf32>,
        %parallel_loop3A_627 = arith.index_cast %parallel_loop3A_218 : i32 to index
        %parallel_loop3A_628 = arith.constant 544 : index
        %parallel_loop3A_629 = tpu.vector_load %arg8[%parallel_loop3A_627, %parallel_loop3A_628] {strides = array<i32>} : memref<16x1024xf32, #tpu.memory_space<vmem>>, vector<1x16xf32>,
        %parallel_loop3A_630 = vector.shape_cast %parallel_loop3A_629 : vector<1x16xf32> to vector<16xf32>
        %parallel_loop3A_631 = arith.constant 3.200000e+01 : f32
        %parallel_loop3A_632 = vector.broadcast %parallel_loop3A_631 : f32 to vector<16xf32>
        %parallel_loop3A_633 = arith.mulf %parallel_loop3A_630, %parallel_loop3A_632 : vector<16xf32>
        %parallel_loop3A_634 = arith.index_cast %parallel_loop3A_218 : i32 to index
        %parallel_loop3A_635 = arith.constant 544 : index
        %parallel_loop3A_636 = tpu.vector_load %arg8[%parallel_loop3A_634, %parallel_loop3A_635] {strides = array<i32>} : memref<16x1024xf32, #tpu.memory_space<vmem>>, vector<1x16xf32>,
        %parallel_loop3A_637 = vector.shape_cast %parallel_loop3A_636 : vector<1x16xf32> to vector<16xf32>
        %parallel_loop3A_638 = vector.shape_cast %parallel_loop3A_633 : vector<16xf32> to vector<1x16xf32>
        tpu.vector_store %arg8[%parallel_loop3A_634, %parallel_loop3A_635], %parallel_loop3A_638 {strides = array<i32>} : memref<16x1024xf32, #tpu.memory_space<vmem>>, vector<1x16xf32>,
        %parallel_loop3A_639 = arith.index_cast %parallel_loop3A_218 : i32 to index
        %parallel_loop3A_640 = arith.constant 560 : index
        %parallel_loop3A_641 = tpu.vector_load %arg8[%parallel_loop3A_639, %parallel_loop3A_640] {strides = array<i32>} : memref<16x1024xf32, #tpu.memory_space<vmem>>, vector<1x16xf32>,
        %parallel_loop3A_642 = vector.shape_cast %parallel_loop3A_641 : vector<1x16xf32> to vector<16xf32>
        %parallel_loop3A_643 = arith.constant 3.200000e+01 : f32
        %parallel_loop3A_644 = vector.broadcast %parallel_loop3A_643 : f32 to vector<16xf32>
        %parallel_loop3A_645 = arith.mulf %parallel_loop3A_642, %parallel_loop3A_644 : vector<16xf32>
        %parallel_loop3A_646 = arith.index_cast %parallel_loop3A_218 : i32 to index
        %parallel_loop3A_647 = arith.constant 560 : index
        %parallel_loop3A_648 = tpu.vector_load %arg8[%parallel_loop3A_646, %parallel_loop3A_647] {strides = array<i32>} : memref<16x1024xf32, #tpu.memory_space<vmem>>, vector<1x16xf32>,
        %parallel_loop3A_649 = vector.shape_cast %parallel_loop3A_648 : vector<1x16xf32> to vector<16xf32>
        %parallel_loop3A_650 = vector.shape_cast %parallel_loop3A_645 : vector<16xf32> to vector<1x16xf32>
        tpu.vector_store %arg8[%parallel_loop3A_646, %parallel_loop3A_647], %parallel_loop3A_650 {strides = array<i32>} : memref<16x1024xf32, #tpu.memory_space<vmem>>, vector<1x16xf32>,
        %parallel_loop3A_651 = arith.index_cast %parallel_loop3A_218 : i32 to index
        %parallel_loop3A_652 = arith.constant 576 : index
        %parallel_loop3A_653 = tpu.vector_load %arg8[%parallel_loop3A_651, %parallel_loop3A_652] {strides = array<i32>} : memref<16x1024xf32, #tpu.memory_space<vmem>>, vector<1x16xf32>,
        %parallel_loop3A_654 = vector.shape_cast %parallel_loop3A_653 : vector<1x16xf32> to vector<16xf32>
        %parallel_loop3A_655 = arith.constant 3.200000e+01 : f32
        %parallel_loop3A_656 = vector.broadcast %parallel_loop3A_655 : f32 to vector<16xf32>
        %parallel_loop3A_657 = arith.mulf %parallel_loop3A_654, %parallel_loop3A_656 : vector<16xf32>
        %parallel_loop3A_658 = arith.index_cast %parallel_loop3A_218 : i32 to index
        %parallel_loop3A_659 = arith.constant 576 : index
        %parallel_loop3A_660 = tpu.vector_load %arg8[%parallel_loop3A_658, %parallel_loop3A_659] {strides = array<i32>} : memref<16x1024xf32, #tpu.memory_space<vmem>>, vector<1x16xf32>,
        %parallel_loop3A_661 = vector.shape_cast %parallel_loop3A_660 : vector<1x16xf32> to vector<16xf32>
        %parallel_loop3A_662 = vector.shape_cast %parallel_loop3A_657 : vector<16xf32> to vector<1x16xf32>
        tpu.vector_store %arg8[%parallel_loop3A_658, %parallel_loop3A_659], %parallel_loop3A_662 {strides = array<i32>} : memref<16x1024xf32, #tpu.memory_space<vmem>>, vector<1x16xf32>,
        %parallel_loop3A_663 = arith.index_cast %parallel_loop3A_218 : i32 to index
        %parallel_loop3A_664 = arith.constant 592 : index
        %parallel_loop3A_665 = tpu.vector_load %arg8[%parallel_loop3A_663, %parallel_loop3A_664] {strides = array<i32>} : memref<16x1024xf32, #tpu.memory_space<vmem>>, vector<1x16xf32>,
        %parallel_loop3A_666 = vector.shape_cast %parallel_loop3A_665 : vector<1x16xf32> to vector<16xf32>
        %parallel_loop3A_667 = arith.constant 3.200000e+01 : f32
        %parallel_loop3A_668 = vector.broadcast %parallel_loop3A_667 : f32 to vector<16xf32>
        %parallel_loop3A_669 = arith.mulf %parallel_loop3A_666, %parallel_loop3A_668 : vector<16xf32>
        %parallel_loop3A_670 = arith.index_cast %parallel_loop3A_218 : i32 to index
        %parallel_loop3A_671 = arith.constant 592 : index
        %parallel_loop3A_672 = tpu.vector_load %arg8[%parallel_loop3A_670, %parallel_loop3A_671] {strides = array<i32>} : memref<16x1024xf32, #tpu.memory_space<vmem>>, vector<1x16xf32>,
        %parallel_loop3A_673 = vector.shape_cast %parallel_loop3A_672 : vector<1x16xf32> to vector<16xf32>
        %parallel_loop3A_674 = vector.shape_cast %parallel_loop3A_669 : vector<16xf32> to vector<1x16xf32>
        tpu.vector_store %arg8[%parallel_loop3A_670, %parallel_loop3A_671], %parallel_loop3A_674 {strides = array<i32>} : memref<16x1024xf32, #tpu.memory_space<vmem>>, vector<1x16xf32>,
        %parallel_loop3A_675 = arith.index_cast %parallel_loop3A_218 : i32 to index
        %parallel_loop3A_676 = arith.constant 608 : index
        %parallel_loop3A_677 = tpu.vector_load %arg8[%parallel_loop3A_675, %parallel_loop3A_676] {strides = array<i32>} : memref<16x1024xf32, #tpu.memory_space<vmem>>, vector<1x16xf32>,
        %parallel_loop3A_678 = vector.shape_cast %parallel_loop3A_677 : vector<1x16xf32> to vector<16xf32>
        %parallel_loop3A_679 = arith.constant 3.200000e+01 : f32
        %parallel_loop3A_680 = vector.broadcast %parallel_loop3A_679 : f32 to vector<16xf32>
        %parallel_loop3A_681 = arith.mulf %parallel_loop3A_678, %parallel_loop3A_680 : vector<16xf32>
        %parallel_loop3A_682 = arith.index_cast %parallel_loop3A_218 : i32 to index
        %parallel_loop3A_683 = arith.constant 608 : index
        %parallel_loop3A_684 = tpu.vector_load %arg8[%parallel_loop3A_682, %parallel_loop3A_683] {strides = array<i32>} : memref<16x1024xf32, #tpu.memory_space<vmem>>, vector<1x16xf32>,
        %parallel_loop3A_685 = vector.shape_cast %parallel_loop3A_684 : vector<1x16xf32> to vector<16xf32>
        %parallel_loop3A_686 = vector.shape_cast %parallel_loop3A_681 : vector<16xf32> to vector<1x16xf32>
        tpu.vector_store %arg8[%parallel_loop3A_682, %parallel_loop3A_683], %parallel_loop3A_686 {strides = array<i32>} : memref<16x1024xf32, #tpu.memory_space<vmem>>, vector<1x16xf32>,
        %parallel_loop3A_687 = arith.index_cast %parallel_loop3A_218 : i32 to index
        %parallel_loop3A_688 = arith.constant 624 : index
        %parallel_loop3A_689 = tpu.vector_load %arg8[%parallel_loop3A_687, %parallel_loop3A_688] {strides = array<i32>} : memref<16x1024xf32, #tpu.memory_space<vmem>>, vector<1x16xf32>,
        %parallel_loop3A_690 = vector.shape_cast %parallel_loop3A_689 : vector<1x16xf32> to vector<16xf32>
        %parallel_loop3A_691 = arith.constant 3.200000e+01 : f32
        %parallel_loop3A_692 = vector.broadcast %parallel_loop3A_691 : f32 to vector<16xf32>
        %parallel_loop3A_693 = arith.mulf %parallel_loop3A_690, %parallel_loop3A_692 : vector<16xf32>
        %parallel_loop3A_694 = arith.index_cast %parallel_loop3A_218 : i32 to index
        %parallel_loop3A_695 = arith.constant 624 : index
        %parallel_loop3A_696 = tpu.vector_load %arg8[%parallel_loop3A_694, %parallel_loop3A_695] {strides = array<i32>} : memref<16x1024xf32, #tpu.memory_space<vmem>>, vector<1x16xf32>,
        %parallel_loop3A_697 = vector.shape_cast %parallel_loop3A_696 : vector<1x16xf32> to vector<16xf32>
        %parallel_loop3A_698 = vector.shape_cast %parallel_loop3A_693 : vector<16xf32> to vector<1x16xf32>
        tpu.vector_store %arg8[%parallel_loop3A_694, %parallel_loop3A_695], %parallel_loop3A_698 {strides = array<i32>} : memref<16x1024xf32, #tpu.memory_space<vmem>>, vector<1x16xf32>,
        %parallel_loop3A_699 = arith.index_cast %parallel_loop3A_218 : i32 to index
        %parallel_loop3A_700 = arith.constant 640 : index
        %parallel_loop3A_701 = tpu.vector_load %arg8[%parallel_loop3A_699, %parallel_loop3A_700] {strides = array<i32>} : memref<16x1024xf32, #tpu.memory_space<vmem>>, vector<1x16xf32>,
        %parallel_loop3A_702 = vector.shape_cast %parallel_loop3A_701 : vector<1x16xf32> to vector<16xf32>
        %parallel_loop3A_703 = arith.constant 3.200000e+01 : f32
        %parallel_loop3A_704 = vector.broadcast %parallel_loop3A_703 : f32 to vector<16xf32>
        %parallel_loop3A_705 = arith.mulf %parallel_loop3A_702, %parallel_loop3A_704 : vector<16xf32>
        %parallel_loop3A_706 = arith.index_cast %parallel_loop3A_218 : i32 to index
        %parallel_loop3A_707 = arith.constant 640 : index
        %parallel_loop3A_708 = tpu.vector_load %arg8[%parallel_loop3A_706, %parallel_loop3A_707] {strides = array<i32>} : memref<16x1024xf32, #tpu.memory_space<vmem>>, vector<1x16xf32>,
        %parallel_loop3A_709 = vector.shape_cast %parallel_loop3A_708 : vector<1x16xf32> to vector<16xf32>
        %parallel_loop3A_710 = vector.shape_cast %parallel_loop3A_705 : vector<16xf32> to vector<1x16xf32>
        tpu.vector_store %arg8[%parallel_loop3A_706, %parallel_loop3A_707], %parallel_loop3A_710 {strides = array<i32>} : memref<16x1024xf32, #tpu.memory_space<vmem>>, vector<1x16xf32>,
        %parallel_loop3A_711 = arith.index_cast %parallel_loop3A_218 : i32 to index
        %parallel_loop3A_712 = arith.constant 656 : index
        %parallel_loop3A_713 = tpu.vector_load %arg8[%parallel_loop3A_711, %parallel_loop3A_712] {strides = array<i32>} : memref<16x1024xf32, #tpu.memory_space<vmem>>, vector<1x16xf32>,
        %parallel_loop3A_714 = vector.shape_cast %parallel_loop3A_713 : vector<1x16xf32> to vector<16xf32>
        %parallel_loop3A_715 = arith.constant 3.200000e+01 : f32
        %parallel_loop3A_716 = vector.broadcast %parallel_loop3A_715 : f32 to vector<16xf32>
        %parallel_loop3A_717 = arith.mulf %parallel_loop3A_714, %parallel_loop3A_716 : vector<16xf32>
        %parallel_loop3A_718 = arith.index_cast %parallel_loop3A_218 : i32 to index
        %parallel_loop3A_719 = arith.constant 656 : index
        %parallel_loop3A_720 = tpu.vector_load %arg8[%parallel_loop3A_718, %parallel_loop3A_719] {strides = array<i32>} : memref<16x1024xf32, #tpu.memory_space<vmem>>, vector<1x16xf32>,
        %parallel_loop3A_721 = vector.shape_cast %parallel_loop3A_720 : vector<1x16xf32> to vector<16xf32>
        %parallel_loop3A_722 = vector.shape_cast %parallel_loop3A_717 : vector<16xf32> to vector<1x16xf32>
        tpu.vector_store %arg8[%parallel_loop3A_718, %parallel_loop3A_719], %parallel_loop3A_722 {strides = array<i32>} : memref<16x1024xf32, #tpu.memory_space<vmem>>, vector<1x16xf32>,
        %parallel_loop3A_723 = arith.index_cast %parallel_loop3A_218 : i32 to index
        %parallel_loop3A_724 = arith.constant 672 : index
        %parallel_loop3A_725 = tpu.vector_load %arg8[%parallel_loop3A_723, %parallel_loop3A_724] {strides = array<i32>} : memref<16x1024xf32, #tpu.memory_space<vmem>>, vector<1x16xf32>,
        %parallel_loop3A_726 = vector.shape_cast %parallel_loop3A_725 : vector<1x16xf32> to vector<16xf32>
        %parallel_loop3A_727 = arith.constant 3.200000e+01 : f32
        %parallel_loop3A_728 = vector.broadcast %parallel_loop3A_727 : f32 to vector<16xf32>
        %parallel_loop3A_729 = arith.mulf %parallel_loop3A_726, %parallel_loop3A_728 : vector<16xf32>
        %parallel_loop3A_730 = arith.index_cast %parallel_loop3A_218 : i32 to index
        %parallel_loop3A_731 = arith.constant 672 : index
        %parallel_loop3A_732 = tpu.vector_load %arg8[%parallel_loop3A_730, %parallel_loop3A_731] {strides = array<i32>} : memref<16x1024xf32, #tpu.memory_space<vmem>>, vector<1x16xf32>,
        %parallel_loop3A_733 = vector.shape_cast %parallel_loop3A_732 : vector<1x16xf32> to vector<16xf32>
        %parallel_loop3A_734 = vector.shape_cast %parallel_loop3A_729 : vector<16xf32> to vector<1x16xf32>
        tpu.vector_store %arg8[%parallel_loop3A_730, %parallel_loop3A_731], %parallel_loop3A_734 {strides = array<i32>} : memref<16x1024xf32, #tpu.memory_space<vmem>>, vector<1x16xf32>,
        %parallel_loop3A_735 = arith.index_cast %parallel_loop3A_218 : i32 to index
        %parallel_loop3A_736 = arith.constant 688 : index
        %parallel_loop3A_737 = tpu.vector_load %arg8[%parallel_loop3A_735, %parallel_loop3A_736] {strides = array<i32>} : memref<16x1024xf32, #tpu.memory_space<vmem>>, vector<1x16xf32>,
        %parallel_loop3A_738 = vector.shape_cast %parallel_loop3A_737 : vector<1x16xf32> to vector<16xf32>
        %parallel_loop3A_739 = arith.constant 3.200000e+01 : f32
        %parallel_loop3A_740 = vector.broadcast %parallel_loop3A_739 : f32 to vector<16xf32>
        %parallel_loop3A_741 = arith.mulf %parallel_loop3A_738, %parallel_loop3A_740 : vector<16xf32>
        %parallel_loop3A_742 = arith.index_cast %parallel_loop3A_218 : i32 to index
        %parallel_loop3A_743 = arith.constant 688 : index
        %parallel_loop3A_744 = tpu.vector_load %arg8[%parallel_loop3A_742, %parallel_loop3A_743] {strides = array<i32>} : memref<16x1024xf32, #tpu.memory_space<vmem>>, vector<1x16xf32>,
        %parallel_loop3A_745 = vector.shape_cast %parallel_loop3A_744 : vector<1x16xf32> to vector<16xf32>
        %parallel_loop3A_746 = vector.shape_cast %parallel_loop3A_741 : vector<16xf32> to vector<1x16xf32>
        tpu.vector_store %arg8[%parallel_loop3A_742, %parallel_loop3A_743], %parallel_loop3A_746 {strides = array<i32>} : memref<16x1024xf32, #tpu.memory_space<vmem>>, vector<1x16xf32>,
        %parallel_loop3A_747 = arith.index_cast %parallel_loop3A_218 : i32 to index
        %parallel_loop3A_748 = arith.constant 704 : index
        %parallel_loop3A_749 = tpu.vector_load %arg8[%parallel_loop3A_747, %parallel_loop3A_748] {strides = array<i32>} : memref<16x1024xf32, #tpu.memory_space<vmem>>, vector<1x16xf32>,
        %parallel_loop3A_750 = vector.shape_cast %parallel_loop3A_749 : vector<1x16xf32> to vector<16xf32>
        %parallel_loop3A_751 = arith.constant 3.200000e+01 : f32
        %parallel_loop3A_752 = vector.broadcast %parallel_loop3A_751 : f32 to vector<16xf32>
        %parallel_loop3A_753 = arith.mulf %parallel_loop3A_750, %parallel_loop3A_752 : vector<16xf32>
        %parallel_loop3A_754 = arith.index_cast %parallel_loop3A_218 : i32 to index
        %parallel_loop3A_755 = arith.constant 704 : index
        %parallel_loop3A_756 = tpu.vector_load %arg8[%parallel_loop3A_754, %parallel_loop3A_755] {strides = array<i32>} : memref<16x1024xf32, #tpu.memory_space<vmem>>, vector<1x16xf32>,
        %parallel_loop3A_757 = vector.shape_cast %parallel_loop3A_756 : vector<1x16xf32> to vector<16xf32>
        %parallel_loop3A_758 = vector.shape_cast %parallel_loop3A_753 : vector<16xf32> to vector<1x16xf32>
        tpu.vector_store %arg8[%parallel_loop3A_754, %parallel_loop3A_755], %parallel_loop3A_758 {strides = array<i32>} : memref<16x1024xf32, #tpu.memory_space<vmem>>, vector<1x16xf32>,
        %parallel_loop3A_759 = arith.index_cast %parallel_loop3A_218 : i32 to index
        %parallel_loop3A_760 = arith.constant 720 : index
        %parallel_loop3A_761 = tpu.vector_load %arg8[%parallel_loop3A_759, %parallel_loop3A_760] {strides = array<i32>} : memref<16x1024xf32, #tpu.memory_space<vmem>>, vector<1x16xf32>,
        %parallel_loop3A_762 = vector.shape_cast %parallel_loop3A_761 : vector<1x16xf32> to vector<16xf32>
        %parallel_loop3A_763 = arith.constant 3.200000e+01 : f32
        %parallel_loop3A_764 = vector.broadcast %parallel_loop3A_763 : f32 to vector<16xf32>
        %parallel_loop3A_765 = arith.mulf %parallel_loop3A_762, %parallel_loop3A_764 : vector<16xf32>
        %parallel_loop3A_766 = arith.index_cast %parallel_loop3A_218 : i32 to index
        %parallel_loop3A_767 = arith.constant 720 : index
        %parallel_loop3A_768 = tpu.vector_load %arg8[%parallel_loop3A_766, %parallel_loop3A_767] {strides = array<i32>} : memref<16x1024xf32, #tpu.memory_space<vmem>>, vector<1x16xf32>,
        %parallel_loop3A_769 = vector.shape_cast %parallel_loop3A_768 : vector<1x16xf32> to vector<16xf32>
        %parallel_loop3A_770 = vector.shape_cast %parallel_loop3A_765 : vector<16xf32> to vector<1x16xf32>
        tpu.vector_store %arg8[%parallel_loop3A_766, %parallel_loop3A_767], %parallel_loop3A_770 {strides = array<i32>} : memref<16x1024xf32, #tpu.memory_space<vmem>>, vector<1x16xf32>,
        %parallel_loop3A_771 = arith.index_cast %parallel_loop3A_218 : i32 to index
        %parallel_loop3A_772 = arith.constant 736 : index
        %parallel_loop3A_773 = tpu.vector_load %arg8[%parallel_loop3A_771, %parallel_loop3A_772] {strides = array<i32>} : memref<16x1024xf32, #tpu.memory_space<vmem>>, vector<1x16xf32>,
        %parallel_loop3A_774 = vector.shape_cast %parallel_loop3A_773 : vector<1x16xf32> to vector<16xf32>
        %parallel_loop3A_775 = arith.constant 3.200000e+01 : f32
        %parallel_loop3A_776 = vector.broadcast %parallel_loop3A_775 : f32 to vector<16xf32>
        %parallel_loop3A_777 = arith.mulf %parallel_loop3A_774, %parallel_loop3A_776 : vector<16xf32>
        %parallel_loop3A_778 = arith.index_cast %parallel_loop3A_218 : i32 to index
        %parallel_loop3A_779 = arith.constant 736 : index
        %parallel_loop3A_780 = tpu.vector_load %arg8[%parallel_loop3A_778, %parallel_loop3A_779] {strides = array<i32>} : memref<16x1024xf32, #tpu.memory_space<vmem>>, vector<1x16xf32>,
        %parallel_loop3A_781 = vector.shape_cast %parallel_loop3A_780 : vector<1x16xf32> to vector<16xf32>
        %parallel_loop3A_782 = vector.shape_cast %parallel_loop3A_777 : vector<16xf32> to vector<1x16xf32>
        tpu.vector_store %arg8[%parallel_loop3A_778, %parallel_loop3A_779], %parallel_loop3A_782 {strides = array<i32>} : memref<16x1024xf32, #tpu.memory_space<vmem>>, vector<1x16xf32>,
        %parallel_loop3A_783 = arith.index_cast %parallel_loop3A_218 : i32 to index
        %parallel_loop3A_784 = arith.constant 752 : index
        %parallel_loop3A_785 = tpu.vector_load %arg8[%parallel_loop3A_783, %parallel_loop3A_784] {strides = array<i32>} : memref<16x1024xf32, #tpu.memory_space<vmem>>, vector<1x16xf32>,
        %parallel_loop3A_786 = vector.shape_cast %parallel_loop3A_785 : vector<1x16xf32> to vector<16xf32>
        %parallel_loop3A_787 = arith.constant 3.200000e+01 : f32
        %parallel_loop3A_788 = vector.broadcast %parallel_loop3A_787 : f32 to vector<16xf32>
        %parallel_loop3A_789 = arith.mulf %parallel_loop3A_786, %parallel_loop3A_788 : vector<16xf32>
        %parallel_loop3A_790 = arith.index_cast %parallel_loop3A_218 : i32 to index
        %parallel_loop3A_791 = arith.constant 752 : index
        %parallel_loop3A_792 = tpu.vector_load %arg8[%parallel_loop3A_790, %parallel_loop3A_791] {strides = array<i32>} : memref<16x1024xf32, #tpu.memory_space<vmem>>, vector<1x16xf32>,
        %parallel_loop3A_793 = vector.shape_cast %parallel_loop3A_792 : vector<1x16xf32> to vector<16xf32>
        %parallel_loop3A_794 = vector.shape_cast %parallel_loop3A_789 : vector<16xf32> to vector<1x16xf32>
        tpu.vector_store %arg8[%parallel_loop3A_790, %parallel_loop3A_791], %parallel_loop3A_794 {strides = array<i32>} : memref<16x1024xf32, #tpu.memory_space<vmem>>, vector<1x16xf32>,
        %parallel_loop3A_795 = arith.index_cast %parallel_loop3A_218 : i32 to index
        %parallel_loop3A_796 = arith.constant 768 : index
        %parallel_loop3A_797 = tpu.vector_load %arg8[%parallel_loop3A_795, %parallel_loop3A_796] {strides = array<i32>} : memref<16x1024xf32, #tpu.memory_space<vmem>>, vector<1x16xf32>,
        %parallel_loop3A_798 = vector.shape_cast %parallel_loop3A_797 : vector<1x16xf32> to vector<16xf32>
        %parallel_loop3A_799 = arith.constant 3.200000e+01 : f32
        %parallel_loop3A_800 = vector.broadcast %parallel_loop3A_799 : f32 to vector<16xf32>
        %parallel_loop3A_801 = arith.mulf %parallel_loop3A_798, %parallel_loop3A_800 : vector<16xf32>
        %parallel_loop3A_802 = arith.index_cast %parallel_loop3A_218 : i32 to index
        %parallel_loop3A_803 = arith.constant 768 : index
        %parallel_loop3A_804 = tpu.vector_load %arg8[%parallel_loop3A_802, %parallel_loop3A_803] {strides = array<i32>} : memref<16x1024xf32, #tpu.memory_space<vmem>>, vector<1x16xf32>,
        %parallel_loop3A_805 = vector.shape_cast %parallel_loop3A_804 : vector<1x16xf32> to vector<16xf32>
        %parallel_loop3A_806 = vector.shape_cast %parallel_loop3A_801 : vector<16xf32> to vector<1x16xf32>
        tpu.vector_store %arg8[%parallel_loop3A_802, %parallel_loop3A_803], %parallel_loop3A_806 {strides = array<i32>} : memref<16x1024xf32, #tpu.memory_space<vmem>>, vector<1x16xf32>,
        %parallel_loop3A_807 = arith.index_cast %parallel_loop3A_218 : i32 to index
        %parallel_loop3A_808 = arith.constant 784 : index
        %parallel_loop3A_809 = tpu.vector_load %arg8[%parallel_loop3A_807, %parallel_loop3A_808] {strides = array<i32>} : memref<16x1024xf32, #tpu.memory_space<vmem>>, vector<1x16xf32>,
        %parallel_loop3A_810 = vector.shape_cast %parallel_loop3A_809 : vector<1x16xf32> to vector<16xf32>
        %parallel_loop3A_811 = arith.constant 3.200000e+01 : f32
        %parallel_loop3A_812 = vector.broadcast %parallel_loop3A_811 : f32 to vector<16xf32>
        %parallel_loop3A_813 = arith.mulf %parallel_loop3A_810, %parallel_loop3A_812 : vector<16xf32>
        %parallel_loop3A_814 = arith.index_cast %parallel_loop3A_218 : i32 to index
        %parallel_loop3A_815 = arith.constant 784 : index
        %parallel_loop3A_816 = tpu.vector_load %arg8[%parallel_loop3A_814, %parallel_loop3A_815] {strides = array<i32>} : memref<16x1024xf32, #tpu.memory_space<vmem>>, vector<1x16xf32>,
        %parallel_loop3A_817 = vector.shape_cast %parallel_loop3A_816 : vector<1x16xf32> to vector<16xf32>
        %parallel_loop3A_818 = vector.shape_cast %parallel_loop3A_813 : vector<16xf32> to vector<1x16xf32>
        tpu.vector_store %arg8[%parallel_loop3A_814, %parallel_loop3A_815], %parallel_loop3A_818 {strides = array<i32>} : memref<16x1024xf32, #tpu.memory_space<vmem>>, vector<1x16xf32>,
        %parallel_loop3A_819 = arith.index_cast %parallel_loop3A_218 : i32 to index
        %parallel_loop3A_820 = arith.constant 800 : index
        %parallel_loop3A_821 = tpu.vector_load %arg8[%parallel_loop3A_819, %parallel_loop3A_820] {strides = array<i32>} : memref<16x1024xf32, #tpu.memory_space<vmem>>, vector<1x16xf32>,
        %parallel_loop3A_822 = vector.shape_cast %parallel_loop3A_821 : vector<1x16xf32> to vector<16xf32>
        %parallel_loop3A_823 = arith.constant 3.200000e+01 : f32
        %parallel_loop3A_824 = vector.broadcast %parallel_loop3A_823 : f32 to vector<16xf32>
        %parallel_loop3A_825 = arith.mulf %parallel_loop3A_822, %parallel_loop3A_824 : vector<16xf32>
        %parallel_loop3A_826 = arith.index_cast %parallel_loop3A_218 : i32 to index
        %parallel_loop3A_827 = arith.constant 800 : index
        %parallel_loop3A_828 = tpu.vector_load %arg8[%parallel_loop3A_826, %parallel_loop3A_827] {strides = array<i32>} : memref<16x1024xf32, #tpu.memory_space<vmem>>, vector<1x16xf32>,
        %parallel_loop3A_829 = vector.shape_cast %parallel_loop3A_828 : vector<1x16xf32> to vector<16xf32>
        %parallel_loop3A_830 = vector.shape_cast %parallel_loop3A_825 : vector<16xf32> to vector<1x16xf32>
        tpu.vector_store %arg8[%parallel_loop3A_826, %parallel_loop3A_827], %parallel_loop3A_830 {strides = array<i32>} : memref<16x1024xf32, #tpu.memory_space<vmem>>, vector<1x16xf32>,
        %parallel_loop3A_831 = arith.index_cast %parallel_loop3A_218 : i32 to index
        %parallel_loop3A_832 = arith.constant 816 : index
        %parallel_loop3A_833 = tpu.vector_load %arg8[%parallel_loop3A_831, %parallel_loop3A_832] {strides = array<i32>} : memref<16x1024xf32, #tpu.memory_space<vmem>>, vector<1x16xf32>,
        %parallel_loop3A_834 = vector.shape_cast %parallel_loop3A_833 : vector<1x16xf32> to vector<16xf32>
        %parallel_loop3A_835 = arith.constant 3.200000e+01 : f32
        %parallel_loop3A_836 = vector.broadcast %parallel_loop3A_835 : f32 to vector<16xf32>
        %parallel_loop3A_837 = arith.mulf %parallel_loop3A_834, %parallel_loop3A_836 : vector<16xf32>
        %parallel_loop3A_838 = arith.index_cast %parallel_loop3A_218 : i32 to index
        %parallel_loop3A_839 = arith.constant 816 : index
        %parallel_loop3A_840 = tpu.vector_load %arg8[%parallel_loop3A_838, %parallel_loop3A_839] {strides = array<i32>} : memref<16x1024xf32, #tpu.memory_space<vmem>>, vector<1x16xf32>,
        %parallel_loop3A_841 = vector.shape_cast %parallel_loop3A_840 : vector<1x16xf32> to vector<16xf32>
        %parallel_loop3A_842 = vector.shape_cast %parallel_loop3A_837 : vector<16xf32> to vector<1x16xf32>
        tpu.vector_store %arg8[%parallel_loop3A_838, %parallel_loop3A_839], %parallel_loop3A_842 {strides = array<i32>} : memref<16x1024xf32, #tpu.memory_space<vmem>>, vector<1x16xf32>,
        %parallel_loop3A_843 = arith.index_cast %parallel_loop3A_218 : i32 to index
        %parallel_loop3A_844 = arith.constant 832 : index
        %parallel_loop3A_845 = tpu.vector_load %arg8[%parallel_loop3A_843, %parallel_loop3A_844] {strides = array<i32>} : memref<16x1024xf32, #tpu.memory_space<vmem>>, vector<1x16xf32>,
        %parallel_loop3A_846 = vector.shape_cast %parallel_loop3A_845 : vector<1x16xf32> to vector<16xf32>
        %parallel_loop3A_847 = arith.constant 3.200000e+01 : f32
        %parallel_loop3A_848 = vector.broadcast %parallel_loop3A_847 : f32 to vector<16xf32>
        %parallel_loop3A_849 = arith.mulf %parallel_loop3A_846, %parallel_loop3A_848 : vector<16xf32>
        %parallel_loop3A_850 = arith.index_cast %parallel_loop3A_218 : i32 to index
        %parallel_loop3A_851 = arith.constant 832 : index
        %parallel_loop3A_852 = tpu.vector_load %arg8[%parallel_loop3A_850, %parallel_loop3A_851] {strides = array<i32>} : memref<16x1024xf32, #tpu.memory_space<vmem>>, vector<1x16xf32>,
        %parallel_loop3A_853 = vector.shape_cast %parallel_loop3A_852 : vector<1x16xf32> to vector<16xf32>
        %parallel_loop3A_854 = vector.shape_cast %parallel_loop3A_849 : vector<16xf32> to vector<1x16xf32>
        tpu.vector_store %arg8[%parallel_loop3A_850, %parallel_loop3A_851], %parallel_loop3A_854 {strides = array<i32>} : memref<16x1024xf32, #tpu.memory_space<vmem>>, vector<1x16xf32>,
        %parallel_loop3A_855 = arith.index_cast %parallel_loop3A_218 : i32 to index
        %parallel_loop3A_856 = arith.constant 848 : index
        %parallel_loop3A_857 = tpu.vector_load %arg8[%parallel_loop3A_855, %parallel_loop3A_856] {strides = array<i32>} : memref<16x1024xf32, #tpu.memory_space<vmem>>, vector<1x16xf32>,
        %parallel_loop3A_858 = vector.shape_cast %parallel_loop3A_857 : vector<1x16xf32> to vector<16xf32>
        %parallel_loop3A_859 = arith.constant 3.200000e+01 : f32
        %parallel_loop3A_860 = vector.broadcast %parallel_loop3A_859 : f32 to vector<16xf32>
        %parallel_loop3A_861 = arith.mulf %parallel_loop3A_858, %parallel_loop3A_860 : vector<16xf32>
        %parallel_loop3A_862 = arith.index_cast %parallel_loop3A_218 : i32 to index
        %parallel_loop3A_863 = arith.constant 848 : index
        %parallel_loop3A_864 = tpu.vector_load %arg8[%parallel_loop3A_862, %parallel_loop3A_863] {strides = array<i32>} : memref<16x1024xf32, #tpu.memory_space<vmem>>, vector<1x16xf32>,
        %parallel_loop3A_865 = vector.shape_cast %parallel_loop3A_864 : vector<1x16xf32> to vector<16xf32>
        %parallel_loop3A_866 = vector.shape_cast %parallel_loop3A_861 : vector<16xf32> to vector<1x16xf32>
        tpu.vector_store %arg8[%parallel_loop3A_862, %parallel_loop3A_863], %parallel_loop3A_866 {strides = array<i32>} : memref<16x1024xf32, #tpu.memory_space<vmem>>, vector<1x16xf32>,
        %parallel_loop3A_867 = arith.index_cast %parallel_loop3A_218 : i32 to index
        %parallel_loop3A_868 = arith.constant 864 : index
        %parallel_loop3A_869 = tpu.vector_load %arg8[%parallel_loop3A_867, %parallel_loop3A_868] {strides = array<i32>} : memref<16x1024xf32, #tpu.memory_space<vmem>>, vector<1x16xf32>,
        %parallel_loop3A_870 = vector.shape_cast %parallel_loop3A_869 : vector<1x16xf32> to vector<16xf32>
        %parallel_loop3A_871 = arith.constant 3.200000e+01 : f32
        %parallel_loop3A_872 = vector.broadcast %parallel_loop3A_871 : f32 to vector<16xf32>
        %parallel_loop3A_873 = arith.mulf %parallel_loop3A_870, %parallel_loop3A_872 : vector<16xf32>
        %parallel_loop3A_874 = arith.index_cast %parallel_loop3A_218 : i32 to index
        %parallel_loop3A_875 = arith.constant 864 : index
        %parallel_loop3A_876 = tpu.vector_load %arg8[%parallel_loop3A_874, %parallel_loop3A_875] {strides = array<i32>} : memref<16x1024xf32, #tpu.memory_space<vmem>>, vector<1x16xf32>,
        %parallel_loop3A_877 = vector.shape_cast %parallel_loop3A_876 : vector<1x16xf32> to vector<16xf32>
        %parallel_loop3A_878 = vector.shape_cast %parallel_loop3A_873 : vector<16xf32> to vector<1x16xf32>
        tpu.vector_store %arg8[%parallel_loop3A_874, %parallel_loop3A_875], %parallel_loop3A_878 {strides = array<i32>} : memref<16x1024xf32, #tpu.memory_space<vmem>>, vector<1x16xf32>,
        %parallel_loop3A_879 = arith.index_cast %parallel_loop3A_218 : i32 to index
        %parallel_loop3A_880 = arith.constant 880 : index
        %parallel_loop3A_881 = tpu.vector_load %arg8[%parallel_loop3A_879, %parallel_loop3A_880] {strides = array<i32>} : memref<16x1024xf32, #tpu.memory_space<vmem>>, vector<1x16xf32>,
        %parallel_loop3A_882 = vector.shape_cast %parallel_loop3A_881 : vector<1x16xf32> to vector<16xf32>
        %parallel_loop3A_883 = arith.constant 3.200000e+01 : f32
        %parallel_loop3A_884 = vector.broadcast %parallel_loop3A_883 : f32 to vector<16xf32>
        %parallel_loop3A_885 = arith.mulf %parallel_loop3A_882, %parallel_loop3A_884 : vector<16xf32>
        %parallel_loop3A_886 = arith.index_cast %parallel_loop3A_218 : i32 to index
        %parallel_loop3A_887 = arith.constant 880 : index
        %parallel_loop3A_888 = tpu.vector_load %arg8[%parallel_loop3A_886, %parallel_loop3A_887] {strides = array<i32>} : memref<16x1024xf32, #tpu.memory_space<vmem>>, vector<1x16xf32>,
        %parallel_loop3A_889 = vector.shape_cast %parallel_loop3A_888 : vector<1x16xf32> to vector<16xf32>
        %parallel_loop3A_890 = vector.shape_cast %parallel_loop3A_885 : vector<16xf32> to vector<1x16xf32>
        tpu.vector_store %arg8[%parallel_loop3A_886, %parallel_loop3A_887], %parallel_loop3A_890 {strides = array<i32>} : memref<16x1024xf32, #tpu.memory_space<vmem>>, vector<1x16xf32>,
        %parallel_loop3A_891 = arith.index_cast %parallel_loop3A_218 : i32 to index
        %parallel_loop3A_892 = arith.constant 896 : index
        %parallel_loop3A_893 = tpu.vector_load %arg8[%parallel_loop3A_891, %parallel_loop3A_892] {strides = array<i32>} : memref<16x1024xf32, #tpu.memory_space<vmem>>, vector<1x16xf32>,
        %parallel_loop3A_894 = vector.shape_cast %parallel_loop3A_893 : vector<1x16xf32> to vector<16xf32>
        %parallel_loop3A_895 = arith.constant 3.200000e+01 : f32
        %parallel_loop3A_896 = vector.broadcast %parallel_loop3A_895 : f32 to vector<16xf32>
        %parallel_loop3A_897 = arith.mulf %parallel_loop3A_894, %parallel_loop3A_896 : vector<16xf32>
        %parallel_loop3A_898 = arith.index_cast %parallel_loop3A_218 : i32 to index
        %parallel_loop3A_899 = arith.constant 896 : index
        %parallel_loop3A_900 = tpu.vector_load %arg8[%parallel_loop3A_898, %parallel_loop3A_899] {strides = array<i32>} : memref<16x1024xf32, #tpu.memory_space<vmem>>, vector<1x16xf32>,
        %parallel_loop3A_901 = vector.shape_cast %parallel_loop3A_900 : vector<1x16xf32> to vector<16xf32>
        %parallel_loop3A_902 = vector.shape_cast %parallel_loop3A_897 : vector<16xf32> to vector<1x16xf32>
        tpu.vector_store %arg8[%parallel_loop3A_898, %parallel_loop3A_899], %parallel_loop3A_902 {strides = array<i32>} : memref<16x1024xf32, #tpu.memory_space<vmem>>, vector<1x16xf32>,
        %parallel_loop3A_903 = arith.index_cast %parallel_loop3A_218 : i32 to index
        %parallel_loop3A_904 = arith.constant 912 : index
        %parallel_loop3A_905 = tpu.vector_load %arg8[%parallel_loop3A_903, %parallel_loop3A_904] {strides = array<i32>} : memref<16x1024xf32, #tpu.memory_space<vmem>>, vector<1x16xf32>,
        %parallel_loop3A_906 = vector.shape_cast %parallel_loop3A_905 : vector<1x16xf32> to vector<16xf32>
        %parallel_loop3A_907 = arith.constant 3.200000e+01 : f32
        %parallel_loop3A_908 = vector.broadcast %parallel_loop3A_907 : f32 to vector<16xf32>
        %parallel_loop3A_909 = arith.mulf %parallel_loop3A_906, %parallel_loop3A_908 : vector<16xf32>
        %parallel_loop3A_910 = arith.index_cast %parallel_loop3A_218 : i32 to index
        %parallel_loop3A_911 = arith.constant 912 : index
        %parallel_loop3A_912 = tpu.vector_load %arg8[%parallel_loop3A_910, %parallel_loop3A_911] {strides = array<i32>} : memref<16x1024xf32, #tpu.memory_space<vmem>>, vector<1x16xf32>,
        %parallel_loop3A_913 = vector.shape_cast %parallel_loop3A_912 : vector<1x16xf32> to vector<16xf32>
        %parallel_loop3A_914 = vector.shape_cast %parallel_loop3A_909 : vector<16xf32> to vector<1x16xf32>
        tpu.vector_store %arg8[%parallel_loop3A_910, %parallel_loop3A_911], %parallel_loop3A_914 {strides = array<i32>} : memref<16x1024xf32, #tpu.memory_space<vmem>>, vector<1x16xf32>,
        %parallel_loop3A_915 = arith.index_cast %parallel_loop3A_218 : i32 to index
        %parallel_loop3A_916 = arith.constant 928 : index
        %parallel_loop3A_917 = tpu.vector_load %arg8[%parallel_loop3A_915, %parallel_loop3A_916] {strides = array<i32>} : memref<16x1024xf32, #tpu.memory_space<vmem>>, vector<1x16xf32>,
        %parallel_loop3A_918 = vector.shape_cast %parallel_loop3A_917 : vector<1x16xf32> to vector<16xf32>
        %parallel_loop3A_919 = arith.constant 3.200000e+01 : f32
        %parallel_loop3A_920 = vector.broadcast %parallel_loop3A_919 : f32 to vector<16xf32>
        %parallel_loop3A_921 = arith.mulf %parallel_loop3A_918, %parallel_loop3A_920 : vector<16xf32>
        %parallel_loop3A_922 = arith.index_cast %parallel_loop3A_218 : i32 to index
        %parallel_loop3A_923 = arith.constant 928 : index
        %parallel_loop3A_924 = tpu.vector_load %arg8[%parallel_loop3A_922, %parallel_loop3A_923] {strides = array<i32>} : memref<16x1024xf32, #tpu.memory_space<vmem>>, vector<1x16xf32>,
        %parallel_loop3A_925 = vector.shape_cast %parallel_loop3A_924 : vector<1x16xf32> to vector<16xf32>
        %parallel_loop3A_926 = vector.shape_cast %parallel_loop3A_921 : vector<16xf32> to vector<1x16xf32>
        tpu.vector_store %arg8[%parallel_loop3A_922, %parallel_loop3A_923], %parallel_loop3A_926 {strides = array<i32>} : memref<16x1024xf32, #tpu.memory_space<vmem>>, vector<1x16xf32>,
        %parallel_loop3A_927 = arith.index_cast %parallel_loop3A_218 : i32 to index
        %parallel_loop3A_928 = arith.constant 944 : index
        %parallel_loop3A_929 = tpu.vector_load %arg8[%parallel_loop3A_927, %parallel_loop3A_928] {strides = array<i32>} : memref<16x1024xf32, #tpu.memory_space<vmem>>, vector<1x16xf32>,
        %parallel_loop3A_930 = vector.shape_cast %parallel_loop3A_929 : vector<1x16xf32> to vector<16xf32>
        %parallel_loop3A_931 = arith.constant 3.200000e+01 : f32
        %parallel_loop3A_932 = vector.broadcast %parallel_loop3A_931 : f32 to vector<16xf32>
        %parallel_loop3A_933 = arith.mulf %parallel_loop3A_930, %parallel_loop3A_932 : vector<16xf32>
        %parallel_loop3A_934 = arith.index_cast %parallel_loop3A_218 : i32 to index
        %parallel_loop3A_935 = arith.constant 944 : index
        %parallel_loop3A_936 = tpu.vector_load %arg8[%parallel_loop3A_934, %parallel_loop3A_935] {strides = array<i32>} : memref<16x1024xf32, #tpu.memory_space<vmem>>, vector<1x16xf32>,
        %parallel_loop3A_937 = vector.shape_cast %parallel_loop3A_936 : vector<1x16xf32> to vector<16xf32>
        %parallel_loop3A_938 = vector.shape_cast %parallel_loop3A_933 : vector<16xf32> to vector<1x16xf32>
        tpu.vector_store %arg8[%parallel_loop3A_934, %parallel_loop3A_935], %parallel_loop3A_938 {strides = array<i32>} : memref<16x1024xf32, #tpu.memory_space<vmem>>, vector<1x16xf32>,
        %parallel_loop3A_939 = arith.index_cast %parallel_loop3A_218 : i32 to index
        %parallel_loop3A_940 = arith.constant 960 : index
        %parallel_loop3A_941 = tpu.vector_load %arg8[%parallel_loop3A_939, %parallel_loop3A_940] {strides = array<i32>} : memref<16x1024xf32, #tpu.memory_space<vmem>>, vector<1x16xf32>,
        %parallel_loop3A_942 = vector.shape_cast %parallel_loop3A_941 : vector<1x16xf32> to vector<16xf32>
        %parallel_loop3A_943 = arith.constant 3.200000e+01 : f32
        %parallel_loop3A_944 = vector.broadcast %parallel_loop3A_943 : f32 to vector<16xf32>
        %parallel_loop3A_945 = arith.mulf %parallel_loop3A_942, %parallel_loop3A_944 : vector<16xf32>
        %parallel_loop3A_946 = arith.index_cast %parallel_loop3A_218 : i32 to index
        %parallel_loop3A_947 = arith.constant 960 : index
        %parallel_loop3A_948 = tpu.vector_load %arg8[%parallel_loop3A_946, %parallel_loop3A_947] {strides = array<i32>} : memref<16x1024xf32, #tpu.memory_space<vmem>>, vector<1x16xf32>,
        %parallel_loop3A_949 = vector.shape_cast %parallel_loop3A_948 : vector<1x16xf32> to vector<16xf32>
        %parallel_loop3A_950 = vector.shape_cast %parallel_loop3A_945 : vector<16xf32> to vector<1x16xf32>
        tpu.vector_store %arg8[%parallel_loop3A_946, %parallel_loop3A_947], %parallel_loop3A_950 {strides = array<i32>} : memref<16x1024xf32, #tpu.memory_space<vmem>>, vector<1x16xf32>,
        %parallel_loop3A_951 = arith.index_cast %parallel_loop3A_218 : i32 to index
        %parallel_loop3A_952 = arith.constant 976 : index
        %parallel_loop3A_953 = tpu.vector_load %arg8[%parallel_loop3A_951, %parallel_loop3A_952] {strides = array<i32>} : memref<16x1024xf32, #tpu.memory_space<vmem>>, vector<1x16xf32>,
        %parallel_loop3A_954 = vector.shape_cast %parallel_loop3A_953 : vector<1x16xf32> to vector<16xf32>
        %parallel_loop3A_955 = arith.constant 3.200000e+01 : f32
        %parallel_loop3A_956 = vector.broadcast %parallel_loop3A_955 : f32 to vector<16xf32>
        %parallel_loop3A_957 = arith.mulf %parallel_loop3A_954, %parallel_loop3A_956 : vector<16xf32>
        %parallel_loop3A_958 = arith.index_cast %parallel_loop3A_218 : i32 to index
        %parallel_loop3A_959 = arith.constant 976 : index
        %parallel_loop3A_960 = tpu.vector_load %arg8[%parallel_loop3A_958, %parallel_loop3A_959] {strides = array<i32>} : memref<16x1024xf32, #tpu.memory_space<vmem>>, vector<1x16xf32>,
        %parallel_loop3A_961 = vector.shape_cast %parallel_loop3A_960 : vector<1x16xf32> to vector<16xf32>
        %parallel_loop3A_962 = vector.shape_cast %parallel_loop3A_957 : vector<16xf32> to vector<1x16xf32>
        tpu.vector_store %arg8[%parallel_loop3A_958, %parallel_loop3A_959], %parallel_loop3A_962 {strides = array<i32>} : memref<16x1024xf32, #tpu.memory_space<vmem>>, vector<1x16xf32>,
        %parallel_loop3A_963 = arith.index_cast %parallel_loop3A_218 : i32 to index
        %parallel_loop3A_964 = arith.constant 992 : index
        %parallel_loop3A_965 = tpu.vector_load %arg8[%parallel_loop3A_963, %parallel_loop3A_964] {strides = array<i32>} : memref<16x1024xf32, #tpu.memory_space<vmem>>, vector<1x16xf32>,
        %parallel_loop3A_966 = vector.shape_cast %parallel_loop3A_965 : vector<1x16xf32> to vector<16xf32>
        %parallel_loop3A_967 = arith.constant 3.200000e+01 : f32
        %parallel_loop3A_968 = vector.broadcast %parallel_loop3A_967 : f32 to vector<16xf32>
        %parallel_loop3A_969 = arith.mulf %parallel_loop3A_966, %parallel_loop3A_968 : vector<16xf32>
        %parallel_loop3A_970 = arith.index_cast %parallel_loop3A_218 : i32 to index
        %parallel_loop3A_971 = arith.constant 992 : index
        %parallel_loop3A_972 = tpu.vector_load %arg8[%parallel_loop3A_970, %parallel_loop3A_971] {strides = array<i32>} : memref<16x1024xf32, #tpu.memory_space<vmem>>, vector<1x16xf32>,
        %parallel_loop3A_973 = vector.shape_cast %parallel_loop3A_972 : vector<1x16xf32> to vector<16xf32>
        %parallel_loop3A_974 = vector.shape_cast %parallel_loop3A_969 : vector<16xf32> to vector<1x16xf32>
        tpu.vector_store %arg8[%parallel_loop3A_970, %parallel_loop3A_971], %parallel_loop3A_974 {strides = array<i32>} : memref<16x1024xf32, #tpu.memory_space<vmem>>, vector<1x16xf32>,
        %parallel_loop3A_975 = arith.index_cast %parallel_loop3A_218 : i32 to index
        %parallel_loop3A_976 = arith.constant 1008 : index
        %parallel_loop3A_977 = tpu.vector_load %arg8[%parallel_loop3A_975, %parallel_loop3A_976] {strides = array<i32>} : memref<16x1024xf32, #tpu.memory_space<vmem>>, vector<1x16xf32>,
        %parallel_loop3A_978 = vector.shape_cast %parallel_loop3A_977 : vector<1x16xf32> to vector<16xf32>
        %parallel_loop3A_979 = arith.constant 3.200000e+01 : f32
        %parallel_loop3A_980 = vector.broadcast %parallel_loop3A_979 : f32 to vector<16xf32>
        %parallel_loop3A_981 = arith.mulf %parallel_loop3A_978, %parallel_loop3A_980 : vector<16xf32>
        %parallel_loop3A_982 = arith.index_cast %parallel_loop3A_218 : i32 to index
        %parallel_loop3A_983 = arith.constant 1008 : index
        %parallel_loop3A_984 = tpu.vector_load %arg8[%parallel_loop3A_982, %parallel_loop3A_983] {strides = array<i32>} : memref<16x1024xf32, #tpu.memory_space<vmem>>, vector<1x16xf32>,
        %parallel_loop3A_985 = vector.shape_cast %parallel_loop3A_984 : vector<1x16xf32> to vector<16xf32>
        %parallel_loop3A_986 = vector.shape_cast %parallel_loop3A_981 : vector<16xf32> to vector<1x16xf32>
        tpu.vector_store %arg8[%parallel_loop3A_982, %parallel_loop3A_983], %parallel_loop3A_986 {strides = array<i32>} : memref<16x1024xf32, #tpu.memory_space<vmem>>, vector<1x16xf32>,
      } {sc.loop_unroll_factor = 1 : i64, sc.parallel_access}
      %mul3A_186 = arith.constant 16 : i32
      %mul3A_187 = arith.muli %add3A_171, %mul3A_186 : i32
      %add3A_188 = arith.addi %mul3A_2, %mul3A_187 : i32
      %dma_start3A_189 = arith.constant 0 : i32
      %dma_start3A_190 = tpu.memref_slice %arg4[%add3A_188, %dma_start3A_189] : memref<8192x1024xf32, #tpu.memory_space<hbm>> -> memref<16x1024xf32, #tpu.memory_space<hbm>>
      %dma_start3A_191 = arith.constant 0 : i32
      %dma_start3A_192 = tpu.memref_slice %arg4[%add3A_188, %dma_start3A_191] : memref<8192x1024xf32, #tpu.memory_space<hbm>> -> memref<16x1024xf32, #tpu.memory_space<hbm>>
      tpu.enqueue_dma source(%arg8 : memref<16x1024xf32, #tpu.memory_space<vmem>>) target(%dma_start3A_192 : memref<16x1024xf32, #tpu.memory_space<hbm>>) target_semaphore(%arg16 : memref<!tpu.dma_semaphore, #tpu.memory_space<semaphore_mem>>)
      %mul3A_193 = arith.constant 4 : i32
      %mul3A_194 = arith.muli %scan3A_105, %mul3A_193 : i32
      %add3A_195 = arith.constant 3 : i32
      %add3A_196 = arith.addi %mul3A_194, %add3A_195 : i32
      %mul3A_197 = arith.constant 16 : i32
      %mul3A_198 = arith.muli %add3A_196, %mul3A_197 : i32
      %dma_wait3A_199 = tpu.memref_slice %arg5[%mul3A_198] : memref<256xi32, #tpu.memory_space<vmem>> -> memref<16xi32, #tpu.memory_space<vmem>>
      %dma_wait3A_200 = arith.constant 0 : i32
      %dma_wait3A_201 = arith.constant 0 : i32
      %dma_wait3A_202 = tpu.memref_slice %arg2[%dma_wait3A_200, %dma_wait3A_201] : memref<100000x1024xf32, #tpu.memory_space<hbm>> -> memref<100000x1024xf32, #tpu.memory_space<hbm>>
      tpu.wait_indirect_dma semaphore(%arg13 : memref<!tpu.dma_semaphore, #tpu.memory_space<semaphore_mem>>) src(%dma_wait3A_202 : memref<100000x1024xf32, #tpu.memory_space<hbm>>) dst(%arg9 : memref<16x1024xf32, #tpu.memory_space<vmem>>)
      %lt3A_203 = arith.constant 3 : i32
      %lt3A_204 = arith.cmpi slt, %scan3A_105, %lt3A_203 : i32
      %convert_element_type3A_205 = arith.extui %lt3A_204 : i1 to i32
      %cond3A_206 = arith.constant 0 : i32
      %cond3A_207 = arith.cmpi ne, %convert_element_type3A_205, %cond3A_206 : i32
      scf.if %cond3A_207 {
        %add3A_218 = arith.constant 2 : i32
        %add3A_219 = arith.addi %add3A_196, %add3A_218 : i32
        %sub3A_220 = arith.constant 4 : i32
        %sub3A_221 = arith.subi %add3A_219, %sub3A_220 : i32
        %mul3A_222 = arith.constant 16 : i32
        %mul3A_223 = arith.muli %sub3A_221, %mul3A_222 : i32
        %add3A_224 = arith.addi %mul3A_2, %mul3A_223 : i32
        %dma_wait3A_225 = arith.constant 0 : i32
        %dma_wait3A_226 = tpu.memref_slice %arg4[%add3A_224, %dma_wait3A_225] : memref<8192x1024xf32, #tpu.memory_space<hbm>> -> memref<16x1024xf32, #tpu.memory_space<hbm>>
        %dma_wait3A_227 = arith.constant 0 : i32
        %dma_wait3A_228 = tpu.memref_slice %arg4[%add3A_224, %dma_wait3A_227] : memref<8192x1024xf32, #tpu.memory_space<hbm>> -> memref<16x1024xf32, #tpu.memory_space<hbm>>
        tpu.wait_dma2 semaphore(%arg15 : memref<!tpu.dma_semaphore, #tpu.memory_space<semaphore_mem>>) src(%arg7 : memref<16x1024xf32, #tpu.memory_space<vmem>>) dst(%dma_wait3A_228 : memref<16x1024xf32, #tpu.memory_space<hbm>>)
        %add3A_229 = arith.constant 2 : i32
        %add3A_230 = arith.addi %add3A_196, %add3A_229 : i32
        %mul3A_231 = arith.constant 16 : i32
        %mul3A_232 = arith.muli %add3A_230, %mul3A_231 : i32
        %dma_start3A_233 = tpu.memref_slice %arg5[%mul3A_232] : memref<256xi32, #tpu.memory_space<vmem>> -> memref<16xi32, #tpu.memory_space<vmem>>
        %dma_start3A_234 = arith.constant 0 : i32
        %dma_start3A_235 = arith.constant 0 : i32
        %dma_start3A_236 = tpu.memref_slice %arg2[%dma_start3A_234, %dma_start3A_235] : memref<100000x1024xf32, #tpu.memory_space<hbm>> -> memref<100000x1024xf32, #tpu.memory_space<hbm>>
        tpu.enqueue_indirect_dma source(%dma_start3A_236 : memref<100000x1024xf32, #tpu.memory_space<hbm>>) target(%arg7 : memref<16x1024xf32, #tpu.memory_space<vmem>>) offsets(%dma_start3A_233 : memref<16xi32, #tpu.memory_space<vmem>>) semaphore(%arg11 : memref<!tpu.dma_semaphore, #tpu.memory_space<semaphore_mem>>)
      } else {
      }
      %parallel_loop3A_208 = arith.constant 0 : i32
      %parallel_loop3A_209 = arith.constant 16 : i32
      %parallel_loop3A_210 = arith.constant 1 : i32
      scf.for %parallel_loop3A_218 = %parallel_loop3A_208 to %parallel_loop3A_209 step %parallel_loop3A_210  : i32 {
        %parallel_loop3A_219 = arith.index_cast %parallel_loop3A_218 : i32 to index
        %parallel_loop3A_220 = arith.constant 0 : index
        %parallel_loop3A_221 = tpu.vector_load %arg9[%parallel_loop3A_219, %parallel_loop3A_220] {strides = array<i32>} : memref<16x1024xf32, #tpu.memory_space<vmem>>, vector<1x16xf32>,
        %parallel_loop3A_222 = vector.shape_cast %parallel_loop3A_221 : vector<1x16xf32> to vector<16xf32>
        %parallel_loop3A_223 = arith.constant 3.200000e+01 : f32
        %parallel_loop3A_224 = vector.broadcast %parallel_loop3A_223 : f32 to vector<16xf32>
        %parallel_loop3A_225 = arith.mulf %parallel_loop3A_222, %parallel_loop3A_224 : vector<16xf32>
        %parallel_loop3A_226 = arith.index_cast %parallel_loop3A_218 : i32 to index
        %parallel_loop3A_227 = arith.constant 0 : index
        %parallel_loop3A_228 = tpu.vector_load %arg9[%parallel_loop3A_226, %parallel_loop3A_227] {strides = array<i32>} : memref<16x1024xf32, #tpu.memory_space<vmem>>, vector<1x16xf32>,
        %parallel_loop3A_229 = vector.shape_cast %parallel_loop3A_228 : vector<1x16xf32> to vector<16xf32>
        %parallel_loop3A_230 = vector.shape_cast %parallel_loop3A_225 : vector<16xf32> to vector<1x16xf32>
        tpu.vector_store %arg9[%parallel_loop3A_226, %parallel_loop3A_227], %parallel_loop3A_230 {strides = array<i32>} : memref<16x1024xf32, #tpu.memory_space<vmem>>, vector<1x16xf32>,
        %parallel_loop3A_231 = arith.index_cast %parallel_loop3A_218 : i32 to index
        %parallel_loop3A_232 = arith.constant 16 : index
        %parallel_loop3A_233 = tpu.vector_load %arg9[%parallel_loop3A_231, %parallel_loop3A_232] {strides = array<i32>} : memref<16x1024xf32, #tpu.memory_space<vmem>>, vector<1x16xf32>,
        %parallel_loop3A_234 = vector.shape_cast %parallel_loop3A_233 : vector<1x16xf32> to vector<16xf32>
        %parallel_loop3A_235 = arith.constant 3.200000e+01 : f32
        %parallel_loop3A_236 = vector.broadcast %parallel_loop3A_235 : f32 to vector<16xf32>
        %parallel_loop3A_237 = arith.mulf %parallel_loop3A_234, %parallel_loop3A_236 : vector<16xf32>
        %parallel_loop3A_238 = arith.index_cast %parallel_loop3A_218 : i32 to index
        %parallel_loop3A_239 = arith.constant 16 : index
        %parallel_loop3A_240 = tpu.vector_load %arg9[%parallel_loop3A_238, %parallel_loop3A_239] {strides = array<i32>} : memref<16x1024xf32, #tpu.memory_space<vmem>>, vector<1x16xf32>,
        %parallel_loop3A_241 = vector.shape_cast %parallel_loop3A_240 : vector<1x16xf32> to vector<16xf32>
        %parallel_loop3A_242 = vector.shape_cast %parallel_loop3A_237 : vector<16xf32> to vector<1x16xf32>
        tpu.vector_store %arg9[%parallel_loop3A_238, %parallel_loop3A_239], %parallel_loop3A_242 {strides = array<i32>} : memref<16x1024xf32, #tpu.memory_space<vmem>>, vector<1x16xf32>,
        %parallel_loop3A_243 = arith.index_cast %parallel_loop3A_218 : i32 to index
        %parallel_loop3A_244 = arith.constant 32 : index
        %parallel_loop3A_245 = tpu.vector_load %arg9[%parallel_loop3A_243, %parallel_loop3A_244] {strides = array<i32>} : memref<16x1024xf32, #tpu.memory_space<vmem>>, vector<1x16xf32>,
        %parallel_loop3A_246 = vector.shape_cast %parallel_loop3A_245 : vector<1x16xf32> to vector<16xf32>
        %parallel_loop3A_247 = arith.constant 3.200000e+01 : f32
        %parallel_loop3A_248 = vector.broadcast %parallel_loop3A_247 : f32 to vector<16xf32>
        %parallel_loop3A_249 = arith.mulf %parallel_loop3A_246, %parallel_loop3A_248 : vector<16xf32>
        %parallel_loop3A_250 = arith.index_cast %parallel_loop3A_218 : i32 to index
        %parallel_loop3A_251 = arith.constant 32 : index
        %parallel_loop3A_252 = tpu.vector_load %arg9[%parallel_loop3A_250, %parallel_loop3A_251] {strides = array<i32>} : memref<16x1024xf32, #tpu.memory_space<vmem>>, vector<1x16xf32>,
        %parallel_loop3A_253 = vector.shape_cast %parallel_loop3A_252 : vector<1x16xf32> to vector<16xf32>
        %parallel_loop3A_254 = vector.shape_cast %parallel_loop3A_249 : vector<16xf32> to vector<1x16xf32>
        tpu.vector_store %arg9[%parallel_loop3A_250, %parallel_loop3A_251], %parallel_loop3A_254 {strides = array<i32>} : memref<16x1024xf32, #tpu.memory_space<vmem>>, vector<1x16xf32>,
        %parallel_loop3A_255 = arith.index_cast %parallel_loop3A_218 : i32 to index
        %parallel_loop3A_256 = arith.constant 48 : index
        %parallel_loop3A_257 = tpu.vector_load %arg9[%parallel_loop3A_255, %parallel_loop3A_256] {strides = array<i32>} : memref<16x1024xf32, #tpu.memory_space<vmem>>, vector<1x16xf32>,
        %parallel_loop3A_258 = vector.shape_cast %parallel_loop3A_257 : vector<1x16xf32> to vector<16xf32>
        %parallel_loop3A_259 = arith.constant 3.200000e+01 : f32
        %parallel_loop3A_260 = vector.broadcast %parallel_loop3A_259 : f32 to vector<16xf32>
        %parallel_loop3A_261 = arith.mulf %parallel_loop3A_258, %parallel_loop3A_260 : vector<16xf32>
        %parallel_loop3A_262 = arith.index_cast %parallel_loop3A_218 : i32 to index
        %parallel_loop3A_263 = arith.constant 48 : index
        %parallel_loop3A_264 = tpu.vector_load %arg9[%parallel_loop3A_262, %parallel_loop3A_263] {strides = array<i32>} : memref<16x1024xf32, #tpu.memory_space<vmem>>, vector<1x16xf32>,
        %parallel_loop3A_265 = vector.shape_cast %parallel_loop3A_264 : vector<1x16xf32> to vector<16xf32>
        %parallel_loop3A_266 = vector.shape_cast %parallel_loop3A_261 : vector<16xf32> to vector<1x16xf32>
        tpu.vector_store %arg9[%parallel_loop3A_262, %parallel_loop3A_263], %parallel_loop3A_266 {strides = array<i32>} : memref<16x1024xf32, #tpu.memory_space<vmem>>, vector<1x16xf32>,
        %parallel_loop3A_267 = arith.index_cast %parallel_loop3A_218 : i32 to index
        %parallel_loop3A_268 = arith.constant 64 : index
        %parallel_loop3A_269 = tpu.vector_load %arg9[%parallel_loop3A_267, %parallel_loop3A_268] {strides = array<i32>} : memref<16x1024xf32, #tpu.memory_space<vmem>>, vector<1x16xf32>,
        %parallel_loop3A_270 = vector.shape_cast %parallel_loop3A_269 : vector<1x16xf32> to vector<16xf32>
        %parallel_loop3A_271 = arith.constant 3.200000e+01 : f32
        %parallel_loop3A_272 = vector.broadcast %parallel_loop3A_271 : f32 to vector<16xf32>
        %parallel_loop3A_273 = arith.mulf %parallel_loop3A_270, %parallel_loop3A_272 : vector<16xf32>
        %parallel_loop3A_274 = arith.index_cast %parallel_loop3A_218 : i32 to index
        %parallel_loop3A_275 = arith.constant 64 : index
        %parallel_loop3A_276 = tpu.vector_load %arg9[%parallel_loop3A_274, %parallel_loop3A_275] {strides = array<i32>} : memref<16x1024xf32, #tpu.memory_space<vmem>>, vector<1x16xf32>,
        %parallel_loop3A_277 = vector.shape_cast %parallel_loop3A_276 : vector<1x16xf32> to vector<16xf32>
        %parallel_loop3A_278 = vector.shape_cast %parallel_loop3A_273 : vector<16xf32> to vector<1x16xf32>
        tpu.vector_store %arg9[%parallel_loop3A_274, %parallel_loop3A_275], %parallel_loop3A_278 {strides = array<i32>} : memref<16x1024xf32, #tpu.memory_space<vmem>>, vector<1x16xf32>,
        %parallel_loop3A_279 = arith.index_cast %parallel_loop3A_218 : i32 to index
        %parallel_loop3A_280 = arith.constant 80 : index
        %parallel_loop3A_281 = tpu.vector_load %arg9[%parallel_loop3A_279, %parallel_loop3A_280] {strides = array<i32>} : memref<16x1024xf32, #tpu.memory_space<vmem>>, vector<1x16xf32>,
        %parallel_loop3A_282 = vector.shape_cast %parallel_loop3A_281 : vector<1x16xf32> to vector<16xf32>
        %parallel_loop3A_283 = arith.constant 3.200000e+01 : f32
        %parallel_loop3A_284 = vector.broadcast %parallel_loop3A_283 : f32 to vector<16xf32>
        %parallel_loop3A_285 = arith.mulf %parallel_loop3A_282, %parallel_loop3A_284 : vector<16xf32>
        %parallel_loop3A_286 = arith.index_cast %parallel_loop3A_218 : i32 to index
        %parallel_loop3A_287 = arith.constant 80 : index
        %parallel_loop3A_288 = tpu.vector_load %arg9[%parallel_loop3A_286, %parallel_loop3A_287] {strides = array<i32>} : memref<16x1024xf32, #tpu.memory_space<vmem>>, vector<1x16xf32>,
        %parallel_loop3A_289 = vector.shape_cast %parallel_loop3A_288 : vector<1x16xf32> to vector<16xf32>
        %parallel_loop3A_290 = vector.shape_cast %parallel_loop3A_285 : vector<16xf32> to vector<1x16xf32>
        tpu.vector_store %arg9[%parallel_loop3A_286, %parallel_loop3A_287], %parallel_loop3A_290 {strides = array<i32>} : memref<16x1024xf32, #tpu.memory_space<vmem>>, vector<1x16xf32>,
        %parallel_loop3A_291 = arith.index_cast %parallel_loop3A_218 : i32 to index
        %parallel_loop3A_292 = arith.constant 96 : index
        %parallel_loop3A_293 = tpu.vector_load %arg9[%parallel_loop3A_291, %parallel_loop3A_292] {strides = array<i32>} : memref<16x1024xf32, #tpu.memory_space<vmem>>, vector<1x16xf32>,
        %parallel_loop3A_294 = vector.shape_cast %parallel_loop3A_293 : vector<1x16xf32> to vector<16xf32>
        %parallel_loop3A_295 = arith.constant 3.200000e+01 : f32
        %parallel_loop3A_296 = vector.broadcast %parallel_loop3A_295 : f32 to vector<16xf32>
        %parallel_loop3A_297 = arith.mulf %parallel_loop3A_294, %parallel_loop3A_296 : vector<16xf32>
        %parallel_loop3A_298 = arith.index_cast %parallel_loop3A_218 : i32 to index
        %parallel_loop3A_299 = arith.constant 96 : index
        %parallel_loop3A_300 = tpu.vector_load %arg9[%parallel_loop3A_298, %parallel_loop3A_299] {strides = array<i32>} : memref<16x1024xf32, #tpu.memory_space<vmem>>, vector<1x16xf32>,
        %parallel_loop3A_301 = vector.shape_cast %parallel_loop3A_300 : vector<1x16xf32> to vector<16xf32>
        %parallel_loop3A_302 = vector.shape_cast %parallel_loop3A_297 : vector<16xf32> to vector<1x16xf32>
        tpu.vector_store %arg9[%parallel_loop3A_298, %parallel_loop3A_299], %parallel_loop3A_302 {strides = array<i32>} : memref<16x1024xf32, #tpu.memory_space<vmem>>, vector<1x16xf32>,
        %parallel_loop3A_303 = arith.index_cast %parallel_loop3A_218 : i32 to index
        %parallel_loop3A_304 = arith.constant 112 : index
        %parallel_loop3A_305 = tpu.vector_load %arg9[%parallel_loop3A_303, %parallel_loop3A_304] {strides = array<i32>} : memref<16x1024xf32, #tpu.memory_space<vmem>>, vector<1x16xf32>,
        %parallel_loop3A_306 = vector.shape_cast %parallel_loop3A_305 : vector<1x16xf32> to vector<16xf32>
        %parallel_loop3A_307 = arith.constant 3.200000e+01 : f32
        %parallel_loop3A_308 = vector.broadcast %parallel_loop3A_307 : f32 to vector<16xf32>
        %parallel_loop3A_309 = arith.mulf %parallel_loop3A_306, %parallel_loop3A_308 : vector<16xf32>
        %parallel_loop3A_310 = arith.index_cast %parallel_loop3A_218 : i32 to index
        %parallel_loop3A_311 = arith.constant 112 : index
        %parallel_loop3A_312 = tpu.vector_load %arg9[%parallel_loop3A_310, %parallel_loop3A_311] {strides = array<i32>} : memref<16x1024xf32, #tpu.memory_space<vmem>>, vector<1x16xf32>,
        %parallel_loop3A_313 = vector.shape_cast %parallel_loop3A_312 : vector<1x16xf32> to vector<16xf32>
        %parallel_loop3A_314 = vector.shape_cast %parallel_loop3A_309 : vector<16xf32> to vector<1x16xf32>
        tpu.vector_store %arg9[%parallel_loop3A_310, %parallel_loop3A_311], %parallel_loop3A_314 {strides = array<i32>} : memref<16x1024xf32, #tpu.memory_space<vmem>>, vector<1x16xf32>,
        %parallel_loop3A_315 = arith.index_cast %parallel_loop3A_218 : i32 to index
        %parallel_loop3A_316 = arith.constant 128 : index
        %parallel_loop3A_317 = tpu.vector_load %arg9[%parallel_loop3A_315, %parallel_loop3A_316] {strides = array<i32>} : memref<16x1024xf32, #tpu.memory_space<vmem>>, vector<1x16xf32>,
        %parallel_loop3A_318 = vector.shape_cast %parallel_loop3A_317 : vector<1x16xf32> to vector<16xf32>
        %parallel_loop3A_319 = arith.constant 3.200000e+01 : f32
        %parallel_loop3A_320 = vector.broadcast %parallel_loop3A_319 : f32 to vector<16xf32>
        %parallel_loop3A_321 = arith.mulf %parallel_loop3A_318, %parallel_loop3A_320 : vector<16xf32>
        %parallel_loop3A_322 = arith.index_cast %parallel_loop3A_218 : i32 to index
        %parallel_loop3A_323 = arith.constant 128 : index
        %parallel_loop3A_324 = tpu.vector_load %arg9[%parallel_loop3A_322, %parallel_loop3A_323] {strides = array<i32>} : memref<16x1024xf32, #tpu.memory_space<vmem>>, vector<1x16xf32>,
        %parallel_loop3A_325 = vector.shape_cast %parallel_loop3A_324 : vector<1x16xf32> to vector<16xf32>
        %parallel_loop3A_326 = vector.shape_cast %parallel_loop3A_321 : vector<16xf32> to vector<1x16xf32>
        tpu.vector_store %arg9[%parallel_loop3A_322, %parallel_loop3A_323], %parallel_loop3A_326 {strides = array<i32>} : memref<16x1024xf32, #tpu.memory_space<vmem>>, vector<1x16xf32>,
        %parallel_loop3A_327 = arith.index_cast %parallel_loop3A_218 : i32 to index
        %parallel_loop3A_328 = arith.constant 144 : index
        %parallel_loop3A_329 = tpu.vector_load %arg9[%parallel_loop3A_327, %parallel_loop3A_328] {strides = array<i32>} : memref<16x1024xf32, #tpu.memory_space<vmem>>, vector<1x16xf32>,
        %parallel_loop3A_330 = vector.shape_cast %parallel_loop3A_329 : vector<1x16xf32> to vector<16xf32>
        %parallel_loop3A_331 = arith.constant 3.200000e+01 : f32
        %parallel_loop3A_332 = vector.broadcast %parallel_loop3A_331 : f32 to vector<16xf32>
        %parallel_loop3A_333 = arith.mulf %parallel_loop3A_330, %parallel_loop3A_332 : vector<16xf32>
        %parallel_loop3A_334 = arith.index_cast %parallel_loop3A_218 : i32 to index
        %parallel_loop3A_335 = arith.constant 144 : index
        %parallel_loop3A_336 = tpu.vector_load %arg9[%parallel_loop3A_334, %parallel_loop3A_335] {strides = array<i32>} : memref<16x1024xf32, #tpu.memory_space<vmem>>, vector<1x16xf32>,
        %parallel_loop3A_337 = vector.shape_cast %parallel_loop3A_336 : vector<1x16xf32> to vector<16xf32>
        %parallel_loop3A_338 = vector.shape_cast %parallel_loop3A_333 : vector<16xf32> to vector<1x16xf32>
        tpu.vector_store %arg9[%parallel_loop3A_334, %parallel_loop3A_335], %parallel_loop3A_338 {strides = array<i32>} : memref<16x1024xf32, #tpu.memory_space<vmem>>, vector<1x16xf32>,
        %parallel_loop3A_339 = arith.index_cast %parallel_loop3A_218 : i32 to index
        %parallel_loop3A_340 = arith.constant 160 : index
        %parallel_loop3A_341 = tpu.vector_load %arg9[%parallel_loop3A_339, %parallel_loop3A_340] {strides = array<i32>} : memref<16x1024xf32, #tpu.memory_space<vmem>>, vector<1x16xf32>,
        %parallel_loop3A_342 = vector.shape_cast %parallel_loop3A_341 : vector<1x16xf32> to vector<16xf32>
        %parallel_loop3A_343 = arith.constant 3.200000e+01 : f32
        %parallel_loop3A_344 = vector.broadcast %parallel_loop3A_343 : f32 to vector<16xf32>
        %parallel_loop3A_345 = arith.mulf %parallel_loop3A_342, %parallel_loop3A_344 : vector<16xf32>
        %parallel_loop3A_346 = arith.index_cast %parallel_loop3A_218 : i32 to index
        %parallel_loop3A_347 = arith.constant 160 : index
        %parallel_loop3A_348 = tpu.vector_load %arg9[%parallel_loop3A_346, %parallel_loop3A_347] {strides = array<i32>} : memref<16x1024xf32, #tpu.memory_space<vmem>>, vector<1x16xf32>,
        %parallel_loop3A_349 = vector.shape_cast %parallel_loop3A_348 : vector<1x16xf32> to vector<16xf32>
        %parallel_loop3A_350 = vector.shape_cast %parallel_loop3A_345 : vector<16xf32> to vector<1x16xf32>
        tpu.vector_store %arg9[%parallel_loop3A_346, %parallel_loop3A_347], %parallel_loop3A_350 {strides = array<i32>} : memref<16x1024xf32, #tpu.memory_space<vmem>>, vector<1x16xf32>,
        %parallel_loop3A_351 = arith.index_cast %parallel_loop3A_218 : i32 to index
        %parallel_loop3A_352 = arith.constant 176 : index
        %parallel_loop3A_353 = tpu.vector_load %arg9[%parallel_loop3A_351, %parallel_loop3A_352] {strides = array<i32>} : memref<16x1024xf32, #tpu.memory_space<vmem>>, vector<1x16xf32>,
        %parallel_loop3A_354 = vector.shape_cast %parallel_loop3A_353 : vector<1x16xf32> to vector<16xf32>
        %parallel_loop3A_355 = arith.constant 3.200000e+01 : f32
        %parallel_loop3A_356 = vector.broadcast %parallel_loop3A_355 : f32 to vector<16xf32>
        %parallel_loop3A_357 = arith.mulf %parallel_loop3A_354, %parallel_loop3A_356 : vector<16xf32>
        %parallel_loop3A_358 = arith.index_cast %parallel_loop3A_218 : i32 to index
        %parallel_loop3A_359 = arith.constant 176 : index
        %parallel_loop3A_360 = tpu.vector_load %arg9[%parallel_loop3A_358, %parallel_loop3A_359] {strides = array<i32>} : memref<16x1024xf32, #tpu.memory_space<vmem>>, vector<1x16xf32>,
        %parallel_loop3A_361 = vector.shape_cast %parallel_loop3A_360 : vector<1x16xf32> to vector<16xf32>
        %parallel_loop3A_362 = vector.shape_cast %parallel_loop3A_357 : vector<16xf32> to vector<1x16xf32>
        tpu.vector_store %arg9[%parallel_loop3A_358, %parallel_loop3A_359], %parallel_loop3A_362 {strides = array<i32>} : memref<16x1024xf32, #tpu.memory_space<vmem>>, vector<1x16xf32>,
        %parallel_loop3A_363 = arith.index_cast %parallel_loop3A_218 : i32 to index
        %parallel_loop3A_364 = arith.constant 192 : index
        %parallel_loop3A_365 = tpu.vector_load %arg9[%parallel_loop3A_363, %parallel_loop3A_364] {strides = array<i32>} : memref<16x1024xf32, #tpu.memory_space<vmem>>, vector<1x16xf32>,
        %parallel_loop3A_366 = vector.shape_cast %parallel_loop3A_365 : vector<1x16xf32> to vector<16xf32>
        %parallel_loop3A_367 = arith.constant 3.200000e+01 : f32
        %parallel_loop3A_368 = vector.broadcast %parallel_loop3A_367 : f32 to vector<16xf32>
        %parallel_loop3A_369 = arith.mulf %parallel_loop3A_366, %parallel_loop3A_368 : vector<16xf32>
        %parallel_loop3A_370 = arith.index_cast %parallel_loop3A_218 : i32 to index
        %parallel_loop3A_371 = arith.constant 192 : index
        %parallel_loop3A_372 = tpu.vector_load %arg9[%parallel_loop3A_370, %parallel_loop3A_371] {strides = array<i32>} : memref<16x1024xf32, #tpu.memory_space<vmem>>, vector<1x16xf32>,
        %parallel_loop3A_373 = vector.shape_cast %parallel_loop3A_372 : vector<1x16xf32> to vector<16xf32>
        %parallel_loop3A_374 = vector.shape_cast %parallel_loop3A_369 : vector<16xf32> to vector<1x16xf32>
        tpu.vector_store %arg9[%parallel_loop3A_370, %parallel_loop3A_371], %parallel_loop3A_374 {strides = array<i32>} : memref<16x1024xf32, #tpu.memory_space<vmem>>, vector<1x16xf32>,
        %parallel_loop3A_375 = arith.index_cast %parallel_loop3A_218 : i32 to index
        %parallel_loop3A_376 = arith.constant 208 : index
        %parallel_loop3A_377 = tpu.vector_load %arg9[%parallel_loop3A_375, %parallel_loop3A_376] {strides = array<i32>} : memref<16x1024xf32, #tpu.memory_space<vmem>>, vector<1x16xf32>,
        %parallel_loop3A_378 = vector.shape_cast %parallel_loop3A_377 : vector<1x16xf32> to vector<16xf32>
        %parallel_loop3A_379 = arith.constant 3.200000e+01 : f32
        %parallel_loop3A_380 = vector.broadcast %parallel_loop3A_379 : f32 to vector<16xf32>
        %parallel_loop3A_381 = arith.mulf %parallel_loop3A_378, %parallel_loop3A_380 : vector<16xf32>
        %parallel_loop3A_382 = arith.index_cast %parallel_loop3A_218 : i32 to index
        %parallel_loop3A_383 = arith.constant 208 : index
        %parallel_loop3A_384 = tpu.vector_load %arg9[%parallel_loop3A_382, %parallel_loop3A_383] {strides = array<i32>} : memref<16x1024xf32, #tpu.memory_space<vmem>>, vector<1x16xf32>,
        %parallel_loop3A_385 = vector.shape_cast %parallel_loop3A_384 : vector<1x16xf32> to vector<16xf32>
        %parallel_loop3A_386 = vector.shape_cast %parallel_loop3A_381 : vector<16xf32> to vector<1x16xf32>
        tpu.vector_store %arg9[%parallel_loop3A_382, %parallel_loop3A_383], %parallel_loop3A_386 {strides = array<i32>} : memref<16x1024xf32, #tpu.memory_space<vmem>>, vector<1x16xf32>,
        %parallel_loop3A_387 = arith.index_cast %parallel_loop3A_218 : i32 to index
        %parallel_loop3A_388 = arith.constant 224 : index
        %parallel_loop3A_389 = tpu.vector_load %arg9[%parallel_loop3A_387, %parallel_loop3A_388] {strides = array<i32>} : memref<16x1024xf32, #tpu.memory_space<vmem>>, vector<1x16xf32>,
        %parallel_loop3A_390 = vector.shape_cast %parallel_loop3A_389 : vector<1x16xf32> to vector<16xf32>
        %parallel_loop3A_391 = arith.constant 3.200000e+01 : f32
        %parallel_loop3A_392 = vector.broadcast %parallel_loop3A_391 : f32 to vector<16xf32>
        %parallel_loop3A_393 = arith.mulf %parallel_loop3A_390, %parallel_loop3A_392 : vector<16xf32>
        %parallel_loop3A_394 = arith.index_cast %parallel_loop3A_218 : i32 to index
        %parallel_loop3A_395 = arith.constant 224 : index
        %parallel_loop3A_396 = tpu.vector_load %arg9[%parallel_loop3A_394, %parallel_loop3A_395] {strides = array<i32>} : memref<16x1024xf32, #tpu.memory_space<vmem>>, vector<1x16xf32>,
        %parallel_loop3A_397 = vector.shape_cast %parallel_loop3A_396 : vector<1x16xf32> to vector<16xf32>
        %parallel_loop3A_398 = vector.shape_cast %parallel_loop3A_393 : vector<16xf32> to vector<1x16xf32>
        tpu.vector_store %arg9[%parallel_loop3A_394, %parallel_loop3A_395], %parallel_loop3A_398 {strides = array<i32>} : memref<16x1024xf32, #tpu.memory_space<vmem>>, vector<1x16xf32>,
        %parallel_loop3A_399 = arith.index_cast %parallel_loop3A_218 : i32 to index
        %parallel_loop3A_400 = arith.constant 240 : index
        %parallel_loop3A_401 = tpu.vector_load %arg9[%parallel_loop3A_399, %parallel_loop3A_400] {strides = array<i32>} : memref<16x1024xf32, #tpu.memory_space<vmem>>, vector<1x16xf32>,
        %parallel_loop3A_402 = vector.shape_cast %parallel_loop3A_401 : vector<1x16xf32> to vector<16xf32>
        %parallel_loop3A_403 = arith.constant 3.200000e+01 : f32
        %parallel_loop3A_404 = vector.broadcast %parallel_loop3A_403 : f32 to vector<16xf32>
        %parallel_loop3A_405 = arith.mulf %parallel_loop3A_402, %parallel_loop3A_404 : vector<16xf32>
        %parallel_loop3A_406 = arith.index_cast %parallel_loop3A_218 : i32 to index
        %parallel_loop3A_407 = arith.constant 240 : index
        %parallel_loop3A_408 = tpu.vector_load %arg9[%parallel_loop3A_406, %parallel_loop3A_407] {strides = array<i32>} : memref<16x1024xf32, #tpu.memory_space<vmem>>, vector<1x16xf32>,
        %parallel_loop3A_409 = vector.shape_cast %parallel_loop3A_408 : vector<1x16xf32> to vector<16xf32>
        %parallel_loop3A_410 = vector.shape_cast %parallel_loop3A_405 : vector<16xf32> to vector<1x16xf32>
        tpu.vector_store %arg9[%parallel_loop3A_406, %parallel_loop3A_407], %parallel_loop3A_410 {strides = array<i32>} : memref<16x1024xf32, #tpu.memory_space<vmem>>, vector<1x16xf32>,
        %parallel_loop3A_411 = arith.index_cast %parallel_loop3A_218 : i32 to index
        %parallel_loop3A_412 = arith.constant 256 : index
        %parallel_loop3A_413 = tpu.vector_load %arg9[%parallel_loop3A_411, %parallel_loop3A_412] {strides = array<i32>} : memref<16x1024xf32, #tpu.memory_space<vmem>>, vector<1x16xf32>,
        %parallel_loop3A_414 = vector.shape_cast %parallel_loop3A_413 : vector<1x16xf32> to vector<16xf32>
        %parallel_loop3A_415 = arith.constant 3.200000e+01 : f32
        %parallel_loop3A_416 = vector.broadcast %parallel_loop3A_415 : f32 to vector<16xf32>
        %parallel_loop3A_417 = arith.mulf %parallel_loop3A_414, %parallel_loop3A_416 : vector<16xf32>
        %parallel_loop3A_418 = arith.index_cast %parallel_loop3A_218 : i32 to index
        %parallel_loop3A_419 = arith.constant 256 : index
        %parallel_loop3A_420 = tpu.vector_load %arg9[%parallel_loop3A_418, %parallel_loop3A_419] {strides = array<i32>} : memref<16x1024xf32, #tpu.memory_space<vmem>>, vector<1x16xf32>,
        %parallel_loop3A_421 = vector.shape_cast %parallel_loop3A_420 : vector<1x16xf32> to vector<16xf32>
        %parallel_loop3A_422 = vector.shape_cast %parallel_loop3A_417 : vector<16xf32> to vector<1x16xf32>
        tpu.vector_store %arg9[%parallel_loop3A_418, %parallel_loop3A_419], %parallel_loop3A_422 {strides = array<i32>} : memref<16x1024xf32, #tpu.memory_space<vmem>>, vector<1x16xf32>,
        %parallel_loop3A_423 = arith.index_cast %parallel_loop3A_218 : i32 to index
        %parallel_loop3A_424 = arith.constant 272 : index
        %parallel_loop3A_425 = tpu.vector_load %arg9[%parallel_loop3A_423, %parallel_loop3A_424] {strides = array<i32>} : memref<16x1024xf32, #tpu.memory_space<vmem>>, vector<1x16xf32>,
        %parallel_loop3A_426 = vector.shape_cast %parallel_loop3A_425 : vector<1x16xf32> to vector<16xf32>
        %parallel_loop3A_427 = arith.constant 3.200000e+01 : f32
        %parallel_loop3A_428 = vector.broadcast %parallel_loop3A_427 : f32 to vector<16xf32>
        %parallel_loop3A_429 = arith.mulf %parallel_loop3A_426, %parallel_loop3A_428 : vector<16xf32>
        %parallel_loop3A_430 = arith.index_cast %parallel_loop3A_218 : i32 to index
        %parallel_loop3A_431 = arith.constant 272 : index
        %parallel_loop3A_432 = tpu.vector_load %arg9[%parallel_loop3A_430, %parallel_loop3A_431] {strides = array<i32>} : memref<16x1024xf32, #tpu.memory_space<vmem>>, vector<1x16xf32>,
        %parallel_loop3A_433 = vector.shape_cast %parallel_loop3A_432 : vector<1x16xf32> to vector<16xf32>
        %parallel_loop3A_434 = vector.shape_cast %parallel_loop3A_429 : vector<16xf32> to vector<1x16xf32>
        tpu.vector_store %arg9[%parallel_loop3A_430, %parallel_loop3A_431], %parallel_loop3A_434 {strides = array<i32>} : memref<16x1024xf32, #tpu.memory_space<vmem>>, vector<1x16xf32>,
        %parallel_loop3A_435 = arith.index_cast %parallel_loop3A_218 : i32 to index
        %parallel_loop3A_436 = arith.constant 288 : index
        %parallel_loop3A_437 = tpu.vector_load %arg9[%parallel_loop3A_435, %parallel_loop3A_436] {strides = array<i32>} : memref<16x1024xf32, #tpu.memory_space<vmem>>, vector<1x16xf32>,
        %parallel_loop3A_438 = vector.shape_cast %parallel_loop3A_437 : vector<1x16xf32> to vector<16xf32>
        %parallel_loop3A_439 = arith.constant 3.200000e+01 : f32
        %parallel_loop3A_440 = vector.broadcast %parallel_loop3A_439 : f32 to vector<16xf32>
        %parallel_loop3A_441 = arith.mulf %parallel_loop3A_438, %parallel_loop3A_440 : vector<16xf32>
        %parallel_loop3A_442 = arith.index_cast %parallel_loop3A_218 : i32 to index
        %parallel_loop3A_443 = arith.constant 288 : index
        %parallel_loop3A_444 = tpu.vector_load %arg9[%parallel_loop3A_442, %parallel_loop3A_443] {strides = array<i32>} : memref<16x1024xf32, #tpu.memory_space<vmem>>, vector<1x16xf32>,
        %parallel_loop3A_445 = vector.shape_cast %parallel_loop3A_444 : vector<1x16xf32> to vector<16xf32>
        %parallel_loop3A_446 = vector.shape_cast %parallel_loop3A_441 : vector<16xf32> to vector<1x16xf32>
        tpu.vector_store %arg9[%parallel_loop3A_442, %parallel_loop3A_443], %parallel_loop3A_446 {strides = array<i32>} : memref<16x1024xf32, #tpu.memory_space<vmem>>, vector<1x16xf32>,
        %parallel_loop3A_447 = arith.index_cast %parallel_loop3A_218 : i32 to index
        %parallel_loop3A_448 = arith.constant 304 : index
        %parallel_loop3A_449 = tpu.vector_load %arg9[%parallel_loop3A_447, %parallel_loop3A_448] {strides = array<i32>} : memref<16x1024xf32, #tpu.memory_space<vmem>>, vector<1x16xf32>,
        %parallel_loop3A_450 = vector.shape_cast %parallel_loop3A_449 : vector<1x16xf32> to vector<16xf32>
        %parallel_loop3A_451 = arith.constant 3.200000e+01 : f32
        %parallel_loop3A_452 = vector.broadcast %parallel_loop3A_451 : f32 to vector<16xf32>
        %parallel_loop3A_453 = arith.mulf %parallel_loop3A_450, %parallel_loop3A_452 : vector<16xf32>
        %parallel_loop3A_454 = arith.index_cast %parallel_loop3A_218 : i32 to index
        %parallel_loop3A_455 = arith.constant 304 : index
        %parallel_loop3A_456 = tpu.vector_load %arg9[%parallel_loop3A_454, %parallel_loop3A_455] {strides = array<i32>} : memref<16x1024xf32, #tpu.memory_space<vmem>>, vector<1x16xf32>,
        %parallel_loop3A_457 = vector.shape_cast %parallel_loop3A_456 : vector<1x16xf32> to vector<16xf32>
        %parallel_loop3A_458 = vector.shape_cast %parallel_loop3A_453 : vector<16xf32> to vector<1x16xf32>
        tpu.vector_store %arg9[%parallel_loop3A_454, %parallel_loop3A_455], %parallel_loop3A_458 {strides = array<i32>} : memref<16x1024xf32, #tpu.memory_space<vmem>>, vector<1x16xf32>,
        %parallel_loop3A_459 = arith.index_cast %parallel_loop3A_218 : i32 to index
        %parallel_loop3A_460 = arith.constant 320 : index
        %parallel_loop3A_461 = tpu.vector_load %arg9[%parallel_loop3A_459, %parallel_loop3A_460] {strides = array<i32>} : memref<16x1024xf32, #tpu.memory_space<vmem>>, vector<1x16xf32>,
        %parallel_loop3A_462 = vector.shape_cast %parallel_loop3A_461 : vector<1x16xf32> to vector<16xf32>
        %parallel_loop3A_463 = arith.constant 3.200000e+01 : f32
        %parallel_loop3A_464 = vector.broadcast %parallel_loop3A_463 : f32 to vector<16xf32>
        %parallel_loop3A_465 = arith.mulf %parallel_loop3A_462, %parallel_loop3A_464 : vector<16xf32>
        %parallel_loop3A_466 = arith.index_cast %parallel_loop3A_218 : i32 to index
        %parallel_loop3A_467 = arith.constant 320 : index
        %parallel_loop3A_468 = tpu.vector_load %arg9[%parallel_loop3A_466, %parallel_loop3A_467] {strides = array<i32>} : memref<16x1024xf32, #tpu.memory_space<vmem>>, vector<1x16xf32>,
        %parallel_loop3A_469 = vector.shape_cast %parallel_loop3A_468 : vector<1x16xf32> to vector<16xf32>
        %parallel_loop3A_470 = vector.shape_cast %parallel_loop3A_465 : vector<16xf32> to vector<1x16xf32>
        tpu.vector_store %arg9[%parallel_loop3A_466, %parallel_loop3A_467], %parallel_loop3A_470 {strides = array<i32>} : memref<16x1024xf32, #tpu.memory_space<vmem>>, vector<1x16xf32>,
        %parallel_loop3A_471 = arith.index_cast %parallel_loop3A_218 : i32 to index
        %parallel_loop3A_472 = arith.constant 336 : index
        %parallel_loop3A_473 = tpu.vector_load %arg9[%parallel_loop3A_471, %parallel_loop3A_472] {strides = array<i32>} : memref<16x1024xf32, #tpu.memory_space<vmem>>, vector<1x16xf32>,
        %parallel_loop3A_474 = vector.shape_cast %parallel_loop3A_473 : vector<1x16xf32> to vector<16xf32>
        %parallel_loop3A_475 = arith.constant 3.200000e+01 : f32
        %parallel_loop3A_476 = vector.broadcast %parallel_loop3A_475 : f32 to vector<16xf32>
        %parallel_loop3A_477 = arith.mulf %parallel_loop3A_474, %parallel_loop3A_476 : vector<16xf32>
        %parallel_loop3A_478 = arith.index_cast %parallel_loop3A_218 : i32 to index
        %parallel_loop3A_479 = arith.constant 336 : index
        %parallel_loop3A_480 = tpu.vector_load %arg9[%parallel_loop3A_478, %parallel_loop3A_479] {strides = array<i32>} : memref<16x1024xf32, #tpu.memory_space<vmem>>, vector<1x16xf32>,
        %parallel_loop3A_481 = vector.shape_cast %parallel_loop3A_480 : vector<1x16xf32> to vector<16xf32>
        %parallel_loop3A_482 = vector.shape_cast %parallel_loop3A_477 : vector<16xf32> to vector<1x16xf32>
        tpu.vector_store %arg9[%parallel_loop3A_478, %parallel_loop3A_479], %parallel_loop3A_482 {strides = array<i32>} : memref<16x1024xf32, #tpu.memory_space<vmem>>, vector<1x16xf32>,
        %parallel_loop3A_483 = arith.index_cast %parallel_loop3A_218 : i32 to index
        %parallel_loop3A_484 = arith.constant 352 : index
        %parallel_loop3A_485 = tpu.vector_load %arg9[%parallel_loop3A_483, %parallel_loop3A_484] {strides = array<i32>} : memref<16x1024xf32, #tpu.memory_space<vmem>>, vector<1x16xf32>,
        %parallel_loop3A_486 = vector.shape_cast %parallel_loop3A_485 : vector<1x16xf32> to vector<16xf32>
        %parallel_loop3A_487 = arith.constant 3.200000e+01 : f32
        %parallel_loop3A_488 = vector.broadcast %parallel_loop3A_487 : f32 to vector<16xf32>
        %parallel_loop3A_489 = arith.mulf %parallel_loop3A_486, %parallel_loop3A_488 : vector<16xf32>
        %parallel_loop3A_490 = arith.index_cast %parallel_loop3A_218 : i32 to index
        %parallel_loop3A_491 = arith.constant 352 : index
        %parallel_loop3A_492 = tpu.vector_load %arg9[%parallel_loop3A_490, %parallel_loop3A_491] {strides = array<i32>} : memref<16x1024xf32, #tpu.memory_space<vmem>>, vector<1x16xf32>,
        %parallel_loop3A_493 = vector.shape_cast %parallel_loop3A_492 : vector<1x16xf32> to vector<16xf32>
        %parallel_loop3A_494 = vector.shape_cast %parallel_loop3A_489 : vector<16xf32> to vector<1x16xf32>
        tpu.vector_store %arg9[%parallel_loop3A_490, %parallel_loop3A_491], %parallel_loop3A_494 {strides = array<i32>} : memref<16x1024xf32, #tpu.memory_space<vmem>>, vector<1x16xf32>,
        %parallel_loop3A_495 = arith.index_cast %parallel_loop3A_218 : i32 to index
        %parallel_loop3A_496 = arith.constant 368 : index
        %parallel_loop3A_497 = tpu.vector_load %arg9[%parallel_loop3A_495, %parallel_loop3A_496] {strides = array<i32>} : memref<16x1024xf32, #tpu.memory_space<vmem>>, vector<1x16xf32>,
        %parallel_loop3A_498 = vector.shape_cast %parallel_loop3A_497 : vector<1x16xf32> to vector<16xf32>
        %parallel_loop3A_499 = arith.constant 3.200000e+01 : f32
        %parallel_loop3A_500 = vector.broadcast %parallel_loop3A_499 : f32 to vector<16xf32>
        %parallel_loop3A_501 = arith.mulf %parallel_loop3A_498, %parallel_loop3A_500 : vector<16xf32>
        %parallel_loop3A_502 = arith.index_cast %parallel_loop3A_218 : i32 to index
        %parallel_loop3A_503 = arith.constant 368 : index
        %parallel_loop3A_504 = tpu.vector_load %arg9[%parallel_loop3A_502, %parallel_loop3A_503] {strides = array<i32>} : memref<16x1024xf32, #tpu.memory_space<vmem>>, vector<1x16xf32>,
        %parallel_loop3A_505 = vector.shape_cast %parallel_loop3A_504 : vector<1x16xf32> to vector<16xf32>
        %parallel_loop3A_506 = vector.shape_cast %parallel_loop3A_501 : vector<16xf32> to vector<1x16xf32>
        tpu.vector_store %arg9[%parallel_loop3A_502, %parallel_loop3A_503], %parallel_loop3A_506 {strides = array<i32>} : memref<16x1024xf32, #tpu.memory_space<vmem>>, vector<1x16xf32>,
        %parallel_loop3A_507 = arith.index_cast %parallel_loop3A_218 : i32 to index
        %parallel_loop3A_508 = arith.constant 384 : index
        %parallel_loop3A_509 = tpu.vector_load %arg9[%parallel_loop3A_507, %parallel_loop3A_508] {strides = array<i32>} : memref<16x1024xf32, #tpu.memory_space<vmem>>, vector<1x16xf32>,
        %parallel_loop3A_510 = vector.shape_cast %parallel_loop3A_509 : vector<1x16xf32> to vector<16xf32>
        %parallel_loop3A_511 = arith.constant 3.200000e+01 : f32
        %parallel_loop3A_512 = vector.broadcast %parallel_loop3A_511 : f32 to vector<16xf32>
        %parallel_loop3A_513 = arith.mulf %parallel_loop3A_510, %parallel_loop3A_512 : vector<16xf32>
        %parallel_loop3A_514 = arith.index_cast %parallel_loop3A_218 : i32 to index
        %parallel_loop3A_515 = arith.constant 384 : index
        %parallel_loop3A_516 = tpu.vector_load %arg9[%parallel_loop3A_514, %parallel_loop3A_515] {strides = array<i32>} : memref<16x1024xf32, #tpu.memory_space<vmem>>, vector<1x16xf32>,
        %parallel_loop3A_517 = vector.shape_cast %parallel_loop3A_516 : vector<1x16xf32> to vector<16xf32>
        %parallel_loop3A_518 = vector.shape_cast %parallel_loop3A_513 : vector<16xf32> to vector<1x16xf32>
        tpu.vector_store %arg9[%parallel_loop3A_514, %parallel_loop3A_515], %parallel_loop3A_518 {strides = array<i32>} : memref<16x1024xf32, #tpu.memory_space<vmem>>, vector<1x16xf32>,
        %parallel_loop3A_519 = arith.index_cast %parallel_loop3A_218 : i32 to index
        %parallel_loop3A_520 = arith.constant 400 : index
        %parallel_loop3A_521 = tpu.vector_load %arg9[%parallel_loop3A_519, %parallel_loop3A_520] {strides = array<i32>} : memref<16x1024xf32, #tpu.memory_space<vmem>>, vector<1x16xf32>,
        %parallel_loop3A_522 = vector.shape_cast %parallel_loop3A_521 : vector<1x16xf32> to vector<16xf32>
        %parallel_loop3A_523 = arith.constant 3.200000e+01 : f32
        %parallel_loop3A_524 = vector.broadcast %parallel_loop3A_523 : f32 to vector<16xf32>
        %parallel_loop3A_525 = arith.mulf %parallel_loop3A_522, %parallel_loop3A_524 : vector<16xf32>
        %parallel_loop3A_526 = arith.index_cast %parallel_loop3A_218 : i32 to index
        %parallel_loop3A_527 = arith.constant 400 : index
        %parallel_loop3A_528 = tpu.vector_load %arg9[%parallel_loop3A_526, %parallel_loop3A_527] {strides = array<i32>} : memref<16x1024xf32, #tpu.memory_space<vmem>>, vector<1x16xf32>,
        %parallel_loop3A_529 = vector.shape_cast %parallel_loop3A_528 : vector<1x16xf32> to vector<16xf32>
        %parallel_loop3A_530 = vector.shape_cast %parallel_loop3A_525 : vector<16xf32> to vector<1x16xf32>
        tpu.vector_store %arg9[%parallel_loop3A_526, %parallel_loop3A_527], %parallel_loop3A_530 {strides = array<i32>} : memref<16x1024xf32, #tpu.memory_space<vmem>>, vector<1x16xf32>,
        %parallel_loop3A_531 = arith.index_cast %parallel_loop3A_218 : i32 to index
        %parallel_loop3A_532 = arith.constant 416 : index
        %parallel_loop3A_533 = tpu.vector_load %arg9[%parallel_loop3A_531, %parallel_loop3A_532] {strides = array<i32>} : memref<16x1024xf32, #tpu.memory_space<vmem>>, vector<1x16xf32>,
        %parallel_loop3A_534 = vector.shape_cast %parallel_loop3A_533 : vector<1x16xf32> to vector<16xf32>
        %parallel_loop3A_535 = arith.constant 3.200000e+01 : f32
        %parallel_loop3A_536 = vector.broadcast %parallel_loop3A_535 : f32 to vector<16xf32>
        %parallel_loop3A_537 = arith.mulf %parallel_loop3A_534, %parallel_loop3A_536 : vector<16xf32>
        %parallel_loop3A_538 = arith.index_cast %parallel_loop3A_218 : i32 to index
        %parallel_loop3A_539 = arith.constant 416 : index
        %parallel_loop3A_540 = tpu.vector_load %arg9[%parallel_loop3A_538, %parallel_loop3A_539] {strides = array<i32>} : memref<16x1024xf32, #tpu.memory_space<vmem>>, vector<1x16xf32>,
        %parallel_loop3A_541 = vector.shape_cast %parallel_loop3A_540 : vector<1x16xf32> to vector<16xf32>
        %parallel_loop3A_542 = vector.shape_cast %parallel_loop3A_537 : vector<16xf32> to vector<1x16xf32>
        tpu.vector_store %arg9[%parallel_loop3A_538, %parallel_loop3A_539], %parallel_loop3A_542 {strides = array<i32>} : memref<16x1024xf32, #tpu.memory_space<vmem>>, vector<1x16xf32>,
        %parallel_loop3A_543 = arith.index_cast %parallel_loop3A_218 : i32 to index
        %parallel_loop3A_544 = arith.constant 432 : index
        %parallel_loop3A_545 = tpu.vector_load %arg9[%parallel_loop3A_543, %parallel_loop3A_544] {strides = array<i32>} : memref<16x1024xf32, #tpu.memory_space<vmem>>, vector<1x16xf32>,
        %parallel_loop3A_546 = vector.shape_cast %parallel_loop3A_545 : vector<1x16xf32> to vector<16xf32>
        %parallel_loop3A_547 = arith.constant 3.200000e+01 : f32
        %parallel_loop3A_548 = vector.broadcast %parallel_loop3A_547 : f32 to vector<16xf32>
        %parallel_loop3A_549 = arith.mulf %parallel_loop3A_546, %parallel_loop3A_548 : vector<16xf32>
        %parallel_loop3A_550 = arith.index_cast %parallel_loop3A_218 : i32 to index
        %parallel_loop3A_551 = arith.constant 432 : index
        %parallel_loop3A_552 = tpu.vector_load %arg9[%parallel_loop3A_550, %parallel_loop3A_551] {strides = array<i32>} : memref<16x1024xf32, #tpu.memory_space<vmem>>, vector<1x16xf32>,
        %parallel_loop3A_553 = vector.shape_cast %parallel_loop3A_552 : vector<1x16xf32> to vector<16xf32>
        %parallel_loop3A_554 = vector.shape_cast %parallel_loop3A_549 : vector<16xf32> to vector<1x16xf32>
        tpu.vector_store %arg9[%parallel_loop3A_550, %parallel_loop3A_551], %parallel_loop3A_554 {strides = array<i32>} : memref<16x1024xf32, #tpu.memory_space<vmem>>, vector<1x16xf32>,
        %parallel_loop3A_555 = arith.index_cast %parallel_loop3A_218 : i32 to index
        %parallel_loop3A_556 = arith.constant 448 : index
        %parallel_loop3A_557 = tpu.vector_load %arg9[%parallel_loop3A_555, %parallel_loop3A_556] {strides = array<i32>} : memref<16x1024xf32, #tpu.memory_space<vmem>>, vector<1x16xf32>,
        %parallel_loop3A_558 = vector.shape_cast %parallel_loop3A_557 : vector<1x16xf32> to vector<16xf32>
        %parallel_loop3A_559 = arith.constant 3.200000e+01 : f32
        %parallel_loop3A_560 = vector.broadcast %parallel_loop3A_559 : f32 to vector<16xf32>
        %parallel_loop3A_561 = arith.mulf %parallel_loop3A_558, %parallel_loop3A_560 : vector<16xf32>
        %parallel_loop3A_562 = arith.index_cast %parallel_loop3A_218 : i32 to index
        %parallel_loop3A_563 = arith.constant 448 : index
        %parallel_loop3A_564 = tpu.vector_load %arg9[%parallel_loop3A_562, %parallel_loop3A_563] {strides = array<i32>} : memref<16x1024xf32, #tpu.memory_space<vmem>>, vector<1x16xf32>,
        %parallel_loop3A_565 = vector.shape_cast %parallel_loop3A_564 : vector<1x16xf32> to vector<16xf32>
        %parallel_loop3A_566 = vector.shape_cast %parallel_loop3A_561 : vector<16xf32> to vector<1x16xf32>
        tpu.vector_store %arg9[%parallel_loop3A_562, %parallel_loop3A_563], %parallel_loop3A_566 {strides = array<i32>} : memref<16x1024xf32, #tpu.memory_space<vmem>>, vector<1x16xf32>,
        %parallel_loop3A_567 = arith.index_cast %parallel_loop3A_218 : i32 to index
        %parallel_loop3A_568 = arith.constant 464 : index
        %parallel_loop3A_569 = tpu.vector_load %arg9[%parallel_loop3A_567, %parallel_loop3A_568] {strides = array<i32>} : memref<16x1024xf32, #tpu.memory_space<vmem>>, vector<1x16xf32>,
        %parallel_loop3A_570 = vector.shape_cast %parallel_loop3A_569 : vector<1x16xf32> to vector<16xf32>
        %parallel_loop3A_571 = arith.constant 3.200000e+01 : f32
        %parallel_loop3A_572 = vector.broadcast %parallel_loop3A_571 : f32 to vector<16xf32>
        %parallel_loop3A_573 = arith.mulf %parallel_loop3A_570, %parallel_loop3A_572 : vector<16xf32>
        %parallel_loop3A_574 = arith.index_cast %parallel_loop3A_218 : i32 to index
        %parallel_loop3A_575 = arith.constant 464 : index
        %parallel_loop3A_576 = tpu.vector_load %arg9[%parallel_loop3A_574, %parallel_loop3A_575] {strides = array<i32>} : memref<16x1024xf32, #tpu.memory_space<vmem>>, vector<1x16xf32>,
        %parallel_loop3A_577 = vector.shape_cast %parallel_loop3A_576 : vector<1x16xf32> to vector<16xf32>
        %parallel_loop3A_578 = vector.shape_cast %parallel_loop3A_573 : vector<16xf32> to vector<1x16xf32>
        tpu.vector_store %arg9[%parallel_loop3A_574, %parallel_loop3A_575], %parallel_loop3A_578 {strides = array<i32>} : memref<16x1024xf32, #tpu.memory_space<vmem>>, vector<1x16xf32>,
        %parallel_loop3A_579 = arith.index_cast %parallel_loop3A_218 : i32 to index
        %parallel_loop3A_580 = arith.constant 480 : index
        %parallel_loop3A_581 = tpu.vector_load %arg9[%parallel_loop3A_579, %parallel_loop3A_580] {strides = array<i32>} : memref<16x1024xf32, #tpu.memory_space<vmem>>, vector<1x16xf32>,
        %parallel_loop3A_582 = vector.shape_cast %parallel_loop3A_581 : vector<1x16xf32> to vector<16xf32>
        %parallel_loop3A_583 = arith.constant 3.200000e+01 : f32
        %parallel_loop3A_584 = vector.broadcast %parallel_loop3A_583 : f32 to vector<16xf32>
        %parallel_loop3A_585 = arith.mulf %parallel_loop3A_582, %parallel_loop3A_584 : vector<16xf32>
        %parallel_loop3A_586 = arith.index_cast %parallel_loop3A_218 : i32 to index
        %parallel_loop3A_587 = arith.constant 480 : index
        %parallel_loop3A_588 = tpu.vector_load %arg9[%parallel_loop3A_586, %parallel_loop3A_587] {strides = array<i32>} : memref<16x1024xf32, #tpu.memory_space<vmem>>, vector<1x16xf32>,
        %parallel_loop3A_589 = vector.shape_cast %parallel_loop3A_588 : vector<1x16xf32> to vector<16xf32>
        %parallel_loop3A_590 = vector.shape_cast %parallel_loop3A_585 : vector<16xf32> to vector<1x16xf32>
        tpu.vector_store %arg9[%parallel_loop3A_586, %parallel_loop3A_587], %parallel_loop3A_590 {strides = array<i32>} : memref<16x1024xf32, #tpu.memory_space<vmem>>, vector<1x16xf32>,
        %parallel_loop3A_591 = arith.index_cast %parallel_loop3A_218 : i32 to index
        %parallel_loop3A_592 = arith.constant 496 : index
        %parallel_loop3A_593 = tpu.vector_load %arg9[%parallel_loop3A_591, %parallel_loop3A_592] {strides = array<i32>} : memref<16x1024xf32, #tpu.memory_space<vmem>>, vector<1x16xf32>,
        %parallel_loop3A_594 = vector.shape_cast %parallel_loop3A_593 : vector<1x16xf32> to vector<16xf32>
        %parallel_loop3A_595 = arith.constant 3.200000e+01 : f32
        %parallel_loop3A_596 = vector.broadcast %parallel_loop3A_595 : f32 to vector<16xf32>
        %parallel_loop3A_597 = arith.mulf %parallel_loop3A_594, %parallel_loop3A_596 : vector<16xf32>
        %parallel_loop3A_598 = arith.index_cast %parallel_loop3A_218 : i32 to index
        %parallel_loop3A_599 = arith.constant 496 : index
        %parallel_loop3A_600 = tpu.vector_load %arg9[%parallel_loop3A_598, %parallel_loop3A_599] {strides = array<i32>} : memref<16x1024xf32, #tpu.memory_space<vmem>>, vector<1x16xf32>,
        %parallel_loop3A_601 = vector.shape_cast %parallel_loop3A_600 : vector<1x16xf32> to vector<16xf32>
        %parallel_loop3A_602 = vector.shape_cast %parallel_loop3A_597 : vector<16xf32> to vector<1x16xf32>
        tpu.vector_store %arg9[%parallel_loop3A_598, %parallel_loop3A_599], %parallel_loop3A_602 {strides = array<i32>} : memref<16x1024xf32, #tpu.memory_space<vmem>>, vector<1x16xf32>,
        %parallel_loop3A_603 = arith.index_cast %parallel_loop3A_218 : i32 to index
        %parallel_loop3A_604 = arith.constant 512 : index
        %parallel_loop3A_605 = tpu.vector_load %arg9[%parallel_loop3A_603, %parallel_loop3A_604] {strides = array<i32>} : memref<16x1024xf32, #tpu.memory_space<vmem>>, vector<1x16xf32>,
        %parallel_loop3A_606 = vector.shape_cast %parallel_loop3A_605 : vector<1x16xf32> to vector<16xf32>
        %parallel_loop3A_607 = arith.constant 3.200000e+01 : f32
        %parallel_loop3A_608 = vector.broadcast %parallel_loop3A_607 : f32 to vector<16xf32>
        %parallel_loop3A_609 = arith.mulf %parallel_loop3A_606, %parallel_loop3A_608 : vector<16xf32>
        %parallel_loop3A_610 = arith.index_cast %parallel_loop3A_218 : i32 to index
        %parallel_loop3A_611 = arith.constant 512 : index
        %parallel_loop3A_612 = tpu.vector_load %arg9[%parallel_loop3A_610, %parallel_loop3A_611] {strides = array<i32>} : memref<16x1024xf32, #tpu.memory_space<vmem>>, vector<1x16xf32>,
        %parallel_loop3A_613 = vector.shape_cast %parallel_loop3A_612 : vector<1x16xf32> to vector<16xf32>
        %parallel_loop3A_614 = vector.shape_cast %parallel_loop3A_609 : vector<16xf32> to vector<1x16xf32>
        tpu.vector_store %arg9[%parallel_loop3A_610, %parallel_loop3A_611], %parallel_loop3A_614 {strides = array<i32>} : memref<16x1024xf32, #tpu.memory_space<vmem>>, vector<1x16xf32>,
        %parallel_loop3A_615 = arith.index_cast %parallel_loop3A_218 : i32 to index
        %parallel_loop3A_616 = arith.constant 528 : index
        %parallel_loop3A_617 = tpu.vector_load %arg9[%parallel_loop3A_615, %parallel_loop3A_616] {strides = array<i32>} : memref<16x1024xf32, #tpu.memory_space<vmem>>, vector<1x16xf32>,
        %parallel_loop3A_618 = vector.shape_cast %parallel_loop3A_617 : vector<1x16xf32> to vector<16xf32>
        %parallel_loop3A_619 = arith.constant 3.200000e+01 : f32
        %parallel_loop3A_620 = vector.broadcast %parallel_loop3A_619 : f32 to vector<16xf32>
        %parallel_loop3A_621 = arith.mulf %parallel_loop3A_618, %parallel_loop3A_620 : vector<16xf32>
        %parallel_loop3A_622 = arith.index_cast %parallel_loop3A_218 : i32 to index
        %parallel_loop3A_623 = arith.constant 528 : index
        %parallel_loop3A_624 = tpu.vector_load %arg9[%parallel_loop3A_622, %parallel_loop3A_623] {strides = array<i32>} : memref<16x1024xf32, #tpu.memory_space<vmem>>, vector<1x16xf32>,
        %parallel_loop3A_625 = vector.shape_cast %parallel_loop3A_624 : vector<1x16xf32> to vector<16xf32>
        %parallel_loop3A_626 = vector.shape_cast %parallel_loop3A_621 : vector<16xf32> to vector<1x16xf32>
        tpu.vector_store %arg9[%parallel_loop3A_622, %parallel_loop3A_623], %parallel_loop3A_626 {strides = array<i32>} : memref<16x1024xf32, #tpu.memory_space<vmem>>, vector<1x16xf32>,
        %parallel_loop3A_627 = arith.index_cast %parallel_loop3A_218 : i32 to index
        %parallel_loop3A_628 = arith.constant 544 : index
        %parallel_loop3A_629 = tpu.vector_load %arg9[%parallel_loop3A_627, %parallel_loop3A_628] {strides = array<i32>} : memref<16x1024xf32, #tpu.memory_space<vmem>>, vector<1x16xf32>,
        %parallel_loop3A_630 = vector.shape_cast %parallel_loop3A_629 : vector<1x16xf32> to vector<16xf32>
        %parallel_loop3A_631 = arith.constant 3.200000e+01 : f32
        %parallel_loop3A_632 = vector.broadcast %parallel_loop3A_631 : f32 to vector<16xf32>
        %parallel_loop3A_633 = arith.mulf %parallel_loop3A_630, %parallel_loop3A_632 : vector<16xf32>
        %parallel_loop3A_634 = arith.index_cast %parallel_loop3A_218 : i32 to index
        %parallel_loop3A_635 = arith.constant 544 : index
        %parallel_loop3A_636 = tpu.vector_load %arg9[%parallel_loop3A_634, %parallel_loop3A_635] {strides = array<i32>} : memref<16x1024xf32, #tpu.memory_space<vmem>>, vector<1x16xf32>,
        %parallel_loop3A_637 = vector.shape_cast %parallel_loop3A_636 : vector<1x16xf32> to vector<16xf32>
        %parallel_loop3A_638 = vector.shape_cast %parallel_loop3A_633 : vector<16xf32> to vector<1x16xf32>
        tpu.vector_store %arg9[%parallel_loop3A_634, %parallel_loop3A_635], %parallel_loop3A_638 {strides = array<i32>} : memref<16x1024xf32, #tpu.memory_space<vmem>>, vector<1x16xf32>,
        %parallel_loop3A_639 = arith.index_cast %parallel_loop3A_218 : i32 to index
        %parallel_loop3A_640 = arith.constant 560 : index
        %parallel_loop3A_641 = tpu.vector_load %arg9[%parallel_loop3A_639, %parallel_loop3A_640] {strides = array<i32>} : memref<16x1024xf32, #tpu.memory_space<vmem>>, vector<1x16xf32>,
        %parallel_loop3A_642 = vector.shape_cast %parallel_loop3A_641 : vector<1x16xf32> to vector<16xf32>
        %parallel_loop3A_643 = arith.constant 3.200000e+01 : f32
        %parallel_loop3A_644 = vector.broadcast %parallel_loop3A_643 : f32 to vector<16xf32>
        %parallel_loop3A_645 = arith.mulf %parallel_loop3A_642, %parallel_loop3A_644 : vector<16xf32>
        %parallel_loop3A_646 = arith.index_cast %parallel_loop3A_218 : i32 to index
        %parallel_loop3A_647 = arith.constant 560 : index
        %parallel_loop3A_648 = tpu.vector_load %arg9[%parallel_loop3A_646, %parallel_loop3A_647] {strides = array<i32>} : memref<16x1024xf32, #tpu.memory_space<vmem>>, vector<1x16xf32>,
        %parallel_loop3A_649 = vector.shape_cast %parallel_loop3A_648 : vector<1x16xf32> to vector<16xf32>
        %parallel_loop3A_650 = vector.shape_cast %parallel_loop3A_645 : vector<16xf32> to vector<1x16xf32>
        tpu.vector_store %arg9[%parallel_loop3A_646, %parallel_loop3A_647], %parallel_loop3A_650 {strides = array<i32>} : memref<16x1024xf32, #tpu.memory_space<vmem>>, vector<1x16xf32>,
        %parallel_loop3A_651 = arith.index_cast %parallel_loop3A_218 : i32 to index
        %parallel_loop3A_652 = arith.constant 576 : index
        %parallel_loop3A_653 = tpu.vector_load %arg9[%parallel_loop3A_651, %parallel_loop3A_652] {strides = array<i32>} : memref<16x1024xf32, #tpu.memory_space<vmem>>, vector<1x16xf32>,
        %parallel_loop3A_654 = vector.shape_cast %parallel_loop3A_653 : vector<1x16xf32> to vector<16xf32>
        %parallel_loop3A_655 = arith.constant 3.200000e+01 : f32
        %parallel_loop3A_656 = vector.broadcast %parallel_loop3A_655 : f32 to vector<16xf32>
        %parallel_loop3A_657 = arith.mulf %parallel_loop3A_654, %parallel_loop3A_656 : vector<16xf32>
        %parallel_loop3A_658 = arith.index_cast %parallel_loop3A_218 : i32 to index
        %parallel_loop3A_659 = arith.constant 576 : index
        %parallel_loop3A_660 = tpu.vector_load %arg9[%parallel_loop3A_658, %parallel_loop3A_659] {strides = array<i32>} : memref<16x1024xf32, #tpu.memory_space<vmem>>, vector<1x16xf32>,
        %parallel_loop3A_661 = vector.shape_cast %parallel_loop3A_660 : vector<1x16xf32> to vector<16xf32>
        %parallel_loop3A_662 = vector.shape_cast %parallel_loop3A_657 : vector<16xf32> to vector<1x16xf32>
        tpu.vector_store %arg9[%parallel_loop3A_658, %parallel_loop3A_659], %parallel_loop3A_662 {strides = array<i32>} : memref<16x1024xf32, #tpu.memory_space<vmem>>, vector<1x16xf32>,
        %parallel_loop3A_663 = arith.index_cast %parallel_loop3A_218 : i32 to index
        %parallel_loop3A_664 = arith.constant 592 : index
        %parallel_loop3A_665 = tpu.vector_load %arg9[%parallel_loop3A_663, %parallel_loop3A_664] {strides = array<i32>} : memref<16x1024xf32, #tpu.memory_space<vmem>>, vector<1x16xf32>,
        %parallel_loop3A_666 = vector.shape_cast %parallel_loop3A_665 : vector<1x16xf32> to vector<16xf32>
        %parallel_loop3A_667 = arith.constant 3.200000e+01 : f32
        %parallel_loop3A_668 = vector.broadcast %parallel_loop3A_667 : f32 to vector<16xf32>
        %parallel_loop3A_669 = arith.mulf %parallel_loop3A_666, %parallel_loop3A_668 : vector<16xf32>
        %parallel_loop3A_670 = arith.index_cast %parallel_loop3A_218 : i32 to index
        %parallel_loop3A_671 = arith.constant 592 : index
        %parallel_loop3A_672 = tpu.vector_load %arg9[%parallel_loop3A_670, %parallel_loop3A_671] {strides = array<i32>} : memref<16x1024xf32, #tpu.memory_space<vmem>>, vector<1x16xf32>,
        %parallel_loop3A_673 = vector.shape_cast %parallel_loop3A_672 : vector<1x16xf32> to vector<16xf32>
        %parallel_loop3A_674 = vector.shape_cast %parallel_loop3A_669 : vector<16xf32> to vector<1x16xf32>
        tpu.vector_store %arg9[%parallel_loop3A_670, %parallel_loop3A_671], %parallel_loop3A_674 {strides = array<i32>} : memref<16x1024xf32, #tpu.memory_space<vmem>>, vector<1x16xf32>,
        %parallel_loop3A_675 = arith.index_cast %parallel_loop3A_218 : i32 to index
        %parallel_loop3A_676 = arith.constant 608 : index
        %parallel_loop3A_677 = tpu.vector_load %arg9[%parallel_loop3A_675, %parallel_loop3A_676] {strides = array<i32>} : memref<16x1024xf32, #tpu.memory_space<vmem>>, vector<1x16xf32>,
        %parallel_loop3A_678 = vector.shape_cast %parallel_loop3A_677 : vector<1x16xf32> to vector<16xf32>
        %parallel_loop3A_679 = arith.constant 3.200000e+01 : f32
        %parallel_loop3A_680 = vector.broadcast %parallel_loop3A_679 : f32 to vector<16xf32>
        %parallel_loop3A_681 = arith.mulf %parallel_loop3A_678, %parallel_loop3A_680 : vector<16xf32>
        %parallel_loop3A_682 = arith.index_cast %parallel_loop3A_218 : i32 to index
        %parallel_loop3A_683 = arith.constant 608 : index
        %parallel_loop3A_684 = tpu.vector_load %arg9[%parallel_loop3A_682, %parallel_loop3A_683] {strides = array<i32>} : memref<16x1024xf32, #tpu.memory_space<vmem>>, vector<1x16xf32>,
        %parallel_loop3A_685 = vector.shape_cast %parallel_loop3A_684 : vector<1x16xf32> to vector<16xf32>
        %parallel_loop3A_686 = vector.shape_cast %parallel_loop3A_681 : vector<16xf32> to vector<1x16xf32>
        tpu.vector_store %arg9[%parallel_loop3A_682, %parallel_loop3A_683], %parallel_loop3A_686 {strides = array<i32>} : memref<16x1024xf32, #tpu.memory_space<vmem>>, vector<1x16xf32>,
        %parallel_loop3A_687 = arith.index_cast %parallel_loop3A_218 : i32 to index
        %parallel_loop3A_688 = arith.constant 624 : index
        %parallel_loop3A_689 = tpu.vector_load %arg9[%parallel_loop3A_687, %parallel_loop3A_688] {strides = array<i32>} : memref<16x1024xf32, #tpu.memory_space<vmem>>, vector<1x16xf32>,
        %parallel_loop3A_690 = vector.shape_cast %parallel_loop3A_689 : vector<1x16xf32> to vector<16xf32>
        %parallel_loop3A_691 = arith.constant 3.200000e+01 : f32
        %parallel_loop3A_692 = vector.broadcast %parallel_loop3A_691 : f32 to vector<16xf32>
        %parallel_loop3A_693 = arith.mulf %parallel_loop3A_690, %parallel_loop3A_692 : vector<16xf32>
        %parallel_loop3A_694 = arith.index_cast %parallel_loop3A_218 : i32 to index
        %parallel_loop3A_695 = arith.constant 624 : index
        %parallel_loop3A_696 = tpu.vector_load %arg9[%parallel_loop3A_694, %parallel_loop3A_695] {strides = array<i32>} : memref<16x1024xf32, #tpu.memory_space<vmem>>, vector<1x16xf32>,
        %parallel_loop3A_697 = vector.shape_cast %parallel_loop3A_696 : vector<1x16xf32> to vector<16xf32>
        %parallel_loop3A_698 = vector.shape_cast %parallel_loop3A_693 : vector<16xf32> to vector<1x16xf32>
        tpu.vector_store %arg9[%parallel_loop3A_694, %parallel_loop3A_695], %parallel_loop3A_698 {strides = array<i32>} : memref<16x1024xf32, #tpu.memory_space<vmem>>, vector<1x16xf32>,
        %parallel_loop3A_699 = arith.index_cast %parallel_loop3A_218 : i32 to index
        %parallel_loop3A_700 = arith.constant 640 : index
        %parallel_loop3A_701 = tpu.vector_load %arg9[%parallel_loop3A_699, %parallel_loop3A_700] {strides = array<i32>} : memref<16x1024xf32, #tpu.memory_space<vmem>>, vector<1x16xf32>,
        %parallel_loop3A_702 = vector.shape_cast %parallel_loop3A_701 : vector<1x16xf32> to vector<16xf32>
        %parallel_loop3A_703 = arith.constant 3.200000e+01 : f32
        %parallel_loop3A_704 = vector.broadcast %parallel_loop3A_703 : f32 to vector<16xf32>
        %parallel_loop3A_705 = arith.mulf %parallel_loop3A_702, %parallel_loop3A_704 : vector<16xf32>
        %parallel_loop3A_706 = arith.index_cast %parallel_loop3A_218 : i32 to index
        %parallel_loop3A_707 = arith.constant 640 : index
        %parallel_loop3A_708 = tpu.vector_load %arg9[%parallel_loop3A_706, %parallel_loop3A_707] {strides = array<i32>} : memref<16x1024xf32, #tpu.memory_space<vmem>>, vector<1x16xf32>,
        %parallel_loop3A_709 = vector.shape_cast %parallel_loop3A_708 : vector<1x16xf32> to vector<16xf32>
        %parallel_loop3A_710 = vector.shape_cast %parallel_loop3A_705 : vector<16xf32> to vector<1x16xf32>
        tpu.vector_store %arg9[%parallel_loop3A_706, %parallel_loop3A_707], %parallel_loop3A_710 {strides = array<i32>} : memref<16x1024xf32, #tpu.memory_space<vmem>>, vector<1x16xf32>,
        %parallel_loop3A_711 = arith.index_cast %parallel_loop3A_218 : i32 to index
        %parallel_loop3A_712 = arith.constant 656 : index
        %parallel_loop3A_713 = tpu.vector_load %arg9[%parallel_loop3A_711, %parallel_loop3A_712] {strides = array<i32>} : memref<16x1024xf32, #tpu.memory_space<vmem>>, vector<1x16xf32>,
        %parallel_loop3A_714 = vector.shape_cast %parallel_loop3A_713 : vector<1x16xf32> to vector<16xf32>
        %parallel_loop3A_715 = arith.constant 3.200000e+01 : f32
        %parallel_loop3A_716 = vector.broadcast %parallel_loop3A_715 : f32 to vector<16xf32>
        %parallel_loop3A_717 = arith.mulf %parallel_loop3A_714, %parallel_loop3A_716 : vector<16xf32>
        %parallel_loop3A_718 = arith.index_cast %parallel_loop3A_218 : i32 to index
        %parallel_loop3A_719 = arith.constant 656 : index
        %parallel_loop3A_720 = tpu.vector_load %arg9[%parallel_loop3A_718, %parallel_loop3A_719] {strides = array<i32>} : memref<16x1024xf32, #tpu.memory_space<vmem>>, vector<1x16xf32>,
        %parallel_loop3A_721 = vector.shape_cast %parallel_loop3A_720 : vector<1x16xf32> to vector<16xf32>
        %parallel_loop3A_722 = vector.shape_cast %parallel_loop3A_717 : vector<16xf32> to vector<1x16xf32>
        tpu.vector_store %arg9[%parallel_loop3A_718, %parallel_loop3A_719], %parallel_loop3A_722 {strides = array<i32>} : memref<16x1024xf32, #tpu.memory_space<vmem>>, vector<1x16xf32>,
        %parallel_loop3A_723 = arith.index_cast %parallel_loop3A_218 : i32 to index
        %parallel_loop3A_724 = arith.constant 672 : index
        %parallel_loop3A_725 = tpu.vector_load %arg9[%parallel_loop3A_723, %parallel_loop3A_724] {strides = array<i32>} : memref<16x1024xf32, #tpu.memory_space<vmem>>, vector<1x16xf32>,
        %parallel_loop3A_726 = vector.shape_cast %parallel_loop3A_725 : vector<1x16xf32> to vector<16xf32>
        %parallel_loop3A_727 = arith.constant 3.200000e+01 : f32
        %parallel_loop3A_728 = vector.broadcast %parallel_loop3A_727 : f32 to vector<16xf32>
        %parallel_loop3A_729 = arith.mulf %parallel_loop3A_726, %parallel_loop3A_728 : vector<16xf32>
        %parallel_loop3A_730 = arith.index_cast %parallel_loop3A_218 : i32 to index
        %parallel_loop3A_731 = arith.constant 672 : index
        %parallel_loop3A_732 = tpu.vector_load %arg9[%parallel_loop3A_730, %parallel_loop3A_731] {strides = array<i32>} : memref<16x1024xf32, #tpu.memory_space<vmem>>, vector<1x16xf32>,
        %parallel_loop3A_733 = vector.shape_cast %parallel_loop3A_732 : vector<1x16xf32> to vector<16xf32>
        %parallel_loop3A_734 = vector.shape_cast %parallel_loop3A_729 : vector<16xf32> to vector<1x16xf32>
        tpu.vector_store %arg9[%parallel_loop3A_730, %parallel_loop3A_731], %parallel_loop3A_734 {strides = array<i32>} : memref<16x1024xf32, #tpu.memory_space<vmem>>, vector<1x16xf32>,
        %parallel_loop3A_735 = arith.index_cast %parallel_loop3A_218 : i32 to index
        %parallel_loop3A_736 = arith.constant 688 : index
        %parallel_loop3A_737 = tpu.vector_load %arg9[%parallel_loop3A_735, %parallel_loop3A_736] {strides = array<i32>} : memref<16x1024xf32, #tpu.memory_space<vmem>>, vector<1x16xf32>,
        %parallel_loop3A_738 = vector.shape_cast %parallel_loop3A_737 : vector<1x16xf32> to vector<16xf32>
        %parallel_loop3A_739 = arith.constant 3.200000e+01 : f32
        %parallel_loop3A_740 = vector.broadcast %parallel_loop3A_739 : f32 to vector<16xf32>
        %parallel_loop3A_741 = arith.mulf %parallel_loop3A_738, %parallel_loop3A_740 : vector<16xf32>
        %parallel_loop3A_742 = arith.index_cast %parallel_loop3A_218 : i32 to index
        %parallel_loop3A_743 = arith.constant 688 : index
        %parallel_loop3A_744 = tpu.vector_load %arg9[%parallel_loop3A_742, %parallel_loop3A_743] {strides = array<i32>} : memref<16x1024xf32, #tpu.memory_space<vmem>>, vector<1x16xf32>,
        %parallel_loop3A_745 = vector.shape_cast %parallel_loop3A_744 : vector<1x16xf32> to vector<16xf32>
        %parallel_loop3A_746 = vector.shape_cast %parallel_loop3A_741 : vector<16xf32> to vector<1x16xf32>
        tpu.vector_store %arg9[%parallel_loop3A_742, %parallel_loop3A_743], %parallel_loop3A_746 {strides = array<i32>} : memref<16x1024xf32, #tpu.memory_space<vmem>>, vector<1x16xf32>,
        %parallel_loop3A_747 = arith.index_cast %parallel_loop3A_218 : i32 to index
        %parallel_loop3A_748 = arith.constant 704 : index
        %parallel_loop3A_749 = tpu.vector_load %arg9[%parallel_loop3A_747, %parallel_loop3A_748] {strides = array<i32>} : memref<16x1024xf32, #tpu.memory_space<vmem>>, vector<1x16xf32>,
        %parallel_loop3A_750 = vector.shape_cast %parallel_loop3A_749 : vector<1x16xf32> to vector<16xf32>
        %parallel_loop3A_751 = arith.constant 3.200000e+01 : f32
        %parallel_loop3A_752 = vector.broadcast %parallel_loop3A_751 : f32 to vector<16xf32>
        %parallel_loop3A_753 = arith.mulf %parallel_loop3A_750, %parallel_loop3A_752 : vector<16xf32>
        %parallel_loop3A_754 = arith.index_cast %parallel_loop3A_218 : i32 to index
        %parallel_loop3A_755 = arith.constant 704 : index
        %parallel_loop3A_756 = tpu.vector_load %arg9[%parallel_loop3A_754, %parallel_loop3A_755] {strides = array<i32>} : memref<16x1024xf32, #tpu.memory_space<vmem>>, vector<1x16xf32>,
        %parallel_loop3A_757 = vector.shape_cast %parallel_loop3A_756 : vector<1x16xf32> to vector<16xf32>
        %parallel_loop3A_758 = vector.shape_cast %parallel_loop3A_753 : vector<16xf32> to vector<1x16xf32>
        tpu.vector_store %arg9[%parallel_loop3A_754, %parallel_loop3A_755], %parallel_loop3A_758 {strides = array<i32>} : memref<16x1024xf32, #tpu.memory_space<vmem>>, vector<1x16xf32>,
        %parallel_loop3A_759 = arith.index_cast %parallel_loop3A_218 : i32 to index
        %parallel_loop3A_760 = arith.constant 720 : index
        %parallel_loop3A_761 = tpu.vector_load %arg9[%parallel_loop3A_759, %parallel_loop3A_760] {strides = array<i32>} : memref<16x1024xf32, #tpu.memory_space<vmem>>, vector<1x16xf32>,
        %parallel_loop3A_762 = vector.shape_cast %parallel_loop3A_761 : vector<1x16xf32> to vector<16xf32>
        %parallel_loop3A_763 = arith.constant 3.200000e+01 : f32
        %parallel_loop3A_764 = vector.broadcast %parallel_loop3A_763 : f32 to vector<16xf32>
        %parallel_loop3A_765 = arith.mulf %parallel_loop3A_762, %parallel_loop3A_764 : vector<16xf32>
        %parallel_loop3A_766 = arith.index_cast %parallel_loop3A_218 : i32 to index
        %parallel_loop3A_767 = arith.constant 720 : index
        %parallel_loop3A_768 = tpu.vector_load %arg9[%parallel_loop3A_766, %parallel_loop3A_767] {strides = array<i32>} : memref<16x1024xf32, #tpu.memory_space<vmem>>, vector<1x16xf32>,
        %parallel_loop3A_769 = vector.shape_cast %parallel_loop3A_768 : vector<1x16xf32> to vector<16xf32>
        %parallel_loop3A_770 = vector.shape_cast %parallel_loop3A_765 : vector<16xf32> to vector<1x16xf32>
        tpu.vector_store %arg9[%parallel_loop3A_766, %parallel_loop3A_767], %parallel_loop3A_770 {strides = array<i32>} : memref<16x1024xf32, #tpu.memory_space<vmem>>, vector<1x16xf32>,
        %parallel_loop3A_771 = arith.index_cast %parallel_loop3A_218 : i32 to index
        %parallel_loop3A_772 = arith.constant 736 : index
        %parallel_loop3A_773 = tpu.vector_load %arg9[%parallel_loop3A_771, %parallel_loop3A_772] {strides = array<i32>} : memref<16x1024xf32, #tpu.memory_space<vmem>>, vector<1x16xf32>,
        %parallel_loop3A_774 = vector.shape_cast %parallel_loop3A_773 : vector<1x16xf32> to vector<16xf32>
        %parallel_loop3A_775 = arith.constant 3.200000e+01 : f32
        %parallel_loop3A_776 = vector.broadcast %parallel_loop3A_775 : f32 to vector<16xf32>
        %parallel_loop3A_777 = arith.mulf %parallel_loop3A_774, %parallel_loop3A_776 : vector<16xf32>
        %parallel_loop3A_778 = arith.index_cast %parallel_loop3A_218 : i32 to index
        %parallel_loop3A_779 = arith.constant 736 : index
        %parallel_loop3A_780 = tpu.vector_load %arg9[%parallel_loop3A_778, %parallel_loop3A_779] {strides = array<i32>} : memref<16x1024xf32, #tpu.memory_space<vmem>>, vector<1x16xf32>,
        %parallel_loop3A_781 = vector.shape_cast %parallel_loop3A_780 : vector<1x16xf32> to vector<16xf32>
        %parallel_loop3A_782 = vector.shape_cast %parallel_loop3A_777 : vector<16xf32> to vector<1x16xf32>
        tpu.vector_store %arg9[%parallel_loop3A_778, %parallel_loop3A_779], %parallel_loop3A_782 {strides = array<i32>} : memref<16x1024xf32, #tpu.memory_space<vmem>>, vector<1x16xf32>,
        %parallel_loop3A_783 = arith.index_cast %parallel_loop3A_218 : i32 to index
        %parallel_loop3A_784 = arith.constant 752 : index
        %parallel_loop3A_785 = tpu.vector_load %arg9[%parallel_loop3A_783, %parallel_loop3A_784] {strides = array<i32>} : memref<16x1024xf32, #tpu.memory_space<vmem>>, vector<1x16xf32>,
        %parallel_loop3A_786 = vector.shape_cast %parallel_loop3A_785 : vector<1x16xf32> to vector<16xf32>
        %parallel_loop3A_787 = arith.constant 3.200000e+01 : f32
        %parallel_loop3A_788 = vector.broadcast %parallel_loop3A_787 : f32 to vector<16xf32>
        %parallel_loop3A_789 = arith.mulf %parallel_loop3A_786, %parallel_loop3A_788 : vector<16xf32>
        %parallel_loop3A_790 = arith.index_cast %parallel_loop3A_218 : i32 to index
        %parallel_loop3A_791 = arith.constant 752 : index
        %parallel_loop3A_792 = tpu.vector_load %arg9[%parallel_loop3A_790, %parallel_loop3A_791] {strides = array<i32>} : memref<16x1024xf32, #tpu.memory_space<vmem>>, vector<1x16xf32>,
        %parallel_loop3A_793 = vector.shape_cast %parallel_loop3A_792 : vector<1x16xf32> to vector<16xf32>
        %parallel_loop3A_794 = vector.shape_cast %parallel_loop3A_789 : vector<16xf32> to vector<1x16xf32>
        tpu.vector_store %arg9[%parallel_loop3A_790, %parallel_loop3A_791], %parallel_loop3A_794 {strides = array<i32>} : memref<16x1024xf32, #tpu.memory_space<vmem>>, vector<1x16xf32>,
        %parallel_loop3A_795 = arith.index_cast %parallel_loop3A_218 : i32 to index
        %parallel_loop3A_796 = arith.constant 768 : index
        %parallel_loop3A_797 = tpu.vector_load %arg9[%parallel_loop3A_795, %parallel_loop3A_796] {strides = array<i32>} : memref<16x1024xf32, #tpu.memory_space<vmem>>, vector<1x16xf32>,
        %parallel_loop3A_798 = vector.shape_cast %parallel_loop3A_797 : vector<1x16xf32> to vector<16xf32>
        %parallel_loop3A_799 = arith.constant 3.200000e+01 : f32
        %parallel_loop3A_800 = vector.broadcast %parallel_loop3A_799 : f32 to vector<16xf32>
        %parallel_loop3A_801 = arith.mulf %parallel_loop3A_798, %parallel_loop3A_800 : vector<16xf32>
        %parallel_loop3A_802 = arith.index_cast %parallel_loop3A_218 : i32 to index
        %parallel_loop3A_803 = arith.constant 768 : index
        %parallel_loop3A_804 = tpu.vector_load %arg9[%parallel_loop3A_802, %parallel_loop3A_803] {strides = array<i32>} : memref<16x1024xf32, #tpu.memory_space<vmem>>, vector<1x16xf32>,
        %parallel_loop3A_805 = vector.shape_cast %parallel_loop3A_804 : vector<1x16xf32> to vector<16xf32>
        %parallel_loop3A_806 = vector.shape_cast %parallel_loop3A_801 : vector<16xf32> to vector<1x16xf32>
        tpu.vector_store %arg9[%parallel_loop3A_802, %parallel_loop3A_803], %parallel_loop3A_806 {strides = array<i32>} : memref<16x1024xf32, #tpu.memory_space<vmem>>, vector<1x16xf32>,
        %parallel_loop3A_807 = arith.index_cast %parallel_loop3A_218 : i32 to index
        %parallel_loop3A_808 = arith.constant 784 : index
        %parallel_loop3A_809 = tpu.vector_load %arg9[%parallel_loop3A_807, %parallel_loop3A_808] {strides = array<i32>} : memref<16x1024xf32, #tpu.memory_space<vmem>>, vector<1x16xf32>,
        %parallel_loop3A_810 = vector.shape_cast %parallel_loop3A_809 : vector<1x16xf32> to vector<16xf32>
        %parallel_loop3A_811 = arith.constant 3.200000e+01 : f32
        %parallel_loop3A_812 = vector.broadcast %parallel_loop3A_811 : f32 to vector<16xf32>
        %parallel_loop3A_813 = arith.mulf %parallel_loop3A_810, %parallel_loop3A_812 : vector<16xf32>
        %parallel_loop3A_814 = arith.index_cast %parallel_loop3A_218 : i32 to index
        %parallel_loop3A_815 = arith.constant 784 : index
        %parallel_loop3A_816 = tpu.vector_load %arg9[%parallel_loop3A_814, %parallel_loop3A_815] {strides = array<i32>} : memref<16x1024xf32, #tpu.memory_space<vmem>>, vector<1x16xf32>,
        %parallel_loop3A_817 = vector.shape_cast %parallel_loop3A_816 : vector<1x16xf32> to vector<16xf32>
        %parallel_loop3A_818 = vector.shape_cast %parallel_loop3A_813 : vector<16xf32> to vector<1x16xf32>
        tpu.vector_store %arg9[%parallel_loop3A_814, %parallel_loop3A_815], %parallel_loop3A_818 {strides = array<i32>} : memref<16x1024xf32, #tpu.memory_space<vmem>>, vector<1x16xf32>,
        %parallel_loop3A_819 = arith.index_cast %parallel_loop3A_218 : i32 to index
        %parallel_loop3A_820 = arith.constant 800 : index
        %parallel_loop3A_821 = tpu.vector_load %arg9[%parallel_loop3A_819, %parallel_loop3A_820] {strides = array<i32>} : memref<16x1024xf32, #tpu.memory_space<vmem>>, vector<1x16xf32>,
        %parallel_loop3A_822 = vector.shape_cast %parallel_loop3A_821 : vector<1x16xf32> to vector<16xf32>
        %parallel_loop3A_823 = arith.constant 3.200000e+01 : f32
        %parallel_loop3A_824 = vector.broadcast %parallel_loop3A_823 : f32 to vector<16xf32>
        %parallel_loop3A_825 = arith.mulf %parallel_loop3A_822, %parallel_loop3A_824 : vector<16xf32>
        %parallel_loop3A_826 = arith.index_cast %parallel_loop3A_218 : i32 to index
        %parallel_loop3A_827 = arith.constant 800 : index
        %parallel_loop3A_828 = tpu.vector_load %arg9[%parallel_loop3A_826, %parallel_loop3A_827] {strides = array<i32>} : memref<16x1024xf32, #tpu.memory_space<vmem>>, vector<1x16xf32>,
        %parallel_loop3A_829 = vector.shape_cast %parallel_loop3A_828 : vector<1x16xf32> to vector<16xf32>
        %parallel_loop3A_830 = vector.shape_cast %parallel_loop3A_825 : vector<16xf32> to vector<1x16xf32>
        tpu.vector_store %arg9[%parallel_loop3A_826, %parallel_loop3A_827], %parallel_loop3A_830 {strides = array<i32>} : memref<16x1024xf32, #tpu.memory_space<vmem>>, vector<1x16xf32>,
        %parallel_loop3A_831 = arith.index_cast %parallel_loop3A_218 : i32 to index
        %parallel_loop3A_832 = arith.constant 816 : index
        %parallel_loop3A_833 = tpu.vector_load %arg9[%parallel_loop3A_831, %parallel_loop3A_832] {strides = array<i32>} : memref<16x1024xf32, #tpu.memory_space<vmem>>, vector<1x16xf32>,
        %parallel_loop3A_834 = vector.shape_cast %parallel_loop3A_833 : vector<1x16xf32> to vector<16xf32>
        %parallel_loop3A_835 = arith.constant 3.200000e+01 : f32
        %parallel_loop3A_836 = vector.broadcast %parallel_loop3A_835 : f32 to vector<16xf32>
        %parallel_loop3A_837 = arith.mulf %parallel_loop3A_834, %parallel_loop3A_836 : vector<16xf32>
        %parallel_loop3A_838 = arith.index_cast %parallel_loop3A_218 : i32 to index
        %parallel_loop3A_839 = arith.constant 816 : index
        %parallel_loop3A_840 = tpu.vector_load %arg9[%parallel_loop3A_838, %parallel_loop3A_839] {strides = array<i32>} : memref<16x1024xf32, #tpu.memory_space<vmem>>, vector<1x16xf32>,
        %parallel_loop3A_841 = vector.shape_cast %parallel_loop3A_840 : vector<1x16xf32> to vector<16xf32>
        %parallel_loop3A_842 = vector.shape_cast %parallel_loop3A_837 : vector<16xf32> to vector<1x16xf32>
        tpu.vector_store %arg9[%parallel_loop3A_838, %parallel_loop3A_839], %parallel_loop3A_842 {strides = array<i32>} : memref<16x1024xf32, #tpu.memory_space<vmem>>, vector<1x16xf32>,
        %parallel_loop3A_843 = arith.index_cast %parallel_loop3A_218 : i32 to index
        %parallel_loop3A_844 = arith.constant 832 : index
        %parallel_loop3A_845 = tpu.vector_load %arg9[%parallel_loop3A_843, %parallel_loop3A_844] {strides = array<i32>} : memref<16x1024xf32, #tpu.memory_space<vmem>>, vector<1x16xf32>,
        %parallel_loop3A_846 = vector.shape_cast %parallel_loop3A_845 : vector<1x16xf32> to vector<16xf32>
        %parallel_loop3A_847 = arith.constant 3.200000e+01 : f32
        %parallel_loop3A_848 = vector.broadcast %parallel_loop3A_847 : f32 to vector<16xf32>
        %parallel_loop3A_849 = arith.mulf %parallel_loop3A_846, %parallel_loop3A_848 : vector<16xf32>
        %parallel_loop3A_850 = arith.index_cast %parallel_loop3A_218 : i32 to index
        %parallel_loop3A_851 = arith.constant 832 : index
        %parallel_loop3A_852 = tpu.vector_load %arg9[%parallel_loop3A_850, %parallel_loop3A_851] {strides = array<i32>} : memref<16x1024xf32, #tpu.memory_space<vmem>>, vector<1x16xf32>,
        %parallel_loop3A_853 = vector.shape_cast %parallel_loop3A_852 : vector<1x16xf32> to vector<16xf32>
        %parallel_loop3A_854 = vector.shape_cast %parallel_loop3A_849 : vector<16xf32> to vector<1x16xf32>
        tpu.vector_store %arg9[%parallel_loop3A_850, %parallel_loop3A_851], %parallel_loop3A_854 {strides = array<i32>} : memref<16x1024xf32, #tpu.memory_space<vmem>>, vector<1x16xf32>,
        %parallel_loop3A_855 = arith.index_cast %parallel_loop3A_218 : i32 to index
        %parallel_loop3A_856 = arith.constant 848 : index
        %parallel_loop3A_857 = tpu.vector_load %arg9[%parallel_loop3A_855, %parallel_loop3A_856] {strides = array<i32>} : memref<16x1024xf32, #tpu.memory_space<vmem>>, vector<1x16xf32>,
        %parallel_loop3A_858 = vector.shape_cast %parallel_loop3A_857 : vector<1x16xf32> to vector<16xf32>
        %parallel_loop3A_859 = arith.constant 3.200000e+01 : f32
        %parallel_loop3A_860 = vector.broadcast %parallel_loop3A_859 : f32 to vector<16xf32>
        %parallel_loop3A_861 = arith.mulf %parallel_loop3A_858, %parallel_loop3A_860 : vector<16xf32>
        %parallel_loop3A_862 = arith.index_cast %parallel_loop3A_218 : i32 to index
        %parallel_loop3A_863 = arith.constant 848 : index
        %parallel_loop3A_864 = tpu.vector_load %arg9[%parallel_loop3A_862, %parallel_loop3A_863] {strides = array<i32>} : memref<16x1024xf32, #tpu.memory_space<vmem>>, vector<1x16xf32>,
        %parallel_loop3A_865 = vector.shape_cast %parallel_loop3A_864 : vector<1x16xf32> to vector<16xf32>
        %parallel_loop3A_866 = vector.shape_cast %parallel_loop3A_861 : vector<16xf32> to vector<1x16xf32>
        tpu.vector_store %arg9[%parallel_loop3A_862, %parallel_loop3A_863], %parallel_loop3A_866 {strides = array<i32>} : memref<16x1024xf32, #tpu.memory_space<vmem>>, vector<1x16xf32>,
        %parallel_loop3A_867 = arith.index_cast %parallel_loop3A_218 : i32 to index
        %parallel_loop3A_868 = arith.constant 864 : index
        %parallel_loop3A_869 = tpu.vector_load %arg9[%parallel_loop3A_867, %parallel_loop3A_868] {strides = array<i32>} : memref<16x1024xf32, #tpu.memory_space<vmem>>, vector<1x16xf32>,
        %parallel_loop3A_870 = vector.shape_cast %parallel_loop3A_869 : vector<1x16xf32> to vector<16xf32>
        %parallel_loop3A_871 = arith.constant 3.200000e+01 : f32
        %parallel_loop3A_872 = vector.broadcast %parallel_loop3A_871 : f32 to vector<16xf32>
        %parallel_loop3A_873 = arith.mulf %parallel_loop3A_870, %parallel_loop3A_872 : vector<16xf32>
        %parallel_loop3A_874 = arith.index_cast %parallel_loop3A_218 : i32 to index
        %parallel_loop3A_875 = arith.constant 864 : index
        %parallel_loop3A_876 = tpu.vector_load %arg9[%parallel_loop3A_874, %parallel_loop3A_875] {strides = array<i32>} : memref<16x1024xf32, #tpu.memory_space<vmem>>, vector<1x16xf32>,
        %parallel_loop3A_877 = vector.shape_cast %parallel_loop3A_876 : vector<1x16xf32> to vector<16xf32>
        %parallel_loop3A_878 = vector.shape_cast %parallel_loop3A_873 : vector<16xf32> to vector<1x16xf32>
        tpu.vector_store %arg9[%parallel_loop3A_874, %parallel_loop3A_875], %parallel_loop3A_878 {strides = array<i32>} : memref<16x1024xf32, #tpu.memory_space<vmem>>, vector<1x16xf32>,
        %parallel_loop3A_879 = arith.index_cast %parallel_loop3A_218 : i32 to index
        %parallel_loop3A_880 = arith.constant 880 : index
        %parallel_loop3A_881 = tpu.vector_load %arg9[%parallel_loop3A_879, %parallel_loop3A_880] {strides = array<i32>} : memref<16x1024xf32, #tpu.memory_space<vmem>>, vector<1x16xf32>,
        %parallel_loop3A_882 = vector.shape_cast %parallel_loop3A_881 : vector<1x16xf32> to vector<16xf32>
        %parallel_loop3A_883 = arith.constant 3.200000e+01 : f32
        %parallel_loop3A_884 = vector.broadcast %parallel_loop3A_883 : f32 to vector<16xf32>
        %parallel_loop3A_885 = arith.mulf %parallel_loop3A_882, %parallel_loop3A_884 : vector<16xf32>
        %parallel_loop3A_886 = arith.index_cast %parallel_loop3A_218 : i32 to index
        %parallel_loop3A_887 = arith.constant 880 : index
        %parallel_loop3A_888 = tpu.vector_load %arg9[%parallel_loop3A_886, %parallel_loop3A_887] {strides = array<i32>} : memref<16x1024xf32, #tpu.memory_space<vmem>>, vector<1x16xf32>,
        %parallel_loop3A_889 = vector.shape_cast %parallel_loop3A_888 : vector<1x16xf32> to vector<16xf32>
        %parallel_loop3A_890 = vector.shape_cast %parallel_loop3A_885 : vector<16xf32> to vector<1x16xf32>
        tpu.vector_store %arg9[%parallel_loop3A_886, %parallel_loop3A_887], %parallel_loop3A_890 {strides = array<i32>} : memref<16x1024xf32, #tpu.memory_space<vmem>>, vector<1x16xf32>,
        %parallel_loop3A_891 = arith.index_cast %parallel_loop3A_218 : i32 to index
        %parallel_loop3A_892 = arith.constant 896 : index
        %parallel_loop3A_893 = tpu.vector_load %arg9[%parallel_loop3A_891, %parallel_loop3A_892] {strides = array<i32>} : memref<16x1024xf32, #tpu.memory_space<vmem>>, vector<1x16xf32>,
        %parallel_loop3A_894 = vector.shape_cast %parallel_loop3A_893 : vector<1x16xf32> to vector<16xf32>
        %parallel_loop3A_895 = arith.constant 3.200000e+01 : f32
        %parallel_loop3A_896 = vector.broadcast %parallel_loop3A_895 : f32 to vector<16xf32>
        %parallel_loop3A_897 = arith.mulf %parallel_loop3A_894, %parallel_loop3A_896 : vector<16xf32>
        %parallel_loop3A_898 = arith.index_cast %parallel_loop3A_218 : i32 to index
        %parallel_loop3A_899 = arith.constant 896 : index
        %parallel_loop3A_900 = tpu.vector_load %arg9[%parallel_loop3A_898, %parallel_loop3A_899] {strides = array<i32>} : memref<16x1024xf32, #tpu.memory_space<vmem>>, vector<1x16xf32>,
        %parallel_loop3A_901 = vector.shape_cast %parallel_loop3A_900 : vector<1x16xf32> to vector<16xf32>
        %parallel_loop3A_902 = vector.shape_cast %parallel_loop3A_897 : vector<16xf32> to vector<1x16xf32>
        tpu.vector_store %arg9[%parallel_loop3A_898, %parallel_loop3A_899], %parallel_loop3A_902 {strides = array<i32>} : memref<16x1024xf32, #tpu.memory_space<vmem>>, vector<1x16xf32>,
        %parallel_loop3A_903 = arith.index_cast %parallel_loop3A_218 : i32 to index
        %parallel_loop3A_904 = arith.constant 912 : index
        %parallel_loop3A_905 = tpu.vector_load %arg9[%parallel_loop3A_903, %parallel_loop3A_904] {strides = array<i32>} : memref<16x1024xf32, #tpu.memory_space<vmem>>, vector<1x16xf32>,
        %parallel_loop3A_906 = vector.shape_cast %parallel_loop3A_905 : vector<1x16xf32> to vector<16xf32>
        %parallel_loop3A_907 = arith.constant 3.200000e+01 : f32
        %parallel_loop3A_908 = vector.broadcast %parallel_loop3A_907 : f32 to vector<16xf32>
        %parallel_loop3A_909 = arith.mulf %parallel_loop3A_906, %parallel_loop3A_908 : vector<16xf32>
        %parallel_loop3A_910 = arith.index_cast %parallel_loop3A_218 : i32 to index
        %parallel_loop3A_911 = arith.constant 912 : index
        %parallel_loop3A_912 = tpu.vector_load %arg9[%parallel_loop3A_910, %parallel_loop3A_911] {strides = array<i32>} : memref<16x1024xf32, #tpu.memory_space<vmem>>, vector<1x16xf32>,
        %parallel_loop3A_913 = vector.shape_cast %parallel_loop3A_912 : vector<1x16xf32> to vector<16xf32>
        %parallel_loop3A_914 = vector.shape_cast %parallel_loop3A_909 : vector<16xf32> to vector<1x16xf32>
        tpu.vector_store %arg9[%parallel_loop3A_910, %parallel_loop3A_911], %parallel_loop3A_914 {strides = array<i32>} : memref<16x1024xf32, #tpu.memory_space<vmem>>, vector<1x16xf32>,
        %parallel_loop3A_915 = arith.index_cast %parallel_loop3A_218 : i32 to index
        %parallel_loop3A_916 = arith.constant 928 : index
        %parallel_loop3A_917 = tpu.vector_load %arg9[%parallel_loop3A_915, %parallel_loop3A_916] {strides = array<i32>} : memref<16x1024xf32, #tpu.memory_space<vmem>>, vector<1x16xf32>,
        %parallel_loop3A_918 = vector.shape_cast %parallel_loop3A_917 : vector<1x16xf32> to vector<16xf32>
        %parallel_loop3A_919 = arith.constant 3.200000e+01 : f32
        %parallel_loop3A_920 = vector.broadcast %parallel_loop3A_919 : f32 to vector<16xf32>
        %parallel_loop3A_921 = arith.mulf %parallel_loop3A_918, %parallel_loop3A_920 : vector<16xf32>
        %parallel_loop3A_922 = arith.index_cast %parallel_loop3A_218 : i32 to index
        %parallel_loop3A_923 = arith.constant 928 : index
        %parallel_loop3A_924 = tpu.vector_load %arg9[%parallel_loop3A_922, %parallel_loop3A_923] {strides = array<i32>} : memref<16x1024xf32, #tpu.memory_space<vmem>>, vector<1x16xf32>,
        %parallel_loop3A_925 = vector.shape_cast %parallel_loop3A_924 : vector<1x16xf32> to vector<16xf32>
        %parallel_loop3A_926 = vector.shape_cast %parallel_loop3A_921 : vector<16xf32> to vector<1x16xf32>
        tpu.vector_store %arg9[%parallel_loop3A_922, %parallel_loop3A_923], %parallel_loop3A_926 {strides = array<i32>} : memref<16x1024xf32, #tpu.memory_space<vmem>>, vector<1x16xf32>,
        %parallel_loop3A_927 = arith.index_cast %parallel_loop3A_218 : i32 to index
        %parallel_loop3A_928 = arith.constant 944 : index
        %parallel_loop3A_929 = tpu.vector_load %arg9[%parallel_loop3A_927, %parallel_loop3A_928] {strides = array<i32>} : memref<16x1024xf32, #tpu.memory_space<vmem>>, vector<1x16xf32>,
        %parallel_loop3A_930 = vector.shape_cast %parallel_loop3A_929 : vector<1x16xf32> to vector<16xf32>
        %parallel_loop3A_931 = arith.constant 3.200000e+01 : f32
        %parallel_loop3A_932 = vector.broadcast %parallel_loop3A_931 : f32 to vector<16xf32>
        %parallel_loop3A_933 = arith.mulf %parallel_loop3A_930, %parallel_loop3A_932 : vector<16xf32>
        %parallel_loop3A_934 = arith.index_cast %parallel_loop3A_218 : i32 to index
        %parallel_loop3A_935 = arith.constant 944 : index
        %parallel_loop3A_936 = tpu.vector_load %arg9[%parallel_loop3A_934, %parallel_loop3A_935] {strides = array<i32>} : memref<16x1024xf32, #tpu.memory_space<vmem>>, vector<1x16xf32>,
        %parallel_loop3A_937 = vector.shape_cast %parallel_loop3A_936 : vector<1x16xf32> to vector<16xf32>
        %parallel_loop3A_938 = vector.shape_cast %parallel_loop3A_933 : vector<16xf32> to vector<1x16xf32>
        tpu.vector_store %arg9[%parallel_loop3A_934, %parallel_loop3A_935], %parallel_loop3A_938 {strides = array<i32>} : memref<16x1024xf32, #tpu.memory_space<vmem>>, vector<1x16xf32>,
        %parallel_loop3A_939 = arith.index_cast %parallel_loop3A_218 : i32 to index
        %parallel_loop3A_940 = arith.constant 960 : index
        %parallel_loop3A_941 = tpu.vector_load %arg9[%parallel_loop3A_939, %parallel_loop3A_940] {strides = array<i32>} : memref<16x1024xf32, #tpu.memory_space<vmem>>, vector<1x16xf32>,
        %parallel_loop3A_942 = vector.shape_cast %parallel_loop3A_941 : vector<1x16xf32> to vector<16xf32>
        %parallel_loop3A_943 = arith.constant 3.200000e+01 : f32
        %parallel_loop3A_944 = vector.broadcast %parallel_loop3A_943 : f32 to vector<16xf32>
        %parallel_loop3A_945 = arith.mulf %parallel_loop3A_942, %parallel_loop3A_944 : vector<16xf32>
        %parallel_loop3A_946 = arith.index_cast %parallel_loop3A_218 : i32 to index
        %parallel_loop3A_947 = arith.constant 960 : index
        %parallel_loop3A_948 = tpu.vector_load %arg9[%parallel_loop3A_946, %parallel_loop3A_947] {strides = array<i32>} : memref<16x1024xf32, #tpu.memory_space<vmem>>, vector<1x16xf32>,
        %parallel_loop3A_949 = vector.shape_cast %parallel_loop3A_948 : vector<1x16xf32> to vector<16xf32>
        %parallel_loop3A_950 = vector.shape_cast %parallel_loop3A_945 : vector<16xf32> to vector<1x16xf32>
        tpu.vector_store %arg9[%parallel_loop3A_946, %parallel_loop3A_947], %parallel_loop3A_950 {strides = array<i32>} : memref<16x1024xf32, #tpu.memory_space<vmem>>, vector<1x16xf32>,
        %parallel_loop3A_951 = arith.index_cast %parallel_loop3A_218 : i32 to index
        %parallel_loop3A_952 = arith.constant 976 : index
        %parallel_loop3A_953 = tpu.vector_load %arg9[%parallel_loop3A_951, %parallel_loop3A_952] {strides = array<i32>} : memref<16x1024xf32, #tpu.memory_space<vmem>>, vector<1x16xf32>,
        %parallel_loop3A_954 = vector.shape_cast %parallel_loop3A_953 : vector<1x16xf32> to vector<16xf32>
        %parallel_loop3A_955 = arith.constant 3.200000e+01 : f32
        %parallel_loop3A_956 = vector.broadcast %parallel_loop3A_955 : f32 to vector<16xf32>
        %parallel_loop3A_957 = arith.mulf %parallel_loop3A_954, %parallel_loop3A_956 : vector<16xf32>
        %parallel_loop3A_958 = arith.index_cast %parallel_loop3A_218 : i32 to index
        %parallel_loop3A_959 = arith.constant 976 : index
        %parallel_loop3A_960 = tpu.vector_load %arg9[%parallel_loop3A_958, %parallel_loop3A_959] {strides = array<i32>} : memref<16x1024xf32, #tpu.memory_space<vmem>>, vector<1x16xf32>,
        %parallel_loop3A_961 = vector.shape_cast %parallel_loop3A_960 : vector<1x16xf32> to vector<16xf32>
        %parallel_loop3A_962 = vector.shape_cast %parallel_loop3A_957 : vector<16xf32> to vector<1x16xf32>
        tpu.vector_store %arg9[%parallel_loop3A_958, %parallel_loop3A_959], %parallel_loop3A_962 {strides = array<i32>} : memref<16x1024xf32, #tpu.memory_space<vmem>>, vector<1x16xf32>,
        %parallel_loop3A_963 = arith.index_cast %parallel_loop3A_218 : i32 to index
        %parallel_loop3A_964 = arith.constant 992 : index
        %parallel_loop3A_965 = tpu.vector_load %arg9[%parallel_loop3A_963, %parallel_loop3A_964] {strides = array<i32>} : memref<16x1024xf32, #tpu.memory_space<vmem>>, vector<1x16xf32>,
        %parallel_loop3A_966 = vector.shape_cast %parallel_loop3A_965 : vector<1x16xf32> to vector<16xf32>
        %parallel_loop3A_967 = arith.constant 3.200000e+01 : f32
        %parallel_loop3A_968 = vector.broadcast %parallel_loop3A_967 : f32 to vector<16xf32>
        %parallel_loop3A_969 = arith.mulf %parallel_loop3A_966, %parallel_loop3A_968 : vector<16xf32>
        %parallel_loop3A_970 = arith.index_cast %parallel_loop3A_218 : i32 to index
        %parallel_loop3A_971 = arith.constant 992 : index
        %parallel_loop3A_972 = tpu.vector_load %arg9[%parallel_loop3A_970, %parallel_loop3A_971] {strides = array<i32>} : memref<16x1024xf32, #tpu.memory_space<vmem>>, vector<1x16xf32>,
        %parallel_loop3A_973 = vector.shape_cast %parallel_loop3A_972 : vector<1x16xf32> to vector<16xf32>
        %parallel_loop3A_974 = vector.shape_cast %parallel_loop3A_969 : vector<16xf32> to vector<1x16xf32>
        tpu.vector_store %arg9[%parallel_loop3A_970, %parallel_loop3A_971], %parallel_loop3A_974 {strides = array<i32>} : memref<16x1024xf32, #tpu.memory_space<vmem>>, vector<1x16xf32>,
        %parallel_loop3A_975 = arith.index_cast %parallel_loop3A_218 : i32 to index
        %parallel_loop3A_976 = arith.constant 1008 : index
        %parallel_loop3A_977 = tpu.vector_load %arg9[%parallel_loop3A_975, %parallel_loop3A_976] {strides = array<i32>} : memref<16x1024xf32, #tpu.memory_space<vmem>>, vector<1x16xf32>,
        %parallel_loop3A_978 = vector.shape_cast %parallel_loop3A_977 : vector<1x16xf32> to vector<16xf32>
        %parallel_loop3A_979 = arith.constant 3.200000e+01 : f32
        %parallel_loop3A_980 = vector.broadcast %parallel_loop3A_979 : f32 to vector<16xf32>
        %parallel_loop3A_981 = arith.mulf %parallel_loop3A_978, %parallel_loop3A_980 : vector<16xf32>
        %parallel_loop3A_982 = arith.index_cast %parallel_loop3A_218 : i32 to index
        %parallel_loop3A_983 = arith.constant 1008 : index
        %parallel_loop3A_984 = tpu.vector_load %arg9[%parallel_loop3A_982, %parallel_loop3A_983] {strides = array<i32>} : memref<16x1024xf32, #tpu.memory_space<vmem>>, vector<1x16xf32>,
        %parallel_loop3A_985 = vector.shape_cast %parallel_loop3A_984 : vector<1x16xf32> to vector<16xf32>
        %parallel_loop3A_986 = vector.shape_cast %parallel_loop3A_981 : vector<16xf32> to vector<1x16xf32>
        tpu.vector_store %arg9[%parallel_loop3A_982, %parallel_loop3A_983], %parallel_loop3A_986 {strides = array<i32>} : memref<16x1024xf32, #tpu.memory_space<vmem>>, vector<1x16xf32>,
      } {sc.loop_unroll_factor = 1 : i64, sc.parallel_access}
      %mul3A_211 = arith.constant 16 : i32
      %mul3A_212 = arith.muli %add3A_196, %mul3A_211 : i32
      %add3A_213 = arith.addi %mul3A_2, %mul3A_212 : i32
      %dma_start3A_214 = arith.constant 0 : i32
      %dma_start3A_215 = tpu.memref_slice %arg4[%add3A_213, %dma_start3A_214] : memref<8192x1024xf32, #tpu.memory_space<hbm>> -> memref<16x1024xf32, #tpu.memory_space<hbm>>
      %dma_start3A_216 = arith.constant 0 : i32
      %dma_start3A_217 = tpu.memref_slice %arg4[%add3A_213, %dma_start3A_216] : memref<8192x1024xf32, #tpu.memory_space<hbm>> -> memref<16x1024xf32, #tpu.memory_space<hbm>>
      tpu.enqueue_dma source(%arg9 : memref<16x1024xf32, #tpu.memory_space<vmem>>) target(%dma_start3A_217 : memref<16x1024xf32, #tpu.memory_space<hbm>>) target_semaphore(%arg17 : memref<!tpu.dma_semaphore, #tpu.memory_space<semaphore_mem>>)
    }
    %scan3A_80 = arith.constant 4 : i32
    %add3A_81 = arith.constant 192 : i32
    %add3A_82 = arith.addi %mul3A_2, %add3A_81 : i32
    %dma_wait3A_83 = arith.constant 0 : i32
    %dma_wait3A_84 = tpu.memref_slice %arg4[%add3A_82, %dma_wait3A_83] : memref<8192x1024xf32, #tpu.memory_space<hbm>> -> memref<16x1024xf32, #tpu.memory_space<hbm>>
    %dma_wait3A_85 = arith.constant 0 : i32
    %dma_wait3A_86 = tpu.memref_slice %arg4[%add3A_82, %dma_wait3A_85] : memref<8192x1024xf32, #tpu.memory_space<hbm>> -> memref<16x1024xf32, #tpu.memory_space<hbm>>
    tpu.wait_dma2 semaphore(%arg14 : memref<!tpu.dma_semaphore, #tpu.memory_space<semaphore_mem>>) src(%arg6 : memref<16x1024xf32, #tpu.memory_space<vmem>>) dst(%dma_wait3A_86 : memref<16x1024xf32, #tpu.memory_space<hbm>>)
    %add3A_87 = arith.constant 208 : i32
    %add3A_88 = arith.addi %mul3A_2, %add3A_87 : i32
    %dma_wait3A_89 = arith.constant 0 : i32
    %dma_wait3A_90 = tpu.memref_slice %arg4[%add3A_88, %dma_wait3A_89] : memref<8192x1024xf32, #tpu.memory_space<hbm>> -> memref<16x1024xf32, #tpu.memory_space<hbm>>
    %dma_wait3A_91 = arith.constant 0 : i32
    %dma_wait3A_92 = tpu.memref_slice %arg4[%add3A_88, %dma_wait3A_91] : memref<8192x1024xf32, #tpu.memory_space<hbm>> -> memref<16x1024xf32, #tpu.memory_space<hbm>>
    tpu.wait_dma2 semaphore(%arg15 : memref<!tpu.dma_semaphore, #tpu.memory_space<semaphore_mem>>) src(%arg7 : memref<16x1024xf32, #tpu.memory_space<vmem>>) dst(%dma_wait3A_92 : memref<16x1024xf32, #tpu.memory_space<hbm>>)
    %add3A_93 = arith.constant 224 : i32
    %add3A_94 = arith.addi %mul3A_2, %add3A_93 : i32
    %dma_wait3A_95 = arith.constant 0 : i32
    %dma_wait3A_96 = tpu.memref_slice %arg4[%add3A_94, %dma_wait3A_95] : memref<8192x1024xf32, #tpu.memory_space<hbm>> -> memref<16x1024xf32, #tpu.memory_space<hbm>>
    %dma_wait3A_97 = arith.constant 0 : i32
    %dma_wait3A_98 = tpu.memref_slice %arg4[%add3A_94, %dma_wait3A_97] : memref<8192x1024xf32, #tpu.memory_space<hbm>> -> memref<16x1024xf32, #tpu.memory_space<hbm>>
    tpu.wait_dma2 semaphore(%arg16 : memref<!tpu.dma_semaphore, #tpu.memory_space<semaphore_mem>>) src(%arg8 : memref<16x1024xf32, #tpu.memory_space<vmem>>) dst(%dma_wait3A_98 : memref<16x1024xf32, #tpu.memory_space<hbm>>)
    %add3A_99 = arith.constant 240 : i32
    %add3A_100 = arith.addi %mul3A_2, %add3A_99 : i32
    %dma_wait3A_101 = arith.constant 0 : i32
    %dma_wait3A_102 = tpu.memref_slice %arg4[%add3A_100, %dma_wait3A_101] : memref<8192x1024xf32, #tpu.memory_space<hbm>> -> memref<16x1024xf32, #tpu.memory_space<hbm>>
    %dma_wait3A_103 = arith.constant 0 : i32
    %dma_wait3A_104 = tpu.memref_slice %arg4[%add3A_100, %dma_wait3A_103] : memref<8192x1024xf32, #tpu.memory_space<hbm>> -> memref<16x1024xf32, #tpu.memory_space<hbm>>
    tpu.wait_dma2 semaphore(%arg17 : memref<!tpu.dma_semaphore, #tpu.memory_space<semaphore_mem>>) src(%arg9 : memref<16x1024xf32, #tpu.memory_space<vmem>>) dst(%dma_wait3A_104 : memref<16x1024xf32, #tpu.memory_space<hbm>>)
    return
  }
}

</mosaic_0001>

<sc_bundles>
// kernel: _gather_scale.3.cloned.1.call-start
scs
__scs_entry_jumppad:
0x0: {  	(pc) =	sbr.rel $0x88, $3  }
0x1: {  	(tag) =	ssettag $0x0;
	lr =	simm.s32 $0x1  }
0x2: {  	[smem:$0x3F9F] =	sst lr;
	_ =	strace $0xD0000000  }
0x3: {  	_ = 	snop  }
0x4: {  	_ = 	snop  }
0x5: {  	_ = 	snop  }
0x6: {  	_ = 	snop  }
0x7: {  	_ = 	snop  }
__scs_overlays_trampoline_lowered:
0x8: {  	[smem:$0x3FAE] =	sst s0  }
0x9: {  	[smem:$0x3FAF] =	sst s1  }
0xa: {  	[smem:$0x3FB0] =	sst s2  }
0xb: {  	[smem:$0x3FB1] =	sst s3  }
0xc: {  	[smem:$0x3FB2] =	sst s4  }
0xd: {  	[smem:$0x3FB3] =	sst s5  }
0xe: {  	[smem:$0x3FB4] =	sst s6  }
0xf: {  	[smem:$0x3FB5] =	sst s7  }
0x10: {  	[smem:$0x3FB6] =	sst s8  }
0x11: {  	[smem:$0x3FB7] =	sst s9;
	s0 =	simm.s32 @!p0 $0x0  }
0x12: {  	s1 =	sld [smem:$0x3F9D];
	s0 =	simm.s32 @p0 $0x1  }
0x13: {  	[smem:$0x3FB8] =	sst s0;
	s0 =	simm.s32 @!p1 $0x0  }
0x14: {  	s2 =	sld [smem:$0x3F9C];
	s0 =	simm.s32 @p1 $0x1  }
0x15: {  	[smem:$0x3FB9] =	sst s0;
	s0 =	simm.s32 @!p2 $0x0  }
0x16: {  	s3 =	sld [smem:$0x3FDB];
	s0 =	simm.s32 @p2 $0x1  }
0x17: {  	s4 =	simm.s32 $0x1BF5;
	[smem:$0x3FBB] =	sst s0  }
0x18: {  	s0 =	sld [smem:$0x3F9E];
	_ =	swait.ge [sflag:s4], $0x0  }
0x19: {  	s7 =	sld [smem:$0x3F9F]  }
0x1a: {  	s8 =	sadd.s32 $0xFFFFE003, lr  }
0x1b: {  	s9 =	sadd.s32 $0xFFFFFEF7, lr;
	s5 =	simm.s32 $0xFFFFFFFF;
	p2 =	slt.u32 s8, $0xFFFFF086  }
0x1c: {  	p1 =	slt.u32 s9, $0xF7A;
	s5 =	simm.s32 @!p2 $0x0  }
0x1d: {  	s5 =	simm.s32 @p1 $0x1;
	p0 =	seq.s32 s7, s2  }
0x1e: {  	s7 =	smul.u32 @!p0 $0xF7A, s2;
	p2 =	seq.s32 @!p0 s5, $0x0  }
0x1f: {  	s9 =	smul.u32 $0xF7A, s1;
	s8 =	simm.s32 @!p0 $0x1BF5;
	p2 =	por !p2, p0  }
0x20: {  	[sflag:s8] =	ssyncset.s32 @!p0 $0xFFFFF086;
	s6 =	sadd.s32 @!p0 s3, s7;
	s7 =	simm.s32 @!p0 $0x108  }
0x21: {  	s3 =	sadd.s32 s3, s9;
	s6 =	sadd.s32 @!p0 $0x88, s6;
	s7 =	simm.s32 @p2 $0x1082  }
0x22: {  	[simem:s7], [sflag:s8] =	dma.local @!p0 [hbm:s6], $0xF7A  }
0x23: {  	s9 =	sor.u32 $0xD0000000, s2;
	s6 =	simm.s32 $0x108;
	_ =	swait.ge @!p0 [sflag:s8], $0x0  }
0x24: {  	s3 =	sadd.s32 $0x88, s3;
	s6 =	simm.s32 @!p1 $0x1082;
	[sflag:s4] =	ssyncset.s32 $0xFFFFF086  }
0x25: {  	[simem:s6], [sflag:s4] =	dma.local [hbm:s3], $0xF7A  }
0x26: {  	[smem:$0x3F9F] =	sst s1;
	(tag) =	ssettag s2;
	_ =	strace s9  }
0x27: {  	s1 =	sld [smem:$0x3FAF]  }
0x28: {  	s2 =	sld [smem:$0x3FB0]  }
0x29: {  	s4 =	sld [smem:$0x3FB2]  }
0x2a: {  	p0 =	seq.s32 s5, $0x0;
	s5 =	sld [smem:$0x3FB3]  }
0x2b: {  	s6 =	sld [smem:$0x3FB4]  }
0x2c: {  	s7 =	sld [smem:$0x3FB5]  }
0x2d: {  	s3 =	simm.s32 $0x108;
	s8 =	sld [smem:$0x3FB6]  }
0x2e: {  	s3 =	simm.s32 @!p0 $0x1082;
	s9 =	sld [smem:$0x3FB7]  }
0x2f: {  	lr =	sadd.s32 s0, s3;
	s0 =	sld [smem:$0x3FAE]  }
0x30: {  	s3 =	sld [smem:$0x3FB1]  }
0x31: {  	[smem:$0x3FBA] =	sst s10  }
0x32: {  	s10 =	sld [smem:$0x3FB8];
	_ =	sdelay $0x3  }
0x33: {  	p0 =	seq.s32 s10, $0x1;
	s10 =	sld [smem:$0x3FBA];
	_ =	sdelay $0x3  }
0x34: {  	[smem:$0x3FBA] =	sst s10  }
0x35: {  	s10 =	sld [smem:$0x3FB9];
	_ =	sdelay $0x3  }
0x36: {  	p1 =	seq.s32 s10, $0x1;
	s10 =	sld [smem:$0x3FBA];
	_ =	sdelay $0x3  }
0x37: {  	[smem:$0x3FBA] =	sst s10  }
0x38: {  	s10 =	sld [smem:$0x3FBB]  }
0x39: {  	_ = 	snop;
	(pc) =	sbr.ind lr, $3  }
0x3a: {  	_ = 	snop  }
0x3b: {  	_ = 	snop  }
0x3c: {  	p2 =	seq.s32 s10, $0x1;
	s10 =	sld [smem:$0x3FBA]  }
0x3d: {  	_ =	shalt  }
0x3e: {  	_ =	shalt  }
0x3f: {  	_ =	shalt  }
0x40: {  	_ =	shalt  }
0x41: {  	_ =	shalt  }
0x42: {  	_ =	shalt  }
0x43: {  	_ =	shalt  }
0x44: {  	_ =	shalt  }
0x45: {  	_ =	shalt  }
0x46: {  	_ =	shalt  }
0x47: {  	_ =	shalt  }
0x48: {  	_ =	shalt  }
0x49: {  	_ =	shalt  }
0x4a: {  	_ =	shalt  }
0x4b: {  	_ =	shalt  }
0x4c: {  	_ =	shalt  }
0x4d: {  	_ =	shalt  }
0x4e: {  	_ =	shalt  }
0x4f: {  	_ =	shalt  }
0x50: {  	_ =	shalt  }
0x51: {  	_ =	shalt  }
0x52: {  	_ =	shalt  }
0x53: {  	_ =	shalt  }
0x54: {  	_ =	shalt  }
0x55: {  	_ =	shalt  }
0x56: {  	_ =	shalt  }
0x57: {  	_ =	shalt  }
0x58: {  	_ =	shalt  }
0x59: {  	_ =	shalt  }
0x5a: {  	_ =	shalt  }
0x5b: {  	_ =	shalt  }
0x5c: {  	_ =	shalt  }
0x5d: {  	_ =	shalt  }
0x5e: {  	_ =	shalt  }
0x5f: {  	_ =	shalt  }
0x60: {  	_ =	shalt  }
0x61: {  	_ =	shalt  }
0x62: {  	_ =	shalt  }
0x63: {  	_ =	shalt  }
0x64: {  	_ =	shalt  }
0x65: {  	_ =	shalt  }
0x66: {  	_ =	shalt  }
0x67: {  	_ =	shalt  }
0x68: {  	_ =	shalt  }
0x69: {  	_ =	shalt  }
0x6a: {  	_ =	shalt  }
0x6b: {  	_ =	shalt  }
0x6c: {  	_ =	shalt  }
0x6d: {  	_ =	shalt  }
0x6e: {  	_ =	shalt  }
0x6f: {  	_ =	shalt  }
0x70: {  	_ =	shalt  }
0x71: {  	_ =	shalt  }
0x72: {  	_ =	shalt  }
0x73: {  	_ =	shalt  }
0x74: {  	_ =	shalt  }
0x75: {  	_ =	shalt  }
0x76: {  	_ =	shalt  }
0x77: {  	_ =	shalt  }
0x78: {  	_ =	shalt  }
0x79: {  	_ =	shalt  }
0x7a: {  	_ =	shalt  }
0x7b: {  	_ =	shalt  }
0x7c: {  	_ =	shalt  }
0x7d: {  	_ =	shalt  }
0x7e: {  	_ =	shalt  }
0x7f: {  	_ =	shalt  }
0x80: {  	_ =	shalt  }
0x81: {  	_ =	shalt  }
0x82: {  	_ =	shalt  }
0x83: {  	_ =	shalt  }
0x84: {  	_ =	shalt  }
0x85: {  	_ =	shalt  }
0x86: {  	_ =	shalt  }
0x87: {  	_ =	shalt  }
.Lfunc_end0:
.L_simem_size_0:
called_computation_lowered:
.L_overlay_start_0:
0x88: {  	s2 =	sld [smem:$0x3FD9]  }
0x89: {  	s3 =	sld [smem:$0x3FFE];
	_ =	sdelay $0x1  }
0x8a: {  	s1 =	srdreg.scid  }
0x8b: {  	s0 =	sand.u32 $0x1, s1  }
0x8c: {  	s18 =	sshll.u32 s0, $0xA;
	s2 =	sadd.s32 s3, s2  }
0x8d: {  	s2 =	sadd.s32 s2, s18  }
0x8e: {  	[smem:$0x3FC6] =	sst s2  }
0x8f: {  	_ = 	snop  }
0x90: {  	s2 =	sld [smem:$0x3FC9]  }
0x91: {  	s19 =	sld [smem:$0x3FC8]  }
0x92: {  	s4 =	sld [smem:$0x3FD0];
	(tm) =	ssettm $0x1  }
0x93: {  	s5 =	sld [smem:$0x3FFB];
	_ =	sdelay $0x3  }
0x94: {  	_ =	strace s5  }
0x95: {  	s5 =	sld [smem:$0x3FFC];
	_ =	sdelay $0x3  }
0x96: {  	_ =	strace s5  }
0x97: {  	s5 =	sld [smem:$0x3FFD];
	_ =	sdelay $0x3  }
0x98: {  	_ =	strace s5  }
0x99: {  	_ =	strace $0x8FFFFFFF  }
0x9a: {  	s20 =	sld [smem:$0x3FDB];
	_ =	sdelay $0x1  }
0x9b: {  	s6 =	simm.s32 $_scs_section_size  }
0x9c: {  	s7 =	simm.s32 $_size__tile_overlayer_lowered;
	s8 =	simm.s32 $_tile_overlayer_lowered  }
0x9d: {  	s23 =	simm.s32 $0x1BFF;
	s22 =	sshll.u32 s8, $0x1;
	s5 =	sadd.s32 s6, s20  }
0x9e: {  	s9 =	simm.s32 $0x0;
	s21 =	sshll.u32 s7, $0x1;
	s7 =	sadd.s32 s22, s5  }
0x9f: {  	[timem:s9], [sflag:s23] =	dma.local [hbm:s7], s21  }
0xa0: {  	_ =	swait.ge [sflag:s23], s21  }
0xa1: {  	s6 =	ssub.s32 $0x0, s21;
	[sflag:s23] =	ssyncset.done $0x0  }
0xa2: {  	[sflag:s23] =	ssyncadd.s32 s6;
	_ =	sdelay $0x1  }
0xa3: {  	s24 =	simm.s32 $0x1B8B  }
0xa4: {  	_ =	swait.ge [sflag:s24], $0x1  }
0xa5: {  	[sflag:s24] =	ssyncset.done $0x0  }
0xa6: {  	s25 =	simm.s32 $0x1B8E;
	[sflag:s24] =	ssyncadd.s32 $0xFFFFFFFF  }
0xa7: {  	s26 =	simm.s32 $execute0_lowered;
	[smem:$0x3FD2] =	sst s25  }
0xa8: {  	s6 =	sshll.u32 s26, $0x1;
	_ =	strace $0x80000046;
	[dreg:$0x1] =	wrdreg $0xFFFFFFFF  }
0xa9: {  	s28 =	simm.s32 $_size_execute0_lowered;
	s5 =	sadd.s32 s5, s6;
	[dreg:$0x0] =	wrdreg $0x0  }
0xaa: {  	s6 =	sshll.u32 s28, $0x1;
	[dreg:$0x2] =	wrdreg s5  }
0xab: {  	[dreg:$0x3] =	wrdreg s6  }
0xac: {  	[dreg:$0x4] =	wrdreg $0xC0  }
0xad: {  	_ =	task [dreg:s9], $0x5FFFF  }
0xae: {  	[dreg:$0x1] =	wrdreg $0xFFFFFFFF  }
0xaf: {  	[dreg:$0x0] =	wrdreg $0x60  }
0xb0: {  	[dreg:$0x2] =	wrdreg s2  }
0xb1: {  	[dreg:$0x3] =	wrdreg s19  }
0xb2: {  	[dreg:$0x4] =	wrdreg s4  }
0xb3: {  	[dreg:$0x5] =	wrdreg $0x9  }
0xb4: {  	_ =	task.clear_ibuf [dreg:s9], $0x6FFFF;
	_ =	strace $0x90000046  }
0xb5: {  	s29 =	simm.s32 $0x9;
	_ =	strace $0x80000048  }
0xb6: {  	_ =	swait.ge [sflag:s29], $0x1  }
0xb7: {  	[sflag:s29] =	ssyncadd.s32 $0xFFFFFFFF  }
0xb8: {  	_ =	strace $0x90000048  }
0xb9: {  	_ =	sfence  }
0xba: {  	s30 =	sld [smem:$0x0];
	_ =	sdelay $0x2  }
0xbb: {  	s31 =	sshll.u32 s1, $0xD;
	s1 =	sshrl.u32 s1, $0x2  }
0xbc: {  	s3 =	sand.u32 $0x4000, s31;
	s1 =	sadd.s32 s1, s30  }
0xbd: {  	s0 =	sor.u32 s3, s0;
	s1 =	sshll.u32 s1, $0x11  }
0xbe: {  	s0 =	sor.u32 s1, s0  }
0xbf: {  	s0 =	sadd.s32 $0x8F2B, s0  }
0xc0: {  	[sflag:s0] =	ssyncadd.remote.s32 $0x1  }
0xc1: {  	_ =	sfence.sel $0xFFFF  }
0xc2: {  	[dreg:$0x0] =	wrdreg $0xFFFFFFFF;
	(pc) =	sbr.abs _section_cstart, $3  }
0xc3: {  	[dreg:$0x1] =	wrdreg $0xFFFFFFFF  }
0xc4: {  	_ =	task.clear_ibuf [dreg:s9], $0x2FFFF;
	_ =	strace $0x9FFFFFFF  }
0xc5: {  	(tm) =	ssettm $0x7FFFFFFF  }
tec
execute0_lowered:
.L_overlay_start_1:
0x0: {  	(tag) =	ssettag $0x1  }
0x1: {  	s1 =	rddreg [dreg:$0x0]  }
0x2: {  	s0 =	rddreg [dreg:$0x1]  }
0x3: {  	s2 =	srdreg.scid;
	s7 =	stileid.u32  }
0x4: {  	s3 =	rddreg [dreg:$0x2];
	s15 =	simm.s32 $0x100;
	s23 =	simm.s32 $0x4100  }
0x5: {  	s13 =	simm.s32 $0x8100;
	s24 =	simm.s32 $0x2;
	s25 =	simm.s32 $0xC100  }
0x6: {  	s12 =	simm.s32 $0xF900;
	s14 =	simm.s32 $0x4;
	s16 =	simm.s32 $0x0  }
0x7: {  	s2 =	sand.u32 $0x1, s2;
	s4 =	sshll.u32 s7, $0x1;
	s7 =	sshll.u32 s7, $0x2  }
0x8: {  	s9 =	sadd.s32 $0x200, s1;
	s10 =	sadd.s32 $0x300, s1;
	s6 =	sor.u32 s2, s4  }
0x9: {  	s4 =	simm.s32 $0x0;
	s2 =	ssub.s32 $0x2, s2;
	s5 =	sshll.u32 s6, $0x7  }
0xa: {  	[smem:$0x7FF] =	sst s4;
	s29 =	sshrl.u32 s2, $0x1;
	s30 =	sshll.u32 s6, $0xF  }
0xb: {  	s5 =	sor.u32 s7, s5;
	_ =	strace $0x80000047;
	s2 =	ssub.s32 s2, s29  }
0xc: {  	s11 =	sadd.s32 s3, s30;
	s8 =	sand.u32 $0x3B0, s5;
	s31 =	smax.u32 s2, $0x1  }
0xd: {  	v2 =	vlaneseq.u32;
	s5 =	sshll.u32 s6, $0x8;
	s0 =	sadd.s32 s0, s8;
	[dreg:$0x6] =	wrdreg s31  }
0xe: {  	vm0 =	vmmov $0xffff;
	v1 =	vshrl.u32 v2, $0x3;
	s6 =	simm.s32 $0x3;
	[dreg:$0x4] =	wrdreg s0;
	s0 =	sadd.s32 $0x40, s0  }
0xf: {  	v0 =	vand.u32 $0x7, v2;
	v2 =	vor.u32 $0x8, v2;
	v1 =	vmul.u32 $0x8, v1;
	s8 =	sadd.s32 $0x100, s1;
	[dreg:$0x5] =	wrdreg s0;
	s0 =	simm.s32 $0x1  }
.LBB2_1:
0x10: {  	[dreg:$0x7] =	wrdreg s16  }
0x11: {  	s2 =	rddreg [dreg:$0x4]  }
0x12: {  	[tilespmem:s4], [sflag:$0x9] =	stream.linear.gather [hbm4b:s2+s4], $0x80, $0x38;
	[tilespmem:$0x10100] =	vst v63  }
0x13: {  	s28 =	rddreg [dreg:$0x5];
	s7 =	simm.s32 $0x80;
	s29 =	simm.s32 $0x9  }
0x14: {  	[tilespmem:s7], [sflag:$0xA] =	stream.linear.gather [hbm4b:s28+s4], $0x80, $0x38;
	[tilespmem:$0x10100] =	vst v63  }
0x15: {  	_ =	swait.ge [sflag:s29], $0x80  }
0x16: {  	[sflag:s29] =	ssyncset.done $0x0  }
0x17: {  	[sflag:s29] =	ssyncadd.s32 $0xFFFFFF80  }
0x18: {  	v3 =	vld [tilespmem:$0x0];
	_ =	sdelay $0x4  }
0x19: {  	v4 =	vshll.u32 v3, $0x3  }
0x1a: {  	v3 =	vand.u32 $0x7, v3;
	v4 =	vand.u32 $0xFFFFFFC0, v4  }
0x1b: {  	v3 =	vor.u32 v3, v4  }
0x1c: {  	v4 =	vperm.xlane v3, v0;
	_ =	sdelay $0x1  }
0x1d: {  	v4 =	vadd.s32 v1, v4;
	_ =	sdelay $0x4  }
0x1e: {  	[tilespmem:s15], [sflag:$0x1] =	stream.indirect_vreg.gather [hbm4b:s1+s4], $0x80, v4, vm0, $0xb8;
	[tilespmem:$0x10100] =	vst v63  }
0x1f: {  	s30 =	simm.s32 $0x900;
	v3 =	vperm.xlane v3, v2  }
0x20: {  	[tilespmem:s30], [sflag:$0x1] =	stream.indirect_vreg.gather [hbm4b:s8+s4], $0x80, v4, vm0, $0xb8;
	[tilespmem:$0x10100] =	vst v63  }
0x21: {  	s31 =	simm.s32 $0x1100;
	v3 =	vadd.s32 v1, v3  }
0x22: {  	[tilespmem:s31], [sflag:$0x1] =	stream.indirect_vreg.gather [hbm4b:s9+s4], $0x80, v4, vm0, $0xb8;
	[tilespmem:$0x10100] =	vst v63  }
0x23: {  	s7 =	simm.s32 $0x1900  }
0x24: {  	[tilespmem:s7], [sflag:$0x1] =	stream.indirect_vreg.gather [hbm4b:s10+s4], $0x80, v4, vm0, $0xb8;
	[tilespmem:$0x10100] =	vst v63  }
0x25: {  	s16 =	simm.s32 $0x2100  }
0x26: {  	[tilespmem:s16], [sflag:$0x1] =	stream.indirect_vreg.gather [hbm4b:s1+s4], $0x80, v3, vm0, $0xb8;
	[tilespmem:$0x10100] =	vst v63  }
0x27: {  	s17 =	simm.s32 $0x2900  }
0x28: {  	[tilespmem:s17], [sflag:$0x1] =	stream.indirect_vreg.gather [hbm4b:s8+s4], $0x80, v3, vm0, $0xb8;
	[tilespmem:$0x10100] =	vst v63  }
0x29: {  	s18 =	simm.s32 $0x3100  }
0x2a: {  	[tilespmem:s18], [sflag:$0x1] =	stream.indirect_vreg.gather [hbm4b:s9+s4], $0x80, v3, vm0, $0xb8;
	[tilespmem:$0x10100] =	vst v63  }
0x2b: {  	s19 =	simm.s32 $0x3900  }
0x2c: {  	[tilespmem:s19], [sflag:$0x1] =	stream.indirect_vreg.gather [hbm4b:s10+s4], $0x80, v3, vm0, $0xb8;
	[tilespmem:$0x10100] =	vst v63  }
0x2d: {  	v3 =	vld [tilespmem:$0x10];
	_ =	sdelay $0x4  }
0x2e: {  	v63 =	vshll.u32 v3, $0x3  }
0x2f: {  	v3 =	vand.u32 $0x7, v3;
	v4 =	vand.u32 $0xFFFFFFC0, v63  }
0x30: {  	v3 =	vor.u32 v3, v4  }
0x31: {  	v4 =	vperm.xlane v3, v0;
	_ =	sdelay $0x1  }
0x32: {  	v4 =	vadd.s32 v1, v4;
	_ =	sdelay $0x4  }
0x33: {  	[tilespmem:s23], [sflag:$0x2] =	stream.indirect_vreg.gather [hbm4b:s1+s4], $0x80, v4, vm0, $0xb8;
	[tilespmem:$0x10100] =	vst v63  }
0x34: {  	s20 =	simm.s32 $0x4900;
	v3 =	vperm.xlane v3, v2  }
0x35: {  	[tilespmem:s20], [sflag:$0x2] =	stream.indirect_vreg.gather [hbm4b:s8+s4], $0x80, v4, vm0, $0xb8;
	[tilespmem:$0x10100] =	vst v63  }
0x36: {  	s21 =	simm.s32 $0x5100;
	v3 =	vadd.s32 v1, v3  }
0x37: {  	[tilespmem:s21], [sflag:$0x2] =	stream.indirect_vreg.gather [hbm4b:s9+s4], $0x80, v4, vm0, $0xb8;
	[tilespmem:$0x10100] =	vst v63  }
0x38: {  	s22 =	simm.s32 $0x5900  }
0x39: {  	[tilespmem:s22], [sflag:$0x2] =	stream.indirect_vreg.gather [hbm4b:s10+s4], $0x80, v4, vm0, $0xb8;
	[tilespmem:$0x10100] =	vst v63  }
0x3a: {  	s26 =	simm.s32 $0x6100  }
0x3b: {  	[tilespmem:s26], [sflag:$0x2] =	stream.indirect_vreg.gather [hbm4b:s1+s4], $0x80, v3, vm0, $0xb8;
	[tilespmem:$0x10100] =	vst v63  }
0x3c: {  	s28 =	simm.s32 $0x6900  }
0x3d: {  	[tilespmem:s28], [sflag:$0x2] =	stream.indirect_vreg.gather [hbm4b:s8+s4], $0x80, v3, vm0, $0xb8;
	[tilespmem:$0x10100] =	vst v63  }
0x3e: {  	s29 =	simm.s32 $0x7100  }
0x3f: {  	[tilespmem:s29], [sflag:$0x2] =	stream.indirect_vreg.gather [hbm4b:s9+s4], $0x80, v3, vm0, $0xb8;
	[tilespmem:$0x10100] =	vst v63  }
0x40: {  	s30 =	simm.s32 $0x7900;
	s31 =	simm.s32 $0xA  }
0x41: {  	[tilespmem:s30], [sflag:$0x2] =	stream.indirect_vreg.gather [hbm4b:s10+s4], $0x80, v3, vm0, $0xb8;
	[tilespmem:$0x10100] =	vst v63  }
0x42: {  	_ =	swait.ge [sflag:s31], $0x80  }
0x43: {  	[sflag:s31] =	ssyncset.done $0x0  }
0x44: {  	s2 =	simm.s32 $0x0;
	[sflag:s31] =	ssyncadd.s32 $0xFFFFFF80  }
.LBB2_2:
0x45: {  	_ =	swait.ge [sflag:s0], $0x4000  }
0x46: {  	p0 =	seq.s32 s2, $0x0;
	[sflag:s0] =	ssyncset.done $0x0  }
0x47: {  	s16 =	simm.s32 @!p0 $0x7;
	[sflag:s0] =	ssyncadd.s32 $0xFFFFC000  }
0x48: {  	_ =	swait.ge @!p0 [sflag:s16], $0x4000  }
0x49: {  	[sflag:s16] =	ssyncset.done @!p0 $0x0  }
0x4a: {  	s18 =	sshll.u32 s2, $0x6;
	[sflag:s16] =	ssyncadd.s32 @!p0 $0xFFFFC000  }
0x4b: {  	v3 =	vld [tilespmem:s18+$0x20];
	_ =	sdelay $0x4  }
0x4c: {  	v4 =	vshll.u32 v3, $0x3  }
0x4d: {  	v3 =	vand.u32 $0x7, v3;
	v4 =	vand.u32 $0xFFFFFFC0, v4  }
0x4e: {  	v3 =	vor.u32 v3, v4  }
0x4f: {  	v4 =	vperm.xlane v3, v0;
	_ =	sdelay $0x1  }
0x50: {  	v4 =	vadd.s32 v1, v4;
	_ =	sdelay $0x3  }
0x51: {  	s16 =	simm.s32 $0x0  }
0x52: {  	[tilespmem:s13], [sflag:$0x3] =	stream.indirect_vreg.gather [hbm4b:s1+s16], $0x80, v4, vm0, $0xb8;
	[tilespmem:$0x10100] =	vst v63  }
0x53: {  	s7 =	simm.s32 $0x8900;
	v3 =	vperm.xlane v3, v2  }
0x54: {  	[tilespmem:s7], [sflag:$0x3] =	stream.indirect_vreg.gather [hbm4b:s8+s16], $0x80, v4, vm0, $0xb8;
	[tilespmem:$0x10100] =	vst v63  }
0x55: {  	s21 =	simm.s32 $0x9100;
	v3 =	vadd.s32 v1, v3  }
0x56: {  	[tilespmem:s21], [sflag:$0x3] =	stream.indirect_vreg.gather [hbm4b:s9+s16], $0x80, v4, vm0, $0xb8;
	[tilespmem:$0x10100] =	vst v63  }
0x57: {  	s22 =	simm.s32 $0x9900  }
0x58: {  	[tilespmem:s22], [sflag:$0x3] =	stream.indirect_vreg.gather [hbm4b:s10+s16], $0x80, v4, vm0, $0xb8;
	[tilespmem:$0x10100] =	vst v63  }
0x59: {  	s26 =	simm.s32 $0xA100  }
0x5a: {  	[tilespmem:s26], [sflag:$0x3] =	stream.indirect_vreg.gather [hbm4b:s1+s16], $0x80, v3, vm0, $0xb8;
	[tilespmem:$0x10100] =	vst v63  }
0x5b: {  	s29 =	simm.s32 $0xA900;
	s17 =	simm.s32 $0x0  }
0x5c: {  	[tilespmem:s29], [sflag:$0x3] =	stream.indirect_vreg.gather [hbm4b:s8+s16], $0x80, v3, vm0, $0xb8;
	[tilespmem:$0x10100] =	vst v63  }
0x5d: {  	s30 =	simm.s32 $0xB100;
	s17 =	sand.u32 $0x2000, s17;
	s19 =	sand.u32 $0x380, s16  }
0x5e: {  	[tilespmem:s30], [sflag:$0x3] =	stream.indirect_vreg.gather [hbm4b:s9+s16], $0x80, v3, vm0, $0xb8;
	[tilespmem:$0x10100] =	vst v63  }
0x5f: {  	s31 =	simm.s32 $0xB900;
	s17 =	sor.u32 s19, s17  }
0x60: {  	[tilespmem:s31], [sflag:$0x3] =	stream.indirect_vreg.gather [hbm4b:s10+s16], $0x80, v3, vm0, $0xb8;
	[tilespmem:$0x10100] =	vst v63  }
0x61: {  	v3 =	vld [tilespmem:s17+$0x100]  }
0x62: {  	v4 =	vld [tilespmem:s17+$0x110]  }
0x63: {  	v5 =	vld [tilespmem:s17+$0x120]  }
0x64: {  	v6 =	vld [tilespmem:s17+$0x130]  }
0x65: {  	v7 =	vld [tilespmem:s17+$0x150]  }
0x66: {  	v8 =	vld [tilespmem:s17+$0x160]  }
0x67: {  	v9 =	vld [tilespmem:s17+$0x170];
	v3 =	vmul.f32 $3.200000000e+01, v3  }
0x68: {  	v10 =	vld [tilespmem:s17+$0x500];
	v4 =	vmul.f32 $3.200000000e+01, v4  }
0x69: {  	s20 =	simm.s32 $0x400;
	s7 =	simm.s32 $0x80;
	v11 =	vld [tilespmem:s17+$0x510];
	[tilespmem:s17+$0x100] =	vst v3;
	v3 =	vmul.f32 $3.200000000e+01, v5  }
0x6a: {  	s20 =	sand.u32 $0x2000, s20;
	s19 =	sand.u32 $0x380, s7;
	v12 =	vld [tilespmem:s17+$0x520];
	[tilespmem:s17+$0x110] =	vst v4;
	v4 =	vmul.f32 $3.200000000e+01, v6  }
0x6b: {  	s19 =	sor.u32 s19, s20;
	v13 =	vld [tilespmem:s17+$0x530];
	[tilespmem:s17+$0x120] =	vst v3;
	v3 =	vmul.f32 $3.200000000e+01, v7  }
0x6c: {  	v59 =	vld [tilespmem:s19+$0x160];
	[tilespmem:s17+$0x130] =	vst v4;
	v4 =	vmul.f32 $3.200000000e+01, v8  }
0x6d: {  	v51 =	vld [tilespmem:s17+$0x950];
	[tilespmem:s17+$0x150] =	vst v3;
	v3 =	vmul.f32 $3.200000000e+01, v9  }
0x6e: {  	v5 =	vld [tilespmem:s17+$0x550];
	[tilespmem:s17+$0x160] =	vst v4;
	v4 =	vmul.f32 $3.200000000e+01, v10  }
0x6f: {  	v60 =	vld [tilespmem:s19+$0x170];
	[tilespmem:s17+$0x170] =	vst v3;
	v3 =	vmul.f32 $3.200000000e+01, v11  }
0x70: {  	v6 =	vld [tilespmem:s17+$0x560];
	[tilespmem:s17+$0x500] =	vst v4;
	v4 =	vmul.f32 $3.200000000e+01, v12  }
0x71: {  	v7 =	vld [tilespmem:s17+$0x570];
	v12 =	vmul.f32 $3.200000000e+01, v59;
	[tilespmem:s17+$0x510] =	vst v3  }
0x72: {  	v8 =	vld [tilespmem:s17+$0x900];
	v3 =	vmul.f32 $3.200000000e+01, v13;
	[tilespmem:s17+$0x520] =	vst v4  }
0x73: {  	v9 =	vld [tilespmem:s17+$0x910];
	v4 =	vmul.f32 $3.200000000e+01, v5;
	[tilespmem:s19+$0x160] =	vst v12  }
0x74: {  	v10 =	vld [tilespmem:s17+$0x920];
	v13 =	vmul.f32 $3.200000000e+01, v60;
	[tilespmem:s17+$0x530] =	vst v3  }
0x75: {  	v11 =	vld [tilespmem:s17+$0x930];
	v3 =	vmul.f32 $3.200000000e+01, v6;
	[tilespmem:s17+$0x550] =	vst v4  }
0x76: {  	v52 =	vld [tilespmem:s17+$0x960];
	v4 =	vmul.f32 $3.200000000e+01, v7;
	[tilespmem:s19+$0x170] =	vst v13  }
0x77: {  	v53 =	vld [tilespmem:s17+$0xD70];
	[tilespmem:s17+$0x560] =	vst v3;
	v3 =	vmul.f32 $3.200000000e+01, v8  }
0x78: {  	v5 =	vld [tilespmem:s17+$0x970];
	[tilespmem:s17+$0x570] =	vst v4;
	v4 =	vmul.f32 $3.200000000e+01, v9  }
0x79: {  	v6 =	vld [tilespmem:s17+$0xD00];
	[tilespmem:s17+$0x900] =	vst v3;
	v3 =	vmul.f32 $3.200000000e+01, v10  }
0x7a: {  	v7 =	vld [tilespmem:s17+$0xD10];
	[tilespmem:s17+$0x910] =	vst v4;
	v4 =	vmul.f32 $3.200000000e+01, v11  }
0x7b: {  	v8 =	vld [tilespmem:s17+$0xD20];
	[tilespmem:s17+$0x920] =	vst v3;
	v3 =	vmul.f32 $3.200000000e+01, v51  }
0x7c: {  	v9 =	vld [tilespmem:s17+$0xD30];
	[tilespmem:s17+$0x930] =	vst v4;
	v4 =	vmul.f32 $3.200000000e+01, v52  }
0x7d: {  	v10 =	vld [tilespmem:s17+$0xD50];
	[tilespmem:s17+$0x950] =	vst v3;
	v3 =	vmul.f32 $3.200000000e+01, v5  }
0x7e: {  	v11 =	vld [tilespmem:s17+$0xD60];
	[tilespmem:s17+$0x960] =	vst v4;
	v4 =	vmul.f32 $3.200000000e+01, v6  }
0x7f: {  	v54 =	vld [tilespmem:s17+$0x1100];
	[tilespmem:s17+$0x970] =	vst v3;
	v3 =	vmul.f32 $3.200000000e+01, v7  }
0x80: {  	v55 =	vld [tilespmem:s17+$0x1510];
	[tilespmem:s17+$0xD00] =	vst v4;
	v4 =	vmul.f32 $3.200000000e+01, v8  }
0x81: {  	v5 =	vld [tilespmem:s17+$0x1110];
	[tilespmem:s17+$0xD10] =	vst v3;
	v3 =	vmul.f32 $3.200000000e+01, v9  }
0x82: {  	v6 =	vld [tilespmem:s17+$0x1120];
	[tilespmem:s17+$0xD20] =	vst v4;
	v4 =	vmul.f32 $3.200000000e+01, v10  }
0x83: {  	v7 =	vld [tilespmem:s17+$0x1130];
	[tilespmem:s17+$0xD30] =	vst v3;
	v3 =	vmul.f32 $3.200000000e+01, v11  }
0x84: {  	v8 =	vld [tilespmem:s17+$0x1150];
	[tilespmem:s17+$0xD50] =	vst v4;
	v4 =	vmul.f32 $3.200000000e+01, v53  }
0x85: {  	v9 =	vld [tilespmem:s17+$0x1160];
	[tilespmem:s17+$0xD60] =	vst v3;
	v3 =	vmul.f32 $3.200000000e+01, v54  }
0x86: {  	v10 =	vld [tilespmem:s17+$0x1170];
	[tilespmem:s17+$0xD70] =	vst v4;
	v4 =	vmul.f32 $3.200000000e+01, v5  }
0x87: {  	v11 =	vld [tilespmem:s17+$0x1500];
	[tilespmem:s17+$0x1100] =	vst v3;
	v3 =	vmul.f32 $3.200000000e+01, v6  }
0x88: {  	v56 =	vld [tilespmem:s17+$0x1520];
	[tilespmem:s17+$0x1110] =	vst v4;
	v4 =	vmul.f32 $3.200000000e+01, v7  }
0x89: {  	v57 =	vld [tilespmem:s19+$0x100];
	[tilespmem:s17+$0x1120] =	vst v3;
	v3 =	vmul.f32 $3.200000000e+01, v8  }
0x8a: {  	v8 =	vld [tilespmem:s17+$0x1570];
	[tilespmem:s17+$0x1130] =	vst v4;
	v4 =	vmul.f32 $3.200000000e+01, v9  }
0x8b: {  	v5 =	vld [tilespmem:s17+$0x1530];
	[tilespmem:s17+$0x1150] =	vst v3;
	v3 =	vmul.f32 $3.200000000e+01, v10  }
0x8c: {  	v6 =	vld [tilespmem:s17+$0x1550];
	[tilespmem:s17+$0x1160] =	vst v4;
	v4 =	vmul.f32 $3.200000000e+01, v11  }
0x8d: {  	v9 =	vld [tilespmem:s17+$0x1900];
	[tilespmem:s17+$0x1170] =	vst v3;
	v3 =	vmul.f32 $3.200000000e+01, v55  }
0x8e: {  	v10 =	vld [tilespmem:s17+$0x1910];
	[tilespmem:s17+$0x1500] =	vst v4;
	v4 =	vmul.f32 $3.200000000e+01, v56  }
0x8f: {  	v11 =	vld [tilespmem:s17+$0x1920];
	v8 =	vmul.f32 $3.200000000e+01, v8;
	[tilespmem:s17+$0x1510] =	vst v3  }
0x90: {  	v7 =	vld [tilespmem:s17+$0x1560];
	v3 =	vmul.f32 $3.200000000e+01, v5;
	[tilespmem:s17+$0x1520] =	vst v4  }
0x91: {  	v58 =	vld [tilespmem:s19+$0x110];
	v4 =	vmul.f32 $3.200000000e+01, v6;
	[tilespmem:s17+$0x1570] =	vst v8  }
0x92: {  	v61 =	vld [tilespmem:s17+$0x540];
	v8 =	vmul.f32 $3.200000000e+01, v9;
	[tilespmem:s17+$0x1530] =	vst v3  }
0x93: {  	v5 =	vld [tilespmem:s19+$0x120];
	v10 =	vmul.f32 $3.200000000e+01, v10;
	[tilespmem:s17+$0x1550] =	vst v4  }
0x94: {  	v6 =	vld [tilespmem:s19+$0x130];
	v11 =	vmul.f32 $3.200000000e+01, v11;
	[tilespmem:s17+$0x1900] =	vst v8  }
0x95: {  	v3 =	vmul.f32 $3.200000000e+01, v7;
	v7 =	vld [tilespmem:s19+$0x150];
	[tilespmem:s17+$0x1910] =	vst v10  }
0x96: {  	v4 =	vmul.f32 $3.200000000e+01, v57;
	v10 =	vld [tilespmem:s19+$0x520];
	[tilespmem:s17+$0x1920] =	vst v11  }
0x97: {  	v11 =	vld [tilespmem:s19+$0x530];
	[tilespmem:s17+$0x1560] =	vst v3;
	v3 =	vmul.f32 $3.200000000e+01, v58  }
0x98: {  	[tilespmem:s19+$0x100] =	vst v4;
	v4 =	vld [tilespmem:s17+$0x1930];
	v5 =	vmul.f32 $3.200000000e+01, v5  }
0x99: {  	v6 =	vmul.f32 $3.200000000e+01, v6;
	[tilespmem:s19+$0x110] =	vst v3;
	v3 =	vld [tilespmem:s17+$0x1950]  }
0x9a: {  	[tilespmem:s19+$0x120] =	vst v5;
	v5 =	vld [tilespmem:s17+$0x1960];
	v7 =	vmul.f32 $3.200000000e+01, v7  }
0x9b: {  	[tilespmem:s19+$0x130] =	vst v6;
	v6 =	vld [tilespmem:s17+$0x1970];
	v10 =	vmul.f32 $3.200000000e+01, v10  }
0x9c: {  	v9 =	vld [tilespmem:s19+$0x500];
	v11 =	vmul.f32 $3.200000000e+01, v11;
	[tilespmem:s19+$0x150] =	vst v7  }
0x9d: {  	v8 =	vld [tilespmem:s19+$0x510];
	v4 =	vmul.f32 $3.200000000e+01, v4;
	[tilespmem:s19+$0x520] =	vst v10  }
0x9e: {  	v7 =	vld [tilespmem:s17+$0x140];
	[tilespmem:s19+$0x530] =	vst v11;
	v3 =	vmul.f32 $3.200000000e+01, v3  }
0x9f: {  	[tilespmem:s17+$0x1930] =	vst v4;
	v4 =	vld [tilespmem:s19+$0x550];
	v5 =	vmul.f32 $3.200000000e+01, v5  }
0xa0: {  	v62 =	vld [tilespmem:s17+$0x940];
	v6 =	vmul.f32 $3.200000000e+01, v6;
	[tilespmem:s17+$0x1950] =	vst v3  }
0xa1: {  	v3 =	vmul.f32 $3.200000000e+01, v9;
	v9 =	vld [tilespmem:s19+$0x560];
	[tilespmem:s17+$0x1960] =	vst v5  }
0xa2: {  	v10 =	vld [tilespmem:s17+$0x1540];
	v5 =	vmul.f32 $3.200000000e+01, v8;
	[tilespmem:s17+$0x1970] =	vst v6  }
0xa3: {  	s21 =	sand.u32 $0x7, s16;
	v8 =	vld [tilespmem:s19+$0x570];
	v7 =	vmul.f32 $3.200000000e+01, v7;
	[tilespmem:s19+$0x500] =	vst v3  }
0xa4: {  	s20 =	sshll.u32 s21, $0x7;
	v3 =	vld [tilespmem:s17+$0xD40];
	[tilespmem:s19+$0x510] =	vst v5;
	v4 =	vmul.f32 $3.200000000e+01, v4  }
0xa5: {  	s20 =	sadd.s32 $0x0, s20;
	v12 =	vmul.f32 $3.200000000e+01, v61;
	v5 =	vld [tilespmem:s17+$0x1140];
	[tilespmem:s17+$0x140] =	vst v7  }
0xa6: {  	s21 =	sor.u32 $0x1C00, s20;
	v7 =	vld [tilespmem:s19+$0x910];
	[tilespmem:s19+$0x550] =	vst v4;
	v4 =	vmul.f32 $3.200000000e+01, v9  }
0xa7: {  	v13 =	vmul.f32 $3.200000000e+01, v62;
	v11 =	vld [tilespmem:s21+$0x100];
	[tilespmem:s17+$0x540] =	vst v12  }
0xa8: {  	v8 =	vmul.f32 $3.200000000e+01, v8;
	[tilespmem:s19+$0x560] =	vst v4;
	v4 =	vld [tilespmem:s17+$0x1940]  }
0xa9: {  	[tilespmem:s17+$0x940] =	vst v13;
	v3 =	vmul.f32 $3.200000000e+01, v3  }
0xaa: {  	v5 =	vmul.f32 $3.200000000e+01, v5;
	[tilespmem:s19+$0x570] =	vst v8  }
0xab: {  	v8 =	vmul.f32 $3.200000000e+01, v10;
	[tilespmem:s17+$0xD40] =	vst v3  }
0xac: {  	v7 =	vmul.f32 $3.200000000e+01, v7;
	[tilespmem:s17+$0x1140] =	vst v5  }
0xad: {  	[tilespmem:s17+$0x1540] =	vst v8;
	v4 =	vmul.f32 $3.200000000e+01, v4  }
0xae: {  	v6 =	vld [tilespmem:s19+$0x900];
	[tilespmem:s19+$0x910] =	vst v7;
	v7 =	vmul.f32 $3.200000000e+01, v11  }
0xaf: {  	[tilespmem:s17+$0x1940] =	vst v4  }
0xb0: {  	s22 =	sor.u32 $0x1C10, s20;
	v3 =	vld [tilespmem:s19+$0x950];
	[tilespmem:s21+$0x100] =	vst v7  }
0xb1: {  	v7 =	vld [tilespmem:s22+$0x100]  }
0xb2: {  	v4 =	vld [tilespmem:s19+$0xD00]  }
0xb3: {  	v5 =	vmul.f32 $3.200000000e+01, v6;
	v6 =	vld [tilespmem:s19+$0x960];
	_ =	sdelay $0x1  }
0xb4: {  	v3 =	vmul.f32 $3.200000000e+01, v3  }
0xb5: {  	v7 =	vmul.f32 $3.200000000e+01, v7  }
0xb6: {  	[tilespmem:s19+$0x950] =	vst v3;
	v3 =	vld [tilespmem:s19+$0xD30];
	v4 =	vmul.f32 $3.200000000e+01, v4  }
0xb7: {  	s26 =	sor.u32 $0x1C20, s20;
	v63 =	vld [tilespmem:s19+$0x920];
	v6 =	vmul.f32 $3.200000000e+01, v6;
	[tilespmem:s22+$0x100] =	vst v7  }
0xb8: {  	[tilespmem:s19+$0xD00] =	vst v4;
	v4 =	vld [tilespmem:s26+$0x100]  }
0xb9: {  	[tilespmem:s19+$0x960] =	vst v6;
	v6 =	vld [tilespmem:s19+$0xD50];
	_ =	sdelay $0x1  }
0xba: {  	v3 =	vmul.f32 $3.200000000e+01, v3  }
0xbb: {  	[tilespmem:s19+$0x900] =	vst v5;
	v5 =	vmul.f32 $3.200000000e+01, v63  }
0xbc: {  	v9 =	vld [tilespmem:s19+$0x930];
	[tilespmem:s19+$0xD30] =	vst v3;
	v3 =	vmul.f32 $3.200000000e+01, v4  }
0xbd: {  	v8 =	vld [tilespmem:s19+$0x970];
	[tilespmem:s19+$0x920] =	vst v5;
	v6 =	vmul.f32 $3.200000000e+01, v6  }
0xbe: {  	s29 =	sor.u32 $0x1C30, s20;
	v5 =	vld [tilespmem:s19+$0xD10];
	[tilespmem:s26+$0x100] =	vst v3  }
0xbf: {  	[tilespmem:s19+$0xD50] =	vst v6;
	v6 =	vld [tilespmem:s29+$0x100];
	_ =	sdelay $0x1  }
0xc0: {  	v9 =	vmul.f32 $3.200000000e+01, v9;
	v7 =	vld [tilespmem:s19+$0xD70]  }
0xc1: {  	v8 =	vmul.f32 $3.200000000e+01, v8  }
0xc2: {  	[tilespmem:s19+$0x930] =	vst v9;
	v5 =	vmul.f32 $3.200000000e+01, v5  }
0xc3: {  	v9 =	vld [tilespmem:s19+$0xD20];
	[tilespmem:s19+$0x970] =	vst v8;
	v6 =	vmul.f32 $3.200000000e+01, v6  }
0xc4: {  	v8 =	vld [tilespmem:s19+$0xD60];
	[tilespmem:s19+$0xD10] =	vst v5  }
0xc5: {  	s30 =	sor.u32 $0x1C40, s20;
	v5 =	vld [tilespmem:s19+$0x1100];
	v7 =	vmul.f32 $3.200000000e+01, v7;
	[tilespmem:s29+$0x100] =	vst v6  }
0xc6: {  	v6 =	vld [tilespmem:s30+$0x100]  }
0xc7: {  	[tilespmem:s19+$0xD70] =	vst v7;
	v7 =	vld [tilespmem:s19+$0x1160]  }
0xc8: {  	v9 =	vmul.f32 $3.200000000e+01, v9;
	v3 =	vld [tilespmem:s19+$0x1130]  }
0xc9: {  	v8 =	vmul.f32 $3.200000000e+01, v8;
	v4 =	vld [tilespmem:s19+$0x1120]  }
0xca: {  	[tilespmem:s19+$0xD20] =	vst v9;
	v9 =	vld [tilespmem:s19+$0x1110];
	v5 =	vmul.f32 $3.200000000e+01, v5  }
0xcb: {  	[tilespmem:s19+$0xD60] =	vst v8;
	v8 =	vld [tilespmem:s19+$0x1150];
	v6 =	vmul.f32 $3.200000000e+01, v6  }
0xcc: {  	[tilespmem:s19+$0x1100] =	vst v5;
	v5 =	vld [tilespmem:s19+$0x1500];
	v7 =	vmul.f32 $3.200000000e+01, v7  }
0xcd: {  	s31 =	sor.u32 $0x1C50, s20;
	v10 =	vld [tilespmem:s19+$0x1170];
	v3 =	vmul.f32 $3.200000000e+01, v3;
	[tilespmem:s30+$0x100] =	vst v6  }
0xce: {  	v4 =	vmul.f32 $3.200000000e+01, v4;
	[tilespmem:s19+$0x1160] =	vst v7;
	v7 =	vld [tilespmem:s31+$0x100]  }
0xcf: {  	v9 =	vmul.f32 $3.200000000e+01, v9;
	[tilespmem:s19+$0x1130] =	vst v3;
	v3 =	vld [tilespmem:s19+$0x1520]  }
0xd0: {  	v8 =	vmul.f32 $3.200000000e+01, v8;
	[tilespmem:s19+$0x1120] =	vst v4;
	v4 =	vld [tilespmem:s19+$0x1510]  }
0xd1: {  	[tilespmem:s19+$0x1110] =	vst v9;
	v5 =	vmul.f32 $3.200000000e+01, v5  }
0xd2: {  	v9 =	vmul.f32 $3.200000000e+01, v10;
	[tilespmem:s19+$0x1150] =	vst v8;
	v8 =	vld [tilespmem:s19+$0x1530]  }
0xd3: {  	[tilespmem:s19+$0x1500] =	vst v5;
	v6 =	vld [tilespmem:s19+$0x1550];
	v5 =	vmul.f32 $3.200000000e+01, v7  }
0xd4: {  	[tilespmem:s19+$0x1170] =	vst v9;
	v9 =	vld [tilespmem:s19+$0x1560];
	v3 =	vmul.f32 $3.200000000e+01, v3  }
0xd5: {  	s28 =	sor.u32 $0x1C60, s20;
	v10 =	vld [tilespmem:s19+$0x1570];
	v4 =	vmul.f32 $3.200000000e+01, v4;
	[tilespmem:s31+$0x100] =	vst v5  }
0xd6: {  	[tilespmem:s19+$0x1520] =	vst v3;
	v3 =	vld [tilespmem:s28+$0x100]  }
0xd7: {  	[tilespmem:s19+$0x1510] =	vst v4;
	v4 =	vld [tilespmem:s19+$0x1900];
	v7 =	vmul.f32 $3.200000000e+01, v8  }
0xd8: {  	v8 =	vld [tilespmem:s19+$0x1910];
	v5 =	vmul.f32 $3.200000000e+01, v6  }
0xd9: {  	[tilespmem:s19+$0x1530] =	vst v7;
	v6 =	vld [tilespmem:s19+$0x1920];
	v7 =	vmul.f32 $3.200000000e+01, v9  }
0xda: {  	s17 =	sor.u32 $0x20, s18;
	v9 =	vmul.f32 $3.200000000e+01, v10;
	[tilespmem:s19+$0x1550] =	vst v5;
	v5 =	vld [tilespmem:s19+$0x1930]  }
0xdb: {  	s21 =	simm.s32 $0x0;
	s22 =	simm.s32 $0xFFFFC400;
	s26 =	simm.s32 $0x100;
	[tilespmem:s19+$0x1560] =	vst v7;
	v7 =	vld [tilespmem:s19+$0x1950];
	v3 =	vmul.f32 $3.200000000e+01, v3  }
.LBB2_3:
0xdc: {  	p1 =	sne.s32 s26, $0x780;
	[tilespmem:s19+$0x1570] =	vst v9;
	v4 =	vmul.f32 $3.200000000e+01, v4;
	v9 =	vld [tilespmem:s19+$0x1960]  }
0xdd: {  	v8 =	vmul.f32 $3.200000000e+01, v8;
	v10 =	vld [tilespmem:s19+$0x1970];
	[tilespmem:s28+$0x100] =	vst v3;
	s28 =	sor.u32 $0x1C70, s20  }
0xde: {  	[tilespmem:s19+$0x1900] =	vst v4;
	v3 =	vmul.f32 $3.200000000e+01, v6;
	v4 =	vld [tilespmem:s28+$0x100]  }
0xdf: {  	v6 =	vld [tilespmem:s19+$0x140];
	[tilespmem:s19+$0x1910] =	vst v8;
	v5 =	vmul.f32 $3.200000000e+01, v5  }
0xe0: {  	v8 =	vld [tilespmem:s19+$0x540];
	[tilespmem:s19+$0x1920] =	vst v3;
	v3 =	vmul.f32 $3.200000000e+01, v7  }
0xe1: {  	s16 =	sadd.s32 $0x1, s16;
	v7 =	vld [tilespmem:s19+$0x940];
	[tilespmem:s19+$0x1930] =	vst v5;
	v5 =	vmul.f32 $3.200000000e+01, v9  }
0xe2: {  	s20 =	sand.u32 $0x7, s16;
	v9 =	vld [tilespmem:s19+$0xD40];
	[tilespmem:s19+$0x1950] =	vst v3;
	v3 =	vmul.f32 $3.200000000e+01, v10  }
0xe3: {  	s22 =	sadd.s32 $0x400, s22;
	s21 =	sadd.s32 $0x400, s21;
	s20 =	sshll.u32 s20, $0x7;
	v10 =	vld [tilespmem:s19+$0x1140];
	[tilespmem:s19+$0x1960] =	vst v5;
	v4 =	vmul.f32 $3.200000000e+01, v4  }
0xe4: {  	s29 =	sadd.s32 $0x4000, s22;
	s20 =	sadd.s32 s20, s21;
	v5 =	vmul.f32 $3.200000000e+01, v6;
	v6 =	vld [tilespmem:s19+$0x1540];
	[tilespmem:s19+$0x1970] =	vst v3  }
0xe5: {  	s30 =	sand.u32 $0x380, s26;
	s29 =	sand.u32 $0x2000, s29;
	s31 =	sor.u32 $0x1C00, s20;
	v3 =	vmul.f32 $3.200000000e+01, v8;
	v8 =	vld [tilespmem:s19+$0x1940];
	[tilespmem:s28+$0x100] =	vst v4  }
0xe6: {  	s28 =	sor.u32 s30, s29;
	[tilespmem:s19+$0x140] =	vst v5;
	v4 =	vmul.f32 $3.200000000e+01, v7;
	v5 =	vld [tilespmem:s31+$0x100]  }
0xe7: {  	v7 =	vld [tilespmem:s28+$0x100];
	[tilespmem:s19+$0x540] =	vst v3;
	v3 =	vmul.f32 $3.200000000e+01, v9  }
0xe8: {  	v9 =	vld [tilespmem:s28+$0x110];
	[tilespmem:s19+$0x940] =	vst v4;
	v4 =	vmul.f32 $3.200000000e+01, v10  }
0xe9: {  	v10 =	vld [tilespmem:s28+$0x120];
	[tilespmem:s19+$0xD40] =	vst v3;
	v3 =	vmul.f32 $3.200000000e+01, v6  }
0xea: {  	v6 =	vld [tilespmem:s28+$0x130];
	[tilespmem:s19+$0x1140] =	vst v4;
	v4 =	vmul.f32 $3.200000000e+01, v8  }
0xeb: {  	v8 =	vld [tilespmem:s28+$0x150];
	[tilespmem:s19+$0x1540] =	vst v3;
	v3 =	vmul.f32 $3.200000000e+01, v5  }
0xec: {  	v5 =	vmul.f32 $3.200000000e+01, v7;
	v7 =	vld [tilespmem:s28+$0x160];
	[tilespmem:s19+$0x1940] =	vst v4;
	s19 =	smov.u32 s28  }
0xed: {  	s28 =	sor.u32 $0x1C10, s20;
	v4 =	vmul.f32 $3.200000000e+01, v9;
	v9 =	vld [tilespmem:s19+$0x170];
	[tilespmem:s31+$0x100] =	vst v3  }
0xee: {  	[tilespmem:s19+$0x100] =	vst v5;
	v3 =	vmul.f32 $3.200000000e+01, v10;
	v5 =	vld [tilespmem:s28+$0x100]  }
0xef: {  	[tilespmem:s19+$0x110] =	vst v4;
	v4 =	vmul.f32 $3.200000000e+01, v6;
	v6 =	vld [tilespmem:s19+$0x500]  }
0xf0: {  	[tilespmem:s19+$0x120] =	vst v3;
	v3 =	vmul.f32 $3.200000000e+01, v8;
	v8 =	vld [tilespmem:s19+$0x510]  }
0xf1: {  	[tilespmem:s19+$0x130] =	vst v4;
	v4 =	vmul.f32 $3.200000000e+01, v7;
	v7 =	vld [tilespmem:s19+$0x520]  }
0xf2: {  	[tilespmem:s19+$0x150] =	vst v3;
	v3 =	vmul.f32 $3.200000000e+01, v9;
	v9 =	vld [tilespmem:s19+$0x530]  }
0xf3: {  	[tilespmem:s19+$0x160] =	vst v4;
	v4 =	vld [tilespmem:s19+$0x550];
	v5 =	vmul.f32 $3.200000000e+01, v5  }
0xf4: {  	[tilespmem:s19+$0x170] =	vst v3;
	v3 =	vmul.f32 $3.200000000e+01, v6;
	v6 =	vld [tilespmem:s19+$0x560]  }
0xf5: {  	v8 =	vmul.f32 $3.200000000e+01, v8;
	v10 =	vld [tilespmem:s19+$0x570];
	[tilespmem:s28+$0x100] =	vst v5;
	s28 =	sor.u32 $0x1C20, s20  }
0xf6: {  	[tilespmem:s19+$0x500] =	vst v3;
	v3 =	vmul.f32 $3.200000000e+01, v7;
	v5 =	vld [tilespmem:s28+$0x100]  }
0xf7: {  	[tilespmem:s19+$0x510] =	vst v8;
	v7 =	vmul.f32 $3.200000000e+01, v9;
	v8 =	vld [tilespmem:s19+$0x900]  }
0xf8: {  	[tilespmem:s19+$0x520] =	vst v3;
	v3 =	vmul.f32 $3.200000000e+01, v4;
	v4 =	vld [tilespmem:s19+$0x910]  }
0xf9: {  	[tilespmem:s19+$0x530] =	vst v7;
	v6 =	vmul.f32 $3.200000000e+01, v6;
	v7 =	vld [tilespmem:s19+$0x920]  }
0xfa: {  	[tilespmem:s19+$0x550] =	vst v3;
	v3 =	vmul.f32 $3.200000000e+01, v10;
	v9 =	vld [tilespmem:s19+$0x930]  }
0xfb: {  	[tilespmem:s19+$0x560] =	vst v6;
	v6 =	vld [tilespmem:s19+$0x950];
	v5 =	vmul.f32 $3.200000000e+01, v5  }
0xfc: {  	[tilespmem:s19+$0x570] =	vst v3;
	v3 =	vmul.f32 $3.200000000e+01, v8;
	v8 =	vld [tilespmem:s19+$0x960]  }
0xfd: {  	v4 =	vmul.f32 $3.200000000e+01, v4;
	v10 =	vld [tilespmem:s19+$0x970];
	[tilespmem:s28+$0x100] =	vst v5;
	s28 =	sor.u32 $0x1C30, s20  }
0xfe: {  	[tilespmem:s19+$0x900] =	vst v3;
	v3 =	vmul.f32 $3.200000000e+01, v7;
	v5 =	vld [tilespmem:s28+$0x100]  }
0xff: {  	[tilespmem:s19+$0x910] =	vst v4;
	v4 =	vmul.f32 $3.200000000e+01, v9;
	v7 =	vld [tilespmem:s19+$0xD00]  }
0x100: {  	[tilespmem:s19+$0x920] =	vst v3;
	v3 =	vmul.f32 $3.200000000e+01, v6;
	v6 =	vld [tilespmem:s19+$0xD10]  }
0x101: {  	[tilespmem:s19+$0x930] =	vst v4;
	v4 =	vmul.f32 $3.200000000e+01, v8;
	v8 =	vld [tilespmem:s19+$0xD20]  }
0x102: {  	[tilespmem:s19+$0x950] =	vst v3;
	v3 =	vmul.f32 $3.200000000e+01, v10;
	v9 =	vld [tilespmem:s19+$0xD30]  }
0x103: {  	[tilespmem:s19+$0x960] =	vst v4;
	v4 =	vld [tilespmem:s19+$0xD50];
	v5 =	vmul.f32 $3.200000000e+01, v5  }
0x104: {  	[tilespmem:s19+$0x970] =	vst v3;
	v3 =	vmul.f32 $3.200000000e+01, v7;
	v7 =	vld [tilespmem:s19+$0xD60]  }
0x105: {  	v6 =	vmul.f32 $3.200000000e+01, v6;
	v10 =	vld [tilespmem:s19+$0xD70];
	[tilespmem:s28+$0x100] =	vst v5;
	s28 =	sor.u32 $0x1C40, s20  }
0x106: {  	[tilespmem:s19+$0xD00] =	vst v3;
	v3 =	vmul.f32 $3.200000000e+01, v8;
	v5 =	vld [tilespmem:s28+$0x100]  }
0x107: {  	[tilespmem:s19+$0xD10] =	vst v6;
	v6 =	vmul.f32 $3.200000000e+01, v9;
	v8 =	vld [tilespmem:s19+$0x1100]  }
0x108: {  	[tilespmem:s19+$0xD20] =	vst v3;
	v3 =	vmul.f32 $3.200000000e+01, v4;
	v4 =	vld [tilespmem:s19+$0x1110]  }
0x109: {  	[tilespmem:s19+$0xD30] =	vst v6;
	v6 =	vmul.f32 $3.200000000e+01, v7;
	v7 =	vld [tilespmem:s19+$0x1120]  }
0x10a: {  	[tilespmem:s19+$0xD50] =	vst v3;
	v3 =	vmul.f32 $3.200000000e+01, v10;
	v9 =	vld [tilespmem:s19+$0x1130]  }
0x10b: {  	[tilespmem:s19+$0xD60] =	vst v6;
	v6 =	vld [tilespmem:s19+$0x1150];
	v5 =	vmul.f32 $3.200000000e+01, v5  }
0x10c: {  	[tilespmem:s19+$0xD70] =	vst v3;
	v3 =	vmul.f32 $3.200000000e+01, v8;
	v8 =	vld [tilespmem:s19+$0x1160]  }
0x10d: {  	v4 =	vmul.f32 $3.200000000e+01, v4;
	v10 =	vld [tilespmem:s19+$0x1170];
	[tilespmem:s28+$0x100] =	vst v5;
	s28 =	sor.u32 $0x1C50, s20  }
0x10e: {  	[tilespmem:s19+$0x1100] =	vst v3;
	v3 =	vmul.f32 $3.200000000e+01, v7;
	v5 =	vld [tilespmem:s28+$0x100]  }
0x10f: {  	[tilespmem:s19+$0x1110] =	vst v4;
	v4 =	vmul.f32 $3.200000000e+01, v9;
	v7 =	vld [tilespmem:s19+$0x1500]  }
0x110: {  	[tilespmem:s19+$0x1120] =	vst v3;
	v3 =	vmul.f32 $3.200000000e+01, v6;
	v6 =	vld [tilespmem:s19+$0x1510]  }
0x111: {  	[tilespmem:s19+$0x1130] =	vst v4;
	v4 =	vmul.f32 $3.200000000e+01, v8;
	v8 =	vld [tilespmem:s19+$0x1520]  }
0x112: {  	[tilespmem:s19+$0x1150] =	vst v3;
	v3 =	vmul.f32 $3.200000000e+01, v10;
	v9 =	vld [tilespmem:s19+$0x1530]  }
0x113: {  	[tilespmem:s19+$0x1160] =	vst v4;
	v10 =	vld [tilespmem:s19+$0x1550];
	v4 =	vmul.f32 $3.200000000e+01, v5  }
0x114: {  	[tilespmem:s19+$0x1170] =	vst v3;
	v3 =	vmul.f32 $3.200000000e+01, v7;
	v5 =	vld [tilespmem:s19+$0x1560]  }
0x115: {  	v6 =	vmul.f32 $3.200000000e+01, v6;
	v7 =	vld [tilespmem:s19+$0x1570];
	[tilespmem:s28+$0x100] =	vst v4;
	s28 =	sor.u32 $0x1C60, s20  }
0x116: {  	[tilespmem:s19+$0x1500] =	vst v3;
	v3 =	vmul.f32 $3.200000000e+01, v8;
	v11 =	vld [tilespmem:s28+$0x100]  }
.Ltmp0:
0x117: {  	[tilespmem:s19+$0x1510] =	vst v6;
	v6 =	vmul.f32 $3.200000000e+01, v9;
	v4 =	vld [tilespmem:s19+$0x1900];
	(pc) =	sbr.rel @p1 .LBB2_3-.Ltmp0, $4  }
0x118: {  	[tilespmem:s19+$0x1520] =	vst v3;
	v3 =	vmul.f32 $3.200000000e+01, v10;
	v8 =	vld [tilespmem:s19+$0x1910]  }
0x119: {  	[tilespmem:s19+$0x1530] =	vst v6;
	v10 =	vmul.f32 $3.200000000e+01, v5;
	v6 =	vld [tilespmem:s19+$0x1920]  }
0x11a: {  	[tilespmem:s19+$0x1550] =	vst v3;
	v9 =	vmul.f32 $3.200000000e+01, v7;
	v5 =	vld [tilespmem:s19+$0x1930]  }
0x11b: {  	s26 =	sadd.s32 $0x80, s26;
	[tilespmem:s19+$0x1560] =	vst v10;
	v7 =	vld [tilespmem:s19+$0x1950];
	v3 =	vmul.f32 $3.200000000e+01, v11  }
0x11c: {  	[tilespmem:s19+$0x1570] =	vst v9;
	v4 =	vmul.f32 $3.200000000e+01, v4;
	v9 =	vld [tilespmem:s19+$0x1960]  }
0x11d: {  	v10 =	vld [tilespmem:s19+$0x1970];
	v8 =	vmul.f32 $3.200000000e+01, v8  }
0x11e: {  	[tilespmem:s19+$0x1900] =	vst v4;
	v4 =	vld [tilespmem:s19+$0x140];
	v6 =	vmul.f32 $3.200000000e+01, v6  }
0x11f: {  	[tilespmem:s19+$0x1910] =	vst v8;
	v5 =	vmul.f32 $3.200000000e+01, v5  }
0x120: {  	v8 =	vld [tilespmem:s19+$0x540];
	[tilespmem:s19+$0x1920] =	vst v6;
	v7 =	vmul.f32 $3.200000000e+01, v7  }
0x121: {  	s16 =	sadd.s32 $0x1, s16;
	v6 =	vld [tilespmem:s19+$0x940];
	[tilespmem:s19+$0x1930] =	vst v5;
	v9 =	vmul.f32 $3.200000000e+01, v9  }
0x122: {  	s16 =	sand.u32 $0x7, s16;
	v5 =	vld [tilespmem:s19+$0xD40];
	v10 =	vmul.f32 $3.200000000e+01, v10;
	[tilespmem:s19+$0x1950] =	vst v7  }
0x123: {  	s21 =	sadd.s32 $0x400, s21;
	s16 =	sshll.u32 s16, $0x7;
	v7 =	vld [tilespmem:s19+$0x1140];
	[tilespmem:s19+$0x1960] =	vst v9;
	v4 =	vmul.f32 $3.200000000e+01, v4  }
0x124: {  	s16 =	sadd.s32 s16, s21;
	v9 =	vld [tilespmem:s19+$0x1540];
	[tilespmem:s19+$0x1970] =	vst v10  }
0x125: {  	s21 =	sor.u32 $0x1C00, s16;
	v10 =	vld [tilespmem:s19+$0x1940];
	v8 =	vmul.f32 $3.200000000e+01, v8;
	[tilespmem:s19+$0x140] =	vst v4  }
0x126: {  	v4 =	vmul.f32 $3.200000000e+01, v6;
	v6 =	vld [tilespmem:s21+$0x100]  }
0x127: {  	[tilespmem:s19+$0x540] =	vst v8;
	v5 =	vmul.f32 $3.200000000e+01, v5  }
0x128: {  	[tilespmem:s19+$0x940] =	vst v4;
	v4 =	vmul.f32 $3.200000000e+01, v7  }
0x129: {  	[tilespmem:s19+$0xD40] =	vst v5;
	v5 =	vmul.f32 $3.200000000e+01, v9  }
0x12a: {  	[tilespmem:s19+$0x1140] =	vst v4;
	v4 =	vmul.f32 $3.200000000e+01, v10  }
0x12b: {  	[tilespmem:s19+$0x1540] =	vst v5;
	v5 =	vmul.f32 $3.200000000e+01, v6  }
0x12c: {  	[tilespmem:s19+$0x1940] =	vst v4  }
0x12d: {  	s26 =	sor.u32 $0x1C10, s16;
	[tilespmem:s21+$0x100] =	vst v5  }
0x12e: {  	v4 =	vld [tilespmem:s26+$0x100];
	_ =	sdelay $0x4  }
0x12f: {  	v4 =	vmul.f32 $3.200000000e+01, v4;
	_ =	sdelay $0x1  }
0x130: {  	s30 =	sor.u32 $0x1C20, s16;
	[tilespmem:s26+$0x100] =	vst v4  }
0x131: {  	v4 =	vld [tilespmem:s30+$0x100];
	_ =	sdelay $0x4  }
0x132: {  	v4 =	vmul.f32 $3.200000000e+01, v4;
	_ =	sdelay $0x1  }
0x133: {  	s31 =	sor.u32 $0x1C30, s16;
	[tilespmem:s30+$0x100] =	vst v4  }
0x134: {  	v4 =	vld [tilespmem:s31+$0x100];
	_ =	sdelay $0x4  }
0x135: {  	v4 =	vmul.f32 $3.200000000e+01, v4;
	_ =	sdelay $0x1  }
0x136: {  	s7 =	sor.u32 $0x1C40, s16;
	[tilespmem:s31+$0x100] =	vst v4  }
0x137: {  	v4 =	vld [tilespmem:s7+$0x100];
	_ =	sdelay $0x4  }
0x138: {  	v4 =	vmul.f32 $3.200000000e+01, v4;
	_ =	sdelay $0x1  }
0x139: {  	s21 =	sor.u32 $0x1C50, s16;
	[tilespmem:s7+$0x100] =	vst v4  }
0x13a: {  	v4 =	vld [tilespmem:s21+$0x100];
	_ =	sdelay $0x4  }
0x13b: {  	v4 =	vmul.f32 $3.200000000e+01, v4;
	_ =	sdelay $0x1  }
0x13c: {  	s22 =	sor.u32 $0x1C60, s16;
	[tilespmem:s21+$0x100] =	vst v4  }
0x13d: {  	v4 =	vld [tilespmem:s22+$0x100];
	_ =	sdelay $0x4  }
0x13e: {  	v4 =	vmul.f32 $3.200000000e+01, v4  }
0x13f: {  	s20 =	sor.u32 $0x1C70, s20;
	[tilespmem:s28+$0x100] =	vst v3  }
0x140: {  	v3 =	vld [tilespmem:s20+$0x100];
	s16 =	sor.u32 $0x1C70, s16;
	[tilespmem:s22+$0x100] =	vst v4  }
0x141: {  	v4 =	vld [tilespmem:s16+$0x100];
	_ =	sdelay $0x3  }
0x142: {  	v3 =	vmul.f32 $3.200000000e+01, v3  }
0x143: {  	v4 =	vmul.f32 $3.200000000e+01, v4  }
0x144: {  	[tilespmem:s20+$0x100] =	vst v3;
	s26 =	sshll.u32 s2, $0xD  }
0x145: {  	s30 =	sadd.s32 s26, s11;
	[tilespmem:s16+$0x100] =	vst v4  }
0x146: {  	[hbm4b:s30+s4] =	stream.linear.scatter [tilespmem:s15], [sflag:$0x5], $0x4000, $0x38;
	[tilespmem:$0x10100] =	vst v63  }
0x147: {  	_ =	swait.ge [sflag:s24], $0x4000  }
0x148: {  	[sflag:s24] =	ssyncset.done $0x0  }
0x149: {  	s16 =	simm.s32 @!p0 $0x8;
	[sflag:s24] =	ssyncadd.s32 $0xFFFFC000  }
0x14a: {  	_ =	swait.ge @!p0 [sflag:s16], $0x4000  }
0x14b: {  	[sflag:s16] =	ssyncset.done @!p0 $0x0  }
0x14c: {  	[sflag:s16] =	ssyncadd.s32 @!p0 $0xFFFFC000;
	s16 =	sor.u32 $0x30, s18  }
0x14d: {  	v3 =	vld [tilespmem:s16+$0x0];
	_ =	sdelay $0x4  }
0x14e: {  	v4 =	vshll.u32 v3, $0x3  }
0x14f: {  	v3 =	vand.u32 $0x7, v3;
	v4 =	vand.u32 $0xFFFFFFC0, v4  }
0x150: {  	v3 =	vor.u32 v3, v4  }
0x151: {  	v4 =	vperm.xlane v3, v0;
	_ =	sdelay $0x1  }
0x152: {  	v4 =	vadd.s32 v1, v4;
	_ =	sdelay $0x3  }
0x153: {  	s19 =	simm.s32 $0x0  }
0x154: {  	[tilespmem:s25], [sflag:$0x4] =	stream.indirect_vreg.gather [hbm4b:s1+s19], $0x80, v4, vm0, $0xb8;
	[tilespmem:$0x10100] =	vst v63  }
0x155: {  	s7 =	simm.s32 $0xC900;
	v3 =	vperm.xlane v3, v2  }
0x156: {  	[tilespmem:s7], [sflag:$0x4] =	stream.indirect_vreg.gather [hbm4b:s8+s19], $0x80, v4, vm0, $0xb8;
	[tilespmem:$0x10100] =	vst v63  }
0x157: {  	s31 =	simm.s32 $0xD100;
	v3 =	vadd.s32 v1, v3  }
0x158: {  	[tilespmem:s31], [sflag:$0x4] =	stream.indirect_vreg.gather [hbm4b:s9+s19], $0x80, v4, vm0, $0xb8;
	[tilespmem:$0x10100] =	vst v63  }
0x159: {  	s20 =	simm.s32 $0xD900  }
0x15a: {  	[tilespmem:s20], [sflag:$0x4] =	stream.indirect_vreg.gather [hbm4b:s10+s19], $0x80, v4, vm0, $0xb8;
	[tilespmem:$0x10100] =	vst v63  }
0x15b: {  	s21 =	simm.s32 $0xE100  }
0x15c: {  	[tilespmem:s21], [sflag:$0x4] =	stream.indirect_vreg.gather [hbm4b:s1+s19], $0x80, v3, vm0, $0xb8;
	[tilespmem:$0x10100] =	vst v63  }
0x15d: {  	s22 =	simm.s32 $0xE900;
	s30 =	simm.s32 $0x0  }
0x15e: {  	[tilespmem:s22], [sflag:$0x4] =	stream.indirect_vreg.gather [hbm4b:s8+s19], $0x80, v3, vm0, $0xb8;
	[tilespmem:$0x10100] =	vst v63  }
0x15f: {  	s26 =	simm.s32 $0xF100;
	s31 =	sand.u32 $0x380, s19;
	s20 =	sand.u32 $0x2000, s30  }
0x160: {  	[tilespmem:s26], [sflag:$0x4] =	stream.indirect_vreg.gather [hbm4b:s9+s19], $0x80, v3, vm0, $0xb8;
	[tilespmem:$0x10100] =	vst v63  }
0x161: {  	s22 =	sor.u32 s31, s20  }
0x162: {  	[tilespmem:s12], [sflag:$0x4] =	stream.indirect_vreg.gather [hbm4b:s10+s19], $0x80, v3, vm0, $0xb8;
	[tilespmem:$0x10100] =	vst v63  }
0x163: {  	v3 =	vld [tilespmem:s22+$0x4100]  }
0x164: {  	v4 =	vld [tilespmem:s22+$0x4110]  }
0x165: {  	v5 =	vld [tilespmem:s22+$0x4120]  }
0x166: {  	v6 =	vld [tilespmem:s22+$0x4130]  }
0x167: {  	v7 =	vld [tilespmem:s22+$0x4150]  }
0x168: {  	v8 =	vld [tilespmem:s22+$0x4160]  }
0x169: {  	v9 =	vld [tilespmem:s22+$0x4170];
	v3 =	vmul.f32 $3.200000000e+01, v3  }
0x16a: {  	v10 =	vld [tilespmem:s22+$0x4500];
	v4 =	vmul.f32 $3.200000000e+01, v4  }
0x16b: {  	s7 =	simm.s32 $0x80;
	s26 =	simm.s32 $0x400;
	v11 =	vld [tilespmem:s22+$0x4510];
	[tilespmem:s22+$0x4100] =	vst v3;
	v3 =	vmul.f32 $3.200000000e+01, v5  }
0x16c: {  	s20 =	sand.u32 $0x380, s7;
	s21 =	sand.u32 $0x2000, s26;
	v12 =	vld [tilespmem:s22+$0x4520];
	[tilespmem:s22+$0x4110] =	vst v4;
	v4 =	vmul.f32 $3.200000000e+01, v6  }
0x16d: {  	s20 =	sor.u32 s20, s21;
	v13 =	vld [tilespmem:s22+$0x4530];
	[tilespmem:s22+$0x4120] =	vst v3;
	v3 =	vmul.f32 $3.200000000e+01, v7  }
0x16e: {  	v59 =	vld [tilespmem:s20+$0x4160];
	[tilespmem:s22+$0x4130] =	vst v4;
	v4 =	vmul.f32 $3.200000000e+01, v8  }
0x16f: {  	v51 =	vld [tilespmem:s22+$0x4950];
	[tilespmem:s22+$0x4150] =	vst v3;
	v3 =	vmul.f32 $3.200000000e+01, v9  }
0x170: {  	v5 =	vld [tilespmem:s22+$0x4550];
	[tilespmem:s22+$0x4160] =	vst v4;
	v4 =	vmul.f32 $3.200000000e+01, v10  }
0x171: {  	v60 =	vld [tilespmem:s20+$0x4170];
	[tilespmem:s22+$0x4170] =	vst v3;
	v3 =	vmul.f32 $3.200000000e+01, v11  }
0x172: {  	v6 =	vld [tilespmem:s22+$0x4560];
	[tilespmem:s22+$0x4500] =	vst v4;
	v4 =	vmul.f32 $3.200000000e+01, v12  }
0x173: {  	v7 =	vld [tilespmem:s22+$0x4570];
	v12 =	vmul.f32 $3.200000000e+01, v59;
	[tilespmem:s22+$0x4510] =	vst v3  }
0x174: {  	v8 =	vld [tilespmem:s22+$0x4900];
	v3 =	vmul.f32 $3.200000000e+01, v13;
	[tilespmem:s22+$0x4520] =	vst v4  }
0x175: {  	v9 =	vld [tilespmem:s22+$0x4910];
	v4 =	vmul.f32 $3.200000000e+01, v5;
	[tilespmem:s20+$0x4160] =	vst v12  }
0x176: {  	v10 =	vld [tilespmem:s22+$0x4920];
	v13 =	vmul.f32 $3.200000000e+01, v60;
	[tilespmem:s22+$0x4530] =	vst v3  }
0x177: {  	v11 =	vld [tilespmem:s22+$0x4930];
	v3 =	vmul.f32 $3.200000000e+01, v6;
	[tilespmem:s22+$0x4550] =	vst v4  }
0x178: {  	v52 =	vld [tilespmem:s22+$0x4960];
	v4 =	vmul.f32 $3.200000000e+01, v7;
	[tilespmem:s20+$0x4170] =	vst v13  }
0x179: {  	v53 =	vld [tilespmem:s22+$0x4D70];
	[tilespmem:s22+$0x4560] =	vst v3;
	v3 =	vmul.f32 $3.200000000e+01, v8  }
0x17a: {  	v5 =	vld [tilespmem:s22+$0x4970];
	[tilespmem:s22+$0x4570] =	vst v4;
	v4 =	vmul.f32 $3.200000000e+01, v9  }
0x17b: {  	v6 =	vld [tilespmem:s22+$0x4D00];
	[tilespmem:s22+$0x4900] =	vst v3;
	v3 =	vmul.f32 $3.200000000e+01, v10  }
0x17c: {  	v7 =	vld [tilespmem:s22+$0x4D10];
	[tilespmem:s22+$0x4910] =	vst v4;
	v4 =	vmul.f32 $3.200000000e+01, v11  }
0x17d: {  	v8 =	vld [tilespmem:s22+$0x4D20];
	[tilespmem:s22+$0x4920] =	vst v3;
	v3 =	vmul.f32 $3.200000000e+01, v51  }
0x17e: {  	v9 =	vld [tilespmem:s22+$0x4D30];
	[tilespmem:s22+$0x4930] =	vst v4;
	v4 =	vmul.f32 $3.200000000e+01, v52  }
0x17f: {  	v10 =	vld [tilespmem:s22+$0x4D50];
	[tilespmem:s22+$0x4950] =	vst v3;
	v3 =	vmul.f32 $3.200000000e+01, v5  }
0x180: {  	v11 =	vld [tilespmem:s22+$0x4D60];
	[tilespmem:s22+$0x4960] =	vst v4;
	v4 =	vmul.f32 $3.200000000e+01, v6  }
0x181: {  	v54 =	vld [tilespmem:s22+$0x5100];
	[tilespmem:s22+$0x4970] =	vst v3;
	v3 =	vmul.f32 $3.200000000e+01, v7  }
0x182: {  	v55 =	vld [tilespmem:s22+$0x5510];
	[tilespmem:s22+$0x4D00] =	vst v4;
	v4 =	vmul.f32 $3.200000000e+01, v8  }
0x183: {  	v5 =	vld [tilespmem:s22+$0x5110];
	[tilespmem:s22+$0x4D10] =	vst v3;
	v3 =	vmul.f32 $3.200000000e+01, v9  }
0x184: {  	v6 =	vld [tilespmem:s22+$0x5120];
	[tilespmem:s22+$0x4D20] =	vst v4;
	v4 =	vmul.f32 $3.200000000e+01, v10  }
0x185: {  	v7 =	vld [tilespmem:s22+$0x5130];
	[tilespmem:s22+$0x4D30] =	vst v3;
	v3 =	vmul.f32 $3.200000000e+01, v11  }
0x186: {  	v8 =	vld [tilespmem:s22+$0x5150];
	[tilespmem:s22+$0x4D50] =	vst v4;
	v4 =	vmul.f32 $3.200000000e+01, v53  }
0x187: {  	v9 =	vld [tilespmem:s22+$0x5160];
	[tilespmem:s22+$0x4D60] =	vst v3;
	v3 =	vmul.f32 $3.200000000e+01, v54  }
0x188: {  	v10 =	vld [tilespmem:s22+$0x5170];
	[tilespmem:s22+$0x4D70] =	vst v4;
	v4 =	vmul.f32 $3.200000000e+01, v5  }
0x189: {  	v11 =	vld [tilespmem:s22+$0x5500];
	[tilespmem:s22+$0x5100] =	vst v3;
	v3 =	vmul.f32 $3.200000000e+01, v6  }
0x18a: {  	v56 =	vld [tilespmem:s22+$0x5520];
	[tilespmem:s22+$0x5110] =	vst v4;
	v4 =	vmul.f32 $3.200000000e+01, v7  }
0x18b: {  	v57 =	vld [tilespmem:s20+$0x4100];
	[tilespmem:s22+$0x5120] =	vst v3;
	v3 =	vmul.f32 $3.200000000e+01, v8  }
0x18c: {  	v8 =	vld [tilespmem:s22+$0x5570];
	[tilespmem:s22+$0x5130] =	vst v4;
	v4 =	vmul.f32 $3.200000000e+01, v9  }
0x18d: {  	v5 =	vld [tilespmem:s22+$0x5530];
	[tilespmem:s22+$0x5150] =	vst v3;
	v3 =	vmul.f32 $3.200000000e+01, v10  }
0x18e: {  	v6 =	vld [tilespmem:s22+$0x5550];
	[tilespmem:s22+$0x5160] =	vst v4;
	v4 =	vmul.f32 $3.200000000e+01, v11  }
0x18f: {  	v9 =	vld [tilespmem:s22+$0x5900];
	[tilespmem:s22+$0x5170] =	vst v3;
	v3 =	vmul.f32 $3.200000000e+01, v55  }
0x190: {  	v10 =	vld [tilespmem:s22+$0x5910];
	[tilespmem:s22+$0x5500] =	vst v4;
	v4 =	vmul.f32 $3.200000000e+01, v56  }
0x191: {  	v11 =	vld [tilespmem:s22+$0x5920];
	v8 =	vmul.f32 $3.200000000e+01, v8;
	[tilespmem:s22+$0x5510] =	vst v3  }
0x192: {  	v7 =	vld [tilespmem:s22+$0x5560];
	v3 =	vmul.f32 $3.200000000e+01, v5;
	[tilespmem:s22+$0x5520] =	vst v4  }
0x193: {  	v58 =	vld [tilespmem:s20+$0x4110];
	v4 =	vmul.f32 $3.200000000e+01, v6;
	[tilespmem:s22+$0x5570] =	vst v8  }
0x194: {  	v61 =	vld [tilespmem:s22+$0x4540];
	v8 =	vmul.f32 $3.200000000e+01, v9;
	[tilespmem:s22+$0x5530] =	vst v3  }
0x195: {  	v5 =	vld [tilespmem:s20+$0x4120];
	v10 =	vmul.f32 $3.200000000e+01, v10;
	[tilespmem:s22+$0x5550] =	vst v4  }
0x196: {  	v6 =	vld [tilespmem:s20+$0x4130];
	v11 =	vmul.f32 $3.200000000e+01, v11;
	[tilespmem:s22+$0x5900] =	vst v8  }
0x197: {  	v3 =	vmul.f32 $3.200000000e+01, v7;
	v7 =	vld [tilespmem:s20+$0x4150];
	[tilespmem:s22+$0x5910] =	vst v10  }
0x198: {  	v4 =	vmul.f32 $3.200000000e+01, v57;
	v10 =	vld [tilespmem:s20+$0x4520];
	[tilespmem:s22+$0x5920] =	vst v11  }
0x199: {  	v11 =	vld [tilespmem:s20+$0x4530];
	[tilespmem:s22+$0x5560] =	vst v3;
	v3 =	vmul.f32 $3.200000000e+01, v58  }
0x19a: {  	[tilespmem:s20+$0x4100] =	vst v4;
	v4 =	vld [tilespmem:s22+$0x5930];
	v5 =	vmul.f32 $3.200000000e+01, v5  }
0x19b: {  	v6 =	vmul.f32 $3.200000000e+01, v6;
	[tilespmem:s20+$0x4110] =	vst v3;
	v3 =	vld [tilespmem:s22+$0x5950]  }
0x19c: {  	[tilespmem:s20+$0x4120] =	vst v5;
	v5 =	vld [tilespmem:s22+$0x5960];
	v7 =	vmul.f32 $3.200000000e+01, v7  }
0x19d: {  	[tilespmem:s20+$0x4130] =	vst v6;
	v6 =	vld [tilespmem:s22+$0x5970];
	v10 =	vmul.f32 $3.200000000e+01, v10  }
0x19e: {  	v9 =	vld [tilespmem:s20+$0x4500];
	v11 =	vmul.f32 $3.200000000e+01, v11;
	[tilespmem:s20+$0x4150] =	vst v7  }
0x19f: {  	v8 =	vld [tilespmem:s20+$0x4510];
	v4 =	vmul.f32 $3.200000000e+01, v4;
	[tilespmem:s20+$0x4520] =	vst v10  }
0x1a0: {  	v7 =	vld [tilespmem:s22+$0x4140];
	[tilespmem:s20+$0x4530] =	vst v11;
	v3 =	vmul.f32 $3.200000000e+01, v3  }
0x1a1: {  	[tilespmem:s22+$0x5930] =	vst v4;
	v4 =	vld [tilespmem:s20+$0x4550];
	v5 =	vmul.f32 $3.200000000e+01, v5  }
0x1a2: {  	v62 =	vld [tilespmem:s22+$0x4940];
	v6 =	vmul.f32 $3.200000000e+01, v6;
	[tilespmem:s22+$0x5950] =	vst v3  }
0x1a3: {  	v3 =	vmul.f32 $3.200000000e+01, v9;
	v9 =	vld [tilespmem:s20+$0x4560];
	[tilespmem:s22+$0x5960] =	vst v5  }
0x1a4: {  	v10 =	vld [tilespmem:s22+$0x5540];
	v5 =	vmul.f32 $3.200000000e+01, v8;
	[tilespmem:s22+$0x5970] =	vst v6  }
0x1a5: {  	s30 =	sand.u32 $0x7, s19;
	v8 =	vld [tilespmem:s20+$0x4570];
	v7 =	vmul.f32 $3.200000000e+01, v7;
	[tilespmem:s20+$0x4500] =	vst v3  }
0x1a6: {  	s21 =	sshll.u32 s30, $0x7;
	v3 =	vld [tilespmem:s22+$0x4D40];
	[tilespmem:s20+$0x4510] =	vst v5;
	v4 =	vmul.f32 $3.200000000e+01, v4  }
0x1a7: {  	s21 =	sadd.s32 $0x0, s21;
	v12 =	vmul.f32 $3.200000000e+01, v61;
	v5 =	vld [tilespmem:s22+$0x5140];
	[tilespmem:s22+$0x4140] =	vst v7  }
0x1a8: {  	s26 =	sor.u32 $0x1C00, s21;
	v7 =	vld [tilespmem:s20+$0x4910];
	[tilespmem:s20+$0x4550] =	vst v4;
	v4 =	vmul.f32 $3.200000000e+01, v9  }
0x1a9: {  	v13 =	vmul.f32 $3.200000000e+01, v62;
	v11 =	vld [tilespmem:s26+$0x4100];
	[tilespmem:s22+$0x4540] =	vst v12  }
0x1aa: {  	v8 =	vmul.f32 $3.200000000e+01, v8;
	[tilespmem:s20+$0x4560] =	vst v4;
	v4 =	vld [tilespmem:s22+$0x5940]  }
0x1ab: {  	[tilespmem:s22+$0x4940] =	vst v13;
	v3 =	vmul.f32 $3.200000000e+01, v3  }
0x1ac: {  	v5 =	vmul.f32 $3.200000000e+01, v5;
	[tilespmem:s20+$0x4570] =	vst v8  }
0x1ad: {  	v8 =	vmul.f32 $3.200000000e+01, v10;
	[tilespmem:s22+$0x4D40] =	vst v3  }
0x1ae: {  	v7 =	vmul.f32 $3.200000000e+01, v7;
	[tilespmem:s22+$0x5140] =	vst v5  }
0x1af: {  	[tilespmem:s22+$0x5540] =	vst v8;
	v4 =	vmul.f32 $3.200000000e+01, v4  }
0x1b0: {  	v6 =	vld [tilespmem:s20+$0x4900];
	[tilespmem:s20+$0x4910] =	vst v7;
	v7 =	vmul.f32 $3.200000000e+01, v11  }
0x1b1: {  	[tilespmem:s22+$0x5940] =	vst v4  }
0x1b2: {  	s31 =	sor.u32 $0x1C10, s21;
	v3 =	vld [tilespmem:s20+$0x4950];
	[tilespmem:s26+$0x4100] =	vst v7  }
0x1b3: {  	v7 =	vld [tilespmem:s31+$0x4100]  }
0x1b4: {  	v4 =	vld [tilespmem:s20+$0x4D00]  }
0x1b5: {  	v5 =	vmul.f32 $3.200000000e+01, v6;
	v6 =	vld [tilespmem:s20+$0x4960];
	_ =	sdelay $0x1  }
0x1b6: {  	v3 =	vmul.f32 $3.200000000e+01, v3  }
0x1b7: {  	v7 =	vmul.f32 $3.200000000e+01, v7  }
0x1b8: {  	[tilespmem:s20+$0x4950] =	vst v3;
	v3 =	vld [tilespmem:s20+$0x4D30];
	v4 =	vmul.f32 $3.200000000e+01, v4  }
0x1b9: {  	v63 =	vld [tilespmem:s20+$0x4920];
	s7 =	sor.u32 $0x1C20, s21;
	v6 =	vmul.f32 $3.200000000e+01, v6;
	[tilespmem:s31+$0x4100] =	vst v7  }
0x1ba: {  	[tilespmem:s20+$0x4D00] =	vst v4;
	v4 =	vld [tilespmem:s7+$0x4100]  }
0x1bb: {  	[tilespmem:s20+$0x4960] =	vst v6;
	v6 =	vld [tilespmem:s20+$0x4D50];
	_ =	sdelay $0x1  }
0x1bc: {  	v3 =	vmul.f32 $3.200000000e+01, v3  }
0x1bd: {  	[tilespmem:s20+$0x4900] =	vst v5;
	v5 =	vmul.f32 $3.200000000e+01, v63  }
0x1be: {  	v9 =	vld [tilespmem:s20+$0x4930];
	[tilespmem:s20+$0x4D30] =	vst v3;
	v3 =	vmul.f32 $3.200000000e+01, v4  }
0x1bf: {  	v8 =	vld [tilespmem:s20+$0x4970];
	[tilespmem:s20+$0x4920] =	vst v5;
	v6 =	vmul.f32 $3.200000000e+01, v6  }
0x1c0: {  	v5 =	vld [tilespmem:s20+$0x4D10];
	s26 =	sor.u32 $0x1C30, s21;
	[tilespmem:s7+$0x4100] =	vst v3  }
0x1c1: {  	[tilespmem:s20+$0x4D50] =	vst v6;
	v6 =	vld [tilespmem:s26+$0x4100];
	_ =	sdelay $0x1  }
0x1c2: {  	v9 =	vmul.f32 $3.200000000e+01, v9;
	v7 =	vld [tilespmem:s20+$0x4D70]  }
0x1c3: {  	v8 =	vmul.f32 $3.200000000e+01, v8  }
0x1c4: {  	[tilespmem:s20+$0x4930] =	vst v9;
	v5 =	vmul.f32 $3.200000000e+01, v5  }
0x1c5: {  	v9 =	vld [tilespmem:s20+$0x4D20];
	[tilespmem:s20+$0x4970] =	vst v8;
	v6 =	vmul.f32 $3.200000000e+01, v6  }
0x1c6: {  	v8 =	vld [tilespmem:s20+$0x4D60];
	[tilespmem:s20+$0x4D10] =	vst v5  }
0x1c7: {  	s30 =	sor.u32 $0x1C40, s21;
	v5 =	vld [tilespmem:s20+$0x5100];
	v7 =	vmul.f32 $3.200000000e+01, v7;
	[tilespmem:s26+$0x4100] =	vst v6  }
0x1c8: {  	v6 =	vld [tilespmem:s30+$0x4100]  }
0x1c9: {  	[tilespmem:s20+$0x4D70] =	vst v7;
	v7 =	vld [tilespmem:s20+$0x5160]  }
0x1ca: {  	v9 =	vmul.f32 $3.200000000e+01, v9;
	v3 =	vld [tilespmem:s20+$0x5130]  }
0x1cb: {  	v8 =	vmul.f32 $3.200000000e+01, v8;
	v4 =	vld [tilespmem:s20+$0x5120]  }
0x1cc: {  	[tilespmem:s20+$0x4D20] =	vst v9;
	v9 =	vld [tilespmem:s20+$0x5110];
	v5 =	vmul.f32 $3.200000000e+01, v5  }
0x1cd: {  	[tilespmem:s20+$0x4D60] =	vst v8;
	v8 =	vld [tilespmem:s20+$0x5150];
	v6 =	vmul.f32 $3.200000000e+01, v6  }
0x1ce: {  	[tilespmem:s20+$0x5100] =	vst v5;
	v5 =	vld [tilespmem:s20+$0x5500];
	v7 =	vmul.f32 $3.200000000e+01, v7  }
0x1cf: {  	v10 =	vld [tilespmem:s20+$0x5170];
	s31 =	sor.u32 $0x1C50, s21;
	v3 =	vmul.f32 $3.200000000e+01, v3;
	[tilespmem:s30+$0x4100] =	vst v6  }
0x1d0: {  	v4 =	vmul.f32 $3.200000000e+01, v4;
	[tilespmem:s20+$0x5160] =	vst v7;
	v7 =	vld [tilespmem:s31+$0x4100]  }
0x1d1: {  	v9 =	vmul.f32 $3.200000000e+01, v9;
	[tilespmem:s20+$0x5130] =	vst v3;
	v3 =	vld [tilespmem:s20+$0x5520]  }
0x1d2: {  	v8 =	vmul.f32 $3.200000000e+01, v8;
	[tilespmem:s20+$0x5120] =	vst v4;
	v4 =	vld [tilespmem:s20+$0x5510]  }
0x1d3: {  	[tilespmem:s20+$0x5110] =	vst v9;
	v5 =	vmul.f32 $3.200000000e+01, v5  }
0x1d4: {  	v9 =	vmul.f32 $3.200000000e+01, v10;
	[tilespmem:s20+$0x5150] =	vst v8;
	v8 =	vld [tilespmem:s20+$0x5530]  }
0x1d5: {  	[tilespmem:s20+$0x5500] =	vst v5;
	v6 =	vld [tilespmem:s20+$0x5550];
	v5 =	vmul.f32 $3.200000000e+01, v7  }
0x1d6: {  	[tilespmem:s20+$0x5170] =	vst v9;
	v9 =	vld [tilespmem:s20+$0x5560];
	v3 =	vmul.f32 $3.200000000e+01, v3  }
0x1d7: {  	s29 =	sor.u32 $0x1C60, s21;
	v10 =	vld [tilespmem:s20+$0x5570];
	v4 =	vmul.f32 $3.200000000e+01, v4;
	[tilespmem:s31+$0x4100] =	vst v5  }
0x1d8: {  	[tilespmem:s20+$0x5520] =	vst v3;
	v3 =	vld [tilespmem:s29+$0x4100]  }
0x1d9: {  	[tilespmem:s20+$0x5510] =	vst v4;
	v4 =	vld [tilespmem:s20+$0x5900];
	v7 =	vmul.f32 $3.200000000e+01, v8  }
0x1da: {  	v8 =	vld [tilespmem:s20+$0x5910];
	v5 =	vmul.f32 $3.200000000e+01, v6  }
0x1db: {  	[tilespmem:s20+$0x5530] =	vst v7;
	v7 =	vld [tilespmem:s20+$0x5920];
	v6 =	vmul.f32 $3.200000000e+01, v9  }
0x1dc: {  	v9 =	vmul.f32 $3.200000000e+01, v10;
	[tilespmem:s20+$0x5550] =	vst v5;
	v5 =	vld [tilespmem:s20+$0x5930]  }
0x1dd: {  	s28 =	simm.s32 $0x100;
	s22 =	simm.s32 $0x0;
	s26 =	simm.s32 $0xFFFFC400;
	[tilespmem:s20+$0x5560] =	vst v6;
	v6 =	vld [tilespmem:s20+$0x5950];
	v3 =	vmul.f32 $3.200000000e+01, v3  }
.LBB2_5:
0x1de: {  	p0 =	sne.s32 s28, $0x780;
	[tilespmem:s20+$0x5570] =	vst v9;
	v4 =	vmul.f32 $3.200000000e+01, v4;
	v9 =	vld [tilespmem:s20+$0x5960]  }
0x1df: {  	v8 =	vmul.f32 $3.200000000e+01, v8;
	v10 =	vld [tilespmem:s20+$0x5970];
	[tilespmem:s29+$0x4100] =	vst v3;
	s29 =	sor.u32 $0x1C70, s21  }
0x1e0: {  	[tilespmem:s20+$0x5900] =	vst v4;
	v3 =	vmul.f32 $3.200000000e+01, v7;
	v4 =	vld [tilespmem:s29+$0x4100]  }
0x1e1: {  	v7 =	vld [tilespmem:s20+$0x4140];
	[tilespmem:s20+$0x5910] =	vst v8;
	v5 =	vmul.f32 $3.200000000e+01, v5  }
0x1e2: {  	v8 =	vld [tilespmem:s20+$0x4540];
	[tilespmem:s20+$0x5920] =	vst v3;
	v3 =	vmul.f32 $3.200000000e+01, v6  }
0x1e3: {  	s19 =	sadd.s32 $0x1, s19;
	v6 =	vld [tilespmem:s20+$0x4940];
	[tilespmem:s20+$0x5930] =	vst v5;
	v5 =	vmul.f32 $3.200000000e+01, v9  }
0x1e4: {  	s21 =	sand.u32 $0x7, s19;
	v9 =	vld [tilespmem:s20+$0x4D40];
	[tilespmem:s20+$0x5950] =	vst v3;
	v3 =	vmul.f32 $3.200000000e+01, v10  }
0x1e5: {  	s26 =	sadd.s32 $0x400, s26;
	s22 =	sadd.s32 $0x400, s22;
	s21 =	sshll.u32 s21, $0x7;
	v10 =	vld [tilespmem:s20+$0x5140];
	[tilespmem:s20+$0x5960] =	vst v5;
	v4 =	vmul.f32 $3.200000000e+01, v4  }
0x1e6: {  	s30 =	sadd.s32 $0x4000, s26;
	s21 =	sadd.s32 s21, s22;
	v5 =	vmul.f32 $3.200000000e+01, v7;
	v7 =	vld [tilespmem:s20+$0x5540];
	[tilespmem:s20+$0x5970] =	vst v3  }
0x1e7: {  	s31 =	sand.u32 $0x380, s28;
	s30 =	sand.u32 $0x2000, s30;
	s7 =	sor.u32 $0x1C00, s21;
	v3 =	vmul.f32 $3.200000000e+01, v8;
	v8 =	vld [tilespmem:s20+$0x5940];
	[tilespmem:s29+$0x4100] =	vst v4  }
0x1e8: {  	s29 =	sor.u32 s31, s30;
	[tilespmem:s20+$0x4140] =	vst v5;
	v4 =	vmul.f32 $3.200000000e+01, v6;
	v5 =	vld [tilespmem:s7+$0x4100]  }
0x1e9: {  	v6 =	vld [tilespmem:s29+$0x4100];
	[tilespmem:s20+$0x4540] =	vst v3;
	v3 =	vmul.f32 $3.200000000e+01, v9  }
0x1ea: {  	v9 =	vld [tilespmem:s29+$0x4110];
	[tilespmem:s20+$0x4940] =	vst v4;
	v4 =	vmul.f32 $3.200000000e+01, v10  }
0x1eb: {  	v10 =	vld [tilespmem:s29+$0x4120];
	[tilespmem:s20+$0x4D40] =	vst v3;
	v3 =	vmul.f32 $3.200000000e+01, v7  }
0x1ec: {  	v7 =	vld [tilespmem:s29+$0x4130];
	[tilespmem:s20+$0x5140] =	vst v4;
	v4 =	vmul.f32 $3.200000000e+01, v8  }
0x1ed: {  	v8 =	vld [tilespmem:s29+$0x4150];
	[tilespmem:s20+$0x5540] =	vst v3;
	v3 =	vmul.f32 $3.200000000e+01, v5  }
0x1ee: {  	v5 =	vmul.f32 $3.200000000e+01, v6;
	v6 =	vld [tilespmem:s29+$0x4160];
	[tilespmem:s20+$0x5940] =	vst v4;
	s20 =	smov.u32 s29  }
0x1ef: {  	v4 =	vmul.f32 $3.200000000e+01, v9;
	v9 =	vld [tilespmem:s20+$0x4170];
	[tilespmem:s7+$0x4100] =	vst v3;
	s7 =	sor.u32 $0x1C10, s21  }
0x1f0: {  	[tilespmem:s20+$0x4100] =	vst v5;
	v3 =	vmul.f32 $3.200000000e+01, v10;
	v5 =	vld [tilespmem:s7+$0x4100]  }
0x1f1: {  	[tilespmem:s20+$0x4110] =	vst v4;
	v4 =	vmul.f32 $3.200000000e+01, v7;
	v7 =	vld [tilespmem:s20+$0x4500]  }
0x1f2: {  	[tilespmem:s20+$0x4120] =	vst v3;
	v3 =	vmul.f32 $3.200000000e+01, v8;
	v8 =	vld [tilespmem:s20+$0x4510]  }
0x1f3: {  	[tilespmem:s20+$0x4130] =	vst v4;
	v4 =	vmul.f32 $3.200000000e+01, v6;
	v6 =	vld [tilespmem:s20+$0x4520]  }
0x1f4: {  	[tilespmem:s20+$0x4150] =	vst v3;
	v3 =	vmul.f32 $3.200000000e+01, v9;
	v9 =	vld [tilespmem:s20+$0x4530]  }
0x1f5: {  	[tilespmem:s20+$0x4160] =	vst v4;
	v4 =	vld [tilespmem:s20+$0x4550];
	v5 =	vmul.f32 $3.200000000e+01, v5  }
0x1f6: {  	[tilespmem:s20+$0x4170] =	vst v3;
	v3 =	vmul.f32 $3.200000000e+01, v7;
	v7 =	vld [tilespmem:s20+$0x4560]  }
0x1f7: {  	v8 =	vmul.f32 $3.200000000e+01, v8;
	v10 =	vld [tilespmem:s20+$0x4570];
	[tilespmem:s7+$0x4100] =	vst v5;
	s7 =	sor.u32 $0x1C20, s21  }
0x1f8: {  	[tilespmem:s20+$0x4500] =	vst v3;
	v3 =	vmul.f32 $3.200000000e+01, v6;
	v5 =	vld [tilespmem:s7+$0x4100]  }
0x1f9: {  	[tilespmem:s20+$0x4510] =	vst v8;
	v6 =	vmul.f32 $3.200000000e+01, v9;
	v8 =	vld [tilespmem:s20+$0x4900]  }
0x1fa: {  	[tilespmem:s20+$0x4520] =	vst v3;
	v3 =	vmul.f32 $3.200000000e+01, v4;
	v4 =	vld [tilespmem:s20+$0x4910]  }
0x1fb: {  	[tilespmem:s20+$0x4530] =	vst v6;
	v6 =	vmul.f32 $3.200000000e+01, v7;
	v7 =	vld [tilespmem:s20+$0x4920]  }
0x1fc: {  	[tilespmem:s20+$0x4550] =	vst v3;
	v3 =	vmul.f32 $3.200000000e+01, v10;
	v9 =	vld [tilespmem:s20+$0x4930]  }
0x1fd: {  	[tilespmem:s20+$0x4560] =	vst v6;
	v6 =	vld [tilespmem:s20+$0x4950];
	v5 =	vmul.f32 $3.200000000e+01, v5  }
0x1fe: {  	[tilespmem:s20+$0x4570] =	vst v3;
	v3 =	vmul.f32 $3.200000000e+01, v8;
	v8 =	vld [tilespmem:s20+$0x4960]  }
0x1ff: {  	v4 =	vmul.f32 $3.200000000e+01, v4;
	v10 =	vld [tilespmem:s20+$0x4970];
	[tilespmem:s7+$0x4100] =	vst v5;
	s7 =	sor.u32 $0x1C30, s21  }
0x200: {  	[tilespmem:s20+$0x4900] =	vst v3;
	v3 =	vmul.f32 $3.200000000e+01, v7;
	v5 =	vld [tilespmem:s7+$0x4100]  }
0x201: {  	[tilespmem:s20+$0x4910] =	vst v4;
	v4 =	vmul.f32 $3.200000000e+01, v9;
	v7 =	vld [tilespmem:s20+$0x4D00]  }
0x202: {  	[tilespmem:s20+$0x4920] =	vst v3;
	v3 =	vmul.f32 $3.200000000e+01, v6;
	v6 =	vld [tilespmem:s20+$0x4D10]  }
0x203: {  	[tilespmem:s20+$0x4930] =	vst v4;
	v4 =	vmul.f32 $3.200000000e+01, v8;
	v8 =	vld [tilespmem:s20+$0x4D20]  }
0x204: {  	[tilespmem:s20+$0x4950] =	vst v3;
	v3 =	vmul.f32 $3.200000000e+01, v10;
	v9 =	vld [tilespmem:s20+$0x4D30]  }
0x205: {  	[tilespmem:s20+$0x4960] =	vst v4;
	v4 =	vld [tilespmem:s20+$0x4D50];
	v5 =	vmul.f32 $3.200000000e+01, v5  }
0x206: {  	[tilespmem:s20+$0x4970] =	vst v3;
	v3 =	vmul.f32 $3.200000000e+01, v7;
	v7 =	vld [tilespmem:s20+$0x4D60]  }
0x207: {  	v6 =	vmul.f32 $3.200000000e+01, v6;
	v10 =	vld [tilespmem:s20+$0x4D70];
	[tilespmem:s7+$0x4100] =	vst v5;
	s7 =	sor.u32 $0x1C40, s21  }
0x208: {  	[tilespmem:s20+$0x4D00] =	vst v3;
	v3 =	vmul.f32 $3.200000000e+01, v8;
	v5 =	vld [tilespmem:s7+$0x4100]  }
0x209: {  	[tilespmem:s20+$0x4D10] =	vst v6;
	v6 =	vmul.f32 $3.200000000e+01, v9;
	v8 =	vld [tilespmem:s20+$0x5100]  }
0x20a: {  	[tilespmem:s20+$0x4D20] =	vst v3;
	v3 =	vmul.f32 $3.200000000e+01, v4;
	v4 =	vld [tilespmem:s20+$0x5110]  }
0x20b: {  	[tilespmem:s20+$0x4D30] =	vst v6;
	v6 =	vmul.f32 $3.200000000e+01, v7;
	v7 =	vld [tilespmem:s20+$0x5120]  }
0x20c: {  	[tilespmem:s20+$0x4D50] =	vst v3;
	v3 =	vmul.f32 $3.200000000e+01, v10;
	v9 =	vld [tilespmem:s20+$0x5130]  }
0x20d: {  	[tilespmem:s20+$0x4D60] =	vst v6;
	v6 =	vld [tilespmem:s20+$0x5150];
	v5 =	vmul.f32 $3.200000000e+01, v5  }
0x20e: {  	[tilespmem:s20+$0x4D70] =	vst v3;
	v3 =	vmul.f32 $3.200000000e+01, v8;
	v8 =	vld [tilespmem:s20+$0x5160]  }
0x20f: {  	v4 =	vmul.f32 $3.200000000e+01, v4;
	v10 =	vld [tilespmem:s20+$0x5170];
	[tilespmem:s7+$0x4100] =	vst v5;
	s7 =	sor.u32 $0x1C50, s21  }
0x210: {  	[tilespmem:s20+$0x5100] =	vst v3;
	v3 =	vmul.f32 $3.200000000e+01, v7;
	v5 =	vld [tilespmem:s7+$0x4100]  }
0x211: {  	[tilespmem:s20+$0x5110] =	vst v4;
	v4 =	vmul.f32 $3.200000000e+01, v9;
	v7 =	vld [tilespmem:s20+$0x5500]  }
0x212: {  	[tilespmem:s20+$0x5120] =	vst v3;
	v3 =	vmul.f32 $3.200000000e+01, v6;
	v6 =	vld [tilespmem:s20+$0x5510]  }
0x213: {  	[tilespmem:s20+$0x5130] =	vst v4;
	v4 =	vmul.f32 $3.200000000e+01, v8;
	v8 =	vld [tilespmem:s20+$0x5520]  }
0x214: {  	[tilespmem:s20+$0x5150] =	vst v3;
	v3 =	vmul.f32 $3.200000000e+01, v10;
	v9 =	vld [tilespmem:s20+$0x5530]  }
0x215: {  	[tilespmem:s20+$0x5160] =	vst v4;
	v10 =	vld [tilespmem:s20+$0x5550];
	v4 =	vmul.f32 $3.200000000e+01, v5  }
0x216: {  	[tilespmem:s20+$0x5170] =	vst v3;
	v3 =	vmul.f32 $3.200000000e+01, v7;
	v5 =	vld [tilespmem:s20+$0x5560]  }
0x217: {  	s29 =	sor.u32 $0x1C60, s21;
	v6 =	vmul.f32 $3.200000000e+01, v6;
	v11 =	vld [tilespmem:s20+$0x5570];
	[tilespmem:s7+$0x4100] =	vst v4  }
0x218: {  	[tilespmem:s20+$0x5500] =	vst v3;
	v3 =	vmul.f32 $3.200000000e+01, v8;
	v12 =	vld [tilespmem:s29+$0x4100]  }
.Ltmp1:
0x219: {  	[tilespmem:s20+$0x5510] =	vst v6;
	v6 =	vmul.f32 $3.200000000e+01, v9;
	v4 =	vld [tilespmem:s20+$0x5900];
	(pc) =	sbr.rel @p0 .LBB2_5-.Ltmp1, $4  }
0x21a: {  	[tilespmem:s20+$0x5520] =	vst v3;
	v3 =	vmul.f32 $3.200000000e+01, v10;
	v8 =	vld [tilespmem:s20+$0x5910]  }
0x21b: {  	[tilespmem:s20+$0x5530] =	vst v6;
	v6 =	vmul.f32 $3.200000000e+01, v5;
	v7 =	vld [tilespmem:s20+$0x5920]  }
0x21c: {  	[tilespmem:s20+$0x5550] =	vst v3;
	v9 =	vmul.f32 $3.200000000e+01, v11;
	v5 =	vld [tilespmem:s20+$0x5930]  }
0x21d: {  	s28 =	sadd.s32 $0x80, s28;
	[tilespmem:s20+$0x5560] =	vst v6;
	v6 =	vld [tilespmem:s20+$0x5950];
	v3 =	vmul.f32 $3.200000000e+01, v12  }
0x21e: {  	[tilespmem:s20+$0x5570] =	vst v9;
	v4 =	vmul.f32 $3.200000000e+01, v4;
	v9 =	vld [tilespmem:s20+$0x5960]  }
0x21f: {  	v10 =	vld [tilespmem:s20+$0x5970];
	v8 =	vmul.f32 $3.200000000e+01, v8  }
0x220: {  	[tilespmem:s20+$0x5900] =	vst v4;
	v4 =	vld [tilespmem:s20+$0x4140];
	v7 =	vmul.f32 $3.200000000e+01, v7  }
0x221: {  	[tilespmem:s20+$0x5910] =	vst v8;
	v5 =	vmul.f32 $3.200000000e+01, v5  }
0x222: {  	v8 =	vld [tilespmem:s20+$0x4540];
	[tilespmem:s20+$0x5920] =	vst v7;
	v6 =	vmul.f32 $3.200000000e+01, v6  }
0x223: {  	s7 =	sadd.s32 $0x1, s19;
	v7 =	vld [tilespmem:s20+$0x4940];
	[tilespmem:s20+$0x5930] =	vst v5;
	v9 =	vmul.f32 $3.200000000e+01, v9  }
0x224: {  	s7 =	sand.u32 $0x7, s7;
	v5 =	vld [tilespmem:s20+$0x4D40];
	v10 =	vmul.f32 $3.200000000e+01, v10;
	[tilespmem:s20+$0x5950] =	vst v6  }
0x225: {  	s31 =	sadd.s32 $0x400, s22;
	s7 =	sshll.u32 s7, $0x7;
	v6 =	vld [tilespmem:s20+$0x5140];
	[tilespmem:s20+$0x5960] =	vst v9;
	v4 =	vmul.f32 $3.200000000e+01, v4  }
0x226: {  	s7 =	sadd.s32 s7, s31;
	v9 =	vld [tilespmem:s20+$0x5540];
	[tilespmem:s20+$0x5970] =	vst v10  }
0x227: {  	s19 =	sor.u32 $0x1C00, s7;
	v10 =	vld [tilespmem:s20+$0x5940];
	v8 =	vmul.f32 $3.200000000e+01, v8;
	[tilespmem:s20+$0x4140] =	vst v4  }
0x228: {  	v4 =	vmul.f32 $3.200000000e+01, v7;
	v7 =	vld [tilespmem:s19+$0x4100]  }
0x229: {  	[tilespmem:s20+$0x4540] =	vst v8;
	v5 =	vmul.f32 $3.200000000e+01, v5  }
0x22a: {  	[tilespmem:s20+$0x4940] =	vst v4;
	v4 =	vmul.f32 $3.200000000e+01, v6  }
0x22b: {  	[tilespmem:s20+$0x4D40] =	vst v5;
	v5 =	vmul.f32 $3.200000000e+01, v9  }
0x22c: {  	[tilespmem:s20+$0x5140] =	vst v4;
	v4 =	vmul.f32 $3.200000000e+01, v10  }
0x22d: {  	[tilespmem:s20+$0x5540] =	vst v5;
	v5 =	vmul.f32 $3.200000000e+01, v7  }
0x22e: {  	[tilespmem:s20+$0x5940] =	vst v4  }
0x22f: {  	s20 =	sor.u32 $0x1C10, s7;
	[tilespmem:s19+$0x4100] =	vst v5  }
0x230: {  	v4 =	vld [tilespmem:s20+$0x4100];
	_ =	sdelay $0x4  }
0x231: {  	v4 =	vmul.f32 $3.200000000e+01, v4;
	_ =	sdelay $0x1  }
0x232: {  	s22 =	sor.u32 $0x1C20, s7;
	[tilespmem:s20+$0x4100] =	vst v4  }
0x233: {  	v4 =	vld [tilespmem:s22+$0x4100];
	_ =	sdelay $0x4  }
0x234: {  	v4 =	vmul.f32 $3.200000000e+01, v4;
	_ =	sdelay $0x1  }
0x235: {  	s26 =	sor.u32 $0x1C30, s7;
	[tilespmem:s22+$0x4100] =	vst v4  }
0x236: {  	v4 =	vld [tilespmem:s26+$0x4100];
	_ =	sdelay $0x4  }
0x237: {  	v4 =	vmul.f32 $3.200000000e+01, v4;
	_ =	sdelay $0x1  }
0x238: {  	s30 =	sor.u32 $0x1C40, s7;
	[tilespmem:s26+$0x4100] =	vst v4  }
0x239: {  	v4 =	vld [tilespmem:s30+$0x4100];
	_ =	sdelay $0x4  }
0x23a: {  	v4 =	vmul.f32 $3.200000000e+01, v4;
	_ =	sdelay $0x1  }
0x23b: {  	s31 =	sor.u32 $0x1C50, s7;
	[tilespmem:s30+$0x4100] =	vst v4  }
0x23c: {  	v4 =	vld [tilespmem:s31+$0x4100];
	_ =	sdelay $0x4  }
0x23d: {  	v4 =	vmul.f32 $3.200000000e+01, v4;
	_ =	sdelay $0x1  }
0x23e: {  	s20 =	sor.u32 $0x1C60, s7;
	[tilespmem:s31+$0x4100] =	vst v4  }
0x23f: {  	v4 =	vld [tilespmem:s20+$0x4100];
	_ =	sdelay $0x4  }
0x240: {  	v4 =	vmul.f32 $3.200000000e+01, v4  }
0x241: {  	s21 =	sor.u32 $0x1C70, s21;
	[tilespmem:s29+$0x4100] =	vst v3  }
0x242: {  	v3 =	vld [tilespmem:s21+$0x4100];
	s7 =	sor.u32 $0x1C70, s7;
	[tilespmem:s20+$0x4100] =	vst v4  }
0x243: {  	v4 =	vld [tilespmem:s7+$0x4100];
	_ =	sdelay $0x3  }
0x244: {  	s18 =	sadd.s32 s18, s5;
	v3 =	vmul.f32 $3.200000000e+01, v3  }
0x245: {  	s18 =	sshll.u32 s18, $0x7;
	v4 =	vmul.f32 $3.200000000e+01, v4  }
0x246: {  	s18 =	sadd.s32 s3, s18;
	[tilespmem:s21+$0x4100] =	vst v3  }
0x247: {  	s22 =	sadd.s32 $0x800, s18;
	[tilespmem:s7+$0x4100] =	vst v4  }
0x248: {  	[hbm4b:s22+s4] =	stream.linear.scatter [tilespmem:s23], [sflag:$0x6], $0x4000, $0x38;
	[tilespmem:$0x10100] =	vst v63  }
0x249: {  	_ =	swait.ge [sflag:s6], $0x4000  }
0x24a: {  	p0 =	seq.s32 s2, $0x3;
	[sflag:s6] =	ssyncset.done $0x0  }
0x24b: {  	s7 =	simm.s32 @!p0 $0x5;
	[sflag:s6] =	ssyncadd.s32 $0xFFFFC000  }
0x24c: {  	_ =	swait.ge @!p0 [sflag:s7], $0x4000  }
0x24d: {  	s18 =	sshll.u32 @!p0 s2, $0x6;
	[sflag:s7] =	ssyncset.done @!p0 $0x0  }
0x24e: {  	s18 =	sand.u32 @!p0 $0x3FFFFFC0, s18;
	[sflag:s7] =	ssyncadd.s32 @!p0 $0xFFFFC000  }
0x24f: {  	v3 =	vld @!p0 [tilespmem:s18+$0x40];
	_ =	sdelay $0x4  }
0x250: {  	v4 =	vshll.u32 @!p0 v3, $0x3  }
0x251: {  	v5 =	vlaneseq.u32 @!p0;
	v3 =	vand.u32 @!p0 $0x7, v3;
	v4 =	vand.u32 @!p0 $0xFFFFFFC0, v4  }
0x252: {  	v6 =	vshrl.u32 @!p0 v5, $0x3;
	v3 =	vor.u32 @!p0 v3, v4;
	v4 =	vand.u32 @!p0 $0x7, v5  }
0x253: {  	v6 =	vmul.u32 @!p0 $0x8, v6;
	v4 =	vperm.xlane @!p0 v3, v4;
	_ =	sdelay $0x1  }
0x254: {  	v4 =	vadd.s32 @!p0 v6, v4;
	_ =	sdelay $0x3  }
0x255: {  	vm1 =	vmmov @!p0 $0xffff;
	s19 =	simm.s32 @!p0 $0x100;
	s7 =	simm.s32 @!p0 $0x0  }
0x256: {  	v5 =	vor.u32 @!p0 $0x8, v5;
	[tilespmem:s19], [sflag:$0x1] =	stream.indirect_vreg.gather @!p0 [hbm4b:s1+s7], $0x80, v4, vm1, $0xb8;
	[tilespmem:$0x10100] =	vst v63  }
0x257: {  	v3 =	vperm.xlane @!p0 v3, v5;
	s19 =	simm.s32 @!p0 $0x900  }
0x258: {  	[tilespmem:s19], [sflag:$0x1] =	stream.indirect_vreg.gather @!p0 [hbm4b:s8+s7], $0x80, v4, vm1, $0xb8;
	[tilespmem:$0x10100] =	vst v63  }
0x259: {  	v3 =	vadd.s32 @!p0 v6, v3;
	s19 =	simm.s32 @!p0 $0x1100  }
0x25a: {  	[tilespmem:s19], [sflag:$0x1] =	stream.indirect_vreg.gather @!p0 [hbm4b:s9+s7], $0x80, v4, vm1, $0xb8;
	[tilespmem:$0x10100] =	vst v63  }
0x25b: {  	s19 =	simm.s32 @!p0 $0x1900  }
0x25c: {  	[tilespmem:s19], [sflag:$0x1] =	stream.indirect_vreg.gather @!p0 [hbm4b:s10+s7], $0x80, v4, vm1, $0xb8;
	[tilespmem:$0x10100] =	vst v63  }
0x25d: {  	s19 =	simm.s32 @!p0 $0x2100  }
0x25e: {  	[tilespmem:s19], [sflag:$0x1] =	stream.indirect_vreg.gather @!p0 [hbm4b:s1+s7], $0x80, v3, vm1, $0xb8;
	[tilespmem:$0x10100] =	vst v63  }
0x25f: {  	s19 =	simm.s32 @!p0 $0x2900  }
0x260: {  	[tilespmem:s19], [sflag:$0x1] =	stream.indirect_vreg.gather @!p0 [hbm4b:s8+s7], $0x80, v3, vm1, $0xb8;
	[tilespmem:$0x10100] =	vst v63  }
0x261: {  	s19 =	simm.s32 @!p0 $0x3100  }
0x262: {  	[tilespmem:s19], [sflag:$0x1] =	stream.indirect_vreg.gather @!p0 [hbm4b:s9+s7], $0x80, v3, vm1, $0xb8;
	[tilespmem:$0x10100] =	vst v63  }
0x263: {  	s19 =	simm.s32 @!p0 $0x3900  }
0x264: {  	[tilespmem:s19], [sflag:$0x1] =	stream.indirect_vreg.gather @!p0 [hbm4b:s10+s7], $0x80, v3, vm1, $0xb8;
	[tilespmem:$0x10100] =	vst v63  }
0x265: {  	s26 =	simm.s32 $0x0;
	s19 =	simm.s32 $0x0  }
0x266: {  	s7 =	sand.u32 $0x2000, s26;
	s30 =	sand.u32 $0x380, s19  }
0x267: {  	s31 =	sor.u32 s30, s7  }
0x268: {  	v3 =	vld [tilespmem:s31+$0x8100]  }
0x269: {  	v4 =	vld [tilespmem:s31+$0x8110]  }
0x26a: {  	v5 =	vld [tilespmem:s31+$0x8120]  }
0x26b: {  	v6 =	vld [tilespmem:s31+$0x8130]  }
0x26c: {  	v7 =	vld [tilespmem:s31+$0x8150]  }
0x26d: {  	v8 =	vld [tilespmem:s31+$0x8160]  }
0x26e: {  	v9 =	vld [tilespmem:s31+$0x8170];
	v3 =	vmul.f32 $3.200000000e+01, v3  }
0x26f: {  	v10 =	vld [tilespmem:s31+$0x8500];
	v4 =	vmul.f32 $3.200000000e+01, v4  }
0x270: {  	s21 =	simm.s32 $0x80;
	s26 =	simm.s32 $0x400;
	v11 =	vld [tilespmem:s31+$0x8510];
	[tilespmem:s31+$0x8100] =	vst v3;
	v3 =	vmul.f32 $3.200000000e+01, v5  }
0x271: {  	s20 =	sand.u32 $0x2000, s26;
	s7 =	sand.u32 $0x380, s21;
	v12 =	vld [tilespmem:s31+$0x8520];
	[tilespmem:s31+$0x8110] =	vst v4;
	v4 =	vmul.f32 $3.200000000e+01, v6  }
0x272: {  	v13 =	vld [tilespmem:s31+$0x8530];
	s20 =	sor.u32 s7, s20;
	[tilespmem:s31+$0x8120] =	vst v3;
	v3 =	vmul.f32 $3.200000000e+01, v7  }
0x273: {  	v59 =	vld [tilespmem:s20+$0x8160];
	[tilespmem:s31+$0x8130] =	vst v4;
	v4 =	vmul.f32 $3.200000000e+01, v8  }
0x274: {  	v51 =	vld [tilespmem:s31+$0x8950];
	[tilespmem:s31+$0x8150] =	vst v3;
	v3 =	vmul.f32 $3.200000000e+01, v9  }
0x275: {  	v5 =	vld [tilespmem:s31+$0x8550];
	[tilespmem:s31+$0x8160] =	vst v4;
	v4 =	vmul.f32 $3.200000000e+01, v10  }
0x276: {  	v60 =	vld [tilespmem:s20+$0x8170];
	[tilespmem:s31+$0x8170] =	vst v3;
	v3 =	vmul.f32 $3.200000000e+01, v11  }
0x277: {  	v6 =	vld [tilespmem:s31+$0x8560];
	[tilespmem:s31+$0x8500] =	vst v4;
	v4 =	vmul.f32 $3.200000000e+01, v12  }
0x278: {  	v7 =	vld [tilespmem:s31+$0x8570];
	v12 =	vmul.f32 $3.200000000e+01, v59;
	[tilespmem:s31+$0x8510] =	vst v3  }
0x279: {  	v8 =	vld [tilespmem:s31+$0x8900];
	v3 =	vmul.f32 $3.200000000e+01, v13;
	[tilespmem:s31+$0x8520] =	vst v4  }
0x27a: {  	v9 =	vld [tilespmem:s31+$0x8910];
	v4 =	vmul.f32 $3.200000000e+01, v5;
	[tilespmem:s20+$0x8160] =	vst v12  }
0x27b: {  	v10 =	vld [tilespmem:s31+$0x8920];
	v13 =	vmul.f32 $3.200000000e+01, v60;
	[tilespmem:s31+$0x8530] =	vst v3  }
0x27c: {  	v11 =	vld [tilespmem:s31+$0x8930];
	v3 =	vmul.f32 $3.200000000e+01, v6;
	[tilespmem:s31+$0x8550] =	vst v4  }
0x27d: {  	v52 =	vld [tilespmem:s31+$0x8960];
	v4 =	vmul.f32 $3.200000000e+01, v7;
	[tilespmem:s20+$0x8170] =	vst v13  }
0x27e: {  	v53 =	vld [tilespmem:s31+$0x8D70];
	[tilespmem:s31+$0x8560] =	vst v3;
	v3 =	vmul.f32 $3.200000000e+01, v8  }
0x27f: {  	v5 =	vld [tilespmem:s31+$0x8970];
	[tilespmem:s31+$0x8570] =	vst v4;
	v4 =	vmul.f32 $3.200000000e+01, v9  }
0x280: {  	v6 =	vld [tilespmem:s31+$0x8D00];
	[tilespmem:s31+$0x8900] =	vst v3;
	v3 =	vmul.f32 $3.200000000e+01, v10  }
0x281: {  	v7 =	vld [tilespmem:s31+$0x8D10];
	[tilespmem:s31+$0x8910] =	vst v4;
	v4 =	vmul.f32 $3.200000000e+01, v11  }
0x282: {  	v8 =	vld [tilespmem:s31+$0x8D20];
	[tilespmem:s31+$0x8920] =	vst v3;
	v3 =	vmul.f32 $3.200000000e+01, v51  }
0x283: {  	v9 =	vld [tilespmem:s31+$0x8D30];
	[tilespmem:s31+$0x8930] =	vst v4;
	v4 =	vmul.f32 $3.200000000e+01, v52  }
0x284: {  	v10 =	vld [tilespmem:s31+$0x8D50];
	[tilespmem:s31+$0x8950] =	vst v3;
	v3 =	vmul.f32 $3.200000000e+01, v5  }
0x285: {  	v11 =	vld [tilespmem:s31+$0x8D60];
	[tilespmem:s31+$0x8960] =	vst v4;
	v4 =	vmul.f32 $3.200000000e+01, v6  }
0x286: {  	v54 =	vld [tilespmem:s31+$0x9100];
	[tilespmem:s31+$0x8970] =	vst v3;
	v3 =	vmul.f32 $3.200000000e+01, v7  }
0x287: {  	v55 =	vld [tilespmem:s31+$0x9510];
	[tilespmem:s31+$0x8D00] =	vst v4;
	v4 =	vmul.f32 $3.200000000e+01, v8  }
0x288: {  	v5 =	vld [tilespmem:s31+$0x9110];
	[tilespmem:s31+$0x8D10] =	vst v3;
	v3 =	vmul.f32 $3.200000000e+01, v9  }
0x289: {  	v6 =	vld [tilespmem:s31+$0x9120];
	[tilespmem:s31+$0x8D20] =	vst v4;
	v4 =	vmul.f32 $3.200000000e+01, v10  }
0x28a: {  	v7 =	vld [tilespmem:s31+$0x9130];
	[tilespmem:s31+$0x8D30] =	vst v3;
	v3 =	vmul.f32 $3.200000000e+01, v11  }
0x28b: {  	v8 =	vld [tilespmem:s31+$0x9150];
	[tilespmem:s31+$0x8D50] =	vst v4;
	v4 =	vmul.f32 $3.200000000e+01, v53  }
0x28c: {  	v9 =	vld [tilespmem:s31+$0x9160];
	[tilespmem:s31+$0x8D60] =	vst v3;
	v3 =	vmul.f32 $3.200000000e+01, v54  }
0x28d: {  	v10 =	vld [tilespmem:s31+$0x9170];
	[tilespmem:s31+$0x8D70] =	vst v4;
	v4 =	vmul.f32 $3.200000000e+01, v5  }
0x28e: {  	v11 =	vld [tilespmem:s31+$0x9500];
	[tilespmem:s31+$0x9100] =	vst v3;
	v3 =	vmul.f32 $3.200000000e+01, v6  }
0x28f: {  	v56 =	vld [tilespmem:s31+$0x9520];
	[tilespmem:s31+$0x9110] =	vst v4;
	v4 =	vmul.f32 $3.200000000e+01, v7  }
0x290: {  	v61 =	vld [tilespmem:s31+$0x8540];
	[tilespmem:s31+$0x9120] =	vst v3;
	v3 =	vmul.f32 $3.200000000e+01, v8  }
0x291: {  	v8 =	vld [tilespmem:s31+$0x9570];
	[tilespmem:s31+$0x9130] =	vst v4;
	v4 =	vmul.f32 $3.200000000e+01, v9  }
0x292: {  	v5 =	vld [tilespmem:s31+$0x9530];
	[tilespmem:s31+$0x9150] =	vst v3;
	v3 =	vmul.f32 $3.200000000e+01, v10  }
0x293: {  	v6 =	vld [tilespmem:s31+$0x9550];
	[tilespmem:s31+$0x9160] =	vst v4;
	v4 =	vmul.f32 $3.200000000e+01, v11  }
0x294: {  	v9 =	vld [tilespmem:s31+$0x9900];
	[tilespmem:s31+$0x9170] =	vst v3;
	v3 =	vmul.f32 $3.200000000e+01, v55  }
0x295: {  	v10 =	vld [tilespmem:s31+$0x9910];
	[tilespmem:s31+$0x9500] =	vst v4;
	v4 =	vmul.f32 $3.200000000e+01, v56  }
0x296: {  	v11 =	vld [tilespmem:s31+$0x9920];
	v8 =	vmul.f32 $3.200000000e+01, v8;
	[tilespmem:s31+$0x9510] =	vst v3  }
0x297: {  	v7 =	vld [tilespmem:s31+$0x9560];
	v3 =	vmul.f32 $3.200000000e+01, v5;
	[tilespmem:s31+$0x9520] =	vst v4  }
0x298: {  	v57 =	vld [tilespmem:s20+$0x8100];
	v4 =	vmul.f32 $3.200000000e+01, v6;
	[tilespmem:s31+$0x9570] =	vst v8  }
0x299: {  	v58 =	vld [tilespmem:s20+$0x8110];
	v8 =	vmul.f32 $3.200000000e+01, v9;
	[tilespmem:s31+$0x9530] =	vst v3  }
0x29a: {  	v5 =	vld [tilespmem:s20+$0x8120];
	v10 =	vmul.f32 $3.200000000e+01, v10;
	[tilespmem:s31+$0x9550] =	vst v4  }
0x29b: {  	v6 =	vld [tilespmem:s20+$0x8130];
	v11 =	vmul.f32 $3.200000000e+01, v11;
	[tilespmem:s31+$0x9900] =	vst v8  }
0x29c: {  	v3 =	vmul.f32 $3.200000000e+01, v7;
	v7 =	vld [tilespmem:s20+$0x8150];
	[tilespmem:s31+$0x9910] =	vst v10  }
0x29d: {  	v4 =	vmul.f32 $3.200000000e+01, v57;
	v10 =	vld [tilespmem:s20+$0x8520];
	[tilespmem:s31+$0x9920] =	vst v11  }
0x29e: {  	v11 =	vld [tilespmem:s20+$0x8530];
	[tilespmem:s31+$0x9560] =	vst v3;
	v3 =	vmul.f32 $3.200000000e+01, v58  }
0x29f: {  	[tilespmem:s20+$0x8100] =	vst v4;
	v4 =	vld [tilespmem:s31+$0x9930];
	v5 =	vmul.f32 $3.200000000e+01, v5  }
0x2a0: {  	v6 =	vmul.f32 $3.200000000e+01, v6;
	[tilespmem:s20+$0x8110] =	vst v3;
	v3 =	vld [tilespmem:s31+$0x9950]  }
0x2a1: {  	[tilespmem:s20+$0x8120] =	vst v5;
	v5 =	vld [tilespmem:s31+$0x9960];
	v7 =	vmul.f32 $3.200000000e+01, v7  }
0x2a2: {  	[tilespmem:s20+$0x8130] =	vst v6;
	v6 =	vld [tilespmem:s31+$0x9970];
	v10 =	vmul.f32 $3.200000000e+01, v10  }
0x2a3: {  	v9 =	vld [tilespmem:s20+$0x8500];
	v11 =	vmul.f32 $3.200000000e+01, v11;
	[tilespmem:s20+$0x8150] =	vst v7  }
0x2a4: {  	v8 =	vld [tilespmem:s20+$0x8510];
	v4 =	vmul.f32 $3.200000000e+01, v4;
	[tilespmem:s20+$0x8520] =	vst v10  }
0x2a5: {  	v7 =	vld [tilespmem:s31+$0x8140];
	[tilespmem:s20+$0x8530] =	vst v11;
	v3 =	vmul.f32 $3.200000000e+01, v3  }
0x2a6: {  	[tilespmem:s31+$0x9930] =	vst v4;
	v4 =	vld [tilespmem:s20+$0x8550];
	v5 =	vmul.f32 $3.200000000e+01, v5  }
0x2a7: {  	v62 =	vld [tilespmem:s31+$0x8940];
	v6 =	vmul.f32 $3.200000000e+01, v6;
	[tilespmem:s31+$0x9950] =	vst v3  }
0x2a8: {  	v3 =	vmul.f32 $3.200000000e+01, v9;
	v9 =	vld [tilespmem:s20+$0x8560];
	[tilespmem:s31+$0x9960] =	vst v5  }
0x2a9: {  	v10 =	vld [tilespmem:s31+$0x9540];
	v5 =	vmul.f32 $3.200000000e+01, v8;
	[tilespmem:s31+$0x9970] =	vst v6  }
0x2aa: {  	s30 =	sand.u32 $0x7, s19;
	v8 =	vld [tilespmem:s20+$0x8570];
	v7 =	vmul.f32 $3.200000000e+01, v7;
	[tilespmem:s20+$0x8500] =	vst v3  }
0x2ab: {  	s7 =	sshll.u32 s30, $0x7;
	v3 =	vld [tilespmem:s31+$0x8D40];
	[tilespmem:s20+$0x8510] =	vst v5;
	v4 =	vmul.f32 $3.200000000e+01, v4  }
0x2ac: {  	s21 =	sadd.s32 $0x0, s7;
	v12 =	vmul.f32 $3.200000000e+01, v61;
	v5 =	vld [tilespmem:s31+$0x9140];
	[tilespmem:s31+$0x8140] =	vst v7  }
0x2ad: {  	s7 =	sor.u32 $0x1C00, s21;
	v7 =	vld [tilespmem:s20+$0x8910];
	[tilespmem:s20+$0x8550] =	vst v4;
	v4 =	vmul.f32 $3.200000000e+01, v9  }
0x2ae: {  	v13 =	vmul.f32 $3.200000000e+01, v62;
	v11 =	vld [tilespmem:s7+$0x8100];
	[tilespmem:s31+$0x8540] =	vst v12  }
0x2af: {  	v8 =	vmul.f32 $3.200000000e+01, v8;
	[tilespmem:s20+$0x8560] =	vst v4;
	v4 =	vld [tilespmem:s31+$0x9940]  }
0x2b0: {  	[tilespmem:s31+$0x8940] =	vst v13;
	v3 =	vmul.f32 $3.200000000e+01, v3  }
0x2b1: {  	v5 =	vmul.f32 $3.200000000e+01, v5;
	[tilespmem:s20+$0x8570] =	vst v8  }
0x2b2: {  	v8 =	vmul.f32 $3.200000000e+01, v10;
	[tilespmem:s31+$0x8D40] =	vst v3  }
0x2b3: {  	v7 =	vmul.f32 $3.200000000e+01, v7;
	[tilespmem:s31+$0x9140] =	vst v5  }
0x2b4: {  	[tilespmem:s31+$0x9540] =	vst v8;
	v4 =	vmul.f32 $3.200000000e+01, v4  }
0x2b5: {  	v6 =	vld [tilespmem:s20+$0x8900];
	[tilespmem:s20+$0x8910] =	vst v7;
	v7 =	vmul.f32 $3.200000000e+01, v11  }
0x2b6: {  	[tilespmem:s31+$0x9940] =	vst v4  }
0x2b7: {  	v3 =	vld [tilespmem:s20+$0x8950];
	s31 =	sor.u32 $0x1C10, s21;
	[tilespmem:s7+$0x8100] =	vst v7  }
0x2b8: {  	v7 =	vld [tilespmem:s31+$0x8100]  }
0x2b9: {  	v4 =	vld [tilespmem:s20+$0x8D00]  }
0x2ba: {  	v5 =	vmul.f32 $3.200000000e+01, v6;
	v6 =	vld [tilespmem:s20+$0x8960];
	_ =	sdelay $0x1  }
0x2bb: {  	v3 =	vmul.f32 $3.200000000e+01, v3  }
0x2bc: {  	v7 =	vmul.f32 $3.200000000e+01, v7  }
0x2bd: {  	[tilespmem:s20+$0x8950] =	vst v3;
	v3 =	vld [tilespmem:s20+$0x8D30];
	v4 =	vmul.f32 $3.200000000e+01, v4  }
0x2be: {  	v63 =	vld [tilespmem:s20+$0x8920];
	s22 =	sor.u32 $0x1C20, s21;
	v6 =	vmul.f32 $3.200000000e+01, v6;
	[tilespmem:s31+$0x8100] =	vst v7  }
0x2bf: {  	[tilespmem:s20+$0x8D00] =	vst v4;
	v4 =	vld [tilespmem:s22+$0x8100]  }
0x2c0: {  	[tilespmem:s20+$0x8960] =	vst v6;
	v6 =	vld [tilespmem:s20+$0x8D50];
	_ =	sdelay $0x1  }
0x2c1: {  	v3 =	vmul.f32 $3.200000000e+01, v3  }
0x2c2: {  	[tilespmem:s20+$0x8900] =	vst v5;
	v5 =	vmul.f32 $3.200000000e+01, v63  }
0x2c3: {  	v9 =	vld [tilespmem:s20+$0x8930];
	[tilespmem:s20+$0x8D30] =	vst v3;
	v3 =	vmul.f32 $3.200000000e+01, v4  }
0x2c4: {  	v8 =	vld [tilespmem:s20+$0x8970];
	[tilespmem:s20+$0x8920] =	vst v5;
	v6 =	vmul.f32 $3.200000000e+01, v6  }
0x2c5: {  	s26 =	sor.u32 $0x1C30, s21;
	v5 =	vld [tilespmem:s20+$0x8D10];
	[tilespmem:s22+$0x8100] =	vst v3  }
0x2c6: {  	[tilespmem:s20+$0x8D50] =	vst v6;
	v6 =	vld [tilespmem:s26+$0x8100];
	_ =	sdelay $0x1  }
0x2c7: {  	v9 =	vmul.f32 $3.200000000e+01, v9;
	v7 =	vld [tilespmem:s20+$0x8D70]  }
0x2c8: {  	v8 =	vmul.f32 $3.200000000e+01, v8  }
0x2c9: {  	[tilespmem:s20+$0x8930] =	vst v9;
	v5 =	vmul.f32 $3.200000000e+01, v5  }
0x2ca: {  	v9 =	vld [tilespmem:s20+$0x8D20];
	[tilespmem:s20+$0x8970] =	vst v8;
	v6 =	vmul.f32 $3.200000000e+01, v6  }
0x2cb: {  	v8 =	vld [tilespmem:s20+$0x8D60];
	[tilespmem:s20+$0x8D10] =	vst v5  }
0x2cc: {  	s30 =	sor.u32 $0x1C40, s21;
	v5 =	vld [tilespmem:s20+$0x9100];
	v7 =	vmul.f32 $3.200000000e+01, v7;
	[tilespmem:s26+$0x8100] =	vst v6  }
0x2cd: {  	v6 =	vld [tilespmem:s30+$0x8100]  }
0x2ce: {  	[tilespmem:s20+$0x8D70] =	vst v7;
	v7 =	vld [tilespmem:s20+$0x9160]  }
0x2cf: {  	v9 =	vmul.f32 $3.200000000e+01, v9;
	v3 =	vld [tilespmem:s20+$0x9130]  }
0x2d0: {  	v8 =	vmul.f32 $3.200000000e+01, v8;
	v4 =	vld [tilespmem:s20+$0x9120]  }
0x2d1: {  	[tilespmem:s20+$0x8D20] =	vst v9;
	v9 =	vld [tilespmem:s20+$0x9110];
	v5 =	vmul.f32 $3.200000000e+01, v5  }
0x2d2: {  	[tilespmem:s20+$0x8D60] =	vst v8;
	v8 =	vld [tilespmem:s20+$0x9150];
	v6 =	vmul.f32 $3.200000000e+01, v6  }
0x2d3: {  	[tilespmem:s20+$0x9100] =	vst v5;
	v5 =	vld [tilespmem:s20+$0x9500];
	v7 =	vmul.f32 $3.200000000e+01, v7  }
0x2d4: {  	v10 =	vld [tilespmem:s20+$0x9170];
	s31 =	sor.u32 $0x1C50, s21;
	v3 =	vmul.f32 $3.200000000e+01, v3;
	[tilespmem:s30+$0x8100] =	vst v6  }
0x2d5: {  	v4 =	vmul.f32 $3.200000000e+01, v4;
	[tilespmem:s20+$0x9160] =	vst v7;
	v7 =	vld [tilespmem:s31+$0x8100]  }
0x2d6: {  	v9 =	vmul.f32 $3.200000000e+01, v9;
	[tilespmem:s20+$0x9130] =	vst v3;
	v3 =	vld [tilespmem:s20+$0x9520]  }
0x2d7: {  	v8 =	vmul.f32 $3.200000000e+01, v8;
	[tilespmem:s20+$0x9120] =	vst v4;
	v4 =	vld [tilespmem:s20+$0x9510]  }
0x2d8: {  	[tilespmem:s20+$0x9110] =	vst v9;
	v5 =	vmul.f32 $3.200000000e+01, v5  }
0x2d9: {  	v9 =	vmul.f32 $3.200000000e+01, v10;
	[tilespmem:s20+$0x9150] =	vst v8;
	v8 =	vld [tilespmem:s20+$0x9530]  }
0x2da: {  	[tilespmem:s20+$0x9500] =	vst v5;
	v6 =	vld [tilespmem:s20+$0x9550];
	v5 =	vmul.f32 $3.200000000e+01, v7  }
0x2db: {  	[tilespmem:s20+$0x9170] =	vst v9;
	v9 =	vld [tilespmem:s20+$0x9560];
	v3 =	vmul.f32 $3.200000000e+01, v3  }
0x2dc: {  	s29 =	sor.u32 $0x1C60, s21;
	v10 =	vld [tilespmem:s20+$0x9570];
	v4 =	vmul.f32 $3.200000000e+01, v4;
	[tilespmem:s31+$0x8100] =	vst v5  }
0x2dd: {  	[tilespmem:s20+$0x9520] =	vst v3;
	v3 =	vld [tilespmem:s29+$0x8100]  }
0x2de: {  	[tilespmem:s20+$0x9510] =	vst v4;
	v4 =	vld [tilespmem:s20+$0x9900];
	v7 =	vmul.f32 $3.200000000e+01, v8  }
0x2df: {  	v8 =	vld [tilespmem:s20+$0x9910];
	v5 =	vmul.f32 $3.200000000e+01, v6  }
0x2e0: {  	[tilespmem:s20+$0x9530] =	vst v7;
	v7 =	vld [tilespmem:s20+$0x9920];
	v6 =	vmul.f32 $3.200000000e+01, v9  }
0x2e1: {  	v9 =	vmul.f32 $3.200000000e+01, v10;
	[tilespmem:s20+$0x9550] =	vst v5;
	v5 =	vld [tilespmem:s20+$0x9930]  }
0x2e2: {  	s28 =	simm.s32 $0x100;
	s22 =	simm.s32 $0x0;
	s26 =	simm.s32 $0xFFFFC400;
	[tilespmem:s20+$0x9560] =	vst v6;
	v6 =	vld [tilespmem:s20+$0x9950];
	v3 =	vmul.f32 $3.200000000e+01, v3  }
.LBB2_7:
0x2e3: {  	p1 =	sne.s32 s28, $0x780;
	[tilespmem:s20+$0x9570] =	vst v9;
	v4 =	vmul.f32 $3.200000000e+01, v4;
	v9 =	vld [tilespmem:s20+$0x9960]  }
0x2e4: {  	s7 =	sor.u32 $0x1C70, s21;
	v8 =	vmul.f32 $3.200000000e+01, v8;
	v10 =	vld [tilespmem:s20+$0x9970];
	[tilespmem:s29+$0x8100] =	vst v3  }
0x2e5: {  	[tilespmem:s20+$0x9900] =	vst v4;
	v3 =	vmul.f32 $3.200000000e+01, v7;
	v4 =	vld [tilespmem:s7+$0x8100]  }
0x2e6: {  	v7 =	vld [tilespmem:s20+$0x8140];
	[tilespmem:s20+$0x9910] =	vst v8;
	v5 =	vmul.f32 $3.200000000e+01, v5  }
0x2e7: {  	v8 =	vld [tilespmem:s20+$0x8540];
	[tilespmem:s20+$0x9920] =	vst v3;
	v3 =	vmul.f32 $3.200000000e+01, v6  }
0x2e8: {  	s19 =	sadd.s32 $0x1, s19;
	v6 =	vld [tilespmem:s20+$0x8940];
	[tilespmem:s20+$0x9930] =	vst v5;
	v5 =	vmul.f32 $3.200000000e+01, v9  }
0x2e9: {  	s21 =	sand.u32 $0x7, s19;
	v9 =	vld [tilespmem:s20+$0x8D40];
	[tilespmem:s20+$0x9950] =	vst v3;
	v3 =	vmul.f32 $3.200000000e+01, v10  }
0x2ea: {  	s26 =	sadd.s32 $0x400, s26;
	s22 =	sadd.s32 $0x400, s22;
	s21 =	sshll.u32 s21, $0x7;
	v10 =	vld [tilespmem:s20+$0x9140];
	[tilespmem:s20+$0x9960] =	vst v5;
	v4 =	vmul.f32 $3.200000000e+01, v4  }
0x2eb: {  	s29 =	sadd.s32 $0x4000, s26;
	s21 =	sadd.s32 s21, s22;
	v5 =	vmul.f32 $3.200000000e+01, v7;
	v7 =	vld [tilespmem:s20+$0x9540];
	[tilespmem:s20+$0x9970] =	vst v3  }
0x2ec: {  	s30 =	sand.u32 $0x380, s28;
	s29 =	sand.u32 $0x2000, s29;
	s31 =	sor.u32 $0x1C00, s21;
	v3 =	vmul.f32 $3.200000000e+01, v8;
	v8 =	vld [tilespmem:s20+$0x9940];
	[tilespmem:s7+$0x8100] =	vst v4  }
0x2ed: {  	s7 =	sor.u32 s30, s29;
	[tilespmem:s20+$0x8140] =	vst v5;
	v4 =	vmul.f32 $3.200000000e+01, v6;
	v5 =	vld [tilespmem:s31+$0x8100]  }
0x2ee: {  	v6 =	vld [tilespmem:s7+$0x8100];
	[tilespmem:s20+$0x8540] =	vst v3;
	v3 =	vmul.f32 $3.200000000e+01, v9  }
0x2ef: {  	v9 =	vld [tilespmem:s7+$0x8110];
	[tilespmem:s20+$0x8940] =	vst v4;
	v4 =	vmul.f32 $3.200000000e+01, v10  }
0x2f0: {  	v10 =	vld [tilespmem:s7+$0x8120];
	[tilespmem:s20+$0x8D40] =	vst v3;
	v3 =	vmul.f32 $3.200000000e+01, v7  }
0x2f1: {  	v7 =	vld [tilespmem:s7+$0x8130];
	[tilespmem:s20+$0x9140] =	vst v4;
	v4 =	vmul.f32 $3.200000000e+01, v8  }
0x2f2: {  	v8 =	vld [tilespmem:s7+$0x8150];
	[tilespmem:s20+$0x9540] =	vst v3;
	v3 =	vmul.f32 $3.200000000e+01, v5  }
0x2f3: {  	v5 =	vmul.f32 $3.200000000e+01, v6;
	v6 =	vld [tilespmem:s7+$0x8160];
	[tilespmem:s20+$0x9940] =	vst v4;
	s20 =	smov.u32 s7  }
0x2f4: {  	s7 =	sor.u32 $0x1C10, s21;
	v4 =	vmul.f32 $3.200000000e+01, v9;
	v9 =	vld [tilespmem:s20+$0x8170];
	[tilespmem:s31+$0x8100] =	vst v3  }
0x2f5: {  	[tilespmem:s20+$0x8100] =	vst v5;
	v3 =	vmul.f32 $3.200000000e+01, v10;
	v5 =	vld [tilespmem:s7+$0x8100]  }
0x2f6: {  	[tilespmem:s20+$0x8110] =	vst v4;
	v4 =	vmul.f32 $3.200000000e+01, v7;
	v7 =	vld [tilespmem:s20+$0x8500]  }
0x2f7: {  	[tilespmem:s20+$0x8120] =	vst v3;
	v3 =	vmul.f32 $3.200000000e+01, v8;
	v8 =	vld [tilespmem:s20+$0x8510]  }
0x2f8: {  	[tilespmem:s20+$0x8130] =	vst v4;
	v4 =	vmul.f32 $3.200000000e+01, v6;
	v6 =	vld [tilespmem:s20+$0x8520]  }
0x2f9: {  	[tilespmem:s20+$0x8150] =	vst v3;
	v3 =	vmul.f32 $3.200000000e+01, v9;
	v9 =	vld [tilespmem:s20+$0x8530]  }
0x2fa: {  	[tilespmem:s20+$0x8160] =	vst v4;
	v4 =	vld [tilespmem:s20+$0x8550];
	v5 =	vmul.f32 $3.200000000e+01, v5  }
0x2fb: {  	[tilespmem:s20+$0x8170] =	vst v3;
	v3 =	vmul.f32 $3.200000000e+01, v7;
	v7 =	vld [tilespmem:s20+$0x8560]  }
0x2fc: {  	v8 =	vmul.f32 $3.200000000e+01, v8;
	v10 =	vld [tilespmem:s20+$0x8570];
	[tilespmem:s7+$0x8100] =	vst v5;
	s7 =	sor.u32 $0x1C20, s21  }
0x2fd: {  	[tilespmem:s20+$0x8500] =	vst v3;
	v3 =	vmul.f32 $3.200000000e+01, v6;
	v5 =	vld [tilespmem:s7+$0x8100]  }
0x2fe: {  	[tilespmem:s20+$0x8510] =	vst v8;
	v6 =	vmul.f32 $3.200000000e+01, v9;
	v8 =	vld [tilespmem:s20+$0x8900]  }
0x2ff: {  	[tilespmem:s20+$0x8520] =	vst v3;
	v3 =	vmul.f32 $3.200000000e+01, v4;
	v4 =	vld [tilespmem:s20+$0x8910]  }
0x300: {  	[tilespmem:s20+$0x8530] =	vst v6;
	v6 =	vmul.f32 $3.200000000e+01, v7;
	v7 =	vld [tilespmem:s20+$0x8920]  }
0x301: {  	[tilespmem:s20+$0x8550] =	vst v3;
	v3 =	vmul.f32 $3.200000000e+01, v10;
	v9 =	vld [tilespmem:s20+$0x8930]  }
0x302: {  	[tilespmem:s20+$0x8560] =	vst v6;
	v6 =	vld [tilespmem:s20+$0x8950];
	v5 =	vmul.f32 $3.200000000e+01, v5  }
0x303: {  	[tilespmem:s20+$0x8570] =	vst v3;
	v3 =	vmul.f32 $3.200000000e+01, v8;
	v8 =	vld [tilespmem:s20+$0x8960]  }
0x304: {  	v4 =	vmul.f32 $3.200000000e+01, v4;
	v10 =	vld [tilespmem:s20+$0x8970];
	[tilespmem:s7+$0x8100] =	vst v5;
	s7 =	sor.u32 $0x1C30, s21  }
0x305: {  	[tilespmem:s20+$0x8900] =	vst v3;
	v3 =	vmul.f32 $3.200000000e+01, v7;
	v5 =	vld [tilespmem:s7+$0x8100]  }
0x306: {  	[tilespmem:s20+$0x8910] =	vst v4;
	v4 =	vmul.f32 $3.200000000e+01, v9;
	v7 =	vld [tilespmem:s20+$0x8D00]  }
0x307: {  	[tilespmem:s20+$0x8920] =	vst v3;
	v3 =	vmul.f32 $3.200000000e+01, v6;
	v6 =	vld [tilespmem:s20+$0x8D10]  }
0x308: {  	[tilespmem:s20+$0x8930] =	vst v4;
	v4 =	vmul.f32 $3.200000000e+01, v8;
	v8 =	vld [tilespmem:s20+$0x8D20]  }
0x309: {  	[tilespmem:s20+$0x8950] =	vst v3;
	v3 =	vmul.f32 $3.200000000e+01, v10;
	v9 =	vld [tilespmem:s20+$0x8D30]  }
0x30a: {  	[tilespmem:s20+$0x8960] =	vst v4;
	v4 =	vld [tilespmem:s20+$0x8D50];
	v5 =	vmul.f32 $3.200000000e+01, v5  }
0x30b: {  	[tilespmem:s20+$0x8970] =	vst v3;
	v3 =	vmul.f32 $3.200000000e+01, v7;
	v7 =	vld [tilespmem:s20+$0x8D60]  }
0x30c: {  	v6 =	vmul.f32 $3.200000000e+01, v6;
	v10 =	vld [tilespmem:s20+$0x8D70];
	[tilespmem:s7+$0x8100] =	vst v5;
	s7 =	sor.u32 $0x1C40, s21  }
0x30d: {  	[tilespmem:s20+$0x8D00] =	vst v3;
	v3 =	vmul.f32 $3.200000000e+01, v8;
	v5 =	vld [tilespmem:s7+$0x8100]  }
0x30e: {  	[tilespmem:s20+$0x8D10] =	vst v6;
	v6 =	vmul.f32 $3.200000000e+01, v9;
	v8 =	vld [tilespmem:s20+$0x9100]  }
0x30f: {  	[tilespmem:s20+$0x8D20] =	vst v3;
	v3 =	vmul.f32 $3.200000000e+01, v4;
	v4 =	vld [tilespmem:s20+$0x9110]  }
0x310: {  	[tilespmem:s20+$0x8D30] =	vst v6;
	v6 =	vmul.f32 $3.200000000e+01, v7;
	v7 =	vld [tilespmem:s20+$0x9120]  }
0x311: {  	[tilespmem:s20+$0x8D50] =	vst v3;
	v3 =	vmul.f32 $3.200000000e+01, v10;
	v9 =	vld [tilespmem:s20+$0x9130]  }
0x312: {  	[tilespmem:s20+$0x8D60] =	vst v6;
	v6 =	vld [tilespmem:s20+$0x9150];
	v5 =	vmul.f32 $3.200000000e+01, v5  }
0x313: {  	[tilespmem:s20+$0x8D70] =	vst v3;
	v3 =	vmul.f32 $3.200000000e+01, v8;
	v8 =	vld [tilespmem:s20+$0x9160]  }
0x314: {  	v4 =	vmul.f32 $3.200000000e+01, v4;
	v10 =	vld [tilespmem:s20+$0x9170];
	[tilespmem:s7+$0x8100] =	vst v5;
	s7 =	sor.u32 $0x1C50, s21  }
0x315: {  	[tilespmem:s20+$0x9100] =	vst v3;
	v3 =	vmul.f32 $3.200000000e+01, v7;
	v5 =	vld [tilespmem:s7+$0x8100]  }
0x316: {  	[tilespmem:s20+$0x9110] =	vst v4;
	v4 =	vmul.f32 $3.200000000e+01, v9;
	v7 =	vld [tilespmem:s20+$0x9500]  }
0x317: {  	[tilespmem:s20+$0x9120] =	vst v3;
	v3 =	vmul.f32 $3.200000000e+01, v6;
	v6 =	vld [tilespmem:s20+$0x9510]  }
0x318: {  	[tilespmem:s20+$0x9130] =	vst v4;
	v4 =	vmul.f32 $3.200000000e+01, v8;
	v8 =	vld [tilespmem:s20+$0x9520]  }
0x319: {  	[tilespmem:s20+$0x9150] =	vst v3;
	v3 =	vmul.f32 $3.200000000e+01, v10;
	v9 =	vld [tilespmem:s20+$0x9530]  }
0x31a: {  	[tilespmem:s20+$0x9160] =	vst v4;
	v10 =	vld [tilespmem:s20+$0x9550];
	v4 =	vmul.f32 $3.200000000e+01, v5  }
0x31b: {  	[tilespmem:s20+$0x9170] =	vst v3;
	v3 =	vmul.f32 $3.200000000e+01, v7;
	v5 =	vld [tilespmem:s20+$0x9560]  }
0x31c: {  	s29 =	sor.u32 $0x1C60, s21;
	v6 =	vmul.f32 $3.200000000e+01, v6;
	v11 =	vld [tilespmem:s20+$0x9570];
	[tilespmem:s7+$0x8100] =	vst v4  }
0x31d: {  	[tilespmem:s20+$0x9500] =	vst v3;
	v3 =	vmul.f32 $3.200000000e+01, v8;
	v12 =	vld [tilespmem:s29+$0x8100]  }
.Ltmp2:
0x31e: {  	[tilespmem:s20+$0x9510] =	vst v6;
	v6 =	vmul.f32 $3.200000000e+01, v9;
	v4 =	vld [tilespmem:s20+$0x9900];
	(pc) =	sbr.rel @p1 .LBB2_7-.Ltmp2, $4  }
0x31f: {  	[tilespmem:s20+$0x9520] =	vst v3;
	v3 =	vmul.f32 $3.200000000e+01, v10;
	v8 =	vld [tilespmem:s20+$0x9910]  }
0x320: {  	[tilespmem:s20+$0x9530] =	vst v6;
	v6 =	vmul.f32 $3.200000000e+01, v5;
	v7 =	vld [tilespmem:s20+$0x9920]  }
0x321: {  	[tilespmem:s20+$0x9550] =	vst v3;
	v9 =	vmul.f32 $3.200000000e+01, v11;
	v5 =	vld [tilespmem:s20+$0x9930]  }
0x322: {  	s28 =	sadd.s32 $0x80, s28;
	[tilespmem:s20+$0x9560] =	vst v6;
	v6 =	vld [tilespmem:s20+$0x9950];
	v3 =	vmul.f32 $3.200000000e+01, v12  }
0x323: {  	[tilespmem:s20+$0x9570] =	vst v9;
	v4 =	vmul.f32 $3.200000000e+01, v4;
	v9 =	vld [tilespmem:s20+$0x9960]  }
0x324: {  	v10 =	vld [tilespmem:s20+$0x9970];
	v8 =	vmul.f32 $3.200000000e+01, v8  }
0x325: {  	[tilespmem:s20+$0x9900] =	vst v4;
	v4 =	vld [tilespmem:s20+$0x8140];
	v7 =	vmul.f32 $3.200000000e+01, v7  }
0x326: {  	[tilespmem:s20+$0x9910] =	vst v8;
	v5 =	vmul.f32 $3.200000000e+01, v5  }
0x327: {  	v8 =	vld [tilespmem:s20+$0x8540];
	[tilespmem:s20+$0x9920] =	vst v7;
	v6 =	vmul.f32 $3.200000000e+01, v6  }
0x328: {  	s7 =	sadd.s32 $0x1, s19;
	v7 =	vld [tilespmem:s20+$0x8940];
	[tilespmem:s20+$0x9930] =	vst v5;
	v9 =	vmul.f32 $3.200000000e+01, v9  }
0x329: {  	s7 =	sand.u32 $0x7, s7;
	v5 =	vld [tilespmem:s20+$0x8D40];
	v10 =	vmul.f32 $3.200000000e+01, v10;
	[tilespmem:s20+$0x9950] =	vst v6  }
0x32a: {  	s22 =	sadd.s32 $0x400, s22;
	s7 =	sshll.u32 s7, $0x7;
	v6 =	vld [tilespmem:s20+$0x9140];
	[tilespmem:s20+$0x9960] =	vst v9;
	v4 =	vmul.f32 $3.200000000e+01, v4  }
0x32b: {  	s7 =	sadd.s32 s7, s22;
	v9 =	vld [tilespmem:s20+$0x9540];
	[tilespmem:s20+$0x9970] =	vst v10  }
0x32c: {  	s19 =	sor.u32 $0x1C00, s7;
	v10 =	vld [tilespmem:s20+$0x9940];
	v8 =	vmul.f32 $3.200000000e+01, v8;
	[tilespmem:s20+$0x8140] =	vst v4  }
0x32d: {  	v4 =	vmul.f32 $3.200000000e+01, v7;
	v7 =	vld [tilespmem:s19+$0x8100]  }
0x32e: {  	[tilespmem:s20+$0x8540] =	vst v8;
	v5 =	vmul.f32 $3.200000000e+01, v5  }
0x32f: {  	[tilespmem:s20+$0x8940] =	vst v4;
	v4 =	vmul.f32 $3.200000000e+01, v6  }
0x330: {  	[tilespmem:s20+$0x8D40] =	vst v5;
	v5 =	vmul.f32 $3.200000000e+01, v9  }
0x331: {  	[tilespmem:s20+$0x9140] =	vst v4;
	v4 =	vmul.f32 $3.200000000e+01, v10  }
0x332: {  	[tilespmem:s20+$0x9540] =	vst v5;
	v5 =	vmul.f32 $3.200000000e+01, v7  }
0x333: {  	[tilespmem:s20+$0x9940] =	vst v4  }
0x334: {  	s26 =	sor.u32 $0x1C10, s7;
	[tilespmem:s19+$0x8100] =	vst v5  }
0x335: {  	v4 =	vld [tilespmem:s26+$0x8100];
	_ =	sdelay $0x4  }
0x336: {  	v4 =	vmul.f32 $3.200000000e+01, v4;
	_ =	sdelay $0x1  }
0x337: {  	s28 =	sor.u32 $0x1C20, s7;
	[tilespmem:s26+$0x8100] =	vst v4  }
0x338: {  	v4 =	vld [tilespmem:s28+$0x8100];
	_ =	sdelay $0x4  }
0x339: {  	v4 =	vmul.f32 $3.200000000e+01, v4;
	_ =	sdelay $0x1  }
0x33a: {  	s30 =	sor.u32 $0x1C30, s7;
	[tilespmem:s28+$0x8100] =	vst v4  }
0x33b: {  	v4 =	vld [tilespmem:s30+$0x8100];
	_ =	sdelay $0x4  }
0x33c: {  	v4 =	vmul.f32 $3.200000000e+01, v4;
	_ =	sdelay $0x1  }
0x33d: {  	s31 =	sor.u32 $0x1C40, s7;
	[tilespmem:s30+$0x8100] =	vst v4  }
0x33e: {  	v4 =	vld [tilespmem:s31+$0x8100];
	_ =	sdelay $0x4  }
0x33f: {  	v4 =	vmul.f32 $3.200000000e+01, v4;
	_ =	sdelay $0x1  }
0x340: {  	s20 =	sor.u32 $0x1C50, s7;
	[tilespmem:s31+$0x8100] =	vst v4  }
0x341: {  	v4 =	vld [tilespmem:s20+$0x8100];
	_ =	sdelay $0x4  }
0x342: {  	v4 =	vmul.f32 $3.200000000e+01, v4;
	_ =	sdelay $0x1  }
0x343: {  	s22 =	sor.u32 $0x1C60, s7;
	[tilespmem:s20+$0x8100] =	vst v4  }
0x344: {  	v4 =	vld [tilespmem:s22+$0x8100];
	_ =	sdelay $0x4  }
0x345: {  	v4 =	vmul.f32 $3.200000000e+01, v4  }
0x346: {  	[tilespmem:s29+$0x8100] =	vst v3;
	s26 =	sor.u32 $0x1C70, s21  }
0x347: {  	s7 =	sor.u32 $0x1C70, s7;
	v3 =	vld [tilespmem:s26+$0x8100];
	[tilespmem:s22+$0x8100] =	vst v4  }
0x348: {  	v4 =	vld [tilespmem:s7+$0x8100];
	_ =	sdelay $0x3  }
0x349: {  	v3 =	vmul.f32 $3.200000000e+01, v3  }
0x34a: {  	s17 =	sadd.s32 s5, s17;
	v4 =	vmul.f32 $3.200000000e+01, v4  }
0x34b: {  	s17 =	sshll.u32 s17, $0x7;
	[tilespmem:s26+$0x8100] =	vst v3  }
0x34c: {  	s28 =	sadd.s32 s3, s17;
	[tilespmem:s7+$0x8100] =	vst v4  }
0x34d: {  	[hbm4b:s28+s4] =	stream.linear.scatter [tilespmem:s13], [sflag:$0x7], $0x4000, $0x38;
	[tilespmem:$0x10100] =	vst v63  }
0x34e: {  	_ =	swait.ge [sflag:s14], $0x4000  }
0x34f: {  	[sflag:s14] =	ssyncset.done $0x0  }
0x350: {  	s7 =	simm.s32 @!p0 $0x6;
	[sflag:s14] =	ssyncadd.s32 $0xFFFFC000  }
0x351: {  	_ =	swait.ge @!p0 [sflag:s7], $0x4000  }
0x352: {  	[sflag:s7] =	ssyncset.done @!p0 $0x0  }
0x353: {  	[sflag:s7] =	ssyncadd.s32 @!p0 $0xFFFFC000  }
0x354: {  	v3 =	vld @!p0 [tilespmem:s18+$0x50];
	_ =	sdelay $0x4  }
0x355: {  	v4 =	vshll.u32 @!p0 v3, $0x3  }
0x356: {  	v5 =	vlaneseq.u32 @!p0;
	v3 =	vand.u32 @!p0 $0x7, v3;
	v4 =	vand.u32 @!p0 $0xFFFFFFC0, v4  }
0x357: {  	v6 =	vshrl.u32 @!p0 v5, $0x3;
	v3 =	vor.u32 @!p0 v3, v4;
	v4 =	vand.u32 @!p0 $0x7, v5  }
0x358: {  	v6 =	vmul.u32 @!p0 $0x8, v6;
	v4 =	vperm.xlane @!p0 v3, v4;
	_ =	sdelay $0x1  }
0x359: {  	v4 =	vadd.s32 @!p0 v6, v4;
	_ =	sdelay $0x3  }
0x35a: {  	s17 =	simm.s32 @!p0 $0x4100;
	s7 =	simm.s32 @!p0 $0x0  }
0x35b: {  	v5 =	vor.u32 @!p0 $0x8, v5;
	[tilespmem:s17], [sflag:$0x2] =	stream.indirect_vreg.gather @!p0 [hbm4b:s1+s7], $0x80, v4, vm1, $0xb8;
	[tilespmem:$0x10100] =	vst v63  }
0x35c: {  	v3 =	vperm.xlane @!p0 v3, v5;
	s17 =	simm.s32 @!p0 $0x4900  }
0x35d: {  	[tilespmem:s17], [sflag:$0x2] =	stream.indirect_vreg.gather @!p0 [hbm4b:s8+s7], $0x80, v4, vm1, $0xb8;
	[tilespmem:$0x10100] =	vst v63  }
0x35e: {  	v3 =	vadd.s32 @!p0 v6, v3;
	s17 =	simm.s32 @!p0 $0x5100  }
0x35f: {  	[tilespmem:s17], [sflag:$0x2] =	stream.indirect_vreg.gather @!p0 [hbm4b:s9+s7], $0x80, v4, vm1, $0xb8;
	[tilespmem:$0x10100] =	vst v63  }
0x360: {  	s17 =	simm.s32 @!p0 $0x5900  }
0x361: {  	[tilespmem:s17], [sflag:$0x2] =	stream.indirect_vreg.gather @!p0 [hbm4b:s10+s7], $0x80, v4, vm1, $0xb8;
	[tilespmem:$0x10100] =	vst v63  }
0x362: {  	s17 =	simm.s32 @!p0 $0x6100  }
0x363: {  	[tilespmem:s17], [sflag:$0x2] =	stream.indirect_vreg.gather @!p0 [hbm4b:s1+s7], $0x80, v3, vm1, $0xb8;
	[tilespmem:$0x10100] =	vst v63  }
0x364: {  	s17 =	simm.s32 @!p0 $0x6900  }
0x365: {  	[tilespmem:s17], [sflag:$0x2] =	stream.indirect_vreg.gather @!p0 [hbm4b:s8+s7], $0x80, v3, vm1, $0xb8;
	[tilespmem:$0x10100] =	vst v63  }
0x366: {  	s17 =	simm.s32 @!p0 $0x7100  }
0x367: {  	[tilespmem:s17], [sflag:$0x2] =	stream.indirect_vreg.gather @!p0 [hbm4b:s9+s7], $0x80, v3, vm1, $0xb8;
	[tilespmem:$0x10100] =	vst v63  }
0x368: {  	s17 =	simm.s32 @!p0 $0x7900  }
0x369: {  	[tilespmem:s17], [sflag:$0x2] =	stream.indirect_vreg.gather @!p0 [hbm4b:s10+s7], $0x80, v3, vm1, $0xb8;
	[tilespmem:$0x10100] =	vst v63  }
0x36a: {  	s29 =	simm.s32 $0x0;
	s17 =	simm.s32 $0x0  }
0x36b: {  	s7 =	sand.u32 $0x2000, s29;
	s30 =	sand.u32 $0x380, s17  }
0x36c: {  	s31 =	sor.u32 s30, s7  }
0x36d: {  	v3 =	vld [tilespmem:s31+$0xC100]  }
0x36e: {  	v4 =	vld [tilespmem:s31+$0xC110]  }
0x36f: {  	v5 =	vld [tilespmem:s31+$0xC120]  }
0x370: {  	v6 =	vld [tilespmem:s31+$0xC130]  }
0x371: {  	v7 =	vld [tilespmem:s31+$0xC150]  }
0x372: {  	v8 =	vld [tilespmem:s31+$0xC160]  }
0x373: {  	v9 =	vld [tilespmem:s31+$0xC170];
	v3 =	vmul.f32 $3.200000000e+01, v3  }
0x374: {  	v10 =	vld [tilespmem:s31+$0xC500];
	v4 =	vmul.f32 $3.200000000e+01, v4  }
0x375: {  	s19 =	simm.s32 $0x80;
	s21 =	simm.s32 $0x400;
	v11 =	vld [tilespmem:s31+$0xC510];
	[tilespmem:s31+$0xC100] =	vst v3;
	v3 =	vmul.f32 $3.200000000e+01, v5  }
0x376: {  	s18 =	sand.u32 $0x2000, s21;
	s7 =	sand.u32 $0x380, s19;
	v12 =	vld [tilespmem:s31+$0xC520];
	[tilespmem:s31+$0xC110] =	vst v4;
	v4 =	vmul.f32 $3.200000000e+01, v6  }
0x377: {  	v13 =	vld [tilespmem:s31+$0xC530];
	s18 =	sor.u32 s7, s18;
	[tilespmem:s31+$0xC120] =	vst v3;
	v3 =	vmul.f32 $3.200000000e+01, v7  }
0x378: {  	v59 =	vld [tilespmem:s18+$0xC160];
	[tilespmem:s31+$0xC130] =	vst v4;
	v4 =	vmul.f32 $3.200000000e+01, v8  }
0x379: {  	v51 =	vld [tilespmem:s31+$0xC950];
	[tilespmem:s31+$0xC150] =	vst v3;
	v3 =	vmul.f32 $3.200000000e+01, v9  }
0x37a: {  	v5 =	vld [tilespmem:s31+$0xC550];
	[tilespmem:s31+$0xC160] =	vst v4;
	v4 =	vmul.f32 $3.200000000e+01, v10  }
0x37b: {  	v60 =	vld [tilespmem:s18+$0xC170];
	[tilespmem:s31+$0xC170] =	vst v3;
	v3 =	vmul.f32 $3.200000000e+01, v11  }
0x37c: {  	v6 =	vld [tilespmem:s31+$0xC560];
	[tilespmem:s31+$0xC500] =	vst v4;
	v4 =	vmul.f32 $3.200000000e+01, v12  }
0x37d: {  	v7 =	vld [tilespmem:s31+$0xC570];
	v12 =	vmul.f32 $3.200000000e+01, v59;
	[tilespmem:s31+$0xC510] =	vst v3  }
0x37e: {  	v8 =	vld [tilespmem:s31+$0xC900];
	v3 =	vmul.f32 $3.200000000e+01, v13;
	[tilespmem:s31+$0xC520] =	vst v4  }
0x37f: {  	v9 =	vld [tilespmem:s31+$0xC910];
	v4 =	vmul.f32 $3.200000000e+01, v5;
	[tilespmem:s18+$0xC160] =	vst v12  }
0x380: {  	v10 =	vld [tilespmem:s31+$0xC920];
	v13 =	vmul.f32 $3.200000000e+01, v60;
	[tilespmem:s31+$0xC530] =	vst v3  }
0x381: {  	v11 =	vld [tilespmem:s31+$0xC930];
	v3 =	vmul.f32 $3.200000000e+01, v6;
	[tilespmem:s31+$0xC550] =	vst v4  }
0x382: {  	v52 =	vld [tilespmem:s31+$0xC960];
	v4 =	vmul.f32 $3.200000000e+01, v7;
	[tilespmem:s18+$0xC170] =	vst v13  }
0x383: {  	v53 =	vld [tilespmem:s31+$0xCD70];
	[tilespmem:s31+$0xC560] =	vst v3;
	v3 =	vmul.f32 $3.200000000e+01, v8  }
0x384: {  	v5 =	vld [tilespmem:s31+$0xC970];
	[tilespmem:s31+$0xC570] =	vst v4;
	v4 =	vmul.f32 $3.200000000e+01, v9  }
0x385: {  	v6 =	vld [tilespmem:s31+$0xCD00];
	[tilespmem:s31+$0xC900] =	vst v3;
	v3 =	vmul.f32 $3.200000000e+01, v10  }
0x386: {  	v7 =	vld [tilespmem:s31+$0xCD10];
	[tilespmem:s31+$0xC910] =	vst v4;
	v4 =	vmul.f32 $3.200000000e+01, v11  }
0x387: {  	v8 =	vld [tilespmem:s31+$0xCD20];
	[tilespmem:s31+$0xC920] =	vst v3;
	v3 =	vmul.f32 $3.200000000e+01, v51  }
0x388: {  	v9 =	vld [tilespmem:s31+$0xCD30];
	[tilespmem:s31+$0xC930] =	vst v4;
	v4 =	vmul.f32 $3.200000000e+01, v52  }
0x389: {  	v10 =	vld [tilespmem:s31+$0xCD50];
	[tilespmem:s31+$0xC950] =	vst v3;
	v3 =	vmul.f32 $3.200000000e+01, v5  }
0x38a: {  	v11 =	vld [tilespmem:s31+$0xCD60];
	[tilespmem:s31+$0xC960] =	vst v4;
	v4 =	vmul.f32 $3.200000000e+01, v6  }
0x38b: {  	v54 =	vld [tilespmem:s31+$0xD100];
	[tilespmem:s31+$0xC970] =	vst v3;
	v3 =	vmul.f32 $3.200000000e+01, v7  }
0x38c: {  	v55 =	vld [tilespmem:s31+$0xD510];
	[tilespmem:s31+$0xCD00] =	vst v4;
	v4 =	vmul.f32 $3.200000000e+01, v8  }
0x38d: {  	v5 =	vld [tilespmem:s31+$0xD110];
	[tilespmem:s31+$0xCD10] =	vst v3;
	v3 =	vmul.f32 $3.200000000e+01, v9  }
0x38e: {  	v6 =	vld [tilespmem:s31+$0xD120];
	[tilespmem:s31+$0xCD20] =	vst v4;
	v4 =	vmul.f32 $3.200000000e+01, v10  }
0x38f: {  	v7 =	vld [tilespmem:s31+$0xD130];
	[tilespmem:s31+$0xCD30] =	vst v3;
	v3 =	vmul.f32 $3.200000000e+01, v11  }
0x390: {  	v8 =	vld [tilespmem:s31+$0xD150];
	[tilespmem:s31+$0xCD50] =	vst v4;
	v4 =	vmul.f32 $3.200000000e+01, v53  }
0x391: {  	v9 =	vld [tilespmem:s31+$0xD160];
	[tilespmem:s31+$0xCD60] =	vst v3;
	v3 =	vmul.f32 $3.200000000e+01, v54  }
0x392: {  	v10 =	vld [tilespmem:s31+$0xD170];
	[tilespmem:s31+$0xCD70] =	vst v4;
	v4 =	vmul.f32 $3.200000000e+01, v5  }
0x393: {  	v11 =	vld [tilespmem:s31+$0xD500];
	[tilespmem:s31+$0xD100] =	vst v3;
	v3 =	vmul.f32 $3.200000000e+01, v6  }
0x394: {  	v56 =	vld [tilespmem:s31+$0xD520];
	[tilespmem:s31+$0xD110] =	vst v4;
	v4 =	vmul.f32 $3.200000000e+01, v7  }
0x395: {  	v61 =	vld [tilespmem:s31+$0xC540];
	[tilespmem:s31+$0xD120] =	vst v3;
	v3 =	vmul.f32 $3.200000000e+01, v8  }
0x396: {  	v8 =	vld [tilespmem:s31+$0xD570];
	[tilespmem:s31+$0xD130] =	vst v4;
	v4 =	vmul.f32 $3.200000000e+01, v9  }
0x397: {  	v5 =	vld [tilespmem:s31+$0xD530];
	[tilespmem:s31+$0xD150] =	vst v3;
	v3 =	vmul.f32 $3.200000000e+01, v10  }
0x398: {  	v6 =	vld [tilespmem:s31+$0xD550];
	[tilespmem:s31+$0xD160] =	vst v4;
	v4 =	vmul.f32 $3.200000000e+01, v11  }
0x399: {  	v9 =	vld [tilespmem:s31+$0xD900];
	[tilespmem:s31+$0xD170] =	vst v3;
	v3 =	vmul.f32 $3.200000000e+01, v55  }
0x39a: {  	v10 =	vld [tilespmem:s31+$0xD910];
	[tilespmem:s31+$0xD500] =	vst v4;
	v4 =	vmul.f32 $3.200000000e+01, v56  }
0x39b: {  	v11 =	vld [tilespmem:s31+$0xD920];
	v8 =	vmul.f32 $3.200000000e+01, v8;
	[tilespmem:s31+$0xD510] =	vst v3  }
0x39c: {  	v7 =	vld [tilespmem:s31+$0xD560];
	v3 =	vmul.f32 $3.200000000e+01, v5;
	[tilespmem:s31+$0xD520] =	vst v4  }
0x39d: {  	v57 =	vld [tilespmem:s18+$0xC100];
	v4 =	vmul.f32 $3.200000000e+01, v6;
	[tilespmem:s31+$0xD570] =	vst v8  }
0x39e: {  	v58 =	vld [tilespmem:s18+$0xC110];
	v8 =	vmul.f32 $3.200000000e+01, v9;
	[tilespmem:s31+$0xD530] =	vst v3  }
0x39f: {  	v5 =	vld [tilespmem:s18+$0xC120];
	v10 =	vmul.f32 $3.200000000e+01, v10;
	[tilespmem:s31+$0xD550] =	vst v4  }
0x3a0: {  	v6 =	vld [tilespmem:s18+$0xC130];
	v11 =	vmul.f32 $3.200000000e+01, v11;
	[tilespmem:s31+$0xD900] =	vst v8  }
0x3a1: {  	v3 =	vmul.f32 $3.200000000e+01, v7;
	v7 =	vld [tilespmem:s18+$0xC150];
	[tilespmem:s31+$0xD910] =	vst v10  }
0x3a2: {  	v4 =	vmul.f32 $3.200000000e+01, v57;
	v10 =	vld [tilespmem:s18+$0xC520];
	[tilespmem:s31+$0xD920] =	vst v11  }
0x3a3: {  	v11 =	vld [tilespmem:s18+$0xC530];
	[tilespmem:s31+$0xD560] =	vst v3;
	v3 =	vmul.f32 $3.200000000e+01, v58  }
0x3a4: {  	[tilespmem:s18+$0xC100] =	vst v4;
	v4 =	vld [tilespmem:s31+$0xD930];
	v5 =	vmul.f32 $3.200000000e+01, v5  }
0x3a5: {  	v6 =	vmul.f32 $3.200000000e+01, v6;
	[tilespmem:s18+$0xC110] =	vst v3;
	v3 =	vld [tilespmem:s31+$0xD950]  }
0x3a6: {  	[tilespmem:s18+$0xC120] =	vst v5;
	v5 =	vld [tilespmem:s31+$0xD960];
	v7 =	vmul.f32 $3.200000000e+01, v7  }
0x3a7: {  	[tilespmem:s18+$0xC130] =	vst v6;
	v6 =	vld [tilespmem:s31+$0xD970];
	v10 =	vmul.f32 $3.200000000e+01, v10  }
0x3a8: {  	v9 =	vld [tilespmem:s18+$0xC500];
	v11 =	vmul.f32 $3.200000000e+01, v11;
	[tilespmem:s18+$0xC150] =	vst v7  }
0x3a9: {  	v8 =	vld [tilespmem:s18+$0xC510];
	v4 =	vmul.f32 $3.200000000e+01, v4;
	[tilespmem:s18+$0xC520] =	vst v10  }
0x3aa: {  	v7 =	vld [tilespmem:s31+$0xC140];
	[tilespmem:s18+$0xC530] =	vst v11;
	v3 =	vmul.f32 $3.200000000e+01, v3  }
0x3ab: {  	[tilespmem:s31+$0xD930] =	vst v4;
	v4 =	vld [tilespmem:s18+$0xC550];
	v5 =	vmul.f32 $3.200000000e+01, v5  }
0x3ac: {  	v62 =	vld [tilespmem:s31+$0xC940];
	v6 =	vmul.f32 $3.200000000e+01, v6;
	[tilespmem:s31+$0xD950] =	vst v3  }
0x3ad: {  	v3 =	vmul.f32 $3.200000000e+01, v9;
	v9 =	vld [tilespmem:s18+$0xC560];
	[tilespmem:s31+$0xD960] =	vst v5  }
0x3ae: {  	v10 =	vld [tilespmem:s31+$0xD540];
	v5 =	vmul.f32 $3.200000000e+01, v8;
	[tilespmem:s31+$0xD970] =	vst v6  }
0x3af: {  	s22 =	sand.u32 $0x7, s17;
	v8 =	vld [tilespmem:s18+$0xC570];
	v7 =	vmul.f32 $3.200000000e+01, v7;
	[tilespmem:s18+$0xC500] =	vst v3  }
0x3b0: {  	s7 =	sshll.u32 s22, $0x7;
	v3 =	vld [tilespmem:s31+$0xCD40];
	[tilespmem:s18+$0xC510] =	vst v5;
	v4 =	vmul.f32 $3.200000000e+01, v4  }
0x3b1: {  	s19 =	sadd.s32 $0x0, s7;
	v12 =	vmul.f32 $3.200000000e+01, v61;
	v5 =	vld [tilespmem:s31+$0xD140];
	[tilespmem:s31+$0xC140] =	vst v7  }
0x3b2: {  	s7 =	sor.u32 $0x1C00, s19;
	v7 =	vld [tilespmem:s18+$0xC910];
	[tilespmem:s18+$0xC550] =	vst v4;
	v4 =	vmul.f32 $3.200000000e+01, v9  }
0x3b3: {  	v13 =	vmul.f32 $3.200000000e+01, v62;
	v11 =	vld [tilespmem:s7+$0xC100];
	[tilespmem:s31+$0xC540] =	vst v12  }
0x3b4: {  	v8 =	vmul.f32 $3.200000000e+01, v8;
	[tilespmem:s18+$0xC560] =	vst v4;
	v4 =	vld [tilespmem:s31+$0xD940]  }
0x3b5: {  	[tilespmem:s31+$0xC940] =	vst v13;
	v3 =	vmul.f32 $3.200000000e+01, v3  }
0x3b6: {  	v5 =	vmul.f32 $3.200000000e+01, v5;
	[tilespmem:s18+$0xC570] =	vst v8  }
0x3b7: {  	v8 =	vmul.f32 $3.200000000e+01, v10;
	[tilespmem:s31+$0xCD40] =	vst v3  }
0x3b8: {  	v7 =	vmul.f32 $3.200000000e+01, v7;
	[tilespmem:s31+$0xD140] =	vst v5  }
0x3b9: {  	[tilespmem:s31+$0xD540] =	vst v8;
	v4 =	vmul.f32 $3.200000000e+01, v4  }
0x3ba: {  	v6 =	vld [tilespmem:s18+$0xC900];
	[tilespmem:s18+$0xC910] =	vst v7;
	v7 =	vmul.f32 $3.200000000e+01, v11  }
0x3bb: {  	[tilespmem:s31+$0xD940] =	vst v4  }
0x3bc: {  	s26 =	sor.u32 $0x1C10, s19;
	v3 =	vld [tilespmem:s18+$0xC950];
	[tilespmem:s7+$0xC100] =	vst v7  }
0x3bd: {  	v7 =	vld [tilespmem:s26+$0xC100]  }
0x3be: {  	v4 =	vld [tilespmem:s18+$0xCD00]  }
0x3bf: {  	v5 =	vmul.f32 $3.200000000e+01, v6;
	v6 =	vld [tilespmem:s18+$0xC960];
	_ =	sdelay $0x1  }
0x3c0: {  	v3 =	vmul.f32 $3.200000000e+01, v3  }
0x3c1: {  	v7 =	vmul.f32 $3.200000000e+01, v7  }
0x3c2: {  	[tilespmem:s18+$0xC950] =	vst v3;
	v3 =	vld [tilespmem:s18+$0xCD30];
	v4 =	vmul.f32 $3.200000000e+01, v4  }
0x3c3: {  	v63 =	vld [tilespmem:s18+$0xC920];
	s28 =	sor.u32 $0x1C20, s19;
	v6 =	vmul.f32 $3.200000000e+01, v6;
	[tilespmem:s26+$0xC100] =	vst v7  }
0x3c4: {  	[tilespmem:s18+$0xCD00] =	vst v4;
	v4 =	vld [tilespmem:s28+$0xC100]  }
0x3c5: {  	[tilespmem:s18+$0xC960] =	vst v6;
	v6 =	vld [tilespmem:s18+$0xCD50];
	_ =	sdelay $0x1  }
0x3c6: {  	v3 =	vmul.f32 $3.200000000e+01, v3  }
0x3c7: {  	[tilespmem:s18+$0xC900] =	vst v5;
	v5 =	vmul.f32 $3.200000000e+01, v63  }
0x3c8: {  	v9 =	vld [tilespmem:s18+$0xC930];
	[tilespmem:s18+$0xCD30] =	vst v3;
	v3 =	vmul.f32 $3.200000000e+01, v4  }
0x3c9: {  	v8 =	vld [tilespmem:s18+$0xC970];
	[tilespmem:s18+$0xC920] =	vst v5;
	v6 =	vmul.f32 $3.200000000e+01, v6  }
0x3ca: {  	s29 =	sor.u32 $0x1C30, s19;
	v5 =	vld [tilespmem:s18+$0xCD10];
	[tilespmem:s28+$0xC100] =	vst v3  }
0x3cb: {  	[tilespmem:s18+$0xCD50] =	vst v6;
	v6 =	vld [tilespmem:s29+$0xC100];
	_ =	sdelay $0x1  }
0x3cc: {  	v9 =	vmul.f32 $3.200000000e+01, v9;
	v7 =	vld [tilespmem:s18+$0xCD70]  }
0x3cd: {  	v8 =	vmul.f32 $3.200000000e+01, v8  }
0x3ce: {  	[tilespmem:s18+$0xC930] =	vst v9;
	v5 =	vmul.f32 $3.200000000e+01, v5  }
0x3cf: {  	v9 =	vld [tilespmem:s18+$0xCD20];
	[tilespmem:s18+$0xC970] =	vst v8;
	v6 =	vmul.f32 $3.200000000e+01, v6  }
0x3d0: {  	v8 =	vld [tilespmem:s18+$0xCD60];
	[tilespmem:s18+$0xCD10] =	vst v5  }
0x3d1: {  	s30 =	sor.u32 $0x1C40, s19;
	v5 =	vld [tilespmem:s18+$0xD100];
	v7 =	vmul.f32 $3.200000000e+01, v7;
	[tilespmem:s29+$0xC100] =	vst v6  }
0x3d2: {  	v6 =	vld [tilespmem:s30+$0xC100]  }
0x3d3: {  	[tilespmem:s18+$0xCD70] =	vst v7;
	v7 =	vld [tilespmem:s18+$0xD160]  }
0x3d4: {  	v9 =	vmul.f32 $3.200000000e+01, v9;
	v3 =	vld [tilespmem:s18+$0xD130]  }
0x3d5: {  	v8 =	vmul.f32 $3.200000000e+01, v8;
	v4 =	vld [tilespmem:s18+$0xD120]  }
0x3d6: {  	[tilespmem:s18+$0xCD20] =	vst v9;
	v9 =	vld [tilespmem:s18+$0xD110];
	v5 =	vmul.f32 $3.200000000e+01, v5  }
0x3d7: {  	[tilespmem:s18+$0xCD60] =	vst v8;
	v8 =	vld [tilespmem:s18+$0xD150];
	v6 =	vmul.f32 $3.200000000e+01, v6  }
0x3d8: {  	[tilespmem:s18+$0xD100] =	vst v5;
	v5 =	vld [tilespmem:s18+$0xD500];
	v7 =	vmul.f32 $3.200000000e+01, v7  }
0x3d9: {  	v10 =	vld [tilespmem:s18+$0xD170];
	s31 =	sor.u32 $0x1C50, s19;
	v3 =	vmul.f32 $3.200000000e+01, v3;
	[tilespmem:s30+$0xC100] =	vst v6  }
0x3da: {  	v4 =	vmul.f32 $3.200000000e+01, v4;
	[tilespmem:s18+$0xD160] =	vst v7;
	v7 =	vld [tilespmem:s31+$0xC100]  }
0x3db: {  	v9 =	vmul.f32 $3.200000000e+01, v9;
	[tilespmem:s18+$0xD130] =	vst v3;
	v3 =	vld [tilespmem:s18+$0xD520]  }
0x3dc: {  	v8 =	vmul.f32 $3.200000000e+01, v8;
	[tilespmem:s18+$0xD120] =	vst v4;
	v4 =	vld [tilespmem:s18+$0xD510]  }
0x3dd: {  	[tilespmem:s18+$0xD110] =	vst v9;
	v5 =	vmul.f32 $3.200000000e+01, v5  }
0x3de: {  	v9 =	vmul.f32 $3.200000000e+01, v10;
	[tilespmem:s18+$0xD150] =	vst v8;
	v8 =	vld [tilespmem:s18+$0xD530]  }
0x3df: {  	[tilespmem:s18+$0xD500] =	vst v5;
	v6 =	vld [tilespmem:s18+$0xD550];
	v5 =	vmul.f32 $3.200000000e+01, v7  }
0x3e0: {  	[tilespmem:s18+$0xD170] =	vst v9;
	v9 =	vld [tilespmem:s18+$0xD560];
	v3 =	vmul.f32 $3.200000000e+01, v3  }
0x3e1: {  	s26 =	sor.u32 $0x1C60, s19;
	v10 =	vld [tilespmem:s18+$0xD570];
	v4 =	vmul.f32 $3.200000000e+01, v4;
	[tilespmem:s31+$0xC100] =	vst v5  }
0x3e2: {  	[tilespmem:s18+$0xD520] =	vst v3;
	v3 =	vld [tilespmem:s26+$0xC100]  }
0x3e3: {  	[tilespmem:s18+$0xD510] =	vst v4;
	v4 =	vld [tilespmem:s18+$0xD900];
	v7 =	vmul.f32 $3.200000000e+01, v8  }
0x3e4: {  	v8 =	vld [tilespmem:s18+$0xD910];
	v5 =	vmul.f32 $3.200000000e+01, v6  }
0x3e5: {  	[tilespmem:s18+$0xD530] =	vst v7;
	v7 =	vld [tilespmem:s18+$0xD920];
	v6 =	vmul.f32 $3.200000000e+01, v9  }
0x3e6: {  	v9 =	vmul.f32 $3.200000000e+01, v10;
	[tilespmem:s18+$0xD550] =	vst v5;
	v5 =	vld [tilespmem:s18+$0xD930]  }
0x3e7: {  	s20 =	simm.s32 $0x0;
	s21 =	simm.s32 $0xFFFFC400;
	s22 =	simm.s32 $0x100;
	[tilespmem:s18+$0xD560] =	vst v6;
	v6 =	vld [tilespmem:s18+$0xD950];
	v3 =	vmul.f32 $3.200000000e+01, v3  }
.LBB2_9:
0x3e8: {  	p0 =	sne.s32 s22, $0x780;
	[tilespmem:s18+$0xD570] =	vst v9;
	v4 =	vmul.f32 $3.200000000e+01, v4;
	v9 =	vld [tilespmem:s18+$0xD960]  }
0x3e9: {  	s7 =	sor.u32 $0x1C70, s19;
	v8 =	vmul.f32 $3.200000000e+01, v8;
	v10 =	vld [tilespmem:s18+$0xD970];
	[tilespmem:s26+$0xC100] =	vst v3  }
0x3ea: {  	[tilespmem:s18+$0xD900] =	vst v4;
	v3 =	vmul.f32 $3.200000000e+01, v7;
	v4 =	vld [tilespmem:s7+$0xC100]  }
0x3eb: {  	v7 =	vld [tilespmem:s18+$0xC140];
	[tilespmem:s18+$0xD910] =	vst v8;
	v5 =	vmul.f32 $3.200000000e+01, v5  }
0x3ec: {  	v8 =	vld [tilespmem:s18+$0xC540];
	[tilespmem:s18+$0xD920] =	vst v3;
	v3 =	vmul.f32 $3.200000000e+01, v6  }
0x3ed: {  	s17 =	sadd.s32 $0x1, s17;
	v6 =	vld [tilespmem:s18+$0xC940];
	[tilespmem:s18+$0xD930] =	vst v5;
	v5 =	vmul.f32 $3.200000000e+01, v9  }
0x3ee: {  	s19 =	sand.u32 $0x7, s17;
	v9 =	vld [tilespmem:s18+$0xCD40];
	[tilespmem:s18+$0xD950] =	vst v3;
	v3 =	vmul.f32 $3.200000000e+01, v10  }
0x3ef: {  	s21 =	sadd.s32 $0x400, s21;
	s20 =	sadd.s32 $0x400, s20;
	s19 =	sshll.u32 s19, $0x7;
	v10 =	vld [tilespmem:s18+$0xD140];
	[tilespmem:s18+$0xD960] =	vst v5;
	v4 =	vmul.f32 $3.200000000e+01, v4  }
0x3f0: {  	s26 =	sadd.s32 $0x4000, s21;
	s19 =	sadd.s32 s19, s20;
	v5 =	vmul.f32 $3.200000000e+01, v7;
	v7 =	vld [tilespmem:s18+$0xD540];
	[tilespmem:s18+$0xD970] =	vst v3  }
0x3f1: {  	s28 =	sand.u32 $0x380, s22;
	s26 =	sand.u32 $0x2000, s26;
	s29 =	sor.u32 $0x1C00, s19;
	v3 =	vmul.f32 $3.200000000e+01, v8;
	v8 =	vld [tilespmem:s18+$0xD940];
	[tilespmem:s7+$0xC100] =	vst v4  }
0x3f2: {  	s7 =	sor.u32 s28, s26;
	[tilespmem:s18+$0xC140] =	vst v5;
	v4 =	vmul.f32 $3.200000000e+01, v6;
	v5 =	vld [tilespmem:s29+$0xC100]  }
0x3f3: {  	v6 =	vld [tilespmem:s7+$0xC100];
	[tilespmem:s18+$0xC540] =	vst v3;
	v3 =	vmul.f32 $3.200000000e+01, v9  }
0x3f4: {  	v9 =	vld [tilespmem:s7+$0xC110];
	[tilespmem:s18+$0xC940] =	vst v4;
	v4 =	vmul.f32 $3.200000000e+01, v10  }
0x3f5: {  	v10 =	vld [tilespmem:s7+$0xC120];
	[tilespmem:s18+$0xCD40] =	vst v3;
	v3 =	vmul.f32 $3.200000000e+01, v7  }
0x3f6: {  	v7 =	vld [tilespmem:s7+$0xC130];
	[tilespmem:s18+$0xD140] =	vst v4;
	v4 =	vmul.f32 $3.200000000e+01, v8  }
0x3f7: {  	v8 =	vld [tilespmem:s7+$0xC150];
	[tilespmem:s18+$0xD540] =	vst v3;
	v3 =	vmul.f32 $3.200000000e+01, v5  }
0x3f8: {  	v5 =	vmul.f32 $3.200000000e+01, v6;
	v6 =	vld [tilespmem:s7+$0xC160];
	[tilespmem:s18+$0xD940] =	vst v4;
	s18 =	smov.u32 s7  }
0x3f9: {  	s7 =	sor.u32 $0x1C10, s19;
	v4 =	vmul.f32 $3.200000000e+01, v9;
	v9 =	vld [tilespmem:s18+$0xC170];
	[tilespmem:s29+$0xC100] =	vst v3  }
0x3fa: {  	[tilespmem:s18+$0xC100] =	vst v5;
	v3 =	vmul.f32 $3.200000000e+01, v10;
	v5 =	vld [tilespmem:s7+$0xC100]  }
0x3fb: {  	[tilespmem:s18+$0xC110] =	vst v4;
	v4 =	vmul.f32 $3.200000000e+01, v7;
	v7 =	vld [tilespmem:s18+$0xC500]  }
0x3fc: {  	[tilespmem:s18+$0xC120] =	vst v3;
	v3 =	vmul.f32 $3.200000000e+01, v8;
	v8 =	vld [tilespmem:s18+$0xC510]  }
0x3fd: {  	[tilespmem:s18+$0xC130] =	vst v4;
	v4 =	vmul.f32 $3.200000000e+01, v6;
	v6 =	vld [tilespmem:s18+$0xC520]  }
0x3fe: {  	[tilespmem:s18+$0xC150] =	vst v3;
	v3 =	vmul.f32 $3.200000000e+01, v9;
	v9 =	vld [tilespmem:s18+$0xC530]  }
0x3ff: {  	[tilespmem:s18+$0xC160] =	vst v4;
	v4 =	vld [tilespmem:s18+$0xC550];
	v5 =	vmul.f32 $3.200000000e+01, v5  }
0x400: {  	[tilespmem:s18+$0xC170] =	vst v3;
	v3 =	vmul.f32 $3.200000000e+01, v7;
	v7 =	vld [tilespmem:s18+$0xC560]  }
0x401: {  	v8 =	vmul.f32 $3.200000000e+01, v8;
	v10 =	vld [tilespmem:s18+$0xC570];
	[tilespmem:s7+$0xC100] =	vst v5;
	s7 =	sor.u32 $0x1C20, s19  }
0x402: {  	[tilespmem:s18+$0xC500] =	vst v3;
	v3 =	vmul.f32 $3.200000000e+01, v6;
	v5 =	vld [tilespmem:s7+$0xC100]  }
0x403: {  	[tilespmem:s18+$0xC510] =	vst v8;
	v6 =	vmul.f32 $3.200000000e+01, v9;
	v8 =	vld [tilespmem:s18+$0xC900]  }
0x404: {  	[tilespmem:s18+$0xC520] =	vst v3;
	v3 =	vmul.f32 $3.200000000e+01, v4;
	v4 =	vld [tilespmem:s18+$0xC910]  }
0x405: {  	[tilespmem:s18+$0xC530] =	vst v6;
	v6 =	vmul.f32 $3.200000000e+01, v7;
	v7 =	vld [tilespmem:s18+$0xC920]  }
0x406: {  	[tilespmem:s18+$0xC550] =	vst v3;
	v3 =	vmul.f32 $3.200000000e+01, v10;
	v9 =	vld [tilespmem:s18+$0xC930]  }
0x407: {  	[tilespmem:s18+$0xC560] =	vst v6;
	v6 =	vld [tilespmem:s18+$0xC950];
	v5 =	vmul.f32 $3.200000000e+01, v5  }
0x408: {  	[tilespmem:s18+$0xC570] =	vst v3;
	v3 =	vmul.f32 $3.200000000e+01, v8;
	v8 =	vld [tilespmem:s18+$0xC960]  }
0x409: {  	v4 =	vmul.f32 $3.200000000e+01, v4;
	v10 =	vld [tilespmem:s18+$0xC970];
	[tilespmem:s7+$0xC100] =	vst v5;
	s7 =	sor.u32 $0x1C30, s19  }
0x40a: {  	[tilespmem:s18+$0xC900] =	vst v3;
	v3 =	vmul.f32 $3.200000000e+01, v7;
	v5 =	vld [tilespmem:s7+$0xC100]  }
0x40b: {  	[tilespmem:s18+$0xC910] =	vst v4;
	v4 =	vmul.f32 $3.200000000e+01, v9;
	v7 =	vld [tilespmem:s18+$0xCD00]  }
0x40c: {  	[tilespmem:s18+$0xC920] =	vst v3;
	v3 =	vmul.f32 $3.200000000e+01, v6;
	v6 =	vld [tilespmem:s18+$0xCD10]  }
0x40d: {  	[tilespmem:s18+$0xC930] =	vst v4;
	v4 =	vmul.f32 $3.200000000e+01, v8;
	v8 =	vld [tilespmem:s18+$0xCD20]  }
0x40e: {  	[tilespmem:s18+$0xC950] =	vst v3;
	v3 =	vmul.f32 $3.200000000e+01, v10;
	v9 =	vld [tilespmem:s18+$0xCD30]  }
0x40f: {  	[tilespmem:s18+$0xC960] =	vst v4;
	v4 =	vld [tilespmem:s18+$0xCD50];
	v5 =	vmul.f32 $3.200000000e+01, v5  }
0x410: {  	[tilespmem:s18+$0xC970] =	vst v3;
	v3 =	vmul.f32 $3.200000000e+01, v7;
	v7 =	vld [tilespmem:s18+$0xCD60]  }
0x411: {  	v6 =	vmul.f32 $3.200000000e+01, v6;
	v10 =	vld [tilespmem:s18+$0xCD70];
	[tilespmem:s7+$0xC100] =	vst v5;
	s7 =	sor.u32 $0x1C40, s19  }
0x412: {  	[tilespmem:s18+$0xCD00] =	vst v3;
	v3 =	vmul.f32 $3.200000000e+01, v8;
	v5 =	vld [tilespmem:s7+$0xC100]  }
0x413: {  	[tilespmem:s18+$0xCD10] =	vst v6;
	v6 =	vmul.f32 $3.200000000e+01, v9;
	v8 =	vld [tilespmem:s18+$0xD100]  }
0x414: {  	[tilespmem:s18+$0xCD20] =	vst v3;
	v3 =	vmul.f32 $3.200000000e+01, v4;
	v4 =	vld [tilespmem:s18+$0xD110]  }
0x415: {  	[tilespmem:s18+$0xCD30] =	vst v6;
	v6 =	vmul.f32 $3.200000000e+01, v7;
	v7 =	vld [tilespmem:s18+$0xD120]  }
0x416: {  	[tilespmem:s18+$0xCD50] =	vst v3;
	v3 =	vmul.f32 $3.200000000e+01, v10;
	v9 =	vld [tilespmem:s18+$0xD130]  }
0x417: {  	[tilespmem:s18+$0xCD60] =	vst v6;
	v6 =	vld [tilespmem:s18+$0xD150];
	v5 =	vmul.f32 $3.200000000e+01, v5  }
0x418: {  	[tilespmem:s18+$0xCD70] =	vst v3;
	v3 =	vmul.f32 $3.200000000e+01, v8;
	v8 =	vld [tilespmem:s18+$0xD160]  }
0x419: {  	v4 =	vmul.f32 $3.200000000e+01, v4;
	v10 =	vld [tilespmem:s18+$0xD170];
	[tilespmem:s7+$0xC100] =	vst v5;
	s7 =	sor.u32 $0x1C50, s19  }
0x41a: {  	[tilespmem:s18+$0xD100] =	vst v3;
	v3 =	vmul.f32 $3.200000000e+01, v7;
	v5 =	vld [tilespmem:s7+$0xC100]  }
0x41b: {  	[tilespmem:s18+$0xD110] =	vst v4;
	v4 =	vmul.f32 $3.200000000e+01, v9;
	v7 =	vld [tilespmem:s18+$0xD500]  }
0x41c: {  	[tilespmem:s18+$0xD120] =	vst v3;
	v3 =	vmul.f32 $3.200000000e+01, v6;
	v6 =	vld [tilespmem:s18+$0xD510]  }
0x41d: {  	[tilespmem:s18+$0xD130] =	vst v4;
	v4 =	vmul.f32 $3.200000000e+01, v8;
	v8 =	vld [tilespmem:s18+$0xD520]  }
0x41e: {  	[tilespmem:s18+$0xD150] =	vst v3;
	v3 =	vmul.f32 $3.200000000e+01, v10;
	v9 =	vld [tilespmem:s18+$0xD530]  }
0x41f: {  	[tilespmem:s18+$0xD160] =	vst v4;
	v10 =	vld [tilespmem:s18+$0xD550];
	v4 =	vmul.f32 $3.200000000e+01, v5  }
0x420: {  	[tilespmem:s18+$0xD170] =	vst v3;
	v3 =	vmul.f32 $3.200000000e+01, v7;
	v5 =	vld [tilespmem:s18+$0xD560]  }
0x421: {  	s26 =	sor.u32 $0x1C60, s19;
	v6 =	vmul.f32 $3.200000000e+01, v6;
	v11 =	vld [tilespmem:s18+$0xD570];
	[tilespmem:s7+$0xC100] =	vst v4  }
0x422: {  	[tilespmem:s18+$0xD500] =	vst v3;
	v3 =	vmul.f32 $3.200000000e+01, v8;
	v12 =	vld [tilespmem:s26+$0xC100]  }
.Ltmp3:
0x423: {  	[tilespmem:s18+$0xD510] =	vst v6;
	v6 =	vmul.f32 $3.200000000e+01, v9;
	v4 =	vld [tilespmem:s18+$0xD900];
	(pc) =	sbr.rel @p0 .LBB2_9-.Ltmp3, $4  }
0x424: {  	[tilespmem:s18+$0xD520] =	vst v3;
	v3 =	vmul.f32 $3.200000000e+01, v10;
	v8 =	vld [tilespmem:s18+$0xD910]  }
0x425: {  	[tilespmem:s18+$0xD530] =	vst v6;
	v6 =	vmul.f32 $3.200000000e+01, v5;
	v7 =	vld [tilespmem:s18+$0xD920]  }
0x426: {  	[tilespmem:s18+$0xD550] =	vst v3;
	v9 =	vmul.f32 $3.200000000e+01, v11;
	v5 =	vld [tilespmem:s18+$0xD930]  }
0x427: {  	s22 =	sadd.s32 $0x80, s22;
	[tilespmem:s18+$0xD560] =	vst v6;
	v6 =	vld [tilespmem:s18+$0xD950];
	v3 =	vmul.f32 $3.200000000e+01, v12  }
0x428: {  	v4 =	vmul.f32 $3.200000000e+01, v4;
	v50 =	vld [tilespmem:s18+$0xD960]  }
0x429: {  	[tilespmem:s18+$0xD570] =	vst v9;
	v10 =	vld [tilespmem:s18+$0xD970];
	v8 =	vmul.f32 $3.200000000e+01, v8  }
0x42a: {  	v51 =	vld [tilespmem:s18+$0xC140];
	[tilespmem:s18+$0xD900] =	vst v4;
	v7 =	vmul.f32 $3.200000000e+01, v7  }
0x42b: {  	[tilespmem:s18+$0xD910] =	vst v8;
	v5 =	vmul.f32 $3.200000000e+01, v5  }
0x42c: {  	v52 =	vld [tilespmem:s18+$0xC540];
	[tilespmem:s18+$0xD920] =	vst v7;
	v6 =	vmul.f32 $3.200000000e+01, v6  }
0x42d: {  	v53 =	vld [tilespmem:s18+$0xC940];
	s7 =	sadd.s32 $0x1, s17;
	[tilespmem:s18+$0xD930] =	vst v5;
	v9 =	vmul.f32 $3.200000000e+01, v50  }
0x42e: {  	v54 =	vld [tilespmem:s18+$0xCD40];
	s7 =	sand.u32 $0x7, s7;
	v10 =	vmul.f32 $3.200000000e+01, v10;
	[tilespmem:s18+$0xD950] =	vst v6  }
0x42f: {  	v55 =	vld [tilespmem:s18+$0xD140];
	s31 =	sadd.s32 $0x400, s20;
	s7 =	sshll.u32 s7, $0x7;
	v4 =	vmul.f32 $3.200000000e+01, v51;
	[tilespmem:s18+$0xD960] =	vst v9  }
0x430: {  	v56 =	vld [tilespmem:s18+$0xD540];
	s7 =	sadd.s32 s7, s31;
	[tilespmem:s18+$0xD970] =	vst v10  }
0x431: {  	v57 =	vld [tilespmem:s18+$0xD940];
	s17 =	sor.u32 $0x1C00, s7;
	v8 =	vmul.f32 $3.200000000e+01, v52;
	[tilespmem:s18+$0xC140] =	vst v4  }
0x432: {  	v58 =	vmul.f32 $3.200000000e+01, v53;
	v59 =	vld [tilespmem:s17+$0xC100]  }
0x433: {  	v5 =	vmul.f32 $3.200000000e+01, v54;
	[tilespmem:s18+$0xC540] =	vst v8  }
0x434: {  	v60 =	vmul.f32 $3.200000000e+01, v55;
	[tilespmem:s18+$0xC940] =	vst v58  }
0x435: {  	v61 =	vmul.f32 $3.200000000e+01, v56;
	[tilespmem:s18+$0xCD40] =	vst v5  }
0x436: {  	v62 =	vmul.f32 $3.200000000e+01, v57;
	[tilespmem:s18+$0xD140] =	vst v60  }
0x437: {  	[tilespmem:s18+$0xD540] =	vst v61;
	v63 =	vmul.f32 $3.200000000e+01, v59  }
0x438: {  	[tilespmem:s18+$0xD940] =	vst v62  }
0x439: {  	s18 =	sor.u32 $0x1C10, s7;
	[tilespmem:s17+$0xC100] =	vst v63  }
0x43a: {  	v4 =	vld [tilespmem:s18+$0xC100];
	_ =	sdelay $0x4  }
0x43b: {  	v4 =	vmul.f32 $3.200000000e+01, v4;
	_ =	sdelay $0x1  }
0x43c: {  	s20 =	sor.u32 $0x1C20, s7;
	[tilespmem:s18+$0xC100] =	vst v4  }
0x43d: {  	v4 =	vld [tilespmem:s20+$0xC100];
	_ =	sdelay $0x4  }
0x43e: {  	v4 =	vmul.f32 $3.200000000e+01, v4;
	_ =	sdelay $0x1  }
0x43f: {  	s21 =	sor.u32 $0x1C30, s7;
	[tilespmem:s20+$0xC100] =	vst v4  }
0x440: {  	v4 =	vld [tilespmem:s21+$0xC100];
	_ =	sdelay $0x4  }
0x441: {  	v4 =	vmul.f32 $3.200000000e+01, v4;
	_ =	sdelay $0x1  }
0x442: {  	s22 =	sor.u32 $0x1C40, s7;
	[tilespmem:s21+$0xC100] =	vst v4  }
0x443: {  	v4 =	vld [tilespmem:s22+$0xC100];
	_ =	sdelay $0x4  }
0x444: {  	v4 =	vmul.f32 $3.200000000e+01, v4;
	_ =	sdelay $0x1  }
0x445: {  	s28 =	sor.u32 $0x1C50, s7;
	[tilespmem:s22+$0xC100] =	vst v4  }
0x446: {  	v4 =	vld [tilespmem:s28+$0xC100];
	_ =	sdelay $0x4  }
0x447: {  	v4 =	vmul.f32 $3.200000000e+01, v4;
	_ =	sdelay $0x1  }
0x448: {  	s29 =	sor.u32 $0x1C60, s7;
	[tilespmem:s28+$0xC100] =	vst v4  }
0x449: {  	v4 =	vld [tilespmem:s29+$0xC100];
	_ =	sdelay $0x4  }
0x44a: {  	v4 =	vmul.f32 $3.200000000e+01, v4  }
0x44b: {  	s30 =	sor.u32 $0x1C70, s19;
	[tilespmem:s26+$0xC100] =	vst v3  }
0x44c: {  	v3 =	vld [tilespmem:s30+$0xC100];
	s7 =	sor.u32 $0x1C70, s7;
	[tilespmem:s29+$0xC100] =	vst v4  }
0x44d: {  	v4 =	vld [tilespmem:s7+$0xC100];
	_ =	sdelay $0x1  }
0x44e: {  	s2 =	sadd.s32 $0x1, s2  }
0x44f: {  	p0 =	sne.s32 s2, $0x4  }
.Ltmp4:
0x450: {  	v3 =	vmul.f32 $3.200000000e+01, v3;
	(pc) =	sbr.rel @p0 .LBB2_2-.Ltmp4, $4  }
0x451: {  	s16 =	sadd.s32 s5, s16;
	v4 =	vmul.f32 $3.200000000e+01, v4  }
0x452: {  	s16 =	sshll.u32 s16, $0x7;
	[tilespmem:s30+$0xC100] =	vst v3  }
0x453: {  	s31 =	sadd.s32 s3, s16;
	[tilespmem:s7+$0xC100] =	vst v4  }
0x454: {  	[hbm4b:s31+s4] =	stream.linear.scatter [tilespmem:s25], [sflag:$0x8], $0x4000, $0x38;
	[tilespmem:$0x10100] =	vst v63  }
0x455: {  	s2 =	simm.s32 $0x5  }
0x456: {  	_ =	swait.ge [sflag:s2], $0x4000  }
0x457: {  	[sflag:s2] =	ssyncset.done $0x0  }
0x458: {  	s29 =	simm.s32 $0x6;
	[sflag:s2] =	ssyncadd.s32 $0xFFFFC000  }
0x459: {  	_ =	swait.ge [sflag:s29], $0x4000  }
0x45a: {  	[sflag:s29] =	ssyncset.done $0x0  }
0x45b: {  	s30 =	simm.s32 $0x7;
	[sflag:s29] =	ssyncadd.s32 $0xFFFFC000  }
0x45c: {  	_ =	swait.ge [sflag:s30], $0x4000  }
0x45d: {  	[sflag:s30] =	ssyncset.done $0x0  }
0x45e: {  	s7 =	simm.s32 $0x8;
	[sflag:s30] =	ssyncadd.s32 $0xFFFFC000  }
0x45f: {  	_ =	swait.ge [sflag:s7], $0x4000  }
0x460: {  	s16 =	rddreg [dreg:$0x7]  }
0x461: {  	s31 =	rddreg [dreg:$0x6];
	s16 =	sadd.s32 $0x1, s16  }
0x462: {  	p0 =	sne.s32 s16, s31  }
.Ltmp5:
0x463: {  	_ = 	snop;
	(pc) =	sbr.rel @p0 .LBB2_1-.Ltmp5, $3  }
0x464: {  	_ =	sdelay $0x1  }
0x465: {  	[sflag:s7] =	ssyncset.done $0x0  }
0x466: {  	[sflag:s7] =	ssyncadd.s32 $0xFFFFC000  }
0x467: {  	_ =	sfence.sel $0x180000  }
0x468: {  	[bflag:$0x0] =	sbarrier.arrive $0xFFFF  }
0x469: {  	_ =	strace $0x90000047  }
0x46a: {  	s0 =	stileid.u32;
	[bflag:$0x2] =	sbarrier.arrive $0xFFFF  }
0x46b: {  	p0 =	sne.s32 s0, $0x0;
	s0 =	rddreg [dreg:$0x3]  }
0x46c: {  	s0 =	sadd.s32 @!p0 $0x100000, s0  }
0x46d: {  	[sflag:s0] =	ssyncadd.tile.s32 @!p0 $0x1;
	_ =	shalt  }
.Lfunc_end2:
_tile_overlayer_lowered:
.L_overlay_start_2:
0x46e: {  	(tag) =	ssettag $0x2  }
0x46f: {  	s0 =	rddreg [dreg:$0x0];
	s2 =	stileid.u32  }
0x470: {  	s1 =	rddreg [dreg:$0x1];
	p0 =	sne.s32 s2, $0x0  }
0x471: {  	s3 =	rddreg [dreg:$0x2];
	[bflag:$0x3] =	sbarrier.arrive $0xFFFF;
	s2 =	simm.s32 @!p0 $0x1C0B  }
0x472: {  	[timem:s3], [sflag:s2] =	dma.local @!p0 [hbm:s0], s1  }
0x473: {  	s0 =	simm.s32 @!p0 $0xB  }
0x474: {  	_ =	swait.ge @!p0 [sflag:s0], s1  }
0x475: {  	s1 =	ssub.s32 @!p0 $0x0, s1;
	[sflag:s0] =	ssyncset.done @!p0 $0x0  }
0x476: {  	[sflag:s0] =	ssyncadd.s32 @!p0 s1  }
0x477: {  	[bflag:$0x3] =	sbarrier.arrive $0xFFFF  }
0x478: {  	_ =	shalt  }

</sc_bundles>
